<compile_context>
chip_gen: v7x
topology: tpu7x:2x2x1
jax: 0.10.2.dev20260603
libtpu: 0.0.44.dev20260713+nightly
codegen_flags: <defaults>
</compile_context>

<pallas_src>
import functools

import jax
import jax.numpy as jnp
from jax import lax
from jax.experimental import pallas as pl
from jax.experimental.pallas import tpu as pltpu
from jax.experimental.pallas import tpu_sc as plsc

N = 10000
E = 320000
G = 256

NCORE = 2
NSUB = 16
E_PER_CORE = E // NCORE
E_PER_SUB = E_PER_CORE // NSUB
NSTEP = E_PER_SUB // 128
REM = E_PER_SUB - NSTEP * 128
ROWS_MAIN = 624
ROWS_TAIL_OFF = ROWS_MAIN * NSUB
ROWS_TAIL = N - ROWS_TAIL_OFF

f32 = jnp.float32
i32 = jnp.int32


def _sc_mesh():
    return plsc.VectorSubcoreMesh(core_axis_name="c", subcore_axis_name="s",
                                  num_cores=NCORE, num_subcores=NSUB)


def _make_deg_kernel():
    @functools.partial(
        pl.kernel,
        out_type=jax.ShapeDtypeStruct((NCORE, N, 128), f32),
        mesh=_sc_mesh(),
        scratch_types=[
            pltpu.VMEM_SHARED((N, 128), f32),
            pltpu.VMEM((128, 128), f32),
            pltpu.VMEM((2, 128), i32),
            pltpu.VMEM((2, 128), i32),
            pltpu.SemaphoreType.DMA,
            pltpu.SemaphoreType.DMA,
        ],
    )
    def deg_kernel(idx_hbm, ones_hbm, zeros_hbm, degp_hbm, acc, ones_v,
                   idxa, idxb, semsa, semsb):
        c = lax.axis_index("c")
        s = lax.axis_index("s")
        r0 = s * ROWS_MAIN
        b0 = c * B_PER_CORE + 78 * s + jnp.minimum(s, 2)
        pltpu.sync_copy(ones_hbm, ones_v)
        pltpu.sync_copy(zeros_hbm.at[pl.ds(r0, ROWS_MAIN)],
                        acc.at[pl.ds(r0, ROWS_MAIN)])

        @pl.when(s == NSUB - 1)
        def _():
            pltpu.sync_copy(zeros_hbm.at[pl.ds(ROWS_TAIL_OFF, ROWS_TAIL)],
                            acc.at[pl.ds(ROWS_TAIL_OFF, ROWS_TAIL)])

        plsc.subcore_barrier()
        pltpu.sync_copy(idx_hbm.at[b0], idxa)

        def pair(p, carry):
            ba = b0 + 2 * p
            pltpu.async_copy(ones_v, acc.at[idxa.at[1]], semsa, add=True)

            @pl.when(p > 0)
            def _():
                pltpu.make_async_copy(ones_v, acc.at[idxb.at[1]],
                                      semsb).wait()

            pltpu.sync_copy(idx_hbm.at[ba + 1], idxb)
            pltpu.async_copy(ones_v, acc.at[idxb.at[1]], semsb, add=True)

            @pl.when(p < NP - 1)
            def _():
                pltpu.make_async_copy(ones_v, acc.at[idxa.at[1]],
                                      semsa).wait()
                pltpu.sync_copy(idx_hbm.at[ba + 2], idxa)
            return carry

        lax.fori_loop(0, NP, pair, 0)
        pltpu.make_async_copy(ones_v, acc.at[idxa.at[1]], semsa).wait()
        pltpu.make_async_copy(ones_v, acc.at[idxb.at[1]], semsb).wait()

        @pl.when(s < 2)
        def _():
            pltpu.sync_copy(idx_hbm.at[b0 + 2 * NP], idxa)
            pltpu.sync_copy(ones_v, acc.at[idxa.at[1]], add=True)

        plsc.subcore_barrier()
        pltpu.sync_copy(acc.at[pl.ds(r0, ROWS_MAIN)],
                        degp_hbm.at[c, pl.ds(r0, ROWS_MAIN)])

        @pl.when(s == NSUB - 1)
        def _():
            pltpu.sync_copy(acc.at[pl.ds(ROWS_TAIL_OFF, ROWS_TAIL)],
                            degp_hbm.at[c, pl.ds(ROWS_TAIL_OFF, ROWS_TAIL)])

    return deg_kernel


EB = E // 128
B_PER_CORE = EB // NCORE
NP = 39


def _make_scatter_kernel(C):
    scratch = [
        pltpu.VMEM_SHARED((N, 128), f32),
        pltpu.VMEM((2, 128), i32),
        pltpu.VMEM((2, 128), i32),
        pltpu.VMEM((128, 128), f32),
        pltpu.VMEM((128, 128), f32),
        pltpu.SemaphoreType.DMA,
        pltpu.SemaphoreType.DMA,
        pltpu.SemaphoreType.DMA,
        pltpu.SemaphoreType.DMA,
    ]

    @functools.partial(
        pl.kernel,
        out_type=jax.ShapeDtypeStruct((NCORE * C, N, 128), f32),
        mesh=_sc_mesh(),
        scratch_types=scratch,
    )
    def scatter_kernel(*refs):
        idx_hbm = refs[0]
        ys = refs[1:1 + C]
        zeros_hbm = refs[1 + C]
        z_hbm = refs[2 + C]
        (acc, idxa, idxb, rowsa, rowsb, sema, semb, semsa, semsb) = \
            refs[3 + C:]

        c = lax.axis_index("c")
        s = lax.axis_index("s")
        r0 = s * ROWS_MAIN
        b0 = c * B_PER_CORE + 78 * s + jnp.minimum(s, 2)

        for chunk in range(C):
            y = ys[chunk]
            pltpu.sync_copy(zeros_hbm.at[pl.ds(r0, ROWS_MAIN)],
                            acc.at[pl.ds(r0, ROWS_MAIN)])

            @pl.when(s == NSUB - 1)
            def _():
                pltpu.sync_copy(zeros_hbm.at[pl.ds(ROWS_TAIL_OFF, ROWS_TAIL)],
                                acc.at[pl.ds(ROWS_TAIL_OFF, ROWS_TAIL)])

            plsc.subcore_barrier()

            pltpu.sync_copy(idx_hbm.at[b0], idxa)
            pltpu.async_copy(y.at[idxa.at[0]], rowsa, sema)

            def pair(p, carry):
                ba = b0 + 2 * p
                bb = ba + 1

                @pl.when(p > 0)
                def _():
                    pltpu.make_async_copy(rowsb, acc.at[idxb.at[1]],
                                          semsb).wait()

                pltpu.sync_copy(idx_hbm.at[bb], idxb)
                pltpu.async_copy(y.at[idxb.at[0]], rowsb, semb)
                pltpu.make_async_copy(y.at[idxa.at[0]], rowsa, sema).wait()
                pltpu.async_copy(rowsa, acc.at[idxa.at[1]], semsa, add=True)

                @pl.when(p < NP - 1)
                def _():
                    pltpu.make_async_copy(rowsa, acc.at[idxa.at[1]],
                                          semsa).wait()
                    pltpu.sync_copy(idx_hbm.at[ba + 2], idxa)
                    pltpu.async_copy(y.at[idxa.at[0]], rowsa, sema)

                pltpu.make_async_copy(y.at[idxb.at[0]], rowsb, semb).wait()
                pltpu.async_copy(rowsb, acc.at[idxb.at[1]], semsb, add=True)
                return carry

            lax.fori_loop(0, NP, pair, 0)
            pltpu.make_async_copy(rowsa, acc.at[idxa.at[1]], semsa).wait()
            pltpu.make_async_copy(rowsb, acc.at[idxb.at[1]], semsb).wait()

            @pl.when(s < 2)
            def _():
                pltpu.sync_copy(idx_hbm.at[b0 + 2 * NP], idxa)
                pltpu.async_copy(y.at[idxa.at[0]], rowsa, sema).wait()
                pltpu.sync_copy(rowsa, acc.at[idxa.at[1]], add=True)

            plsc.subcore_barrier()
            zi = c * C + chunk
            pltpu.sync_copy(acc.at[pl.ds(r0, ROWS_MAIN)],
                            z_hbm.at[zi, pl.ds(r0, ROWS_MAIN)])

            @pl.when(s == NSUB - 1)
            def _():
                pltpu.sync_copy(acc.at[pl.ds(ROWS_TAIL_OFF, ROWS_TAIL)],
                                z_hbm.at[zi, pl.ds(ROWS_TAIL_OFF, ROWS_TAIL)])

            plsc.subcore_barrier()

    return scatter_kernel


BLK = 400
NBLK = N // BLK


def _tck1a(x, batchcol, W1):

    def body(x_ref, b_ref, w_ref, y_ref, cnt_ref):
        i = pl.program_id(0)
        y_ref[...] = jnp.dot(x_ref[...], w_ref[...],
                             preferred_element_type=f32)
        oh = (b_ref[...] == lax.broadcasted_iota(i32, (1, G), 1)).astype(f32)
        csum = jnp.sum(oh, axis=0, keepdims=True)

        @pl.when(i == 0)
        def _():
            cnt_ref[...] = csum

        @pl.when(i > 0)
        def _():
            cnt_ref[...] += csum

    return pl.pallas_call(
        body,
        grid=(NBLK,),
        in_specs=[
            pl.BlockSpec((BLK, 128), lambda i: (i, 0)),
            pl.BlockSpec((BLK, 1), lambda i: (i, 0)),
            pl.BlockSpec((128, 128), lambda i: (0, 0)),
        ],
        out_specs=[
            pl.BlockSpec((BLK, 128), lambda i: (i, 0)),
            pl.BlockSpec((1, G), lambda i: (0, 0)),
        ],
        out_shape=[
            jax.ShapeDtypeStruct((N, 128), f32),
            jax.ShapeDtypeStruct((1, G), f32),
        ],
    )(x, batchcol, W1)


def _tck1b(y1raw, dega, degb):

    def body(y_ref, da_ref, db_ref, out_ref, dinv_ref):
        deg = da_ref[:, 0:1] + db_ref[:, 0:1] + 1.0
        dinv = lax.rsqrt(deg)
        dinv_ref[...] = dinv
        out_ref[...] = dinv * y_ref[...]

    return pl.pallas_call(
        body,
        grid=(NBLK,),
        in_specs=[
            pl.BlockSpec((BLK, 128), lambda i: (i, 0)),
            pl.BlockSpec((BLK, 128), lambda i: (i, 0)),
            pl.BlockSpec((BLK, 128), lambda i: (i, 0)),
        ],
        out_specs=[
            pl.BlockSpec((BLK, 128), lambda i: (i, 0)),
            pl.BlockSpec((BLK, 1), lambda i: (i, 0)),
        ],
        out_shape=[
            jax.ShapeDtypeStruct((N, 128), f32),
            jax.ShapeDtypeStruct((N, 1), f32),
        ],
    )(y1raw, dega, degb)


def _tck2(z1a, z1b, y1, dinv, b1, W2):

    def body(za_ref, zb_ref, y_ref, d_ref, b_ref, w_ref, o0_ref, o1_ref):
        d = d_ref[...]
        h = jnp.maximum(d * (za_ref[...] + zb_ref[...] + y_ref[...])
                        + b_ref[...], 0.0)
        y2 = d * jnp.dot(h, w_ref[...], preferred_element_type=f32)
        o0_ref[...] = y2[:, :128]
        o1_ref[...] = y2[:, 128:]

    return pl.pallas_call(
        body,
        grid=(NBLK,),
        in_specs=[
            pl.BlockSpec((BLK, 128), lambda i: (i, 0)),
            pl.BlockSpec((BLK, 128), lambda i: (i, 0)),
            pl.BlockSpec((BLK, 128), lambda i: (i, 0)),
            pl.BlockSpec((BLK, 1), lambda i: (i, 0)),
            pl.BlockSpec((1, 128), lambda i: (0, 0)),
            pl.BlockSpec((128, 256), lambda i: (0, 0)),
        ],
        out_specs=[
            pl.BlockSpec((BLK, 128), lambda i: (i, 0)),
            pl.BlockSpec((BLK, 128), lambda i: (i, 0)),
        ],
        out_shape=[
            jax.ShapeDtypeStruct((N, 128), f32),
            jax.ShapeDtypeStruct((N, 128), f32),
        ],
    )(z1a, z1b, y1, dinv, b1, W2)


def _tck3(za0, zb0, za1, zb1, y20, y21, dinv, b2, W3):

    def body(za0_ref, zb0_ref, za1_ref, zb1_ref, y0_ref, y1_ref, d_ref,
             b_ref, w_ref, o0_ref, o1_ref, o2_ref, o3_ref):
        d = d_ref[...]
        z = jnp.concatenate(
            [za0_ref[...] + zb0_ref[...] + y0_ref[...],
             za1_ref[...] + zb1_ref[...] + y1_ref[...]], axis=1)
        h = jnp.maximum(d * z + b_ref[...], 0.0)
        y3 = d * jnp.dot(h, w_ref[...], preferred_element_type=f32)
        o0_ref[...] = y3[:, 0:128]
        o1_ref[...] = y3[:, 128:256]
        o2_ref[...] = y3[:, 256:384]
        o3_ref[...] = y3[:, 384:512]

    blk = lambda w: pl.BlockSpec((BLK, w), lambda i: (i, 0))
    return pl.pallas_call(
        body,
        grid=(NBLK,),
        in_specs=[
            blk(128), blk(128), blk(128), blk(128), blk(128), blk(128),
            blk(1),
            pl.BlockSpec((1, 256), lambda i: (0, 0)),
            pl.BlockSpec((256, 512), lambda i: (0, 0)),
        ],
        out_specs=[blk(128), blk(128), blk(128), blk(128)],
        out_shape=[jax.ShapeDtypeStruct((N, 128), f32)] * 4,
    )(za0, zb0, za1, zb1, y20, y21, dinv, b2, W3)


def _tck45(seg, zs, ys, dinv, b3, batchcol, counts2, Wf1, bf1, Wf2, bf2):

    def body(seg_ref, *refs):
        za = refs[0:4]
        zb = refs[4:8]
        y = refs[8:12]
        (d_ref, b3_ref, b_ref, cnt_ref, wf1_ref, bf1_ref, wf2_ref, bf2_ref,
         out_ref, mx_ref, sum_ref) = refs[12:]
        i = pl.program_id(0)

        @pl.when(i == 0)
        def _():
            mx_ref[...] = jnp.full((G, 512), -1e30, f32)
            sum_ref[...] = jnp.zeros((G, 512), f32)

        z = jnp.concatenate(
            [za[c][...] + zb[c][...] + y[c][...] for c in range(4)], axis=1)
        h = jnp.maximum(d_ref[...] * z + b3_ref[...], 0.0)
        b = b_ref[...]
        oh = (b == lax.broadcasted_iota(i32, (1, G), 1)).astype(f32)
        sum_ref[...] += lax.dot_general(oh, h, (((0,), (0,)), ((), ())),
                                        preferred_element_type=f32)
        lo = seg_ref[2 * i]
        hi = seg_ref[2 * i + 1]

        def mbody(g, carry):
            m = b == g
            cand = jnp.max(jnp.where(m, h, -1e30), axis=0, keepdims=True)
            cur = mx_ref[pl.ds(g, 1), :]
            mx_ref[pl.ds(g, 1), :] = jnp.maximum(cur, cand)
            return carry

        lax.fori_loop(lo, hi + 1, mbody, 0)

        @pl.when(i == NBLK - 1)
        def _():
            cnt = cnt_ref[...]
            mean = sum_ref[...] / jnp.maximum(cnt, 1.0)
            mx = jnp.where(cnt > 0, mx_ref[...], 0.0)
            pooled = jnp.concatenate([mx, mean], axis=1)
            zf = jnp.maximum(
                jnp.dot(pooled, wf1_ref[...], preferred_element_type=f32)
                + bf1_ref[...], 0.0)
            out_ref[...] = (jnp.dot(zf, wf2_ref[...],
                                    preferred_element_type=f32) + bf2_ref[...])

    blk = lambda w: pl.BlockSpec((BLK, w), lambda i, s: (i, 0))
    grid_spec = pltpu.PrefetchScalarGridSpec(
        num_scalar_prefetch=1,
        grid=(NBLK,),
        in_specs=[blk(128)] * 12 + [
            blk(1),
            pl.BlockSpec((1, 512), lambda i, s: (0, 0)),
            blk(1),
            pl.BlockSpec((G, 1), lambda i, s: (0, 0)),
            pl.BlockSpec((1024, 1024), lambda i, s: (0, 0)),
            pl.BlockSpec((1, 1024), lambda i, s: (0, 0)),
            pl.BlockSpec((1024, 128), lambda i, s: (0, 0)),
            pl.BlockSpec((1, 128), lambda i, s: (0, 0)),
        ],
        out_specs=pl.BlockSpec((G, 128), lambda i, s: (0, 0)),
        scratch_shapes=[
            pltpu.VMEM((G, 512), f32),
            pltpu.VMEM((G, 512), f32),
        ],
    )
    return pl.pallas_call(
        body,
        grid_spec=grid_spec,
        out_shape=jax.ShapeDtypeStruct((G, 128), f32),
    )(seg, *zs[0:4], *zs[4:8], *ys, dinv, b3, batchcol, counts2,
      Wf1, bf1, Wf2, bf2)


_SC_KERNELS = {}


def _deg_kernel(*args):
    if "deg" not in _SC_KERNELS:
        _SC_KERNELS["deg"] = _make_deg_kernel()
    return _SC_KERNELS["deg"](*args)


def _scatter(C, *args):
    if C not in _SC_KERNELS:
        _SC_KERNELS[C] = _make_scatter_kernel(C)
    return _SC_KERNELS[C](*args)


def _scatter1(*args):
    return _scatter(1, *args)


def _scatter2(*args):
    return _scatter(2, *args)


def _scatter4(*args):
    return _scatter(4, *args)


def kernel(x, edge_index, batch, W1, b1, W2, b2, W3, b3, Wf1, bf1, Wf2, bf2):
    src = edge_index[0]
    dst = edge_index[1]
    idx3 = jnp.stack([src.reshape(EB, 128), dst.reshape(EB, 128)], axis=1)
    zeros_n128 = jnp.zeros((N, 128), f32)
    ones_n128 = jnp.ones((128, 128), f32)
    batchcol = batch.reshape(N, 1)

    degp = _deg_kernel(idx3, ones_n128, zeros_n128)
    y1raw, counts = _tck1a(x, batchcol, W1)
    y1, dinv = _tck1b(y1raw, degp[0], degp[1])

    z1 = _scatter1(idx3, y1, zeros_n128)
    y20, y21 = _tck2(z1[0], z1[1], y1, dinv, b1.reshape(1, 128), W2)

    z2 = _scatter2(idx3, y20, y21, zeros_n128)
    y3c = _tck3(z2[0], z2[2], z2[1], z2[3], y20, y21, dinv,
                b2.reshape(1, 256), W3)

    z3 = _scatter4(idx3, *y3c, zeros_n128)
    seg = jnp.stack([batch[0::BLK], batch[BLK - 1::BLK]], axis=1).reshape(-1)
    counts2 = counts.reshape(G, 1)
    out = _tck45(seg, [z3[c] for c in range(8)], list(y3c), dinv,
                 b3.reshape(1, 512), batchcol, counts2,
                 Wf1, bf1.reshape(1, 1024), Wf2, bf2.reshape(1, 128))
    return out

# --- scband reference (transcript-rebuilt; emitter-appended) ---
"""Pipeline reference for scband-graph-drp-86775519248503 (READ-ONLY COPY).

The authoritative reference and input builder live on the scoring server;
editing this copy changes nothing except your own understanding.
"""

import jax, jax.numpy as jnp
import numpy as np

N = 10000
E = 320000
D = 128
G = 256


def setup_inputs(seed: int = 0) -> dict:
    key = jax.random.key(seed)
    ks = jax.random.split(key, 16)
    x = jax.random.normal(ks[0], (N, D), dtype=jnp.float32)
    edge_index = jax.random.randint(ks[1], (2, E), 0, N, dtype=jnp.int32)
    batch = jnp.sort(jax.random.randint(ks[2], (N,), 0, G, dtype=jnp.int32))
    s = 0.05
    W1 = jax.random.normal(ks[3], (128, 128), dtype=jnp.float32) * s
    b1 = jnp.zeros((128,), dtype=jnp.float32)
    W2 = jax.random.normal(ks[4], (128, 256), dtype=jnp.float32) * s
    b2 = jnp.zeros((256,), dtype=jnp.float32)
    W3 = jax.random.normal(ks[5], (256, 512), dtype=jnp.float32) * s
    b3 = jnp.zeros((512,), dtype=jnp.float32)
    Wf1 = jax.random.normal(ks[6], (1024, 1024), dtype=jnp.float32) * s
    bf1 = jnp.zeros((1024,), dtype=jnp.float32)
    Wf2 = jax.random.normal(ks[7], (1024, 128), dtype=jnp.float32) * s
    bf2 = jnp.zeros((128,), dtype=jnp.float32)
    return {"x": x, "edge_index": edge_index, "batch": batch,
            "W1": W1, "b1": b1, "W2": W2, "b2": b2, "W3": W3, "b3": b3,
            "Wf1": Wf1, "bf1": bf1, "Wf2": Wf2, "bf2": bf2}


def _gcn_conv(x, edge_index, W, b):
    # PyG GCNConv: add self-loops, symmetric normalization D^-1/2 (A+I) D^-1/2 X W + b
    n = x.shape[0]
    loop = jnp.arange(n, dtype=edge_index.dtype)
    src = jnp.concatenate([edge_index[0], loop])
    dst = jnp.concatenate([edge_index[1], loop])
    deg = jnp.zeros((n,), dtype=x.dtype).at[dst].add(1.0)
    dinv = jnp.where(deg > 0, 1.0 / jnp.sqrt(jnp.maximum(deg, 1e-12)), 0.0)
    norm = dinv[src] * dinv[dst]
    xw = x @ W
    msgs = jnp.take(xw, src, axis=0) * norm[:, None]
    out = jnp.zeros((n, W.shape[1]), dtype=x.dtype).at[dst].add(msgs)
    return out + b


def reference(x, edge_index, batch, W1, b1, W2, b2, W3, b3, Wf1, bf1, Wf2, bf2):
    # Drug backbone: 3 x (GCNConv -> ReLU); dropout layers are identity in eval mode
    h = jax.nn.relu(_gcn_conv(x, edge_index, W1, b1))
    h = jax.nn.relu(_gcn_conv(h, edge_index, W2, b2))
    h = jax.nn.relu(_gcn_conv(h, edge_index, W3, b3))
    # graph_pooling == 'max_mean': concat(global_max_pool, global_mean_pool)
    counts = jax.ops.segment_sum(jnp.ones((h.shape[0],), dtype=h.dtype), batch, num_segments=G)
    summed = jax.ops.segment_sum(h, batch, num_segments=G)
    mean = summed / jnp.maximum(counts, 1.0)[:, None]
    mx = jax.ops.segment_max(h, batch, num_segments=G)
    mx = jnp.where(counts[:, None] > 0, mx, 0.0)
    pooled = jnp.concatenate([mx, mean], axis=1)  # [G, 1024]
    # linear_layers: Linear(1024,1024) -> ReLU -> Dropout(identity) -> Linear(1024,128)
    z = jax.nn.relu(pooled @ Wf1 + bf1)
    out = z @ Wf2 + bf2
    return out

if __name__ == "__main__":
    import jax
    _d = setup_inputs()
    print(jax.jit(kernel)(*tuple(_d.values())))

</pallas_src>

<mosaic_0001>
#map = affine_map<(d0, d1) -> (0, 0, 0)>
#map1 = affine_map<(d0, d1) -> (0, 0)>
module attributes {stable_mosaic.version = 14 : i64} {
  func.func @scatter_kernel(%arg0: i32, %arg1: i32, %arg2: memref<2500x2x128xi32, #tpu.memory_space<hbm>>, %arg3: memref<10000x128xf32, #tpu.memory_space<hbm>>, %arg4: memref<10000x128xf32, #tpu.memory_space<hbm>>, %arg5: memref<10000x128xf32, #tpu.memory_space<hbm>>, %arg6: memref<10000x128xf32, #tpu.memory_space<hbm>>, %arg7: memref<10000x128xf32, #tpu.memory_space<hbm>>, %arg8: memref<8x10000x128xf32, #tpu.memory_space<hbm>>, %arg9: memref<10000x128xf32, #tpu.memory_space<vmem_shared>>, %arg10: memref<2x128xi32, #tpu.memory_space<vmem>>, %arg11: memref<2x128xi32, #tpu.memory_space<vmem>>, %arg12: memref<128x128xf32, #tpu.memory_space<vmem>>, %arg13: memref<128x128xf32, #tpu.memory_space<vmem>>, %arg14: memref<!tpu.dma_semaphore, #tpu.memory_space<semaphore_mem>>, %arg15: memref<!tpu.dma_semaphore, #tpu.memory_space<semaphore_mem>>, %arg16: memref<!tpu.dma_semaphore, #tpu.memory_space<semaphore_mem>>, %arg17: memref<!tpu.dma_semaphore, #tpu.memory_space<semaphore_mem>>) attributes {dimension_semantics = [#tpu.dimension_semantics<core_parallel>, #tpu.dimension_semantics<subcore_parallel>], iteration_bounds = array<i64: 2, 16>, scalar_prefetch = 0 : i64, scratch_operands = 9 : i64, tpu.core_type = #tpu.core_type<sc_vector_subcore>, window_params = [{transform_indices = #map}, {transform_indices = #map1}, {transform_indices = #map1}, {transform_indices = #map1}, {transform_indices = #map1}, {transform_indices = #map1}, {transform_indices = #map}]} {
    %mul3A = arith.constant 624 : i32
    %mul3A_0 = arith.muli %arg1, %mul3A : i32
    %mul3A_1 = arith.constant 1250 : i32
    %mul3A_2 = arith.muli %arg0, %mul3A_1 : i32
    %mul3A_3 = arith.constant 78 : i32
    %mul3A_4 = arith.muli %mul3A_3, %arg1 : i32
    %add3A = arith.addi %mul3A_2, %mul3A_4 : i32
    %min3A = arith.constant 2 : i32
    %min3A_5 = arith.minsi %arg1, %min3A : i32
    %add3A_6 = arith.addi %add3A, %min3A_5 : i32
    "tpu.region"() ({
      %run_scoped3A = tpu.sem_alloc : memref<!tpu.dma_semaphore, #tpu.memory_space<semaphore_mem>>
      %dma_start3A_195 = arith.constant 0 : i32
      %dma_start3A_196 = tpu.memref_slice %arg9[%mul3A_0, %dma_start3A_195] : memref<10000x128xf32, #tpu.memory_space<vmem_shared>> -> memref<624x128xf32, #tpu.memory_space<vmem_shared>>
      %dma_start3A_197 = arith.constant 0 : i32
      %dma_start3A_198 = tpu.memref_slice %arg7[%mul3A_0, %dma_start3A_197] : memref<10000x128xf32, #tpu.memory_space<hbm>> -> memref<624x128xf32, #tpu.memory_space<hbm>>
      tpu.enqueue_dma source(%dma_start3A_198 : memref<624x128xf32, #tpu.memory_space<hbm>>) target(%dma_start3A_196 : memref<624x128xf32, #tpu.memory_space<vmem_shared>>) target_semaphore(%run_scoped3A : memref<!tpu.dma_semaphore, #tpu.memory_space<semaphore_mem>>)
      %dma_wait3A_199 = arith.constant 0 : i32
      %dma_wait3A_200 = tpu.memref_slice %arg9[%mul3A_0, %dma_wait3A_199] : memref<10000x128xf32, #tpu.memory_space<vmem_shared>> -> memref<624x128xf32, #tpu.memory_space<vmem_shared>>
      %dma_wait3A_201 = arith.constant 0 : i32
      %dma_wait3A_202 = tpu.memref_slice %arg7[%mul3A_0, %dma_wait3A_201] : memref<10000x128xf32, #tpu.memory_space<hbm>> -> memref<624x128xf32, #tpu.memory_space<hbm>>
      tpu.wait_dma2 semaphore(%run_scoped3A : memref<!tpu.dma_semaphore, #tpu.memory_space<semaphore_mem>>) src(%dma_wait3A_202 : memref<624x128xf32, #tpu.memory_space<hbm>>) dst(%dma_wait3A_200 : memref<624x128xf32, #tpu.memory_space<vmem_shared>>)
      tpu.yield
    }) : () -> ()
    %eq3A = arith.constant 15 : i32
    %eq3A_7 = arith.cmpi eq, %arg1, %eq3A : i32
    %convert_element_type3A = arith.extui %eq3A_7 : i1 to i32
    %cond3A = arith.constant 0 : i32
    %cond3A_8 = arith.cmpi ne, %convert_element_type3A, %cond3A : i32
    scf.if %cond3A_8 {
      "tpu.region"() ({
        %run_scoped3A = tpu.sem_alloc : memref<!tpu.dma_semaphore, #tpu.memory_space<semaphore_mem>>
        %dma_start3A_195 = arith.constant 9984 : i32
        %dma_start3A_196 = arith.constant 0 : i32
        %dma_start3A_197 = tpu.memref_slice %arg9[%dma_start3A_195, %dma_start3A_196] : memref<10000x128xf32, #tpu.memory_space<vmem_shared>> -> memref<16x128xf32, #tpu.memory_space<vmem_shared>>
        %dma_start3A_198 = arith.constant 9984 : i32
        %dma_start3A_199 = arith.constant 0 : i32
        %dma_start3A_200 = tpu.memref_slice %arg7[%dma_start3A_198, %dma_start3A_199] : memref<10000x128xf32, #tpu.memory_space<hbm>> -> memref<16x128xf32, #tpu.memory_space<hbm>>
        tpu.enqueue_dma source(%dma_start3A_200 : memref<16x128xf32, #tpu.memory_space<hbm>>) target(%dma_start3A_197 : memref<16x128xf32, #tpu.memory_space<vmem_shared>>) target_semaphore(%run_scoped3A : memref<!tpu.dma_semaphore, #tpu.memory_space<semaphore_mem>>)
        %dma_wait3A_201 = arith.constant 9984 : i32
        %dma_wait3A_202 = arith.constant 0 : i32
        %dma_wait3A_203 = tpu.memref_slice %arg9[%dma_wait3A_201, %dma_wait3A_202] : memref<10000x128xf32, #tpu.memory_space<vmem_shared>> -> memref<16x128xf32, #tpu.memory_space<vmem_shared>>
        %dma_wait3A_204 = arith.constant 9984 : i32
        %dma_wait3A_205 = arith.constant 0 : i32
        %dma_wait3A_206 = tpu.memref_slice %arg7[%dma_wait3A_204, %dma_wait3A_205] : memref<10000x128xf32, #tpu.memory_space<hbm>> -> memref<16x128xf32, #tpu.memory_space<hbm>>
        tpu.wait_dma2 semaphore(%run_scoped3A : memref<!tpu.dma_semaphore, #tpu.memory_space<semaphore_mem>>) src(%dma_wait3A_206 : memref<16x128xf32, #tpu.memory_space<hbm>>) dst(%dma_wait3A_203 : memref<16x128xf32, #tpu.memory_space<vmem_shared>>)
        tpu.yield
      }) : () -> ()
    } else {
    }
    %barrier3A = arith.constant 0 : index
    tpu.barrier barrier_id(%barrier3A)
    "tpu.region"() ({
      %run_scoped3A = tpu.sem_alloc : memref<!tpu.dma_semaphore, #tpu.memory_space<semaphore_mem>>
      %dma_start3A_195 = arith.constant 0 : i32
      %dma_start3A_196 = arith.constant 0 : i32
      %dma_start3A_197 = tpu.memref_slice %arg2[%add3A_6, %dma_start3A_195, %dma_start3A_196] : memref<2500x2x128xi32, #tpu.memory_space<hbm>> -> memref<1x2x128xi32, #tpu.memory_space<hbm>>
      %dma_start3A_198 = tpu.memref_squeeze %dma_start3A_197 : memref<1x2x128xi32, #tpu.memory_space<hbm>> -> memref<2x128xi32, #tpu.memory_space<hbm>>
      %dma_start3A_199 = arith.constant 0 : i32
      %dma_start3A_200 = arith.constant 0 : i32
      %dma_start3A_201 = tpu.memref_slice %arg2[%add3A_6, %dma_start3A_199, %dma_start3A_200] : memref<2500x2x128xi32, #tpu.memory_space<hbm>> -> memref<1x2x128xi32, #tpu.memory_space<hbm>>
      %dma_start3A_202 = tpu.memref_squeeze %dma_start3A_201 : memref<1x2x128xi32, #tpu.memory_space<hbm>> -> memref<2x128xi32, #tpu.memory_space<hbm>>
      tpu.enqueue_dma source(%dma_start3A_202 : memref<2x128xi32, #tpu.memory_space<hbm>>) target(%arg10 : memref<2x128xi32, #tpu.memory_space<vmem>>) target_semaphore(%run_scoped3A : memref<!tpu.dma_semaphore, #tpu.memory_space<semaphore_mem>>)
      %dma_wait3A_203 = arith.constant 0 : i32
      %dma_wait3A_204 = arith.constant 0 : i32
      %dma_wait3A_205 = tpu.memref_slice %arg2[%add3A_6, %dma_wait3A_203, %dma_wait3A_204] : memref<2500x2x128xi32, #tpu.memory_space<hbm>> -> memref<1x2x128xi32, #tpu.memory_space<hbm>>
      %dma_wait3A_206 = tpu.memref_squeeze %dma_wait3A_205 : memref<1x2x128xi32, #tpu.memory_space<hbm>> -> memref<2x128xi32, #tpu.memory_space<hbm>>
      %dma_wait3A_207 = arith.constant 0 : i32
      %dma_wait3A_208 = arith.constant 0 : i32
      %dma_wait3A_209 = tpu.memref_slice %arg2[%add3A_6, %dma_wait3A_207, %dma_wait3A_208] : memref<2500x2x128xi32, #tpu.memory_space<hbm>> -> memref<1x2x128xi32, #tpu.memory_space<hbm>>
      %dma_wait3A_210 = tpu.memref_squeeze %dma_wait3A_209 : memref<1x2x128xi32, #tpu.memory_space<hbm>> -> memref<2x128xi32, #tpu.memory_space<hbm>>
      tpu.wait_dma2 semaphore(%run_scoped3A : memref<!tpu.dma_semaphore, #tpu.memory_space<semaphore_mem>>) src(%dma_wait3A_210 : memref<2x128xi32, #tpu.memory_space<hbm>>) dst(%arg10 : memref<2x128xi32, #tpu.memory_space<vmem>>)
      tpu.yield
    }) : () -> ()
    %dma_start3A = arith.constant 0 : i32
    %dma_start3A_9 = arith.constant 0 : i32
    %dma_start3A_10 = tpu.memref_slice %arg10[%dma_start3A, %dma_start3A_9] : memref<2x128xi32, #tpu.memory_space<vmem>> -> memref<1x128xi32, #tpu.memory_space<vmem>>
    %dma_start3A_11 = tpu.memref_squeeze %dma_start3A_10 : memref<1x128xi32, #tpu.memory_space<vmem>> -> memref<128xi32, #tpu.memory_space<vmem>>
    %dma_start3A_12 = arith.constant 0 : i32
    %dma_start3A_13 = arith.constant 0 : i32
    %dma_start3A_14 = tpu.memref_slice %arg3[%dma_start3A_12, %dma_start3A_13] : memref<10000x128xf32, #tpu.memory_space<hbm>> -> memref<10000x128xf32, #tpu.memory_space<hbm>>
    tpu.enqueue_indirect_dma source(%dma_start3A_14 : memref<10000x128xf32, #tpu.memory_space<hbm>>) target(%arg12 : memref<128x128xf32, #tpu.memory_space<vmem>>) offsets(%dma_start3A_11 : memref<128xi32, #tpu.memory_space<vmem>>) semaphore(%arg14 : memref<!tpu.dma_semaphore, #tpu.memory_space<semaphore_mem>>)
    %scan3A = arith.constant 0 : i32
    %scan3A_15 = arith.constant 0 : i32
    %scan3A_16 = arith.constant 39 : i32
    %scan3A_17 = arith.addi %scan3A_15, %scan3A_16 : i32
    %scan3A_18 = arith.constant 1 : i32
    scf.for %scan3A_195 = %scan3A_15 to %scan3A_17 step %scan3A_18  : i32 {
      %mul3A_196 = arith.constant 2 : i32
      %mul3A_197 = arith.muli %mul3A_196, %scan3A_195 : i32
      %add3A_198 = arith.addi %add3A_6, %mul3A_197 : i32
      %add3A_199 = arith.constant 1 : i32
      %add3A_200 = arith.addi %add3A_198, %add3A_199 : i32
      %gt3A = arith.constant 0 : i32
      %gt3A_201 = arith.cmpi sgt, %scan3A_195, %gt3A : i32
      %convert_element_type3A_202 = arith.extui %gt3A_201 : i1 to i32
      %cond3A_203 = arith.constant 0 : i32
      %cond3A_204 = arith.cmpi ne, %convert_element_type3A_202, %cond3A_203 : i32
      scf.if %cond3A_204 {
        %dma_wait3A_245 = arith.constant 1 : i32
        %dma_wait3A_246 = arith.constant 0 : i32
        %dma_wait3A_247 = tpu.memref_slice %arg11[%dma_wait3A_245, %dma_wait3A_246] : memref<2x128xi32, #tpu.memory_space<vmem>> -> memref<1x128xi32, #tpu.memory_space<vmem>>
        %dma_wait3A_248 = tpu.memref_squeeze %dma_wait3A_247 : memref<1x128xi32, #tpu.memory_space<vmem>> -> memref<128xi32, #tpu.memory_space<vmem>>
        %dma_wait3A_249 = arith.constant 0 : i32
        %dma_wait3A_250 = arith.constant 0 : i32
        %dma_wait3A_251 = tpu.memref_slice %arg9[%dma_wait3A_249, %dma_wait3A_250] : memref<10000x128xf32, #tpu.memory_space<vmem_shared>> -> memref<10000x128xf32, #tpu.memory_space<vmem_shared>>
        tpu.wait_indirect_dma semaphore(%arg17 : memref<!tpu.dma_semaphore, #tpu.memory_space<semaphore_mem>>) src(%arg13 : memref<128x128xf32, #tpu.memory_space<vmem>>) dst(%dma_wait3A_251 : memref<10000x128xf32, #tpu.memory_space<vmem_shared>>)
      } else {
      }
      "tpu.region"() ({
        %run_scoped3A = tpu.sem_alloc : memref<!tpu.dma_semaphore, #tpu.memory_space<semaphore_mem>>
        %dma_start3A_245 = arith.constant 0 : i32
        %dma_start3A_246 = arith.constant 0 : i32
        %dma_start3A_247 = tpu.memref_slice %arg2[%add3A_200, %dma_start3A_245, %dma_start3A_246] : memref<2500x2x128xi32, #tpu.memory_space<hbm>> -> memref<1x2x128xi32, #tpu.memory_space<hbm>>
        %dma_start3A_248 = tpu.memref_squeeze %dma_start3A_247 : memref<1x2x128xi32, #tpu.memory_space<hbm>> -> memref<2x128xi32, #tpu.memory_space<hbm>>
        %dma_start3A_249 = arith.constant 0 : i32
        %dma_start3A_250 = arith.constant 0 : i32
        %dma_start3A_251 = tpu.memref_slice %arg2[%add3A_200, %dma_start3A_249, %dma_start3A_250] : memref<2500x2x128xi32, #tpu.memory_space<hbm>> -> memref<1x2x128xi32, #tpu.memory_space<hbm>>
        %dma_start3A_252 = tpu.memref_squeeze %dma_start3A_251 : memref<1x2x128xi32, #tpu.memory_space<hbm>> -> memref<2x128xi32, #tpu.memory_space<hbm>>
        tpu.enqueue_dma source(%dma_start3A_252 : memref<2x128xi32, #tpu.memory_space<hbm>>) target(%arg11 : memref<2x128xi32, #tpu.memory_space<vmem>>) target_semaphore(%run_scoped3A : memref<!tpu.dma_semaphore, #tpu.memory_space<semaphore_mem>>)
        %dma_wait3A_253 = arith.constant 0 : i32
        %dma_wait3A_254 = arith.constant 0 : i32
        %dma_wait3A_255 = tpu.memref_slice %arg2[%add3A_200, %dma_wait3A_253, %dma_wait3A_254] : memref<2500x2x128xi32, #tpu.memory_space<hbm>> -> memref<1x2x128xi32, #tpu.memory_space<hbm>>
        %dma_wait3A_256 = tpu.memref_squeeze %dma_wait3A_255 : memref<1x2x128xi32, #tpu.memory_space<hbm>> -> memref<2x128xi32, #tpu.memory_space<hbm>>
        %dma_wait3A_257 = arith.constant 0 : i32
        %dma_wait3A_258 = arith.constant 0 : i32
        %dma_wait3A_259 = tpu.memref_slice %arg2[%add3A_200, %dma_wait3A_257, %dma_wait3A_258] : memref<2500x2x128xi32, #tpu.memory_space<hbm>> -> memref<1x2x128xi32, #tpu.memory_space<hbm>>
        %dma_wait3A_260 = tpu.memref_squeeze %dma_wait3A_259 : memref<1x2x128xi32, #tpu.memory_space<hbm>> -> memref<2x128xi32, #tpu.memory_space<hbm>>
        tpu.wait_dma2 semaphore(%run_scoped3A : memref<!tpu.dma_semaphore, #tpu.memory_space<semaphore_mem>>) src(%dma_wait3A_260 : memref<2x128xi32, #tpu.memory_space<hbm>>) dst(%arg11 : memref<2x128xi32, #tpu.memory_space<vmem>>)
        tpu.yield
      }) : () -> ()
      %dma_start3A_205 = arith.constant 0 : i32
      %dma_start3A_206 = arith.constant 0 : i32
      %dma_start3A_207 = tpu.memref_slice %arg11[%dma_start3A_205, %dma_start3A_206] : memref<2x128xi32, #tpu.memory_space<vmem>> -> memref<1x128xi32, #tpu.memory_space<vmem>>
      %dma_start3A_208 = tpu.memref_squeeze %dma_start3A_207 : memref<1x128xi32, #tpu.memory_space<vmem>> -> memref<128xi32, #tpu.memory_space<vmem>>
      %dma_start3A_209 = arith.constant 0 : i32
      %dma_start3A_210 = arith.constant 0 : i32
      %dma_start3A_211 = tpu.memref_slice %arg3[%dma_start3A_209, %dma_start3A_210] : memref<10000x128xf32, #tpu.memory_space<hbm>> -> memref<10000x128xf32, #tpu.memory_space<hbm>>
      tpu.enqueue_indirect_dma source(%dma_start3A_211 : memref<10000x128xf32, #tpu.memory_space<hbm>>) target(%arg13 : memref<128x128xf32, #tpu.memory_space<vmem>>) offsets(%dma_start3A_208 : memref<128xi32, #tpu.memory_space<vmem>>) semaphore(%arg15 : memref<!tpu.dma_semaphore, #tpu.memory_space<semaphore_mem>>)
      %dma_wait3A_212 = arith.constant 0 : i32
      %dma_wait3A_213 = arith.constant 0 : i32
      %dma_wait3A_214 = tpu.memref_slice %arg10[%dma_wait3A_212, %dma_wait3A_213] : memref<2x128xi32, #tpu.memory_space<vmem>> -> memref<1x128xi32, #tpu.memory_space<vmem>>
      %dma_wait3A_215 = tpu.memref_squeeze %dma_wait3A_214 : memref<1x128xi32, #tpu.memory_space<vmem>> -> memref<128xi32, #tpu.memory_space<vmem>>
      %dma_wait3A_216 = arith.constant 0 : i32
      %dma_wait3A_217 = arith.constant 0 : i32
      %dma_wait3A_218 = tpu.memref_slice %arg3[%dma_wait3A_216, %dma_wait3A_217] : memref<10000x128xf32, #tpu.memory_space<hbm>> -> memref<10000x128xf32, #tpu.memory_space<hbm>>
      tpu.wait_indirect_dma semaphore(%arg14 : memref<!tpu.dma_semaphore, #tpu.memory_space<semaphore_mem>>) src(%dma_wait3A_218 : memref<10000x128xf32, #tpu.memory_space<hbm>>) dst(%arg12 : memref<128x128xf32, #tpu.memory_space<vmem>>)
      %dma_start3A_219 = arith.constant 1 : i32
      %dma_start3A_220 = arith.constant 0 : i32
      %dma_start3A_221 = tpu.memref_slice %arg10[%dma_start3A_219, %dma_start3A_220] : memref<2x128xi32, #tpu.memory_space<vmem>> -> memref<1x128xi32, #tpu.memory_space<vmem>>
      %dma_start3A_222 = tpu.memref_squeeze %dma_start3A_221 : memref<1x128xi32, #tpu.memory_space<vmem>> -> memref<128xi32, #tpu.memory_space<vmem>>
      %dma_start3A_223 = arith.constant 0 : i32
      %dma_start3A_224 = arith.constant 0 : i32
      %dma_start3A_225 = tpu.memref_slice %arg9[%dma_start3A_223, %dma_start3A_224] : memref<10000x128xf32, #tpu.memory_space<vmem_shared>> -> memref<10000x128xf32, #tpu.memory_space<vmem_shared>>
      tpu.enqueue_indirect_dma source(%arg12 : memref<128x128xf32, #tpu.memory_space<vmem>>) target(%dma_start3A_225 : memref<10000x128xf32, #tpu.memory_space<vmem_shared>>) offsets(%dma_start3A_222 : memref<128xi32, #tpu.memory_space<vmem>>) semaphore(%arg16 : memref<!tpu.dma_semaphore, #tpu.memory_space<semaphore_mem>>) {add = true}
      %lt3A_226 = arith.constant 38 : i32
      %lt3A_227 = arith.cmpi slt, %scan3A_195, %lt3A_226 : i32
      %convert_element_type3A_228 = arith.extui %lt3A_227 : i1 to i32
      %cond3A_229 = arith.constant 0 : i32
      %cond3A_230 = arith.cmpi ne, %convert_element_type3A_228, %cond3A_229 : i32
      scf.if %cond3A_230 {
        %dma_wait3A_245 = arith.constant 1 : i32
        %dma_wait3A_246 = arith.constant 0 : i32
        %dma_wait3A_247 = tpu.memref_slice %arg10[%dma_wait3A_245, %dma_wait3A_246] : memref<2x128xi32, #tpu.memory_space<vmem>> -> memref<1x128xi32, #tpu.memory_space<vmem>>
        %dma_wait3A_248 = tpu.memref_squeeze %dma_wait3A_247 : memref<1x128xi32, #tpu.memory_space<vmem>> -> memref<128xi32, #tpu.memory_space<vmem>>
        %dma_wait3A_249 = arith.constant 0 : i32
        %dma_wait3A_250 = arith.constant 0 : i32
        %dma_wait3A_251 = tpu.memref_slice %arg9[%dma_wait3A_249, %dma_wait3A_250] : memref<10000x128xf32, #tpu.memory_space<vmem_shared>> -> memref<10000x128xf32, #tpu.memory_space<vmem_shared>>
        tpu.wait_indirect_dma semaphore(%arg16 : memref<!tpu.dma_semaphore, #tpu.memory_space<semaphore_mem>>) src(%arg12 : memref<128x128xf32, #tpu.memory_space<vmem>>) dst(%dma_wait3A_251 : memref<10000x128xf32, #tpu.memory_space<vmem_shared>>)
        %add3A_252 = arith.constant 2 : i32
        %add3A_253 = arith.addi %add3A_198, %add3A_252 : i32
        "tpu.region"() ({
          %run_scoped3A = tpu.sem_alloc : memref<!tpu.dma_semaphore, #tpu.memory_space<semaphore_mem>>
          %dma_start3A_261 = arith.constant 0 : i32
          %dma_start3A_262 = arith.constant 0 : i32
          %dma_start3A_263 = tpu.memref_slice %arg2[%add3A_253, %dma_start3A_261, %dma_start3A_262] : memref<2500x2x128xi32, #tpu.memory_space<hbm>> -> memref<1x2x128xi32, #tpu.memory_space<hbm>>
          %dma_start3A_264 = tpu.memref_squeeze %dma_start3A_263 : memref<1x2x128xi32, #tpu.memory_space<hbm>> -> memref<2x128xi32, #tpu.memory_space<hbm>>
          %dma_start3A_265 = arith.constant 0 : i32
          %dma_start3A_266 = arith.constant 0 : i32
          %dma_start3A_267 = tpu.memref_slice %arg2[%add3A_253, %dma_start3A_265, %dma_start3A_266] : memref<2500x2x128xi32, #tpu.memory_space<hbm>> -> memref<1x2x128xi32, #tpu.memory_space<hbm>>
          %dma_start3A_268 = tpu.memref_squeeze %dma_start3A_267 : memref<1x2x128xi32, #tpu.memory_space<hbm>> -> memref<2x128xi32, #tpu.memory_space<hbm>>
          tpu.enqueue_dma source(%dma_start3A_268 : memref<2x128xi32, #tpu.memory_space<hbm>>) target(%arg10 : memref<2x128xi32, #tpu.memory_space<vmem>>) target_semaphore(%run_scoped3A : memref<!tpu.dma_semaphore, #tpu.memory_space<semaphore_mem>>)
          %dma_wait3A_269 = arith.constant 0 : i32
          %dma_wait3A_270 = arith.constant 0 : i32
          %dma_wait3A_271 = tpu.memref_slice %arg2[%add3A_253, %dma_wait3A_269, %dma_wait3A_270] : memref<2500x2x128xi32, #tpu.memory_space<hbm>> -> memref<1x2x128xi32, #tpu.memory_space<hbm>>
          %dma_wait3A_272 = tpu.memref_squeeze %dma_wait3A_271 : memref<1x2x128xi32, #tpu.memory_space<hbm>> -> memref<2x128xi32, #tpu.memory_space<hbm>>
          %dma_wait3A_273 = arith.constant 0 : i32
          %dma_wait3A_274 = arith.constant 0 : i32
          %dma_wait3A_275 = tpu.memref_slice %arg2[%add3A_253, %dma_wait3A_273, %dma_wait3A_274] : memref<2500x2x128xi32, #tpu.memory_space<hbm>> -> memref<1x2x128xi32, #tpu.memory_space<hbm>>
          %dma_wait3A_276 = tpu.memref_squeeze %dma_wait3A_275 : memref<1x2x128xi32, #tpu.memory_space<hbm>> -> memref<2x128xi32, #tpu.memory_space<hbm>>
          tpu.wait_dma2 semaphore(%run_scoped3A : memref<!tpu.dma_semaphore, #tpu.memory_space<semaphore_mem>>) src(%dma_wait3A_276 : memref<2x128xi32, #tpu.memory_space<hbm>>) dst(%arg10 : memref<2x128xi32, #tpu.memory_space<vmem>>)
          tpu.yield
        }) : () -> ()
        %dma_start3A_254 = arith.constant 0 : i32
        %dma_start3A_255 = arith.constant 0 : i32
        %dma_start3A_256 = tpu.memref_slice %arg10[%dma_start3A_254, %dma_start3A_255] : memref<2x128xi32, #tpu.memory_space<vmem>> -> memref<1x128xi32, #tpu.memory_space<vmem>>
        %dma_start3A_257 = tpu.memref_squeeze %dma_start3A_256 : memref<1x128xi32, #tpu.memory_space<vmem>> -> memref<128xi32, #tpu.memory_space<vmem>>
        %dma_start3A_258 = arith.constant 0 : i32
        %dma_start3A_259 = arith.constant 0 : i32
        %dma_start3A_260 = tpu.memref_slice %arg3[%dma_start3A_258, %dma_start3A_259] : memref<10000x128xf32, #tpu.memory_space<hbm>> -> memref<10000x128xf32, #tpu.memory_space<hbm>>
        tpu.enqueue_indirect_dma source(%dma_start3A_260 : memref<10000x128xf32, #tpu.memory_space<hbm>>) target(%arg12 : memref<128x128xf32, #tpu.memory_space<vmem>>) offsets(%dma_start3A_257 : memref<128xi32, #tpu.memory_space<vmem>>) semaphore(%arg14 : memref<!tpu.dma_semaphore, #tpu.memory_space<semaphore_mem>>)
      } else {
      }
      %dma_wait3A_231 = arith.constant 0 : i32
      %dma_wait3A_232 = arith.constant 0 : i32
      %dma_wait3A_233 = tpu.memref_slice %arg11[%dma_wait3A_231, %dma_wait3A_232] : memref<2x128xi32, #tpu.memory_space<vmem>> -> memref<1x128xi32, #tpu.memory_space<vmem>>
      %dma_wait3A_234 = tpu.memref_squeeze %dma_wait3A_233 : memref<1x128xi32, #tpu.memory_space<vmem>> -> memref<128xi32, #tpu.memory_space<vmem>>
      %dma_wait3A_235 = arith.constant 0 : i32
      %dma_wait3A_236 = arith.constant 0 : i32
      %dma_wait3A_237 = tpu.memref_slice %arg3[%dma_wait3A_235, %dma_wait3A_236] : memref<10000x128xf32, #tpu.memory_space<hbm>> -> memref<10000x128xf32, #tpu.memory_space<hbm>>
      tpu.wait_indirect_dma semaphore(%arg15 : memref<!tpu.dma_semaphore, #tpu.memory_space<semaphore_mem>>) src(%dma_wait3A_237 : memref<10000x128xf32, #tpu.memory_space<hbm>>) dst(%arg13 : memref<128x128xf32, #tpu.memory_space<vmem>>)
      %dma_start3A_238 = arith.constant 1 : i32
      %dma_start3A_239 = arith.constant 0 : i32
      %dma_start3A_240 = tpu.memref_slice %arg11[%dma_start3A_238, %dma_start3A_239] : memref<2x128xi32, #tpu.memory_space<vmem>> -> memref<1x128xi32, #tpu.memory_space<vmem>>
      %dma_start3A_241 = tpu.memref_squeeze %dma_start3A_240 : memref<1x128xi32, #tpu.memory_space<vmem>> -> memref<128xi32, #tpu.memory_space<vmem>>
      %dma_start3A_242 = arith.constant 0 : i32
      %dma_start3A_243 = arith.constant 0 : i32
      %dma_start3A_244 = tpu.memref_slice %arg9[%dma_start3A_242, %dma_start3A_243] : memref<10000x128xf32, #tpu.memory_space<vmem_shared>> -> memref<10000x128xf32, #tpu.memory_space<vmem_shared>>
      tpu.enqueue_indirect_dma source(%arg13 : memref<128x128xf32, #tpu.memory_space<vmem>>) target(%dma_start3A_244 : memref<10000x128xf32, #tpu.memory_space<vmem_shared>>) offsets(%dma_start3A_241 : memref<128xi32, #tpu.memory_space<vmem>>) semaphore(%arg17 : memref<!tpu.dma_semaphore, #tpu.memory_space<semaphore_mem>>) {add = true}
    }
    %scan3A_19 = arith.constant 39 : i32
    %dma_wait3A = arith.constant 1 : i32
    %dma_wait3A_20 = arith.constant 0 : i32
    %dma_wait3A_21 = tpu.memref_slice %arg10[%dma_wait3A, %dma_wait3A_20] : memref<2x128xi32, #tpu.memory_space<vmem>> -> memref<1x128xi32, #tpu.memory_space<vmem>>
    %dma_wait3A_22 = tpu.memref_squeeze %dma_wait3A_21 : memref<1x128xi32, #tpu.memory_space<vmem>> -> memref<128xi32, #tpu.memory_space<vmem>>
    %dma_wait3A_23 = arith.constant 0 : i32
    %dma_wait3A_24 = arith.constant 0 : i32
    %dma_wait3A_25 = tpu.memref_slice %arg9[%dma_wait3A_23, %dma_wait3A_24] : memref<10000x128xf32, #tpu.memory_space<vmem_shared>> -> memref<10000x128xf32, #tpu.memory_space<vmem_shared>>
    tpu.wait_indirect_dma semaphore(%arg16 : memref<!tpu.dma_semaphore, #tpu.memory_space<semaphore_mem>>) src(%arg12 : memref<128x128xf32, #tpu.memory_space<vmem>>) dst(%dma_wait3A_25 : memref<10000x128xf32, #tpu.memory_space<vmem_shared>>)
    %dma_wait3A_26 = arith.constant 1 : i32
    %dma_wait3A_27 = arith.constant 0 : i32
    %dma_wait3A_28 = tpu.memref_slice %arg11[%dma_wait3A_26, %dma_wait3A_27] : memref<2x128xi32, #tpu.memory_space<vmem>> -> memref<1x128xi32, #tpu.memory_space<vmem>>
    %dma_wait3A_29 = tpu.memref_squeeze %dma_wait3A_28 : memref<1x128xi32, #tpu.memory_space<vmem>> -> memref<128xi32, #tpu.memory_space<vmem>>
    %dma_wait3A_30 = arith.constant 0 : i32
    %dma_wait3A_31 = arith.constant 0 : i32
    %dma_wait3A_32 = tpu.memref_slice %arg9[%dma_wait3A_30, %dma_wait3A_31] : memref<10000x128xf32, #tpu.memory_space<vmem_shared>> -> memref<10000x128xf32, #tpu.memory_space<vmem_shared>>
    tpu.wait_indirect_dma semaphore(%arg17 : memref<!tpu.dma_semaphore, #tpu.memory_space<semaphore_mem>>) src(%arg13 : memref<128x128xf32, #tpu.memory_space<vmem>>) dst(%dma_wait3A_32 : memref<10000x128xf32, #tpu.memory_space<vmem_shared>>)
    %lt3A = arith.constant 2 : i32
    %lt3A_33 = arith.cmpi slt, %arg1, %lt3A : i32
    %convert_element_type3A_34 = arith.extui %lt3A_33 : i1 to i32
    %cond3A_35 = arith.constant 0 : i32
    %cond3A_36 = arith.cmpi ne, %convert_element_type3A_34, %cond3A_35 : i32
    scf.if %cond3A_36 {
      %add3A_195 = arith.constant 78 : i32
      %add3A_196 = arith.addi %add3A_6, %add3A_195 : i32
      "tpu.region"() ({
        %run_scoped3A_211 = tpu.sem_alloc : memref<!tpu.dma_semaphore, #tpu.memory_space<semaphore_mem>>
        %dma_start3A_212 = arith.constant 0 : i32
        %dma_start3A_213 = arith.constant 0 : i32
        %dma_start3A_214 = tpu.memref_slice %arg2[%add3A_196, %dma_start3A_212, %dma_start3A_213] : memref<2500x2x128xi32, #tpu.memory_space<hbm>> -> memref<1x2x128xi32, #tpu.memory_space<hbm>>
        %dma_start3A_215 = tpu.memref_squeeze %dma_start3A_214 : memref<1x2x128xi32, #tpu.memory_space<hbm>> -> memref<2x128xi32, #tpu.memory_space<hbm>>
        %dma_start3A_216 = arith.constant 0 : i32
        %dma_start3A_217 = arith.constant 0 : i32
        %dma_start3A_218 = tpu.memref_slice %arg2[%add3A_196, %dma_start3A_216, %dma_start3A_217] : memref<2500x2x128xi32, #tpu.memory_space<hbm>> -> memref<1x2x128xi32, #tpu.memory_space<hbm>>
        %dma_start3A_219 = tpu.memref_squeeze %dma_start3A_218 : memref<1x2x128xi32, #tpu.memory_space<hbm>> -> memref<2x128xi32, #tpu.memory_space<hbm>>
        tpu.enqueue_dma source(%dma_start3A_219 : memref<2x128xi32, #tpu.memory_space<hbm>>) target(%arg10 : memref<2x128xi32, #tpu.memory_space<vmem>>) target_semaphore(%run_scoped3A_211 : memref<!tpu.dma_semaphore, #tpu.memory_space<semaphore_mem>>)
        %dma_wait3A_220 = arith.constant 0 : i32
        %dma_wait3A_221 = arith.constant 0 : i32
        %dma_wait3A_222 = tpu.memref_slice %arg2[%add3A_196, %dma_wait3A_220, %dma_wait3A_221] : memref<2500x2x128xi32, #tpu.memory_space<hbm>> -> memref<1x2x128xi32, #tpu.memory_space<hbm>>
        %dma_wait3A_223 = tpu.memref_squeeze %dma_wait3A_222 : memref<1x2x128xi32, #tpu.memory_space<hbm>> -> memref<2x128xi32, #tpu.memory_space<hbm>>
        %dma_wait3A_224 = arith.constant 0 : i32
        %dma_wait3A_225 = arith.constant 0 : i32
        %dma_wait3A_226 = tpu.memref_slice %arg2[%add3A_196, %dma_wait3A_224, %dma_wait3A_225] : memref<2500x2x128xi32, #tpu.memory_space<hbm>> -> memref<1x2x128xi32, #tpu.memory_space<hbm>>
        %dma_wait3A_227 = tpu.memref_squeeze %dma_wait3A_226 : memref<1x2x128xi32, #tpu.memory_space<hbm>> -> memref<2x128xi32, #tpu.memory_space<hbm>>
        tpu.wait_dma2 semaphore(%run_scoped3A_211 : memref<!tpu.dma_semaphore, #tpu.memory_space<semaphore_mem>>) src(%dma_wait3A_227 : memref<2x128xi32, #tpu.memory_space<hbm>>) dst(%arg10 : memref<2x128xi32, #tpu.memory_space<vmem>>)
        tpu.yield
      }) : () -> ()
      %dma_start3A_197 = arith.constant 0 : i32
      %dma_start3A_198 = arith.constant 0 : i32
      %dma_start3A_199 = tpu.memref_slice %arg10[%dma_start3A_197, %dma_start3A_198] : memref<2x128xi32, #tpu.memory_space<vmem>> -> memref<1x128xi32, #tpu.memory_space<vmem>>
      %dma_start3A_200 = tpu.memref_squeeze %dma_start3A_199 : memref<1x128xi32, #tpu.memory_space<vmem>> -> memref<128xi32, #tpu.memory_space<vmem>>
      %dma_start3A_201 = arith.constant 0 : i32
      %dma_start3A_202 = arith.constant 0 : i32
      %dma_start3A_203 = tpu.memref_slice %arg3[%dma_start3A_201, %dma_start3A_202] : memref<10000x128xf32, #tpu.memory_space<hbm>> -> memref<10000x128xf32, #tpu.memory_space<hbm>>
      tpu.enqueue_indirect_dma source(%dma_start3A_203 : memref<10000x128xf32, #tpu.memory_space<hbm>>) target(%arg12 : memref<128x128xf32, #tpu.memory_space<vmem>>) offsets(%dma_start3A_200 : memref<128xi32, #tpu.memory_space<vmem>>) semaphore(%arg14 : memref<!tpu.dma_semaphore, #tpu.memory_space<semaphore_mem>>)
      %dma_wait3A_204 = arith.constant 0 : i32
      %dma_wait3A_205 = arith.constant 0 : i32
      %dma_wait3A_206 = tpu.memref_slice %arg10[%dma_wait3A_204, %dma_wait3A_205] : memref<2x128xi32, #tpu.memory_space<vmem>> -> memref<1x128xi32, #tpu.memory_space<vmem>>
      %dma_wait3A_207 = tpu.memref_squeeze %dma_wait3A_206 : memref<1x128xi32, #tpu.memory_space<vmem>> -> memref<128xi32, #tpu.memory_space<vmem>>
      %dma_wait3A_208 = arith.constant 0 : i32
      %dma_wait3A_209 = arith.constant 0 : i32
      %dma_wait3A_210 = tpu.memref_slice %arg3[%dma_wait3A_208, %dma_wait3A_209] : memref<10000x128xf32, #tpu.memory_space<hbm>> -> memref<10000x128xf32, #tpu.memory_space<hbm>>
      tpu.wait_indirect_dma semaphore(%arg14 : memref<!tpu.dma_semaphore, #tpu.memory_space<semaphore_mem>>) src(%dma_wait3A_210 : memref<10000x128xf32, #tpu.memory_space<hbm>>) dst(%arg12 : memref<128x128xf32, #tpu.memory_space<vmem>>)
      %run_scoped3A = arith.constant 1 : i32
      "tpu.region"() ({
        %run_scoped3A_211 = tpu.sem_alloc : memref<!tpu.dma_semaphore, #tpu.memory_space<semaphore_mem>>
        %dma_start3A_212 = arith.constant 0 : i32
        %dma_start3A_213 = tpu.memref_slice %arg10[%run_scoped3A, %dma_start3A_212] : memref<2x128xi32, #tpu.memory_space<vmem>> -> memref<1x128xi32, #tpu.memory_space<vmem>>
        %dma_start3A_214 = tpu.memref_squeeze %dma_start3A_213 : memref<1x128xi32, #tpu.memory_space<vmem>> -> memref<128xi32, #tpu.memory_space<vmem>>
        %dma_start3A_215 = arith.constant 0 : i32
        %dma_start3A_216 = arith.constant 0 : i32
        %dma_start3A_217 = tpu.memref_slice %arg9[%dma_start3A_215, %dma_start3A_216] : memref<10000x128xf32, #tpu.memory_space<vmem_shared>> -> memref<10000x128xf32, #tpu.memory_space<vmem_shared>>
        tpu.enqueue_indirect_dma source(%arg12 : memref<128x128xf32, #tpu.memory_space<vmem>>) target(%dma_start3A_217 : memref<10000x128xf32, #tpu.memory_space<vmem_shared>>) offsets(%dma_start3A_214 : memref<128xi32, #tpu.memory_space<vmem>>) semaphore(%run_scoped3A_211 : memref<!tpu.dma_semaphore, #tpu.memory_space<semaphore_mem>>) {add = true}
        %dma_wait3A_218 = arith.constant 0 : i32
        %dma_wait3A_219 = tpu.memref_slice %arg10[%run_scoped3A, %dma_wait3A_218] : memref<2x128xi32, #tpu.memory_space<vmem>> -> memref<1x128xi32, #tpu.memory_space<vmem>>
        %dma_wait3A_220 = tpu.memref_squeeze %dma_wait3A_219 : memref<1x128xi32, #tpu.memory_space<vmem>> -> memref<128xi32, #tpu.memory_space<vmem>>
        %dma_wait3A_221 = arith.constant 0 : i32
        %dma_wait3A_222 = arith.constant 0 : i32
        %dma_wait3A_223 = tpu.memref_slice %arg9[%dma_wait3A_221, %dma_wait3A_222] : memref<10000x128xf32, #tpu.memory_space<vmem_shared>> -> memref<10000x128xf32, #tpu.memory_space<vmem_shared>>
        tpu.wait_indirect_dma semaphore(%run_scoped3A_211 : memref<!tpu.dma_semaphore, #tpu.memory_space<semaphore_mem>>) src(%arg12 : memref<128x128xf32, #tpu.memory_space<vmem>>) dst(%dma_wait3A_223 : memref<10000x128xf32, #tpu.memory_space<vmem_shared>>)
        tpu.yield
      }) : () -> ()
    } else {
    }
    %barrier3A_37 = arith.constant 0 : index
    tpu.barrier barrier_id(%barrier3A_37)
    %mul3A_38 = arith.constant 4 : i32
    %mul3A_39 = arith.muli %arg0, %mul3A_38 : i32
    %add3A_40 = arith.constant 0 : i32
    %add3A_41 = arith.addi %mul3A_39, %add3A_40 : i32
    "tpu.region"() ({
      %run_scoped3A = tpu.sem_alloc : memref<!tpu.dma_semaphore, #tpu.memory_space<semaphore_mem>>
      %dma_start3A_195 = arith.constant 0 : i32
      %dma_start3A_196 = tpu.memref_slice %arg8[%add3A_41, %mul3A_0, %dma_start3A_195] : memref<8x10000x128xf32, #tpu.memory_space<hbm>> -> memref<1x624x128xf32, #tpu.memory_space<hbm>>
      %dma_start3A_197 = tpu.memref_squeeze %dma_start3A_196 : memref<1x624x128xf32, #tpu.memory_space<hbm>> -> memref<624x128xf32, #tpu.memory_space<hbm>>
      %dma_start3A_198 = arith.constant 0 : i32
      %dma_start3A_199 = tpu.memref_slice %arg9[%mul3A_0, %dma_start3A_198] : memref<10000x128xf32, #tpu.memory_space<vmem_shared>> -> memref<624x128xf32, #tpu.memory_space<vmem_shared>>
      tpu.enqueue_dma source(%dma_start3A_199 : memref<624x128xf32, #tpu.memory_space<vmem_shared>>) target(%dma_start3A_197 : memref<624x128xf32, #tpu.memory_space<hbm>>) target_semaphore(%run_scoped3A : memref<!tpu.dma_semaphore, #tpu.memory_space<semaphore_mem>>)
      %dma_wait3A_200 = arith.constant 0 : i32
      %dma_wait3A_201 = tpu.memref_slice %arg8[%add3A_41, %mul3A_0, %dma_wait3A_200] : memref<8x10000x128xf32, #tpu.memory_space<hbm>> -> memref<1x624x128xf32, #tpu.memory_space<hbm>>
      %dma_wait3A_202 = tpu.memref_squeeze %dma_wait3A_201 : memref<1x624x128xf32, #tpu.memory_space<hbm>> -> memref<624x128xf32, #tpu.memory_space<hbm>>
      %dma_wait3A_203 = arith.constant 0 : i32
      %dma_wait3A_204 = tpu.memref_slice %arg9[%mul3A_0, %dma_wait3A_203] : memref<10000x128xf32, #tpu.memory_space<vmem_shared>> -> memref<624x128xf32, #tpu.memory_space<vmem_shared>>
      tpu.wait_dma2 semaphore(%run_scoped3A : memref<!tpu.dma_semaphore, #tpu.memory_space<semaphore_mem>>) src(%dma_wait3A_204 : memref<624x128xf32, #tpu.memory_space<vmem_shared>>) dst(%dma_wait3A_202 : memref<624x128xf32, #tpu.memory_space<hbm>>)
      tpu.yield
    }) : () -> ()
    %eq3A_42 = arith.constant 15 : i32
    %eq3A_43 = arith.cmpi eq, %arg1, %eq3A_42 : i32
    %convert_element_type3A_44 = arith.extui %eq3A_43 : i1 to i32
    %cond3A_45 = arith.constant 0 : i32
    %cond3A_46 = arith.cmpi ne, %convert_element_type3A_44, %cond3A_45 : i32
    scf.if %cond3A_46 {
      "tpu.region"() ({
        %run_scoped3A = tpu.sem_alloc : memref<!tpu.dma_semaphore, #tpu.memory_space<semaphore_mem>>
        %dma_start3A_195 = arith.constant 9984 : i32
        %dma_start3A_196 = arith.constant 0 : i32
        %dma_start3A_197 = tpu.memref_slice %arg8[%add3A_41, %dma_start3A_195, %dma_start3A_196] : memref<8x10000x128xf32, #tpu.memory_space<hbm>> -> memref<1x16x128xf32, #tpu.memory_space<hbm>>
        %dma_start3A_198 = tpu.memref_squeeze %dma_start3A_197 : memref<1x16x128xf32, #tpu.memory_space<hbm>> -> memref<16x128xf32, #tpu.memory_space<hbm>>
        %dma_start3A_199 = arith.constant 9984 : i32
        %dma_start3A_200 = arith.constant 0 : i32
        %dma_start3A_201 = tpu.memref_slice %arg9[%dma_start3A_199, %dma_start3A_200] : memref<10000x128xf32, #tpu.memory_space<vmem_shared>> -> memref<16x128xf32, #tpu.memory_space<vmem_shared>>
        tpu.enqueue_dma source(%dma_start3A_201 : memref<16x128xf32, #tpu.memory_space<vmem_shared>>) target(%dma_start3A_198 : memref<16x128xf32, #tpu.memory_space<hbm>>) target_semaphore(%run_scoped3A : memref<!tpu.dma_semaphore, #tpu.memory_space<semaphore_mem>>)
        %dma_wait3A_202 = arith.constant 9984 : i32
        %dma_wait3A_203 = arith.constant 0 : i32
        %dma_wait3A_204 = tpu.memref_slice %arg8[%add3A_41, %dma_wait3A_202, %dma_wait3A_203] : memref<8x10000x128xf32, #tpu.memory_space<hbm>> -> memref<1x16x128xf32, #tpu.memory_space<hbm>>
        %dma_wait3A_205 = tpu.memref_squeeze %dma_wait3A_204 : memref<1x16x128xf32, #tpu.memory_space<hbm>> -> memref<16x128xf32, #tpu.memory_space<hbm>>
        %dma_wait3A_206 = arith.constant 9984 : i32
        %dma_wait3A_207 = arith.constant 0 : i32
        %dma_wait3A_208 = tpu.memref_slice %arg9[%dma_wait3A_206, %dma_wait3A_207] : memref<10000x128xf32, #tpu.memory_space<vmem_shared>> -> memref<16x128xf32, #tpu.memory_space<vmem_shared>>
        tpu.wait_dma2 semaphore(%run_scoped3A : memref<!tpu.dma_semaphore, #tpu.memory_space<semaphore_mem>>) src(%dma_wait3A_208 : memref<16x128xf32, #tpu.memory_space<vmem_shared>>) dst(%dma_wait3A_205 : memref<16x128xf32, #tpu.memory_space<hbm>>)
        tpu.yield
      }) : () -> ()
    } else {
    }
    %barrier3A_47 = arith.constant 0 : index
    tpu.barrier barrier_id(%barrier3A_47)
    "tpu.region"() ({
      %run_scoped3A = tpu.sem_alloc : memref<!tpu.dma_semaphore, #tpu.memory_space<semaphore_mem>>
      %dma_start3A_195 = arith.constant 0 : i32
      %dma_start3A_196 = tpu.memref_slice %arg9[%mul3A_0, %dma_start3A_195] : memref<10000x128xf32, #tpu.memory_space<vmem_shared>> -> memref<624x128xf32, #tpu.memory_space<vmem_shared>>
      %dma_start3A_197 = arith.constant 0 : i32
      %dma_start3A_198 = tpu.memref_slice %arg7[%mul3A_0, %dma_start3A_197] : memref<10000x128xf32, #tpu.memory_space<hbm>> -> memref<624x128xf32, #tpu.memory_space<hbm>>
      tpu.enqueue_dma source(%dma_start3A_198 : memref<624x128xf32, #tpu.memory_space<hbm>>) target(%dma_start3A_196 : memref<624x128xf32, #tpu.memory_space<vmem_shared>>) target_semaphore(%run_scoped3A : memref<!tpu.dma_semaphore, #tpu.memory_space<semaphore_mem>>)
      %dma_wait3A_199 = arith.constant 0 : i32
      %dma_wait3A_200 = tpu.memref_slice %arg9[%mul3A_0, %dma_wait3A_199] : memref<10000x128xf32, #tpu.memory_space<vmem_shared>> -> memref<624x128xf32, #tpu.memory_space<vmem_shared>>
      %dma_wait3A_201 = arith.constant 0 : i32
      %dma_wait3A_202 = tpu.memref_slice %arg7[%mul3A_0, %dma_wait3A_201] : memref<10000x128xf32, #tpu.memory_space<hbm>> -> memref<624x128xf32, #tpu.memory_space<hbm>>
      tpu.wait_dma2 semaphore(%run_scoped3A : memref<!tpu.dma_semaphore, #tpu.memory_space<semaphore_mem>>) src(%dma_wait3A_202 : memref<624x128xf32, #tpu.memory_space<hbm>>) dst(%dma_wait3A_200 : memref<624x128xf32, #tpu.memory_space<vmem_shared>>)
      tpu.yield
    }) : () -> ()
    %eq3A_48 = arith.constant 15 : i32
    %eq3A_49 = arith.cmpi eq, %arg1, %eq3A_48 : i32
    %convert_element_type3A_50 = arith.extui %eq3A_49 : i1 to i32
    %cond3A_51 = arith.constant 0 : i32
    %cond3A_52 = arith.cmpi ne, %convert_element_type3A_50, %cond3A_51 : i32
    scf.if %cond3A_52 {
      "tpu.region"() ({
        %run_scoped3A = tpu.sem_alloc : memref<!tpu.dma_semaphore, #tpu.memory_space<semaphore_mem>>
        %dma_start3A_195 = arith.constant 9984 : i32
        %dma_start3A_196 = arith.constant 0 : i32
        %dma_start3A_197 = tpu.memref_slice %arg9[%dma_start3A_195, %dma_start3A_196] : memref<10000x128xf32, #tpu.memory_space<vmem_shared>> -> memref<16x128xf32, #tpu.memory_space<vmem_shared>>
        %dma_start3A_198 = arith.constant 9984 : i32
        %dma_start3A_199 = arith.constant 0 : i32
        %dma_start3A_200 = tpu.memref_slice %arg7[%dma_start3A_198, %dma_start3A_199] : memref<10000x128xf32, #tpu.memory_space<hbm>> -> memref<16x128xf32, #tpu.memory_space<hbm>>
        tpu.enqueue_dma source(%dma_start3A_200 : memref<16x128xf32, #tpu.memory_space<hbm>>) target(%dma_start3A_197 : memref<16x128xf32, #tpu.memory_space<vmem_shared>>) target_semaphore(%run_scoped3A : memref<!tpu.dma_semaphore, #tpu.memory_space<semaphore_mem>>)
        %dma_wait3A_201 = arith.constant 9984 : i32
        %dma_wait3A_202 = arith.constant 0 : i32
        %dma_wait3A_203 = tpu.memref_slice %arg9[%dma_wait3A_201, %dma_wait3A_202] : memref<10000x128xf32, #tpu.memory_space<vmem_shared>> -> memref<16x128xf32, #tpu.memory_space<vmem_shared>>
        %dma_wait3A_204 = arith.constant 9984 : i32
        %dma_wait3A_205 = arith.constant 0 : i32
        %dma_wait3A_206 = tpu.memref_slice %arg7[%dma_wait3A_204, %dma_wait3A_205] : memref<10000x128xf32, #tpu.memory_space<hbm>> -> memref<16x128xf32, #tpu.memory_space<hbm>>
        tpu.wait_dma2 semaphore(%run_scoped3A : memref<!tpu.dma_semaphore, #tpu.memory_space<semaphore_mem>>) src(%dma_wait3A_206 : memref<16x128xf32, #tpu.memory_space<hbm>>) dst(%dma_wait3A_203 : memref<16x128xf32, #tpu.memory_space<vmem_shared>>)
        tpu.yield
      }) : () -> ()
    } else {
    }
    %barrier3A_53 = arith.constant 0 : index
    tpu.barrier barrier_id(%barrier3A_53)
    "tpu.region"() ({
      %run_scoped3A = tpu.sem_alloc : memref<!tpu.dma_semaphore, #tpu.memory_space<semaphore_mem>>
      %dma_start3A_195 = arith.constant 0 : i32
      %dma_start3A_196 = arith.constant 0 : i32
      %dma_start3A_197 = tpu.memref_slice %arg2[%add3A_6, %dma_start3A_195, %dma_start3A_196] : memref<2500x2x128xi32, #tpu.memory_space<hbm>> -> memref<1x2x128xi32, #tpu.memory_space<hbm>>
      %dma_start3A_198 = tpu.memref_squeeze %dma_start3A_197 : memref<1x2x128xi32, #tpu.memory_space<hbm>> -> memref<2x128xi32, #tpu.memory_space<hbm>>
      %dma_start3A_199 = arith.constant 0 : i32
      %dma_start3A_200 = arith.constant 0 : i32
      %dma_start3A_201 = tpu.memref_slice %arg2[%add3A_6, %dma_start3A_199, %dma_start3A_200] : memref<2500x2x128xi32, #tpu.memory_space<hbm>> -> memref<1x2x128xi32, #tpu.memory_space<hbm>>
      %dma_start3A_202 = tpu.memref_squeeze %dma_start3A_201 : memref<1x2x128xi32, #tpu.memory_space<hbm>> -> memref<2x128xi32, #tpu.memory_space<hbm>>
      tpu.enqueue_dma source(%dma_start3A_202 : memref<2x128xi32, #tpu.memory_space<hbm>>) target(%arg10 : memref<2x128xi32, #tpu.memory_space<vmem>>) target_semaphore(%run_scoped3A : memref<!tpu.dma_semaphore, #tpu.memory_space<semaphore_mem>>)
      %dma_wait3A_203 = arith.constant 0 : i32
      %dma_wait3A_204 = arith.constant 0 : i32
      %dma_wait3A_205 = tpu.memref_slice %arg2[%add3A_6, %dma_wait3A_203, %dma_wait3A_204] : memref<2500x2x128xi32, #tpu.memory_space<hbm>> -> memref<1x2x128xi32, #tpu.memory_space<hbm>>
      %dma_wait3A_206 = tpu.memref_squeeze %dma_wait3A_205 : memref<1x2x128xi32, #tpu.memory_space<hbm>> -> memref<2x128xi32, #tpu.memory_space<hbm>>
      %dma_wait3A_207 = arith.constant 0 : i32
      %dma_wait3A_208 = arith.constant 0 : i32
      %dma_wait3A_209 = tpu.memref_slice %arg2[%add3A_6, %dma_wait3A_207, %dma_wait3A_208] : memref<2500x2x128xi32, #tpu.memory_space<hbm>> -> memref<1x2x128xi32, #tpu.memory_space<hbm>>
      %dma_wait3A_210 = tpu.memref_squeeze %dma_wait3A_209 : memref<1x2x128xi32, #tpu.memory_space<hbm>> -> memref<2x128xi32, #tpu.memory_space<hbm>>
      tpu.wait_dma2 semaphore(%run_scoped3A : memref<!tpu.dma_semaphore, #tpu.memory_space<semaphore_mem>>) src(%dma_wait3A_210 : memref<2x128xi32, #tpu.memory_space<hbm>>) dst(%arg10 : memref<2x128xi32, #tpu.memory_space<vmem>>)
      tpu.yield
    }) : () -> ()
    %dma_start3A_54 = arith.constant 0 : i32
    %dma_start3A_55 = arith.constant 0 : i32
    %dma_start3A_56 = tpu.memref_slice %arg10[%dma_start3A_54, %dma_start3A_55] : memref<2x128xi32, #tpu.memory_space<vmem>> -> memref<1x128xi32, #tpu.memory_space<vmem>>
    %dma_start3A_57 = tpu.memref_squeeze %dma_start3A_56 : memref<1x128xi32, #tpu.memory_space<vmem>> -> memref<128xi32, #tpu.memory_space<vmem>>
    %dma_start3A_58 = arith.constant 0 : i32
    %dma_start3A_59 = arith.constant 0 : i32
    %dma_start3A_60 = tpu.memref_slice %arg4[%dma_start3A_58, %dma_start3A_59] : memref<10000x128xf32, #tpu.memory_space<hbm>> -> memref<10000x128xf32, #tpu.memory_space<hbm>>
    tpu.enqueue_indirect_dma source(%dma_start3A_60 : memref<10000x128xf32, #tpu.memory_space<hbm>>) target(%arg12 : memref<128x128xf32, #tpu.memory_space<vmem>>) offsets(%dma_start3A_57 : memref<128xi32, #tpu.memory_space<vmem>>) semaphore(%arg14 : memref<!tpu.dma_semaphore, #tpu.memory_space<semaphore_mem>>)
    %scan3A_61 = arith.constant 0 : i32
    %scan3A_62 = arith.constant 0 : i32
    %scan3A_63 = arith.constant 39 : i32
    %scan3A_64 = arith.addi %scan3A_62, %scan3A_63 : i32
    %scan3A_65 = arith.constant 1 : i32
    scf.for %scan3A_195 = %scan3A_62 to %scan3A_64 step %scan3A_65  : i32 {
      %mul3A_196 = arith.constant 2 : i32
      %mul3A_197 = arith.muli %mul3A_196, %scan3A_195 : i32
      %add3A_198 = arith.addi %add3A_6, %mul3A_197 : i32
      %add3A_199 = arith.constant 1 : i32
      %add3A_200 = arith.addi %add3A_198, %add3A_199 : i32
      %gt3A = arith.constant 0 : i32
      %gt3A_201 = arith.cmpi sgt, %scan3A_195, %gt3A : i32
      %convert_element_type3A_202 = arith.extui %gt3A_201 : i1 to i32
      %cond3A_203 = arith.constant 0 : i32
      %cond3A_204 = arith.cmpi ne, %convert_element_type3A_202, %cond3A_203 : i32
      scf.if %cond3A_204 {
        %dma_wait3A_245 = arith.constant 1 : i32
        %dma_wait3A_246 = arith.constant 0 : i32
        %dma_wait3A_247 = tpu.memref_slice %arg11[%dma_wait3A_245, %dma_wait3A_246] : memref<2x128xi32, #tpu.memory_space<vmem>> -> memref<1x128xi32, #tpu.memory_space<vmem>>
        %dma_wait3A_248 = tpu.memref_squeeze %dma_wait3A_247 : memref<1x128xi32, #tpu.memory_space<vmem>> -> memref<128xi32, #tpu.memory_space<vmem>>
        %dma_wait3A_249 = arith.constant 0 : i32
        %dma_wait3A_250 = arith.constant 0 : i32
        %dma_wait3A_251 = tpu.memref_slice %arg9[%dma_wait3A_249, %dma_wait3A_250] : memref<10000x128xf32, #tpu.memory_space<vmem_shared>> -> memref<10000x128xf32, #tpu.memory_space<vmem_shared>>
        tpu.wait_indirect_dma semaphore(%arg17 : memref<!tpu.dma_semaphore, #tpu.memory_space<semaphore_mem>>) src(%arg13 : memref<128x128xf32, #tpu.memory_space<vmem>>) dst(%dma_wait3A_251 : memref<10000x128xf32, #tpu.memory_space<vmem_shared>>)
      } else {
      }
      "tpu.region"() ({
        %run_scoped3A = tpu.sem_alloc : memref<!tpu.dma_semaphore, #tpu.memory_space<semaphore_mem>>
        %dma_start3A_245 = arith.constant 0 : i32
        %dma_start3A_246 = arith.constant 0 : i32
        %dma_start3A_247 = tpu.memref_slice %arg2[%add3A_200, %dma_start3A_245, %dma_start3A_246] : memref<2500x2x128xi32, #tpu.memory_space<hbm>> -> memref<1x2x128xi32, #tpu.memory_space<hbm>>
        %dma_start3A_248 = tpu.memref_squeeze %dma_start3A_247 : memref<1x2x128xi32, #tpu.memory_space<hbm>> -> memref<2x128xi32, #tpu.memory_space<hbm>>
        %dma_start3A_249 = arith.constant 0 : i32
        %dma_start3A_250 = arith.constant 0 : i32
        %dma_start3A_251 = tpu.memref_slice %arg2[%add3A_200, %dma_start3A_249, %dma_start3A_250] : memref<2500x2x128xi32, #tpu.memory_space<hbm>> -> memref<1x2x128xi32, #tpu.memory_space<hbm>>
        %dma_start3A_252 = tpu.memref_squeeze %dma_start3A_251 : memref<1x2x128xi32, #tpu.memory_space<hbm>> -> memref<2x128xi32, #tpu.memory_space<hbm>>
        tpu.enqueue_dma source(%dma_start3A_252 : memref<2x128xi32, #tpu.memory_space<hbm>>) target(%arg11 : memref<2x128xi32, #tpu.memory_space<vmem>>) target_semaphore(%run_scoped3A : memref<!tpu.dma_semaphore, #tpu.memory_space<semaphore_mem>>)
        %dma_wait3A_253 = arith.constant 0 : i32
        %dma_wait3A_254 = arith.constant 0 : i32
        %dma_wait3A_255 = tpu.memref_slice %arg2[%add3A_200, %dma_wait3A_253, %dma_wait3A_254] : memref<2500x2x128xi32, #tpu.memory_space<hbm>> -> memref<1x2x128xi32, #tpu.memory_space<hbm>>
        %dma_wait3A_256 = tpu.memref_squeeze %dma_wait3A_255 : memref<1x2x128xi32, #tpu.memory_space<hbm>> -> memref<2x128xi32, #tpu.memory_space<hbm>>
        %dma_wait3A_257 = arith.constant 0 : i32
        %dma_wait3A_258 = arith.constant 0 : i32
        %dma_wait3A_259 = tpu.memref_slice %arg2[%add3A_200, %dma_wait3A_257, %dma_wait3A_258] : memref<2500x2x128xi32, #tpu.memory_space<hbm>> -> memref<1x2x128xi32, #tpu.memory_space<hbm>>
        %dma_wait3A_260 = tpu.memref_squeeze %dma_wait3A_259 : memref<1x2x128xi32, #tpu.memory_space<hbm>> -> memref<2x128xi32, #tpu.memory_space<hbm>>
        tpu.wait_dma2 semaphore(%run_scoped3A : memref<!tpu.dma_semaphore, #tpu.memory_space<semaphore_mem>>) src(%dma_wait3A_260 : memref<2x128xi32, #tpu.memory_space<hbm>>) dst(%arg11 : memref<2x128xi32, #tpu.memory_space<vmem>>)
        tpu.yield
      }) : () -> ()
      %dma_start3A_205 = arith.constant 0 : i32
      %dma_start3A_206 = arith.constant 0 : i32
      %dma_start3A_207 = tpu.memref_slice %arg11[%dma_start3A_205, %dma_start3A_206] : memref<2x128xi32, #tpu.memory_space<vmem>> -> memref<1x128xi32, #tpu.memory_space<vmem>>
      %dma_start3A_208 = tpu.memref_squeeze %dma_start3A_207 : memref<1x128xi32, #tpu.memory_space<vmem>> -> memref<128xi32, #tpu.memory_space<vmem>>
      %dma_start3A_209 = arith.constant 0 : i32
      %dma_start3A_210 = arith.constant 0 : i32
      %dma_start3A_211 = tpu.memref_slice %arg4[%dma_start3A_209, %dma_start3A_210] : memref<10000x128xf32, #tpu.memory_space<hbm>> -> memref<10000x128xf32, #tpu.memory_space<hbm>>
      tpu.enqueue_indirect_dma source(%dma_start3A_211 : memref<10000x128xf32, #tpu.memory_space<hbm>>) target(%arg13 : memref<128x128xf32, #tpu.memory_space<vmem>>) offsets(%dma_start3A_208 : memref<128xi32, #tpu.memory_space<vmem>>) semaphore(%arg15 : memref<!tpu.dma_semaphore, #tpu.memory_space<semaphore_mem>>)
      %dma_wait3A_212 = arith.constant 0 : i32
      %dma_wait3A_213 = arith.constant 0 : i32
      %dma_wait3A_214 = tpu.memref_slice %arg10[%dma_wait3A_212, %dma_wait3A_213] : memref<2x128xi32, #tpu.memory_space<vmem>> -> memref<1x128xi32, #tpu.memory_space<vmem>>
      %dma_wait3A_215 = tpu.memref_squeeze %dma_wait3A_214 : memref<1x128xi32, #tpu.memory_space<vmem>> -> memref<128xi32, #tpu.memory_space<vmem>>
      %dma_wait3A_216 = arith.constant 0 : i32
      %dma_wait3A_217 = arith.constant 0 : i32
      %dma_wait3A_218 = tpu.memref_slice %arg4[%dma_wait3A_216, %dma_wait3A_217] : memref<10000x128xf32, #tpu.memory_space<hbm>> -> memref<10000x128xf32, #tpu.memory_space<hbm>>
      tpu.wait_indirect_dma semaphore(%arg14 : memref<!tpu.dma_semaphore, #tpu.memory_space<semaphore_mem>>) src(%dma_wait3A_218 : memref<10000x128xf32, #tpu.memory_space<hbm>>) dst(%arg12 : memref<128x128xf32, #tpu.memory_space<vmem>>)
      %dma_start3A_219 = arith.constant 1 : i32
      %dma_start3A_220 = arith.constant 0 : i32
      %dma_start3A_221 = tpu.memref_slice %arg10[%dma_start3A_219, %dma_start3A_220] : memref<2x128xi32, #tpu.memory_space<vmem>> -> memref<1x128xi32, #tpu.memory_space<vmem>>
      %dma_start3A_222 = tpu.memref_squeeze %dma_start3A_221 : memref<1x128xi32, #tpu.memory_space<vmem>> -> memref<128xi32, #tpu.memory_space<vmem>>
      %dma_start3A_223 = arith.constant 0 : i32
      %dma_start3A_224 = arith.constant 0 : i32
      %dma_start3A_225 = tpu.memref_slice %arg9[%dma_start3A_223, %dma_start3A_224] : memref<10000x128xf32, #tpu.memory_space<vmem_shared>> -> memref<10000x128xf32, #tpu.memory_space<vmem_shared>>
      tpu.enqueue_indirect_dma source(%arg12 : memref<128x128xf32, #tpu.memory_space<vmem>>) target(%dma_start3A_225 : memref<10000x128xf32, #tpu.memory_space<vmem_shared>>) offsets(%dma_start3A_222 : memref<128xi32, #tpu.memory_space<vmem>>) semaphore(%arg16 : memref<!tpu.dma_semaphore, #tpu.memory_space<semaphore_mem>>) {add = true}
      %lt3A_226 = arith.constant 38 : i32
      %lt3A_227 = arith.cmpi slt, %scan3A_195, %lt3A_226 : i32
      %convert_element_type3A_228 = arith.extui %lt3A_227 : i1 to i32
      %cond3A_229 = arith.constant 0 : i32
      %cond3A_230 = arith.cmpi ne, %convert_element_type3A_228, %cond3A_229 : i32
      scf.if %cond3A_230 {
        %dma_wait3A_245 = arith.constant 1 : i32
        %dma_wait3A_246 = arith.constant 0 : i32
        %dma_wait3A_247 = tpu.memref_slice %arg10[%dma_wait3A_245, %dma_wait3A_246] : memref<2x128xi32, #tpu.memory_space<vmem>> -> memref<1x128xi32, #tpu.memory_space<vmem>>
        %dma_wait3A_248 = tpu.memref_squeeze %dma_wait3A_247 : memref<1x128xi32, #tpu.memory_space<vmem>> -> memref<128xi32, #tpu.memory_space<vmem>>
        %dma_wait3A_249 = arith.constant 0 : i32
        %dma_wait3A_250 = arith.constant 0 : i32
        %dma_wait3A_251 = tpu.memref_slice %arg9[%dma_wait3A_249, %dma_wait3A_250] : memref<10000x128xf32, #tpu.memory_space<vmem_shared>> -> memref<10000x128xf32, #tpu.memory_space<vmem_shared>>
        tpu.wait_indirect_dma semaphore(%arg16 : memref<!tpu.dma_semaphore, #tpu.memory_space<semaphore_mem>>) src(%arg12 : memref<128x128xf32, #tpu.memory_space<vmem>>) dst(%dma_wait3A_251 : memref<10000x128xf32, #tpu.memory_space<vmem_shared>>)
        %add3A_252 = arith.constant 2 : i32
        %add3A_253 = arith.addi %add3A_198, %add3A_252 : i32
        "tpu.region"() ({
          %run_scoped3A = tpu.sem_alloc : memref<!tpu.dma_semaphore, #tpu.memory_space<semaphore_mem>>
          %dma_start3A_261 = arith.constant 0 : i32
          %dma_start3A_262 = arith.constant 0 : i32
          %dma_start3A_263 = tpu.memref_slice %arg2[%add3A_253, %dma_start3A_261, %dma_start3A_262] : memref<2500x2x128xi32, #tpu.memory_space<hbm>> -> memref<1x2x128xi32, #tpu.memory_space<hbm>>
          %dma_start3A_264 = tpu.memref_squeeze %dma_start3A_263 : memref<1x2x128xi32, #tpu.memory_space<hbm>> -> memref<2x128xi32, #tpu.memory_space<hbm>>
          %dma_start3A_265 = arith.constant 0 : i32
          %dma_start3A_266 = arith.constant 0 : i32
          %dma_start3A_267 = tpu.memref_slice %arg2[%add3A_253, %dma_start3A_265, %dma_start3A_266] : memref<2500x2x128xi32, #tpu.memory_space<hbm>> -> memref<1x2x128xi32, #tpu.memory_space<hbm>>
          %dma_start3A_268 = tpu.memref_squeeze %dma_start3A_267 : memref<1x2x128xi32, #tpu.memory_space<hbm>> -> memref<2x128xi32, #tpu.memory_space<hbm>>
          tpu.enqueue_dma source(%dma_start3A_268 : memref<2x128xi32, #tpu.memory_space<hbm>>) target(%arg10 : memref<2x128xi32, #tpu.memory_space<vmem>>) target_semaphore(%run_scoped3A : memref<!tpu.dma_semaphore, #tpu.memory_space<semaphore_mem>>)
          %dma_wait3A_269 = arith.constant 0 : i32
          %dma_wait3A_270 = arith.constant 0 : i32
          %dma_wait3A_271 = tpu.memref_slice %arg2[%add3A_253, %dma_wait3A_269, %dma_wait3A_270] : memref<2500x2x128xi32, #tpu.memory_space<hbm>> -> memref<1x2x128xi32, #tpu.memory_space<hbm>>
          %dma_wait3A_272 = tpu.memref_squeeze %dma_wait3A_271 : memref<1x2x128xi32, #tpu.memory_space<hbm>> -> memref<2x128xi32, #tpu.memory_space<hbm>>
          %dma_wait3A_273 = arith.constant 0 : i32
          %dma_wait3A_274 = arith.constant 0 : i32
          %dma_wait3A_275 = tpu.memref_slice %arg2[%add3A_253, %dma_wait3A_273, %dma_wait3A_274] : memref<2500x2x128xi32, #tpu.memory_space<hbm>> -> memref<1x2x128xi32, #tpu.memory_space<hbm>>
          %dma_wait3A_276 = tpu.memref_squeeze %dma_wait3A_275 : memref<1x2x128xi32, #tpu.memory_space<hbm>> -> memref<2x128xi32, #tpu.memory_space<hbm>>
          tpu.wait_dma2 semaphore(%run_scoped3A : memref<!tpu.dma_semaphore, #tpu.memory_space<semaphore_mem>>) src(%dma_wait3A_276 : memref<2x128xi32, #tpu.memory_space<hbm>>) dst(%arg10 : memref<2x128xi32, #tpu.memory_space<vmem>>)
          tpu.yield
        }) : () -> ()
        %dma_start3A_254 = arith.constant 0 : i32
        %dma_start3A_255 = arith.constant 0 : i32
        %dma_start3A_256 = tpu.memref_slice %arg10[%dma_start3A_254, %dma_start3A_255] : memref<2x128xi32, #tpu.memory_space<vmem>> -> memref<1x128xi32, #tpu.memory_space<vmem>>
        %dma_start3A_257 = tpu.memref_squeeze %dma_start3A_256 : memref<1x128xi32, #tpu.memory_space<vmem>> -> memref<128xi32, #tpu.memory_space<vmem>>
        %dma_start3A_258 = arith.constant 0 : i32
        %dma_start3A_259 = arith.constant 0 : i32
        %dma_start3A_260 = tpu.memref_slice %arg4[%dma_start3A_258, %dma_start3A_259] : memref<10000x128xf32, #tpu.memory_space<hbm>> -> memref<10000x128xf32, #tpu.memory_space<hbm>>
        tpu.enqueue_indirect_dma source(%dma_start3A_260 : memref<10000x128xf32, #tpu.memory_space<hbm>>) target(%arg12 : memref<128x128xf32, #tpu.memory_space<vmem>>) offsets(%dma_start3A_257 : memref<128xi32, #tpu.memory_space<vmem>>) semaphore(%arg14 : memref<!tpu.dma_semaphore, #tpu.memory_space<semaphore_mem>>)
      } else {
      }
      %dma_wait3A_231 = arith.constant 0 : i32
      %dma_wait3A_232 = arith.constant 0 : i32
      %dma_wait3A_233 = tpu.memref_slice %arg11[%dma_wait3A_231, %dma_wait3A_232] : memref<2x128xi32, #tpu.memory_space<vmem>> -> memref<1x128xi32, #tpu.memory_space<vmem>>
      %dma_wait3A_234 = tpu.memref_squeeze %dma_wait3A_233 : memref<1x128xi32, #tpu.memory_space<vmem>> -> memref<128xi32, #tpu.memory_space<vmem>>
      %dma_wait3A_235 = arith.constant 0 : i32
      %dma_wait3A_236 = arith.constant 0 : i32
      %dma_wait3A_237 = tpu.memref_slice %arg4[%dma_wait3A_235, %dma_wait3A_236] : memref<10000x128xf32, #tpu.memory_space<hbm>> -> memref<10000x128xf32, #tpu.memory_space<hbm>>
      tpu.wait_indirect_dma semaphore(%arg15 : memref<!tpu.dma_semaphore, #tpu.memory_space<semaphore_mem>>) src(%dma_wait3A_237 : memref<10000x128xf32, #tpu.memory_space<hbm>>) dst(%arg13 : memref<128x128xf32, #tpu.memory_space<vmem>>)
      %dma_start3A_238 = arith.constant 1 : i32
      %dma_start3A_239 = arith.constant 0 : i32
      %dma_start3A_240 = tpu.memref_slice %arg11[%dma_start3A_238, %dma_start3A_239] : memref<2x128xi32, #tpu.memory_space<vmem>> -> memref<1x128xi32, #tpu.memory_space<vmem>>
      %dma_start3A_241 = tpu.memref_squeeze %dma_start3A_240 : memref<1x128xi32, #tpu.memory_space<vmem>> -> memref<128xi32, #tpu.memory_space<vmem>>
      %dma_start3A_242 = arith.constant 0 : i32
      %dma_start3A_243 = arith.constant 0 : i32
      %dma_start3A_244 = tpu.memref_slice %arg9[%dma_start3A_242, %dma_start3A_243] : memref<10000x128xf32, #tpu.memory_space<vmem_shared>> -> memref<10000x128xf32, #tpu.memory_space<vmem_shared>>
      tpu.enqueue_indirect_dma source(%arg13 : memref<128x128xf32, #tpu.memory_space<vmem>>) target(%dma_start3A_244 : memref<10000x128xf32, #tpu.memory_space<vmem_shared>>) offsets(%dma_start3A_241 : memref<128xi32, #tpu.memory_space<vmem>>) semaphore(%arg17 : memref<!tpu.dma_semaphore, #tpu.memory_space<semaphore_mem>>) {add = true}
    }
    %scan3A_66 = arith.constant 39 : i32
    %dma_wait3A_67 = arith.constant 1 : i32
    %dma_wait3A_68 = arith.constant 0 : i32
    %dma_wait3A_69 = tpu.memref_slice %arg10[%dma_wait3A_67, %dma_wait3A_68] : memref<2x128xi32, #tpu.memory_space<vmem>> -> memref<1x128xi32, #tpu.memory_space<vmem>>
    %dma_wait3A_70 = tpu.memref_squeeze %dma_wait3A_69 : memref<1x128xi32, #tpu.memory_space<vmem>> -> memref<128xi32, #tpu.memory_space<vmem>>
    %dma_wait3A_71 = arith.constant 0 : i32
    %dma_wait3A_72 = arith.constant 0 : i32
    %dma_wait3A_73 = tpu.memref_slice %arg9[%dma_wait3A_71, %dma_wait3A_72] : memref<10000x128xf32, #tpu.memory_space<vmem_shared>> -> memref<10000x128xf32, #tpu.memory_space<vmem_shared>>
    tpu.wait_indirect_dma semaphore(%arg16 : memref<!tpu.dma_semaphore, #tpu.memory_space<semaphore_mem>>) src(%arg12 : memref<128x128xf32, #tpu.memory_space<vmem>>) dst(%dma_wait3A_73 : memref<10000x128xf32, #tpu.memory_space<vmem_shared>>)
    %dma_wait3A_74 = arith.constant 1 : i32
    %dma_wait3A_75 = arith.constant 0 : i32
    %dma_wait3A_76 = tpu.memref_slice %arg11[%dma_wait3A_74, %dma_wait3A_75] : memref<2x128xi32, #tpu.memory_space<vmem>> -> memref<1x128xi32, #tpu.memory_space<vmem>>
    %dma_wait3A_77 = tpu.memref_squeeze %dma_wait3A_76 : memref<1x128xi32, #tpu.memory_space<vmem>> -> memref<128xi32, #tpu.memory_space<vmem>>
    %dma_wait3A_78 = arith.constant 0 : i32
    %dma_wait3A_79 = arith.constant 0 : i32
    %dma_wait3A_80 = tpu.memref_slice %arg9[%dma_wait3A_78, %dma_wait3A_79] : memref<10000x128xf32, #tpu.memory_space<vmem_shared>> -> memref<10000x128xf32, #tpu.memory_space<vmem_shared>>
    tpu.wait_indirect_dma semaphore(%arg17 : memref<!tpu.dma_semaphore, #tpu.memory_space<semaphore_mem>>) src(%arg13 : memref<128x128xf32, #tpu.memory_space<vmem>>) dst(%dma_wait3A_80 : memref<10000x128xf32, #tpu.memory_space<vmem_shared>>)
    %lt3A_81 = arith.constant 2 : i32
    %lt3A_82 = arith.cmpi slt, %arg1, %lt3A_81 : i32
    %convert_element_type3A_83 = arith.extui %lt3A_82 : i1 to i32
    %cond3A_84 = arith.constant 0 : i32
    %cond3A_85 = arith.cmpi ne, %convert_element_type3A_83, %cond3A_84 : i32
    scf.if %cond3A_85 {
      %add3A_195 = arith.constant 78 : i32
      %add3A_196 = arith.addi %add3A_6, %add3A_195 : i32
      "tpu.region"() ({
        %run_scoped3A_211 = tpu.sem_alloc : memref<!tpu.dma_semaphore, #tpu.memory_space<semaphore_mem>>
        %dma_start3A_212 = arith.constant 0 : i32
        %dma_start3A_213 = arith.constant 0 : i32
        %dma_start3A_214 = tpu.memref_slice %arg2[%add3A_196, %dma_start3A_212, %dma_start3A_213] : memref<2500x2x128xi32, #tpu.memory_space<hbm>> -> memref<1x2x128xi32, #tpu.memory_space<hbm>>
        %dma_start3A_215 = tpu.memref_squeeze %dma_start3A_214 : memref<1x2x128xi32, #tpu.memory_space<hbm>> -> memref<2x128xi32, #tpu.memory_space<hbm>>
        %dma_start3A_216 = arith.constant 0 : i32
        %dma_start3A_217 = arith.constant 0 : i32
        %dma_start3A_218 = tpu.memref_slice %arg2[%add3A_196, %dma_start3A_216, %dma_start3A_217] : memref<2500x2x128xi32, #tpu.memory_space<hbm>> -> memref<1x2x128xi32, #tpu.memory_space<hbm>>
        %dma_start3A_219 = tpu.memref_squeeze %dma_start3A_218 : memref<1x2x128xi32, #tpu.memory_space<hbm>> -> memref<2x128xi32, #tpu.memory_space<hbm>>
        tpu.enqueue_dma source(%dma_start3A_219 : memref<2x128xi32, #tpu.memory_space<hbm>>) target(%arg10 : memref<2x128xi32, #tpu.memory_space<vmem>>) target_semaphore(%run_scoped3A_211 : memref<!tpu.dma_semaphore, #tpu.memory_space<semaphore_mem>>)
        %dma_wait3A_220 = arith.constant 0 : i32
        %dma_wait3A_221 = arith.constant 0 : i32
        %dma_wait3A_222 = tpu.memref_slice %arg2[%add3A_196, %dma_wait3A_220, %dma_wait3A_221] : memref<2500x2x128xi32, #tpu.memory_space<hbm>> -> memref<1x2x128xi32, #tpu.memory_space<hbm>>
        %dma_wait3A_223 = tpu.memref_squeeze %dma_wait3A_222 : memref<1x2x128xi32, #tpu.memory_space<hbm>> -> memref<2x128xi32, #tpu.memory_space<hbm>>
        %dma_wait3A_224 = arith.constant 0 : i32
        %dma_wait3A_225 = arith.constant 0 : i32
        %dma_wait3A_226 = tpu.memref_slice %arg2[%add3A_196, %dma_wait3A_224, %dma_wait3A_225] : memref<2500x2x128xi32, #tpu.memory_space<hbm>> -> memref<1x2x128xi32, #tpu.memory_space<hbm>>
        %dma_wait3A_227 = tpu.memref_squeeze %dma_wait3A_226 : memref<1x2x128xi32, #tpu.memory_space<hbm>> -> memref<2x128xi32, #tpu.memory_space<hbm>>
        tpu.wait_dma2 semaphore(%run_scoped3A_211 : memref<!tpu.dma_semaphore, #tpu.memory_space<semaphore_mem>>) src(%dma_wait3A_227 : memref<2x128xi32, #tpu.memory_space<hbm>>) dst(%arg10 : memref<2x128xi32, #tpu.memory_space<vmem>>)
        tpu.yield
      }) : () -> ()
      %dma_start3A_197 = arith.constant 0 : i32
      %dma_start3A_198 = arith.constant 0 : i32
      %dma_start3A_199 = tpu.memref_slice %arg10[%dma_start3A_197, %dma_start3A_198] : memref<2x128xi32, #tpu.memory_space<vmem>> -> memref<1x128xi32, #tpu.memory_space<vmem>>
      %dma_start3A_200 = tpu.memref_squeeze %dma_start3A_199 : memref<1x128xi32, #tpu.memory_space<vmem>> -> memref<128xi32, #tpu.memory_space<vmem>>
      %dma_start3A_201 = arith.constant 0 : i32
      %dma_start3A_202 = arith.constant 0 : i32
      %dma_start3A_203 = tpu.memref_slice %arg4[%dma_start3A_201, %dma_start3A_202] : memref<10000x128xf32, #tpu.memory_space<hbm>> -> memref<10000x128xf32, #tpu.memory_space<hbm>>
      tpu.enqueue_indirect_dma source(%dma_start3A_203 : memref<10000x128xf32, #tpu.memory_space<hbm>>) target(%arg12 : memref<128x128xf32, #tpu.memory_space<vmem>>) offsets(%dma_start3A_200 : memref<128xi32, #tpu.memory_space<vmem>>) semaphore(%arg14 : memref<!tpu.dma_semaphore, #tpu.memory_space<semaphore_mem>>)
      %dma_wait3A_204 = arith.constant 0 : i32
      %dma_wait3A_205 = arith.constant 0 : i32
      %dma_wait3A_206 = tpu.memref_slice %arg10[%dma_wait3A_204, %dma_wait3A_205] : memref<2x128xi32, #tpu.memory_space<vmem>> -> memref<1x128xi32, #tpu.memory_space<vmem>>
      %dma_wait3A_207 = tpu.memref_squeeze %dma_wait3A_206 : memref<1x128xi32, #tpu.memory_space<vmem>> -> memref<128xi32, #tpu.memory_space<vmem>>
      %dma_wait3A_208 = arith.constant 0 : i32
      %dma_wait3A_209 = arith.constant 0 : i32
      %dma_wait3A_210 = tpu.memref_slice %arg4[%dma_wait3A_208, %dma_wait3A_209] : memref<10000x128xf32, #tpu.memory_space<hbm>> -> memref<10000x128xf32, #tpu.memory_space<hbm>>
      tpu.wait_indirect_dma semaphore(%arg14 : memref<!tpu.dma_semaphore, #tpu.memory_space<semaphore_mem>>) src(%dma_wait3A_210 : memref<10000x128xf32, #tpu.memory_space<hbm>>) dst(%arg12 : memref<128x128xf32, #tpu.memory_space<vmem>>)
      %run_scoped3A = arith.constant 1 : i32
      "tpu.region"() ({
        %run_scoped3A_211 = tpu.sem_alloc : memref<!tpu.dma_semaphore, #tpu.memory_space<semaphore_mem>>
        %dma_start3A_212 = arith.constant 0 : i32
        %dma_start3A_213 = tpu.memref_slice %arg10[%run_scoped3A, %dma_start3A_212] : memref<2x128xi32, #tpu.memory_space<vmem>> -> memref<1x128xi32, #tpu.memory_space<vmem>>
        %dma_start3A_214 = tpu.memref_squeeze %dma_start3A_213 : memref<1x128xi32, #tpu.memory_space<vmem>> -> memref<128xi32, #tpu.memory_space<vmem>>
        %dma_start3A_215 = arith.constant 0 : i32
        %dma_start3A_216 = arith.constant 0 : i32
        %dma_start3A_217 = tpu.memref_slice %arg9[%dma_start3A_215, %dma_start3A_216] : memref<10000x128xf32, #tpu.memory_space<vmem_shared>> -> memref<10000x128xf32, #tpu.memory_space<vmem_shared>>
        tpu.enqueue_indirect_dma source(%arg12 : memref<128x128xf32, #tpu.memory_space<vmem>>) target(%dma_start3A_217 : memref<10000x128xf32, #tpu.memory_space<vmem_shared>>) offsets(%dma_start3A_214 : memref<128xi32, #tpu.memory_space<vmem>>) semaphore(%run_scoped3A_211 : memref<!tpu.dma_semaphore, #tpu.memory_space<semaphore_mem>>) {add = true}
        %dma_wait3A_218 = arith.constant 0 : i32
        %dma_wait3A_219 = tpu.memref_slice %arg10[%run_scoped3A, %dma_wait3A_218] : memref<2x128xi32, #tpu.memory_space<vmem>> -> memref<1x128xi32, #tpu.memory_space<vmem>>
        %dma_wait3A_220 = tpu.memref_squeeze %dma_wait3A_219 : memref<1x128xi32, #tpu.memory_space<vmem>> -> memref<128xi32, #tpu.memory_space<vmem>>
        %dma_wait3A_221 = arith.constant 0 : i32
        %dma_wait3A_222 = arith.constant 0 : i32
        %dma_wait3A_223 = tpu.memref_slice %arg9[%dma_wait3A_221, %dma_wait3A_222] : memref<10000x128xf32, #tpu.memory_space<vmem_shared>> -> memref<10000x128xf32, #tpu.memory_space<vmem_shared>>
        tpu.wait_indirect_dma semaphore(%run_scoped3A_211 : memref<!tpu.dma_semaphore, #tpu.memory_space<semaphore_mem>>) src(%arg12 : memref<128x128xf32, #tpu.memory_space<vmem>>) dst(%dma_wait3A_223 : memref<10000x128xf32, #tpu.memory_space<vmem_shared>>)
        tpu.yield
      }) : () -> ()
    } else {
    }
    %barrier3A_86 = arith.constant 0 : index
    tpu.barrier barrier_id(%barrier3A_86)
    %mul3A_87 = arith.constant 4 : i32
    %mul3A_88 = arith.muli %arg0, %mul3A_87 : i32
    %add3A_89 = arith.constant 1 : i32
    %add3A_90 = arith.addi %mul3A_88, %add3A_89 : i32
    "tpu.region"() ({
      %run_scoped3A = tpu.sem_alloc : memref<!tpu.dma_semaphore, #tpu.memory_space<semaphore_mem>>
      %dma_start3A_195 = arith.constant 0 : i32
      %dma_start3A_196 = tpu.memref_slice %arg8[%add3A_90, %mul3A_0, %dma_start3A_195] : memref<8x10000x128xf32, #tpu.memory_space<hbm>> -> memref<1x624x128xf32, #tpu.memory_space<hbm>>
      %dma_start3A_197 = tpu.memref_squeeze %dma_start3A_196 : memref<1x624x128xf32, #tpu.memory_space<hbm>> -> memref<624x128xf32, #tpu.memory_space<hbm>>
      %dma_start3A_198 = arith.constant 0 : i32
      %dma_start3A_199 = tpu.memref_slice %arg9[%mul3A_0, %dma_start3A_198] : memref<10000x128xf32, #tpu.memory_space<vmem_shared>> -> memref<624x128xf32, #tpu.memory_space<vmem_shared>>
      tpu.enqueue_dma source(%dma_start3A_199 : memref<624x128xf32, #tpu.memory_space<vmem_shared>>) target(%dma_start3A_197 : memref<624x128xf32, #tpu.memory_space<hbm>>) target_semaphore(%run_scoped3A : memref<!tpu.dma_semaphore, #tpu.memory_space<semaphore_mem>>)
      %dma_wait3A_200 = arith.constant 0 : i32
      %dma_wait3A_201 = tpu.memref_slice %arg8[%add3A_90, %mul3A_0, %dma_wait3A_200] : memref<8x10000x128xf32, #tpu.memory_space<hbm>> -> memref<1x624x128xf32, #tpu.memory_space<hbm>>
      %dma_wait3A_202 = tpu.memref_squeeze %dma_wait3A_201 : memref<1x624x128xf32, #tpu.memory_space<hbm>> -> memref<624x128xf32, #tpu.memory_space<hbm>>
      %dma_wait3A_203 = arith.constant 0 : i32
      %dma_wait3A_204 = tpu.memref_slice %arg9[%mul3A_0, %dma_wait3A_203] : memref<10000x128xf32, #tpu.memory_space<vmem_shared>> -> memref<624x128xf32, #tpu.memory_space<vmem_shared>>
      tpu.wait_dma2 semaphore(%run_scoped3A : memref<!tpu.dma_semaphore, #tpu.memory_space<semaphore_mem>>) src(%dma_wait3A_204 : memref<624x128xf32, #tpu.memory_space<vmem_shared>>) dst(%dma_wait3A_202 : memref<624x128xf32, #tpu.memory_space<hbm>>)
      tpu.yield
    }) : () -> ()
    %eq3A_91 = arith.constant 15 : i32
    %eq3A_92 = arith.cmpi eq, %arg1, %eq3A_91 : i32
    %convert_element_type3A_93 = arith.extui %eq3A_92 : i1 to i32
    %cond3A_94 = arith.constant 0 : i32
    %cond3A_95 = arith.cmpi ne, %convert_element_type3A_93, %cond3A_94 : i32
    scf.if %cond3A_95 {
      "tpu.region"() ({
        %run_scoped3A = tpu.sem_alloc : memref<!tpu.dma_semaphore, #tpu.memory_space<semaphore_mem>>
        %dma_start3A_195 = arith.constant 9984 : i32
        %dma_start3A_196 = arith.constant 0 : i32
        %dma_start3A_197 = tpu.memref_slice %arg8[%add3A_90, %dma_start3A_195, %dma_start3A_196] : memref<8x10000x128xf32, #tpu.memory_space<hbm>> -> memref<1x16x128xf32, #tpu.memory_space<hbm>>
        %dma_start3A_198 = tpu.memref_squeeze %dma_start3A_197 : memref<1x16x128xf32, #tpu.memory_space<hbm>> -> memref<16x128xf32, #tpu.memory_space<hbm>>
        %dma_start3A_199 = arith.constant 9984 : i32
        %dma_start3A_200 = arith.constant 0 : i32
        %dma_start3A_201 = tpu.memref_slice %arg9[%dma_start3A_199, %dma_start3A_200] : memref<10000x128xf32, #tpu.memory_space<vmem_shared>> -> memref<16x128xf32, #tpu.memory_space<vmem_shared>>
        tpu.enqueue_dma source(%dma_start3A_201 : memref<16x128xf32, #tpu.memory_space<vmem_shared>>) target(%dma_start3A_198 : memref<16x128xf32, #tpu.memory_space<hbm>>) target_semaphore(%run_scoped3A : memref<!tpu.dma_semaphore, #tpu.memory_space<semaphore_mem>>)
        %dma_wait3A_202 = arith.constant 9984 : i32
        %dma_wait3A_203 = arith.constant 0 : i32
        %dma_wait3A_204 = tpu.memref_slice %arg8[%add3A_90, %dma_wait3A_202, %dma_wait3A_203] : memref<8x10000x128xf32, #tpu.memory_space<hbm>> -> memref<1x16x128xf32, #tpu.memory_space<hbm>>
        %dma_wait3A_205 = tpu.memref_squeeze %dma_wait3A_204 : memref<1x16x128xf32, #tpu.memory_space<hbm>> -> memref<16x128xf32, #tpu.memory_space<hbm>>
        %dma_wait3A_206 = arith.constant 9984 : i32
        %dma_wait3A_207 = arith.constant 0 : i32
        %dma_wait3A_208 = tpu.memref_slice %arg9[%dma_wait3A_206, %dma_wait3A_207] : memref<10000x128xf32, #tpu.memory_space<vmem_shared>> -> memref<16x128xf32, #tpu.memory_space<vmem_shared>>
        tpu.wait_dma2 semaphore(%run_scoped3A : memref<!tpu.dma_semaphore, #tpu.memory_space<semaphore_mem>>) src(%dma_wait3A_208 : memref<16x128xf32, #tpu.memory_space<vmem_shared>>) dst(%dma_wait3A_205 : memref<16x128xf32, #tpu.memory_space<hbm>>)
        tpu.yield
      }) : () -> ()
    } else {
    }
    %barrier3A_96 = arith.constant 0 : index
    tpu.barrier barrier_id(%barrier3A_96)
    "tpu.region"() ({
      %run_scoped3A = tpu.sem_alloc : memref<!tpu.dma_semaphore, #tpu.memory_space<semaphore_mem>>
      %dma_start3A_195 = arith.constant 0 : i32
      %dma_start3A_196 = tpu.memref_slice %arg9[%mul3A_0, %dma_start3A_195] : memref<10000x128xf32, #tpu.memory_space<vmem_shared>> -> memref<624x128xf32, #tpu.memory_space<vmem_shared>>
      %dma_start3A_197 = arith.constant 0 : i32
      %dma_start3A_198 = tpu.memref_slice %arg7[%mul3A_0, %dma_start3A_197] : memref<10000x128xf32, #tpu.memory_space<hbm>> -> memref<624x128xf32, #tpu.memory_space<hbm>>
      tpu.enqueue_dma source(%dma_start3A_198 : memref<624x128xf32, #tpu.memory_space<hbm>>) target(%dma_start3A_196 : memref<624x128xf32, #tpu.memory_space<vmem_shared>>) target_semaphore(%run_scoped3A : memref<!tpu.dma_semaphore, #tpu.memory_space<semaphore_mem>>)
      %dma_wait3A_199 = arith.constant 0 : i32
      %dma_wait3A_200 = tpu.memref_slice %arg9[%mul3A_0, %dma_wait3A_199] : memref<10000x128xf32, #tpu.memory_space<vmem_shared>> -> memref<624x128xf32, #tpu.memory_space<vmem_shared>>
      %dma_wait3A_201 = arith.constant 0 : i32
      %dma_wait3A_202 = tpu.memref_slice %arg7[%mul3A_0, %dma_wait3A_201] : memref<10000x128xf32, #tpu.memory_space<hbm>> -> memref<624x128xf32, #tpu.memory_space<hbm>>
      tpu.wait_dma2 semaphore(%run_scoped3A : memref<!tpu.dma_semaphore, #tpu.memory_space<semaphore_mem>>) src(%dma_wait3A_202 : memref<624x128xf32, #tpu.memory_space<hbm>>) dst(%dma_wait3A_200 : memref<624x128xf32, #tpu.memory_space<vmem_shared>>)
      tpu.yield
    }) : () -> ()
    %eq3A_97 = arith.constant 15 : i32
    %eq3A_98 = arith.cmpi eq, %arg1, %eq3A_97 : i32
    %convert_element_type3A_99 = arith.extui %eq3A_98 : i1 to i32
    %cond3A_100 = arith.constant 0 : i32
    %cond3A_101 = arith.cmpi ne, %convert_element_type3A_99, %cond3A_100 : i32
    scf.if %cond3A_101 {
      "tpu.region"() ({
        %run_scoped3A = tpu.sem_alloc : memref<!tpu.dma_semaphore, #tpu.memory_space<semaphore_mem>>
        %dma_start3A_195 = arith.constant 9984 : i32
        %dma_start3A_196 = arith.constant 0 : i32
        %dma_start3A_197 = tpu.memref_slice %arg9[%dma_start3A_195, %dma_start3A_196] : memref<10000x128xf32, #tpu.memory_space<vmem_shared>> -> memref<16x128xf32, #tpu.memory_space<vmem_shared>>
        %dma_start3A_198 = arith.constant 9984 : i32
        %dma_start3A_199 = arith.constant 0 : i32
        %dma_start3A_200 = tpu.memref_slice %arg7[%dma_start3A_198, %dma_start3A_199] : memref<10000x128xf32, #tpu.memory_space<hbm>> -> memref<16x128xf32, #tpu.memory_space<hbm>>
        tpu.enqueue_dma source(%dma_start3A_200 : memref<16x128xf32, #tpu.memory_space<hbm>>) target(%dma_start3A_197 : memref<16x128xf32, #tpu.memory_space<vmem_shared>>) target_semaphore(%run_scoped3A : memref<!tpu.dma_semaphore, #tpu.memory_space<semaphore_mem>>)
        %dma_wait3A_201 = arith.constant 9984 : i32
        %dma_wait3A_202 = arith.constant 0 : i32
        %dma_wait3A_203 = tpu.memref_slice %arg9[%dma_wait3A_201, %dma_wait3A_202] : memref<10000x128xf32, #tpu.memory_space<vmem_shared>> -> memref<16x128xf32, #tpu.memory_space<vmem_shared>>
        %dma_wait3A_204 = arith.constant 9984 : i32
        %dma_wait3A_205 = arith.constant 0 : i32
        %dma_wait3A_206 = tpu.memref_slice %arg7[%dma_wait3A_204, %dma_wait3A_205] : memref<10000x128xf32, #tpu.memory_space<hbm>> -> memref<16x128xf32, #tpu.memory_space<hbm>>
        tpu.wait_dma2 semaphore(%run_scoped3A : memref<!tpu.dma_semaphore, #tpu.memory_space<semaphore_mem>>) src(%dma_wait3A_206 : memref<16x128xf32, #tpu.memory_space<hbm>>) dst(%dma_wait3A_203 : memref<16x128xf32, #tpu.memory_space<vmem_shared>>)
        tpu.yield
      }) : () -> ()
    } else {
    }
    %barrier3A_102 = arith.constant 0 : index
    tpu.barrier barrier_id(%barrier3A_102)
    "tpu.region"() ({
      %run_scoped3A = tpu.sem_alloc : memref<!tpu.dma_semaphore, #tpu.memory_space<semaphore_mem>>
      %dma_start3A_195 = arith.constant 0 : i32
      %dma_start3A_196 = arith.constant 0 : i32
      %dma_start3A_197 = tpu.memref_slice %arg2[%add3A_6, %dma_start3A_195, %dma_start3A_196] : memref<2500x2x128xi32, #tpu.memory_space<hbm>> -> memref<1x2x128xi32, #tpu.memory_space<hbm>>
      %dma_start3A_198 = tpu.memref_squeeze %dma_start3A_197 : memref<1x2x128xi32, #tpu.memory_space<hbm>> -> memref<2x128xi32, #tpu.memory_space<hbm>>
      %dma_start3A_199 = arith.constant 0 : i32
      %dma_start3A_200 = arith.constant 0 : i32
      %dma_start3A_201 = tpu.memref_slice %arg2[%add3A_6, %dma_start3A_199, %dma_start3A_200] : memref<2500x2x128xi32, #tpu.memory_space<hbm>> -> memref<1x2x128xi32, #tpu.memory_space<hbm>>
      %dma_start3A_202 = tpu.memref_squeeze %dma_start3A_201 : memref<1x2x128xi32, #tpu.memory_space<hbm>> -> memref<2x128xi32, #tpu.memory_space<hbm>>
      tpu.enqueue_dma source(%dma_start3A_202 : memref<2x128xi32, #tpu.memory_space<hbm>>) target(%arg10 : memref<2x128xi32, #tpu.memory_space<vmem>>) target_semaphore(%run_scoped3A : memref<!tpu.dma_semaphore, #tpu.memory_space<semaphore_mem>>)
      %dma_wait3A_203 = arith.constant 0 : i32
      %dma_wait3A_204 = arith.constant 0 : i32
      %dma_wait3A_205 = tpu.memref_slice %arg2[%add3A_6, %dma_wait3A_203, %dma_wait3A_204] : memref<2500x2x128xi32, #tpu.memory_space<hbm>> -> memref<1x2x128xi32, #tpu.memory_space<hbm>>
      %dma_wait3A_206 = tpu.memref_squeeze %dma_wait3A_205 : memref<1x2x128xi32, #tpu.memory_space<hbm>> -> memref<2x128xi32, #tpu.memory_space<hbm>>
      %dma_wait3A_207 = arith.constant 0 : i32
      %dma_wait3A_208 = arith.constant 0 : i32
      %dma_wait3A_209 = tpu.memref_slice %arg2[%add3A_6, %dma_wait3A_207, %dma_wait3A_208] : memref<2500x2x128xi32, #tpu.memory_space<hbm>> -> memref<1x2x128xi32, #tpu.memory_space<hbm>>
      %dma_wait3A_210 = tpu.memref_squeeze %dma_wait3A_209 : memref<1x2x128xi32, #tpu.memory_space<hbm>> -> memref<2x128xi32, #tpu.memory_space<hbm>>
      tpu.wait_dma2 semaphore(%run_scoped3A : memref<!tpu.dma_semaphore, #tpu.memory_space<semaphore_mem>>) src(%dma_wait3A_210 : memref<2x128xi32, #tpu.memory_space<hbm>>) dst(%arg10 : memref<2x128xi32, #tpu.memory_space<vmem>>)
      tpu.yield
    }) : () -> ()
    %dma_start3A_103 = arith.constant 0 : i32
    %dma_start3A_104 = arith.constant 0 : i32
    %dma_start3A_105 = tpu.memref_slice %arg10[%dma_start3A_103, %dma_start3A_104] : memref<2x128xi32, #tpu.memory_space<vmem>> -> memref<1x128xi32, #tpu.memory_space<vmem>>
    %dma_start3A_106 = tpu.memref_squeeze %dma_start3A_105 : memref<1x128xi32, #tpu.memory_space<vmem>> -> memref<128xi32, #tpu.memory_space<vmem>>
    %dma_start3A_107 = arith.constant 0 : i32
    %dma_start3A_108 = arith.constant 0 : i32
    %dma_start3A_109 = tpu.memref_slice %arg5[%dma_start3A_107, %dma_start3A_108] : memref<10000x128xf32, #tpu.memory_space<hbm>> -> memref<10000x128xf32, #tpu.memory_space<hbm>>
    tpu.enqueue_indirect_dma source(%dma_start3A_109 : memref<10000x128xf32, #tpu.memory_space<hbm>>) target(%arg12 : memref<128x128xf32, #tpu.memory_space<vmem>>) offsets(%dma_start3A_106 : memref<128xi32, #tpu.memory_space<vmem>>) semaphore(%arg14 : memref<!tpu.dma_semaphore, #tpu.memory_space<semaphore_mem>>)
    %scan3A_110 = arith.constant 0 : i32
    %scan3A_111 = arith.constant 0 : i32
    %scan3A_112 = arith.constant 39 : i32
    %scan3A_113 = arith.addi %scan3A_111, %scan3A_112 : i32
    %scan3A_114 = arith.constant 1 : i32
    scf.for %scan3A_195 = %scan3A_111 to %scan3A_113 step %scan3A_114  : i32 {
      %mul3A_196 = arith.constant 2 : i32
      %mul3A_197 = arith.muli %mul3A_196, %scan3A_195 : i32
      %add3A_198 = arith.addi %add3A_6, %mul3A_197 : i32
      %add3A_199 = arith.constant 1 : i32
      %add3A_200 = arith.addi %add3A_198, %add3A_199 : i32
      %gt3A = arith.constant 0 : i32
      %gt3A_201 = arith.cmpi sgt, %scan3A_195, %gt3A : i32
      %convert_element_type3A_202 = arith.extui %gt3A_201 : i1 to i32
      %cond3A_203 = arith.constant 0 : i32
      %cond3A_204 = arith.cmpi ne, %convert_element_type3A_202, %cond3A_203 : i32
      scf.if %cond3A_204 {
        %dma_wait3A_245 = arith.constant 1 : i32
        %dma_wait3A_246 = arith.constant 0 : i32
        %dma_wait3A_247 = tpu.memref_slice %arg11[%dma_wait3A_245, %dma_wait3A_246] : memref<2x128xi32, #tpu.memory_space<vmem>> -> memref<1x128xi32, #tpu.memory_space<vmem>>
        %dma_wait3A_248 = tpu.memref_squeeze %dma_wait3A_247 : memref<1x128xi32, #tpu.memory_space<vmem>> -> memref<128xi32, #tpu.memory_space<vmem>>
        %dma_wait3A_249 = arith.constant 0 : i32
        %dma_wait3A_250 = arith.constant 0 : i32
        %dma_wait3A_251 = tpu.memref_slice %arg9[%dma_wait3A_249, %dma_wait3A_250] : memref<10000x128xf32, #tpu.memory_space<vmem_shared>> -> memref<10000x128xf32, #tpu.memory_space<vmem_shared>>
        tpu.wait_indirect_dma semaphore(%arg17 : memref<!tpu.dma_semaphore, #tpu.memory_space<semaphore_mem>>) src(%arg13 : memref<128x128xf32, #tpu.memory_space<vmem>>) dst(%dma_wait3A_251 : memref<10000x128xf32, #tpu.memory_space<vmem_shared>>)
      } else {
      }
      "tpu.region"() ({
        %run_scoped3A = tpu.sem_alloc : memref<!tpu.dma_semaphore, #tpu.memory_space<semaphore_mem>>
        %dma_start3A_245 = arith.constant 0 : i32
        %dma_start3A_246 = arith.constant 0 : i32
        %dma_start3A_247 = tpu.memref_slice %arg2[%add3A_200, %dma_start3A_245, %dma_start3A_246] : memref<2500x2x128xi32, #tpu.memory_space<hbm>> -> memref<1x2x128xi32, #tpu.memory_space<hbm>>
        %dma_start3A_248 = tpu.memref_squeeze %dma_start3A_247 : memref<1x2x128xi32, #tpu.memory_space<hbm>> -> memref<2x128xi32, #tpu.memory_space<hbm>>
        %dma_start3A_249 = arith.constant 0 : i32
        %dma_start3A_250 = arith.constant 0 : i32
        %dma_start3A_251 = tpu.memref_slice %arg2[%add3A_200, %dma_start3A_249, %dma_start3A_250] : memref<2500x2x128xi32, #tpu.memory_space<hbm>> -> memref<1x2x128xi32, #tpu.memory_space<hbm>>
        %dma_start3A_252 = tpu.memref_squeeze %dma_start3A_251 : memref<1x2x128xi32, #tpu.memory_space<hbm>> -> memref<2x128xi32, #tpu.memory_space<hbm>>
        tpu.enqueue_dma source(%dma_start3A_252 : memref<2x128xi32, #tpu.memory_space<hbm>>) target(%arg11 : memref<2x128xi32, #tpu.memory_space<vmem>>) target_semaphore(%run_scoped3A : memref<!tpu.dma_semaphore, #tpu.memory_space<semaphore_mem>>)
        %dma_wait3A_253 = arith.constant 0 : i32
        %dma_wait3A_254 = arith.constant 0 : i32
        %dma_wait3A_255 = tpu.memref_slice %arg2[%add3A_200, %dma_wait3A_253, %dma_wait3A_254] : memref<2500x2x128xi32, #tpu.memory_space<hbm>> -> memref<1x2x128xi32, #tpu.memory_space<hbm>>
        %dma_wait3A_256 = tpu.memref_squeeze %dma_wait3A_255 : memref<1x2x128xi32, #tpu.memory_space<hbm>> -> memref<2x128xi32, #tpu.memory_space<hbm>>
        %dma_wait3A_257 = arith.constant 0 : i32
        %dma_wait3A_258 = arith.constant 0 : i32
        %dma_wait3A_259 = tpu.memref_slice %arg2[%add3A_200, %dma_wait3A_257, %dma_wait3A_258] : memref<2500x2x128xi32, #tpu.memory_space<hbm>> -> memref<1x2x128xi32, #tpu.memory_space<hbm>>
        %dma_wait3A_260 = tpu.memref_squeeze %dma_wait3A_259 : memref<1x2x128xi32, #tpu.memory_space<hbm>> -> memref<2x128xi32, #tpu.memory_space<hbm>>
        tpu.wait_dma2 semaphore(%run_scoped3A : memref<!tpu.dma_semaphore, #tpu.memory_space<semaphore_mem>>) src(%dma_wait3A_260 : memref<2x128xi32, #tpu.memory_space<hbm>>) dst(%arg11 : memref<2x128xi32, #tpu.memory_space<vmem>>)
        tpu.yield
      }) : () -> ()
      %dma_start3A_205 = arith.constant 0 : i32
      %dma_start3A_206 = arith.constant 0 : i32
      %dma_start3A_207 = tpu.memref_slice %arg11[%dma_start3A_205, %dma_start3A_206] : memref<2x128xi32, #tpu.memory_space<vmem>> -> memref<1x128xi32, #tpu.memory_space<vmem>>
      %dma_start3A_208 = tpu.memref_squeeze %dma_start3A_207 : memref<1x128xi32, #tpu.memory_space<vmem>> -> memref<128xi32, #tpu.memory_space<vmem>>
      %dma_start3A_209 = arith.constant 0 : i32
      %dma_start3A_210 = arith.constant 0 : i32
      %dma_start3A_211 = tpu.memref_slice %arg5[%dma_start3A_209, %dma_start3A_210] : memref<10000x128xf32, #tpu.memory_space<hbm>> -> memref<10000x128xf32, #tpu.memory_space<hbm>>
      tpu.enqueue_indirect_dma source(%dma_start3A_211 : memref<10000x128xf32, #tpu.memory_space<hbm>>) target(%arg13 : memref<128x128xf32, #tpu.memory_space<vmem>>) offsets(%dma_start3A_208 : memref<128xi32, #tpu.memory_space<vmem>>) semaphore(%arg15 : memref<!tpu.dma_semaphore, #tpu.memory_space<semaphore_mem>>)
      %dma_wait3A_212 = arith.constant 0 : i32
      %dma_wait3A_213 = arith.constant 0 : i32
      %dma_wait3A_214 = tpu.memref_slice %arg10[%dma_wait3A_212, %dma_wait3A_213] : memref<2x128xi32, #tpu.memory_space<vmem>> -> memref<1x128xi32, #tpu.memory_space<vmem>>
      %dma_wait3A_215 = tpu.memref_squeeze %dma_wait3A_214 : memref<1x128xi32, #tpu.memory_space<vmem>> -> memref<128xi32, #tpu.memory_space<vmem>>
      %dma_wait3A_216 = arith.constant 0 : i32
      %dma_wait3A_217 = arith.constant 0 : i32
      %dma_wait3A_218 = tpu.memref_slice %arg5[%dma_wait3A_216, %dma_wait3A_217] : memref<10000x128xf32, #tpu.memory_space<hbm>> -> memref<10000x128xf32, #tpu.memory_space<hbm>>
      tpu.wait_indirect_dma semaphore(%arg14 : memref<!tpu.dma_semaphore, #tpu.memory_space<semaphore_mem>>) src(%dma_wait3A_218 : memref<10000x128xf32, #tpu.memory_space<hbm>>) dst(%arg12 : memref<128x128xf32, #tpu.memory_space<vmem>>)
      %dma_start3A_219 = arith.constant 1 : i32
      %dma_start3A_220 = arith.constant 0 : i32
      %dma_start3A_221 = tpu.memref_slice %arg10[%dma_start3A_219, %dma_start3A_220] : memref<2x128xi32, #tpu.memory_space<vmem>> -> memref<1x128xi32, #tpu.memory_space<vmem>>
      %dma_start3A_222 = tpu.memref_squeeze %dma_start3A_221 : memref<1x128xi32, #tpu.memory_space<vmem>> -> memref<128xi32, #tpu.memory_space<vmem>>
      %dma_start3A_223 = arith.constant 0 : i32
      %dma_start3A_224 = arith.constant 0 : i32
      %dma_start3A_225 = tpu.memref_slice %arg9[%dma_start3A_223, %dma_start3A_224] : memref<10000x128xf32, #tpu.memory_space<vmem_shared>> -> memref<10000x128xf32, #tpu.memory_space<vmem_shared>>
      tpu.enqueue_indirect_dma source(%arg12 : memref<128x128xf32, #tpu.memory_space<vmem>>) target(%dma_start3A_225 : memref<10000x128xf32, #tpu.memory_space<vmem_shared>>) offsets(%dma_start3A_222 : memref<128xi32, #tpu.memory_space<vmem>>) semaphore(%arg16 : memref<!tpu.dma_semaphore, #tpu.memory_space<semaphore_mem>>) {add = true}
      %lt3A_226 = arith.constant 38 : i32
      %lt3A_227 = arith.cmpi slt, %scan3A_195, %lt3A_226 : i32
      %convert_element_type3A_228 = arith.extui %lt3A_227 : i1 to i32
      %cond3A_229 = arith.constant 0 : i32
      %cond3A_230 = arith.cmpi ne, %convert_element_type3A_228, %cond3A_229 : i32
      scf.if %cond3A_230 {
        %dma_wait3A_245 = arith.constant 1 : i32
        %dma_wait3A_246 = arith.constant 0 : i32
        %dma_wait3A_247 = tpu.memref_slice %arg10[%dma_wait3A_245, %dma_wait3A_246] : memref<2x128xi32, #tpu.memory_space<vmem>> -> memref<1x128xi32, #tpu.memory_space<vmem>>
        %dma_wait3A_248 = tpu.memref_squeeze %dma_wait3A_247 : memref<1x128xi32, #tpu.memory_space<vmem>> -> memref<128xi32, #tpu.memory_space<vmem>>
        %dma_wait3A_249 = arith.constant 0 : i32
        %dma_wait3A_250 = arith.constant 0 : i32
        %dma_wait3A_251 = tpu.memref_slice %arg9[%dma_wait3A_249, %dma_wait3A_250] : memref<10000x128xf32, #tpu.memory_space<vmem_shared>> -> memref<10000x128xf32, #tpu.memory_space<vmem_shared>>
        tpu.wait_indirect_dma semaphore(%arg16 : memref<!tpu.dma_semaphore, #tpu.memory_space<semaphore_mem>>) src(%arg12 : memref<128x128xf32, #tpu.memory_space<vmem>>) dst(%dma_wait3A_251 : memref<10000x128xf32, #tpu.memory_space<vmem_shared>>)
        %add3A_252 = arith.constant 2 : i32
        %add3A_253 = arith.addi %add3A_198, %add3A_252 : i32
        "tpu.region"() ({
          %run_scoped3A = tpu.sem_alloc : memref<!tpu.dma_semaphore, #tpu.memory_space<semaphore_mem>>
          %dma_start3A_261 = arith.constant 0 : i32
          %dma_start3A_262 = arith.constant 0 : i32
          %dma_start3A_263 = tpu.memref_slice %arg2[%add3A_253, %dma_start3A_261, %dma_start3A_262] : memref<2500x2x128xi32, #tpu.memory_space<hbm>> -> memref<1x2x128xi32, #tpu.memory_space<hbm>>
          %dma_start3A_264 = tpu.memref_squeeze %dma_start3A_263 : memref<1x2x128xi32, #tpu.memory_space<hbm>> -> memref<2x128xi32, #tpu.memory_space<hbm>>
          %dma_start3A_265 = arith.constant 0 : i32
          %dma_start3A_266 = arith.constant 0 : i32
          %dma_start3A_267 = tpu.memref_slice %arg2[%add3A_253, %dma_start3A_265, %dma_start3A_266] : memref<2500x2x128xi32, #tpu.memory_space<hbm>> -> memref<1x2x128xi32, #tpu.memory_space<hbm>>
          %dma_start3A_268 = tpu.memref_squeeze %dma_start3A_267 : memref<1x2x128xi32, #tpu.memory_space<hbm>> -> memref<2x128xi32, #tpu.memory_space<hbm>>
          tpu.enqueue_dma source(%dma_start3A_268 : memref<2x128xi32, #tpu.memory_space<hbm>>) target(%arg10 : memref<2x128xi32, #tpu.memory_space<vmem>>) target_semaphore(%run_scoped3A : memref<!tpu.dma_semaphore, #tpu.memory_space<semaphore_mem>>)
          %dma_wait3A_269 = arith.constant 0 : i32
          %dma_wait3A_270 = arith.constant 0 : i32
          %dma_wait3A_271 = tpu.memref_slice %arg2[%add3A_253, %dma_wait3A_269, %dma_wait3A_270] : memref<2500x2x128xi32, #tpu.memory_space<hbm>> -> memref<1x2x128xi32, #tpu.memory_space<hbm>>
          %dma_wait3A_272 = tpu.memref_squeeze %dma_wait3A_271 : memref<1x2x128xi32, #tpu.memory_space<hbm>> -> memref<2x128xi32, #tpu.memory_space<hbm>>
          %dma_wait3A_273 = arith.constant 0 : i32
          %dma_wait3A_274 = arith.constant 0 : i32
          %dma_wait3A_275 = tpu.memref_slice %arg2[%add3A_253, %dma_wait3A_273, %dma_wait3A_274] : memref<2500x2x128xi32, #tpu.memory_space<hbm>> -> memref<1x2x128xi32, #tpu.memory_space<hbm>>
          %dma_wait3A_276 = tpu.memref_squeeze %dma_wait3A_275 : memref<1x2x128xi32, #tpu.memory_space<hbm>> -> memref<2x128xi32, #tpu.memory_space<hbm>>
          tpu.wait_dma2 semaphore(%run_scoped3A : memref<!tpu.dma_semaphore, #tpu.memory_space<semaphore_mem>>) src(%dma_wait3A_276 : memref<2x128xi32, #tpu.memory_space<hbm>>) dst(%arg10 : memref<2x128xi32, #tpu.memory_space<vmem>>)
          tpu.yield
        }) : () -> ()
        %dma_start3A_254 = arith.constant 0 : i32
        %dma_start3A_255 = arith.constant 0 : i32
        %dma_start3A_256 = tpu.memref_slice %arg10[%dma_start3A_254, %dma_start3A_255] : memref<2x128xi32, #tpu.memory_space<vmem>> -> memref<1x128xi32, #tpu.memory_space<vmem>>
        %dma_start3A_257 = tpu.memref_squeeze %dma_start3A_256 : memref<1x128xi32, #tpu.memory_space<vmem>> -> memref<128xi32, #tpu.memory_space<vmem>>
        %dma_start3A_258 = arith.constant 0 : i32
        %dma_start3A_259 = arith.constant 0 : i32
        %dma_start3A_260 = tpu.memref_slice %arg5[%dma_start3A_258, %dma_start3A_259] : memref<10000x128xf32, #tpu.memory_space<hbm>> -> memref<10000x128xf32, #tpu.memory_space<hbm>>
        tpu.enqueue_indirect_dma source(%dma_start3A_260 : memref<10000x128xf32, #tpu.memory_space<hbm>>) target(%arg12 : memref<128x128xf32, #tpu.memory_space<vmem>>) offsets(%dma_start3A_257 : memref<128xi32, #tpu.memory_space<vmem>>) semaphore(%arg14 : memref<!tpu.dma_semaphore, #tpu.memory_space<semaphore_mem>>)
      } else {
      }
      %dma_wait3A_231 = arith.constant 0 : i32
      %dma_wait3A_232 = arith.constant 0 : i32
      %dma_wait3A_233 = tpu.memref_slice %arg11[%dma_wait3A_231, %dma_wait3A_232] : memref<2x128xi32, #tpu.memory_space<vmem>> -> memref<1x128xi32, #tpu.memory_space<vmem>>
      %dma_wait3A_234 = tpu.memref_squeeze %dma_wait3A_233 : memref<1x128xi32, #tpu.memory_space<vmem>> -> memref<128xi32, #tpu.memory_space<vmem>>
      %dma_wait3A_235 = arith.constant 0 : i32
      %dma_wait3A_236 = arith.constant 0 : i32
      %dma_wait3A_237 = tpu.memref_slice %arg5[%dma_wait3A_235, %dma_wait3A_236] : memref<10000x128xf32, #tpu.memory_space<hbm>> -> memref<10000x128xf32, #tpu.memory_space<hbm>>
      tpu.wait_indirect_dma semaphore(%arg15 : memref<!tpu.dma_semaphore, #tpu.memory_space<semaphore_mem>>) src(%dma_wait3A_237 : memref<10000x128xf32, #tpu.memory_space<hbm>>) dst(%arg13 : memref<128x128xf32, #tpu.memory_space<vmem>>)
      %dma_start3A_238 = arith.constant 1 : i32
      %dma_start3A_239 = arith.constant 0 : i32
      %dma_start3A_240 = tpu.memref_slice %arg11[%dma_start3A_238, %dma_start3A_239] : memref<2x128xi32, #tpu.memory_space<vmem>> -> memref<1x128xi32, #tpu.memory_space<vmem>>
      %dma_start3A_241 = tpu.memref_squeeze %dma_start3A_240 : memref<1x128xi32, #tpu.memory_space<vmem>> -> memref<128xi32, #tpu.memory_space<vmem>>
      %dma_start3A_242 = arith.constant 0 : i32
      %dma_start3A_243 = arith.constant 0 : i32
      %dma_start3A_244 = tpu.memref_slice %arg9[%dma_start3A_242, %dma_start3A_243] : memref<10000x128xf32, #tpu.memory_space<vmem_shared>> -> memref<10000x128xf32, #tpu.memory_space<vmem_shared>>
      tpu.enqueue_indirect_dma source(%arg13 : memref<128x128xf32, #tpu.memory_space<vmem>>) target(%dma_start3A_244 : memref<10000x128xf32, #tpu.memory_space<vmem_shared>>) offsets(%dma_start3A_241 : memref<128xi32, #tpu.memory_space<vmem>>) semaphore(%arg17 : memref<!tpu.dma_semaphore, #tpu.memory_space<semaphore_mem>>) {add = true}
    }
    %scan3A_115 = arith.constant 39 : i32
    %dma_wait3A_116 = arith.constant 1 : i32
    %dma_wait3A_117 = arith.constant 0 : i32
    %dma_wait3A_118 = tpu.memref_slice %arg10[%dma_wait3A_116, %dma_wait3A_117] : memref<2x128xi32, #tpu.memory_space<vmem>> -> memref<1x128xi32, #tpu.memory_space<vmem>>
    %dma_wait3A_119 = tpu.memref_squeeze %dma_wait3A_118 : memref<1x128xi32, #tpu.memory_space<vmem>> -> memref<128xi32, #tpu.memory_space<vmem>>
    %dma_wait3A_120 = arith.constant 0 : i32
    %dma_wait3A_121 = arith.constant 0 : i32
    %dma_wait3A_122 = tpu.memref_slice %arg9[%dma_wait3A_120, %dma_wait3A_121] : memref<10000x128xf32, #tpu.memory_space<vmem_shared>> -> memref<10000x128xf32, #tpu.memory_space<vmem_shared>>
    tpu.wait_indirect_dma semaphore(%arg16 : memref<!tpu.dma_semaphore, #tpu.memory_space<semaphore_mem>>) src(%arg12 : memref<128x128xf32, #tpu.memory_space<vmem>>) dst(%dma_wait3A_122 : memref<10000x128xf32, #tpu.memory_space<vmem_shared>>)
    %dma_wait3A_123 = arith.constant 1 : i32
    %dma_wait3A_124 = arith.constant 0 : i32
    %dma_wait3A_125 = tpu.memref_slice %arg11[%dma_wait3A_123, %dma_wait3A_124] : memref<2x128xi32, #tpu.memory_space<vmem>> -> memref<1x128xi32, #tpu.memory_space<vmem>>
    %dma_wait3A_126 = tpu.memref_squeeze %dma_wait3A_125 : memref<1x128xi32, #tpu.memory_space<vmem>> -> memref<128xi32, #tpu.memory_space<vmem>>
    %dma_wait3A_127 = arith.constant 0 : i32
    %dma_wait3A_128 = arith.constant 0 : i32
    %dma_wait3A_129 = tpu.memref_slice %arg9[%dma_wait3A_127, %dma_wait3A_128] : memref<10000x128xf32, #tpu.memory_space<vmem_shared>> -> memref<10000x128xf32, #tpu.memory_space<vmem_shared>>
    tpu.wait_indirect_dma semaphore(%arg17 : memref<!tpu.dma_semaphore, #tpu.memory_space<semaphore_mem>>) src(%arg13 : memref<128x128xf32, #tpu.memory_space<vmem>>) dst(%dma_wait3A_129 : memref<10000x128xf32, #tpu.memory_space<vmem_shared>>)
    %lt3A_130 = arith.constant 2 : i32
    %lt3A_131 = arith.cmpi slt, %arg1, %lt3A_130 : i32
    %convert_element_type3A_132 = arith.extui %lt3A_131 : i1 to i32
    %cond3A_133 = arith.constant 0 : i32
    %cond3A_134 = arith.cmpi ne, %convert_element_type3A_132, %cond3A_133 : i32
    scf.if %cond3A_134 {
      %add3A_195 = arith.constant 78 : i32
      %add3A_196 = arith.addi %add3A_6, %add3A_195 : i32
      "tpu.region"() ({
        %run_scoped3A_211 = tpu.sem_alloc : memref<!tpu.dma_semaphore, #tpu.memory_space<semaphore_mem>>
        %dma_start3A_212 = arith.constant 0 : i32
        %dma_start3A_213 = arith.constant 0 : i32
        %dma_start3A_214 = tpu.memref_slice %arg2[%add3A_196, %dma_start3A_212, %dma_start3A_213] : memref<2500x2x128xi32, #tpu.memory_space<hbm>> -> memref<1x2x128xi32, #tpu.memory_space<hbm>>
        %dma_start3A_215 = tpu.memref_squeeze %dma_start3A_214 : memref<1x2x128xi32, #tpu.memory_space<hbm>> -> memref<2x128xi32, #tpu.memory_space<hbm>>
        %dma_start3A_216 = arith.constant 0 : i32
        %dma_start3A_217 = arith.constant 0 : i32
        %dma_start3A_218 = tpu.memref_slice %arg2[%add3A_196, %dma_start3A_216, %dma_start3A_217] : memref<2500x2x128xi32, #tpu.memory_space<hbm>> -> memref<1x2x128xi32, #tpu.memory_space<hbm>>
        %dma_start3A_219 = tpu.memref_squeeze %dma_start3A_218 : memref<1x2x128xi32, #tpu.memory_space<hbm>> -> memref<2x128xi32, #tpu.memory_space<hbm>>
        tpu.enqueue_dma source(%dma_start3A_219 : memref<2x128xi32, #tpu.memory_space<hbm>>) target(%arg10 : memref<2x128xi32, #tpu.memory_space<vmem>>) target_semaphore(%run_scoped3A_211 : memref<!tpu.dma_semaphore, #tpu.memory_space<semaphore_mem>>)
        %dma_wait3A_220 = arith.constant 0 : i32
        %dma_wait3A_221 = arith.constant 0 : i32
        %dma_wait3A_222 = tpu.memref_slice %arg2[%add3A_196, %dma_wait3A_220, %dma_wait3A_221] : memref<2500x2x128xi32, #tpu.memory_space<hbm>> -> memref<1x2x128xi32, #tpu.memory_space<hbm>>
        %dma_wait3A_223 = tpu.memref_squeeze %dma_wait3A_222 : memref<1x2x128xi32, #tpu.memory_space<hbm>> -> memref<2x128xi32, #tpu.memory_space<hbm>>
        %dma_wait3A_224 = arith.constant 0 : i32
        %dma_wait3A_225 = arith.constant 0 : i32
        %dma_wait3A_226 = tpu.memref_slice %arg2[%add3A_196, %dma_wait3A_224, %dma_wait3A_225] : memref<2500x2x128xi32, #tpu.memory_space<hbm>> -> memref<1x2x128xi32, #tpu.memory_space<hbm>>
        %dma_wait3A_227 = tpu.memref_squeeze %dma_wait3A_226 : memref<1x2x128xi32, #tpu.memory_space<hbm>> -> memref<2x128xi32, #tpu.memory_space<hbm>>
        tpu.wait_dma2 semaphore(%run_scoped3A_211 : memref<!tpu.dma_semaphore, #tpu.memory_space<semaphore_mem>>) src(%dma_wait3A_227 : memref<2x128xi32, #tpu.memory_space<hbm>>) dst(%arg10 : memref<2x128xi32, #tpu.memory_space<vmem>>)
        tpu.yield
      }) : () -> ()
      %dma_start3A_197 = arith.constant 0 : i32
      %dma_start3A_198 = arith.constant 0 : i32
      %dma_start3A_199 = tpu.memref_slice %arg10[%dma_start3A_197, %dma_start3A_198] : memref<2x128xi32, #tpu.memory_space<vmem>> -> memref<1x128xi32, #tpu.memory_space<vmem>>
      %dma_start3A_200 = tpu.memref_squeeze %dma_start3A_199 : memref<1x128xi32, #tpu.memory_space<vmem>> -> memref<128xi32, #tpu.memory_space<vmem>>
      %dma_start3A_201 = arith.constant 0 : i32
      %dma_start3A_202 = arith.constant 0 : i32
      %dma_start3A_203 = tpu.memref_slice %arg5[%dma_start3A_201, %dma_start3A_202] : memref<10000x128xf32, #tpu.memory_space<hbm>> -> memref<10000x128xf32, #tpu.memory_space<hbm>>
      tpu.enqueue_indirect_dma source(%dma_start3A_203 : memref<10000x128xf32, #tpu.memory_space<hbm>>) target(%arg12 : memref<128x128xf32, #tpu.memory_space<vmem>>) offsets(%dma_start3A_200 : memref<128xi32, #tpu.memory_space<vmem>>) semaphore(%arg14 : memref<!tpu.dma_semaphore, #tpu.memory_space<semaphore_mem>>)
      %dma_wait3A_204 = arith.constant 0 : i32
      %dma_wait3A_205 = arith.constant 0 : i32
      %dma_wait3A_206 = tpu.memref_slice %arg10[%dma_wait3A_204, %dma_wait3A_205] : memref<2x128xi32, #tpu.memory_space<vmem>> -> memref<1x128xi32, #tpu.memory_space<vmem>>
      %dma_wait3A_207 = tpu.memref_squeeze %dma_wait3A_206 : memref<1x128xi32, #tpu.memory_space<vmem>> -> memref<128xi32, #tpu.memory_space<vmem>>
      %dma_wait3A_208 = arith.constant 0 : i32
      %dma_wait3A_209 = arith.constant 0 : i32
      %dma_wait3A_210 = tpu.memref_slice %arg5[%dma_wait3A_208, %dma_wait3A_209] : memref<10000x128xf32, #tpu.memory_space<hbm>> -> memref<10000x128xf32, #tpu.memory_space<hbm>>
      tpu.wait_indirect_dma semaphore(%arg14 : memref<!tpu.dma_semaphore, #tpu.memory_space<semaphore_mem>>) src(%dma_wait3A_210 : memref<10000x128xf32, #tpu.memory_space<hbm>>) dst(%arg12 : memref<128x128xf32, #tpu.memory_space<vmem>>)
      %run_scoped3A = arith.constant 1 : i32
      "tpu.region"() ({
        %run_scoped3A_211 = tpu.sem_alloc : memref<!tpu.dma_semaphore, #tpu.memory_space<semaphore_mem>>
        %dma_start3A_212 = arith.constant 0 : i32
        %dma_start3A_213 = tpu.memref_slice %arg10[%run_scoped3A, %dma_start3A_212] : memref<2x128xi32, #tpu.memory_space<vmem>> -> memref<1x128xi32, #tpu.memory_space<vmem>>
        %dma_start3A_214 = tpu.memref_squeeze %dma_start3A_213 : memref<1x128xi32, #tpu.memory_space<vmem>> -> memref<128xi32, #tpu.memory_space<vmem>>
        %dma_start3A_215 = arith.constant 0 : i32
        %dma_start3A_216 = arith.constant 0 : i32
        %dma_start3A_217 = tpu.memref_slice %arg9[%dma_start3A_215, %dma_start3A_216] : memref<10000x128xf32, #tpu.memory_space<vmem_shared>> -> memref<10000x128xf32, #tpu.memory_space<vmem_shared>>
        tpu.enqueue_indirect_dma source(%arg12 : memref<128x128xf32, #tpu.memory_space<vmem>>) target(%dma_start3A_217 : memref<10000x128xf32, #tpu.memory_space<vmem_shared>>) offsets(%dma_start3A_214 : memref<128xi32, #tpu.memory_space<vmem>>) semaphore(%run_scoped3A_211 : memref<!tpu.dma_semaphore, #tpu.memory_space<semaphore_mem>>) {add = true}
        %dma_wait3A_218 = arith.constant 0 : i32
        %dma_wait3A_219 = tpu.memref_slice %arg10[%run_scoped3A, %dma_wait3A_218] : memref<2x128xi32, #tpu.memory_space<vmem>> -> memref<1x128xi32, #tpu.memory_space<vmem>>
        %dma_wait3A_220 = tpu.memref_squeeze %dma_wait3A_219 : memref<1x128xi32, #tpu.memory_space<vmem>> -> memref<128xi32, #tpu.memory_space<vmem>>
        %dma_wait3A_221 = arith.constant 0 : i32
        %dma_wait3A_222 = arith.constant 0 : i32
        %dma_wait3A_223 = tpu.memref_slice %arg9[%dma_wait3A_221, %dma_wait3A_222] : memref<10000x128xf32, #tpu.memory_space<vmem_shared>> -> memref<10000x128xf32, #tpu.memory_space<vmem_shared>>
        tpu.wait_indirect_dma semaphore(%run_scoped3A_211 : memref<!tpu.dma_semaphore, #tpu.memory_space<semaphore_mem>>) src(%arg12 : memref<128x128xf32, #tpu.memory_space<vmem>>) dst(%dma_wait3A_223 : memref<10000x128xf32, #tpu.memory_space<vmem_shared>>)
        tpu.yield
      }) : () -> ()
    } else {
    }
    %barrier3A_135 = arith.constant 0 : index
    tpu.barrier barrier_id(%barrier3A_135)
    %mul3A_136 = arith.constant 4 : i32
    %mul3A_137 = arith.muli %arg0, %mul3A_136 : i32
    %add3A_138 = arith.constant 2 : i32
    %add3A_139 = arith.addi %mul3A_137, %add3A_138 : i32
    "tpu.region"() ({
      %run_scoped3A = tpu.sem_alloc : memref<!tpu.dma_semaphore, #tpu.memory_space<semaphore_mem>>
      %dma_start3A_195 = arith.constant 0 : i32
      %dma_start3A_196 = tpu.memref_slice %arg8[%add3A_139, %mul3A_0, %dma_start3A_195] : memref<8x10000x128xf32, #tpu.memory_space<hbm>> -> memref<1x624x128xf32, #tpu.memory_space<hbm>>
      %dma_start3A_197 = tpu.memref_squeeze %dma_start3A_196 : memref<1x624x128xf32, #tpu.memory_space<hbm>> -> memref<624x128xf32, #tpu.memory_space<hbm>>
      %dma_start3A_198 = arith.constant 0 : i32
      %dma_start3A_199 = tpu.memref_slice %arg9[%mul3A_0, %dma_start3A_198] : memref<10000x128xf32, #tpu.memory_space<vmem_shared>> -> memref<624x128xf32, #tpu.memory_space<vmem_shared>>
      tpu.enqueue_dma source(%dma_start3A_199 : memref<624x128xf32, #tpu.memory_space<vmem_shared>>) target(%dma_start3A_197 : memref<624x128xf32, #tpu.memory_space<hbm>>) target_semaphore(%run_scoped3A : memref<!tpu.dma_semaphore, #tpu.memory_space<semaphore_mem>>)
      %dma_wait3A_200 = arith.constant 0 : i32
      %dma_wait3A_201 = tpu.memref_slice %arg8[%add3A_139, %mul3A_0, %dma_wait3A_200] : memref<8x10000x128xf32, #tpu.memory_space<hbm>> -> memref<1x624x128xf32, #tpu.memory_space<hbm>>
      %dma_wait3A_202 = tpu.memref_squeeze %dma_wait3A_201 : memref<1x624x128xf32, #tpu.memory_space<hbm>> -> memref<624x128xf32, #tpu.memory_space<hbm>>
      %dma_wait3A_203 = arith.constant 0 : i32
      %dma_wait3A_204 = tpu.memref_slice %arg9[%mul3A_0, %dma_wait3A_203] : memref<10000x128xf32, #tpu.memory_space<vmem_shared>> -> memref<624x128xf32, #tpu.memory_space<vmem_shared>>
      tpu.wait_dma2 semaphore(%run_scoped3A : memref<!tpu.dma_semaphore, #tpu.memory_space<semaphore_mem>>) src(%dma_wait3A_204 : memref<624x128xf32, #tpu.memory_space<vmem_shared>>) dst(%dma_wait3A_202 : memref<624x128xf32, #tpu.memory_space<hbm>>)
      tpu.yield
    }) : () -> ()
    %eq3A_140 = arith.constant 15 : i32
    %eq3A_141 = arith.cmpi eq, %arg1, %eq3A_140 : i32
    %convert_element_type3A_142 = arith.extui %eq3A_141 : i1 to i32
    %cond3A_143 = arith.constant 0 : i32
    %cond3A_144 = arith.cmpi ne, %convert_element_type3A_142, %cond3A_143 : i32
    scf.if %cond3A_144 {
      "tpu.region"() ({
        %run_scoped3A = tpu.sem_alloc : memref<!tpu.dma_semaphore, #tpu.memory_space<semaphore_mem>>
        %dma_start3A_195 = arith.constant 9984 : i32
        %dma_start3A_196 = arith.constant 0 : i32
        %dma_start3A_197 = tpu.memref_slice %arg8[%add3A_139, %dma_start3A_195, %dma_start3A_196] : memref<8x10000x128xf32, #tpu.memory_space<hbm>> -> memref<1x16x128xf32, #tpu.memory_space<hbm>>
        %dma_start3A_198 = tpu.memref_squeeze %dma_start3A_197 : memref<1x16x128xf32, #tpu.memory_space<hbm>> -> memref<16x128xf32, #tpu.memory_space<hbm>>
        %dma_start3A_199 = arith.constant 9984 : i32
        %dma_start3A_200 = arith.constant 0 : i32
        %dma_start3A_201 = tpu.memref_slice %arg9[%dma_start3A_199, %dma_start3A_200] : memref<10000x128xf32, #tpu.memory_space<vmem_shared>> -> memref<16x128xf32, #tpu.memory_space<vmem_shared>>
        tpu.enqueue_dma source(%dma_start3A_201 : memref<16x128xf32, #tpu.memory_space<vmem_shared>>) target(%dma_start3A_198 : memref<16x128xf32, #tpu.memory_space<hbm>>) target_semaphore(%run_scoped3A : memref<!tpu.dma_semaphore, #tpu.memory_space<semaphore_mem>>)
        %dma_wait3A_202 = arith.constant 9984 : i32
        %dma_wait3A_203 = arith.constant 0 : i32
        %dma_wait3A_204 = tpu.memref_slice %arg8[%add3A_139, %dma_wait3A_202, %dma_wait3A_203] : memref<8x10000x128xf32, #tpu.memory_space<hbm>> -> memref<1x16x128xf32, #tpu.memory_space<hbm>>
        %dma_wait3A_205 = tpu.memref_squeeze %dma_wait3A_204 : memref<1x16x128xf32, #tpu.memory_space<hbm>> -> memref<16x128xf32, #tpu.memory_space<hbm>>
        %dma_wait3A_206 = arith.constant 9984 : i32
        %dma_wait3A_207 = arith.constant 0 : i32
        %dma_wait3A_208 = tpu.memref_slice %arg9[%dma_wait3A_206, %dma_wait3A_207] : memref<10000x128xf32, #tpu.memory_space<vmem_shared>> -> memref<16x128xf32, #tpu.memory_space<vmem_shared>>
        tpu.wait_dma2 semaphore(%run_scoped3A : memref<!tpu.dma_semaphore, #tpu.memory_space<semaphore_mem>>) src(%dma_wait3A_208 : memref<16x128xf32, #tpu.memory_space<vmem_shared>>) dst(%dma_wait3A_205 : memref<16x128xf32, #tpu.memory_space<hbm>>)
        tpu.yield
      }) : () -> ()
    } else {
    }
    %barrier3A_145 = arith.constant 0 : index
    tpu.barrier barrier_id(%barrier3A_145)
    "tpu.region"() ({
      %run_scoped3A = tpu.sem_alloc : memref<!tpu.dma_semaphore, #tpu.memory_space<semaphore_mem>>
      %dma_start3A_195 = arith.constant 0 : i32
      %dma_start3A_196 = tpu.memref_slice %arg9[%mul3A_0, %dma_start3A_195] : memref<10000x128xf32, #tpu.memory_space<vmem_shared>> -> memref<624x128xf32, #tpu.memory_space<vmem_shared>>
      %dma_start3A_197 = arith.constant 0 : i32
      %dma_start3A_198 = tpu.memref_slice %arg7[%mul3A_0, %dma_start3A_197] : memref<10000x128xf32, #tpu.memory_space<hbm>> -> memref<624x128xf32, #tpu.memory_space<hbm>>
      tpu.enqueue_dma source(%dma_start3A_198 : memref<624x128xf32, #tpu.memory_space<hbm>>) target(%dma_start3A_196 : memref<624x128xf32, #tpu.memory_space<vmem_shared>>) target_semaphore(%run_scoped3A : memref<!tpu.dma_semaphore, #tpu.memory_space<semaphore_mem>>)
      %dma_wait3A_199 = arith.constant 0 : i32
      %dma_wait3A_200 = tpu.memref_slice %arg9[%mul3A_0, %dma_wait3A_199] : memref<10000x128xf32, #tpu.memory_space<vmem_shared>> -> memref<624x128xf32, #tpu.memory_space<vmem_shared>>
      %dma_wait3A_201 = arith.constant 0 : i32
      %dma_wait3A_202 = tpu.memref_slice %arg7[%mul3A_0, %dma_wait3A_201] : memref<10000x128xf32, #tpu.memory_space<hbm>> -> memref<624x128xf32, #tpu.memory_space<hbm>>
      tpu.wait_dma2 semaphore(%run_scoped3A : memref<!tpu.dma_semaphore, #tpu.memory_space<semaphore_mem>>) src(%dma_wait3A_202 : memref<624x128xf32, #tpu.memory_space<hbm>>) dst(%dma_wait3A_200 : memref<624x128xf32, #tpu.memory_space<vmem_shared>>)
      tpu.yield
    }) : () -> ()
    %eq3A_146 = arith.constant 15 : i32
    %eq3A_147 = arith.cmpi eq, %arg1, %eq3A_146 : i32
    %convert_element_type3A_148 = arith.extui %eq3A_147 : i1 to i32
    %cond3A_149 = arith.constant 0 : i32
    %cond3A_150 = arith.cmpi ne, %convert_element_type3A_148, %cond3A_149 : i32
    scf.if %cond3A_150 {
      "tpu.region"() ({
        %run_scoped3A = tpu.sem_alloc : memref<!tpu.dma_semaphore, #tpu.memory_space<semaphore_mem>>
        %dma_start3A_195 = arith.constant 9984 : i32
        %dma_start3A_196 = arith.constant 0 : i32
        %dma_start3A_197 = tpu.memref_slice %arg9[%dma_start3A_195, %dma_start3A_196] : memref<10000x128xf32, #tpu.memory_space<vmem_shared>> -> memref<16x128xf32, #tpu.memory_space<vmem_shared>>
        %dma_start3A_198 = arith.constant 9984 : i32
        %dma_start3A_199 = arith.constant 0 : i32
        %dma_start3A_200 = tpu.memref_slice %arg7[%dma_start3A_198, %dma_start3A_199] : memref<10000x128xf32, #tpu.memory_space<hbm>> -> memref<16x128xf32, #tpu.memory_space<hbm>>
        tpu.enqueue_dma source(%dma_start3A_200 : memref<16x128xf32, #tpu.memory_space<hbm>>) target(%dma_start3A_197 : memref<16x128xf32, #tpu.memory_space<vmem_shared>>) target_semaphore(%run_scoped3A : memref<!tpu.dma_semaphore, #tpu.memory_space<semaphore_mem>>)
        %dma_wait3A_201 = arith.constant 9984 : i32
        %dma_wait3A_202 = arith.constant 0 : i32
        %dma_wait3A_203 = tpu.memref_slice %arg9[%dma_wait3A_201, %dma_wait3A_202] : memref<10000x128xf32, #tpu.memory_space<vmem_shared>> -> memref<16x128xf32, #tpu.memory_space<vmem_shared>>
        %dma_wait3A_204 = arith.constant 9984 : i32
        %dma_wait3A_205 = arith.constant 0 : i32
        %dma_wait3A_206 = tpu.memref_slice %arg7[%dma_wait3A_204, %dma_wait3A_205] : memref<10000x128xf32, #tpu.memory_space<hbm>> -> memref<16x128xf32, #tpu.memory_space<hbm>>
        tpu.wait_dma2 semaphore(%run_scoped3A : memref<!tpu.dma_semaphore, #tpu.memory_space<semaphore_mem>>) src(%dma_wait3A_206 : memref<16x128xf32, #tpu.memory_space<hbm>>) dst(%dma_wait3A_203 : memref<16x128xf32, #tpu.memory_space<vmem_shared>>)
        tpu.yield
      }) : () -> ()
    } else {
    }
    %barrier3A_151 = arith.constant 0 : index
    tpu.barrier barrier_id(%barrier3A_151)
    "tpu.region"() ({
      %run_scoped3A = tpu.sem_alloc : memref<!tpu.dma_semaphore, #tpu.memory_space<semaphore_mem>>
      %dma_start3A_195 = arith.constant 0 : i32
      %dma_start3A_196 = arith.constant 0 : i32
      %dma_start3A_197 = tpu.memref_slice %arg2[%add3A_6, %dma_start3A_195, %dma_start3A_196] : memref<2500x2x128xi32, #tpu.memory_space<hbm>> -> memref<1x2x128xi32, #tpu.memory_space<hbm>>
      %dma_start3A_198 = tpu.memref_squeeze %dma_start3A_197 : memref<1x2x128xi32, #tpu.memory_space<hbm>> -> memref<2x128xi32, #tpu.memory_space<hbm>>
      %dma_start3A_199 = arith.constant 0 : i32
      %dma_start3A_200 = arith.constant 0 : i32
      %dma_start3A_201 = tpu.memref_slice %arg2[%add3A_6, %dma_start3A_199, %dma_start3A_200] : memref<2500x2x128xi32, #tpu.memory_space<hbm>> -> memref<1x2x128xi32, #tpu.memory_space<hbm>>
      %dma_start3A_202 = tpu.memref_squeeze %dma_start3A_201 : memref<1x2x128xi32, #tpu.memory_space<hbm>> -> memref<2x128xi32, #tpu.memory_space<hbm>>
      tpu.enqueue_dma source(%dma_start3A_202 : memref<2x128xi32, #tpu.memory_space<hbm>>) target(%arg10 : memref<2x128xi32, #tpu.memory_space<vmem>>) target_semaphore(%run_scoped3A : memref<!tpu.dma_semaphore, #tpu.memory_space<semaphore_mem>>)
      %dma_wait3A_203 = arith.constant 0 : i32
      %dma_wait3A_204 = arith.constant 0 : i32
      %dma_wait3A_205 = tpu.memref_slice %arg2[%add3A_6, %dma_wait3A_203, %dma_wait3A_204] : memref<2500x2x128xi32, #tpu.memory_space<hbm>> -> memref<1x2x128xi32, #tpu.memory_space<hbm>>
      %dma_wait3A_206 = tpu.memref_squeeze %dma_wait3A_205 : memref<1x2x128xi32, #tpu.memory_space<hbm>> -> memref<2x128xi32, #tpu.memory_space<hbm>>
      %dma_wait3A_207 = arith.constant 0 : i32
      %dma_wait3A_208 = arith.constant 0 : i32
      %dma_wait3A_209 = tpu.memref_slice %arg2[%add3A_6, %dma_wait3A_207, %dma_wait3A_208] : memref<2500x2x128xi32, #tpu.memory_space<hbm>> -> memref<1x2x128xi32, #tpu.memory_space<hbm>>
      %dma_wait3A_210 = tpu.memref_squeeze %dma_wait3A_209 : memref<1x2x128xi32, #tpu.memory_space<hbm>> -> memref<2x128xi32, #tpu.memory_space<hbm>>
      tpu.wait_dma2 semaphore(%run_scoped3A : memref<!tpu.dma_semaphore, #tpu.memory_space<semaphore_mem>>) src(%dma_wait3A_210 : memref<2x128xi32, #tpu.memory_space<hbm>>) dst(%arg10 : memref<2x128xi32, #tpu.memory_space<vmem>>)
      tpu.yield
    }) : () -> ()
    %dma_start3A_152 = arith.constant 0 : i32
    %dma_start3A_153 = arith.constant 0 : i32
    %dma_start3A_154 = tpu.memref_slice %arg10[%dma_start3A_152, %dma_start3A_153] : memref<2x128xi32, #tpu.memory_space<vmem>> -> memref<1x128xi32, #tpu.memory_space<vmem>>
    %dma_start3A_155 = tpu.memref_squeeze %dma_start3A_154 : memref<1x128xi32, #tpu.memory_space<vmem>> -> memref<128xi32, #tpu.memory_space<vmem>>
    %dma_start3A_156 = arith.constant 0 : i32
    %dma_start3A_157 = arith.constant 0 : i32
    %dma_start3A_158 = tpu.memref_slice %arg6[%dma_start3A_156, %dma_start3A_157] : memref<10000x128xf32, #tpu.memory_space<hbm>> -> memref<10000x128xf32, #tpu.memory_space<hbm>>
    tpu.enqueue_indirect_dma source(%dma_start3A_158 : memref<10000x128xf32, #tpu.memory_space<hbm>>) target(%arg12 : memref<128x128xf32, #tpu.memory_space<vmem>>) offsets(%dma_start3A_155 : memref<128xi32, #tpu.memory_space<vmem>>) semaphore(%arg14 : memref<!tpu.dma_semaphore, #tpu.memory_space<semaphore_mem>>)
    %scan3A_159 = arith.constant 0 : i32
    %scan3A_160 = arith.constant 0 : i32
    %scan3A_161 = arith.constant 39 : i32
    %scan3A_162 = arith.addi %scan3A_160, %scan3A_161 : i32
    %scan3A_163 = arith.constant 1 : i32
    scf.for %scan3A_195 = %scan3A_160 to %scan3A_162 step %scan3A_163  : i32 {
      %mul3A_196 = arith.constant 2 : i32
      %mul3A_197 = arith.muli %mul3A_196, %scan3A_195 : i32
      %add3A_198 = arith.addi %add3A_6, %mul3A_197 : i32
      %add3A_199 = arith.constant 1 : i32
      %add3A_200 = arith.addi %add3A_198, %add3A_199 : i32
      %gt3A = arith.constant 0 : i32
      %gt3A_201 = arith.cmpi sgt, %scan3A_195, %gt3A : i32
      %convert_element_type3A_202 = arith.extui %gt3A_201 : i1 to i32
      %cond3A_203 = arith.constant 0 : i32
      %cond3A_204 = arith.cmpi ne, %convert_element_type3A_202, %cond3A_203 : i32
      scf.if %cond3A_204 {
        %dma_wait3A_245 = arith.constant 1 : i32
        %dma_wait3A_246 = arith.constant 0 : i32
        %dma_wait3A_247 = tpu.memref_slice %arg11[%dma_wait3A_245, %dma_wait3A_246] : memref<2x128xi32, #tpu.memory_space<vmem>> -> memref<1x128xi32, #tpu.memory_space<vmem>>
        %dma_wait3A_248 = tpu.memref_squeeze %dma_wait3A_247 : memref<1x128xi32, #tpu.memory_space<vmem>> -> memref<128xi32, #tpu.memory_space<vmem>>
        %dma_wait3A_249 = arith.constant 0 : i32
        %dma_wait3A_250 = arith.constant 0 : i32
        %dma_wait3A_251 = tpu.memref_slice %arg9[%dma_wait3A_249, %dma_wait3A_250] : memref<10000x128xf32, #tpu.memory_space<vmem_shared>> -> memref<10000x128xf32, #tpu.memory_space<vmem_shared>>
        tpu.wait_indirect_dma semaphore(%arg17 : memref<!tpu.dma_semaphore, #tpu.memory_space<semaphore_mem>>) src(%arg13 : memref<128x128xf32, #tpu.memory_space<vmem>>) dst(%dma_wait3A_251 : memref<10000x128xf32, #tpu.memory_space<vmem_shared>>)
      } else {
      }
      "tpu.region"() ({
        %run_scoped3A = tpu.sem_alloc : memref<!tpu.dma_semaphore, #tpu.memory_space<semaphore_mem>>
        %dma_start3A_245 = arith.constant 0 : i32
        %dma_start3A_246 = arith.constant 0 : i32
        %dma_start3A_247 = tpu.memref_slice %arg2[%add3A_200, %dma_start3A_245, %dma_start3A_246] : memref<2500x2x128xi32, #tpu.memory_space<hbm>> -> memref<1x2x128xi32, #tpu.memory_space<hbm>>
        %dma_start3A_248 = tpu.memref_squeeze %dma_start3A_247 : memref<1x2x128xi32, #tpu.memory_space<hbm>> -> memref<2x128xi32, #tpu.memory_space<hbm>>
        %dma_start3A_249 = arith.constant 0 : i32
        %dma_start3A_250 = arith.constant 0 : i32
        %dma_start3A_251 = tpu.memref_slice %arg2[%add3A_200, %dma_start3A_249, %dma_start3A_250] : memref<2500x2x128xi32, #tpu.memory_space<hbm>> -> memref<1x2x128xi32, #tpu.memory_space<hbm>>
        %dma_start3A_252 = tpu.memref_squeeze %dma_start3A_251 : memref<1x2x128xi32, #tpu.memory_space<hbm>> -> memref<2x128xi32, #tpu.memory_space<hbm>>
        tpu.enqueue_dma source(%dma_start3A_252 : memref<2x128xi32, #tpu.memory_space<hbm>>) target(%arg11 : memref<2x128xi32, #tpu.memory_space<vmem>>) target_semaphore(%run_scoped3A : memref<!tpu.dma_semaphore, #tpu.memory_space<semaphore_mem>>)
        %dma_wait3A_253 = arith.constant 0 : i32
        %dma_wait3A_254 = arith.constant 0 : i32
        %dma_wait3A_255 = tpu.memref_slice %arg2[%add3A_200, %dma_wait3A_253, %dma_wait3A_254] : memref<2500x2x128xi32, #tpu.memory_space<hbm>> -> memref<1x2x128xi32, #tpu.memory_space<hbm>>
        %dma_wait3A_256 = tpu.memref_squeeze %dma_wait3A_255 : memref<1x2x128xi32, #tpu.memory_space<hbm>> -> memref<2x128xi32, #tpu.memory_space<hbm>>
        %dma_wait3A_257 = arith.constant 0 : i32
        %dma_wait3A_258 = arith.constant 0 : i32
        %dma_wait3A_259 = tpu.memref_slice %arg2[%add3A_200, %dma_wait3A_257, %dma_wait3A_258] : memref<2500x2x128xi32, #tpu.memory_space<hbm>> -> memref<1x2x128xi32, #tpu.memory_space<hbm>>
        %dma_wait3A_260 = tpu.memref_squeeze %dma_wait3A_259 : memref<1x2x128xi32, #tpu.memory_space<hbm>> -> memref<2x128xi32, #tpu.memory_space<hbm>>
        tpu.wait_dma2 semaphore(%run_scoped3A : memref<!tpu.dma_semaphore, #tpu.memory_space<semaphore_mem>>) src(%dma_wait3A_260 : memref<2x128xi32, #tpu.memory_space<hbm>>) dst(%arg11 : memref<2x128xi32, #tpu.memory_space<vmem>>)
        tpu.yield
      }) : () -> ()
      %dma_start3A_205 = arith.constant 0 : i32
      %dma_start3A_206 = arith.constant 0 : i32
      %dma_start3A_207 = tpu.memref_slice %arg11[%dma_start3A_205, %dma_start3A_206] : memref<2x128xi32, #tpu.memory_space<vmem>> -> memref<1x128xi32, #tpu.memory_space<vmem>>
      %dma_start3A_208 = tpu.memref_squeeze %dma_start3A_207 : memref<1x128xi32, #tpu.memory_space<vmem>> -> memref<128xi32, #tpu.memory_space<vmem>>
      %dma_start3A_209 = arith.constant 0 : i32
      %dma_start3A_210 = arith.constant 0 : i32
      %dma_start3A_211 = tpu.memref_slice %arg6[%dma_start3A_209, %dma_start3A_210] : memref<10000x128xf32, #tpu.memory_space<hbm>> -> memref<10000x128xf32, #tpu.memory_space<hbm>>
      tpu.enqueue_indirect_dma source(%dma_start3A_211 : memref<10000x128xf32, #tpu.memory_space<hbm>>) target(%arg13 : memref<128x128xf32, #tpu.memory_space<vmem>>) offsets(%dma_start3A_208 : memref<128xi32, #tpu.memory_space<vmem>>) semaphore(%arg15 : memref<!tpu.dma_semaphore, #tpu.memory_space<semaphore_mem>>)
      %dma_wait3A_212 = arith.constant 0 : i32
      %dma_wait3A_213 = arith.constant 0 : i32
      %dma_wait3A_214 = tpu.memref_slice %arg10[%dma_wait3A_212, %dma_wait3A_213] : memref<2x128xi32, #tpu.memory_space<vmem>> -> memref<1x128xi32, #tpu.memory_space<vmem>>
      %dma_wait3A_215 = tpu.memref_squeeze %dma_wait3A_214 : memref<1x128xi32, #tpu.memory_space<vmem>> -> memref<128xi32, #tpu.memory_space<vmem>>
      %dma_wait3A_216 = arith.constant 0 : i32
      %dma_wait3A_217 = arith.constant 0 : i32
      %dma_wait3A_218 = tpu.memref_slice %arg6[%dma_wait3A_216, %dma_wait3A_217] : memref<10000x128xf32, #tpu.memory_space<hbm>> -> memref<10000x128xf32, #tpu.memory_space<hbm>>
      tpu.wait_indirect_dma semaphore(%arg14 : memref<!tpu.dma_semaphore, #tpu.memory_space<semaphore_mem>>) src(%dma_wait3A_218 : memref<10000x128xf32, #tpu.memory_space<hbm>>) dst(%arg12 : memref<128x128xf32, #tpu.memory_space<vmem>>)
      %dma_start3A_219 = arith.constant 1 : i32
      %dma_start3A_220 = arith.constant 0 : i32
      %dma_start3A_221 = tpu.memref_slice %arg10[%dma_start3A_219, %dma_start3A_220] : memref<2x128xi32, #tpu.memory_space<vmem>> -> memref<1x128xi32, #tpu.memory_space<vmem>>
      %dma_start3A_222 = tpu.memref_squeeze %dma_start3A_221 : memref<1x128xi32, #tpu.memory_space<vmem>> -> memref<128xi32, #tpu.memory_space<vmem>>
      %dma_start3A_223 = arith.constant 0 : i32
      %dma_start3A_224 = arith.constant 0 : i32
      %dma_start3A_225 = tpu.memref_slice %arg9[%dma_start3A_223, %dma_start3A_224] : memref<10000x128xf32, #tpu.memory_space<vmem_shared>> -> memref<10000x128xf32, #tpu.memory_space<vmem_shared>>
      tpu.enqueue_indirect_dma source(%arg12 : memref<128x128xf32, #tpu.memory_space<vmem>>) target(%dma_start3A_225 : memref<10000x128xf32, #tpu.memory_space<vmem_shared>>) offsets(%dma_start3A_222 : memref<128xi32, #tpu.memory_space<vmem>>) semaphore(%arg16 : memref<!tpu.dma_semaphore, #tpu.memory_space<semaphore_mem>>) {add = true}
      %lt3A_226 = arith.constant 38 : i32
      %lt3A_227 = arith.cmpi slt, %scan3A_195, %lt3A_226 : i32
      %convert_element_type3A_228 = arith.extui %lt3A_227 : i1 to i32
      %cond3A_229 = arith.constant 0 : i32
      %cond3A_230 = arith.cmpi ne, %convert_element_type3A_228, %cond3A_229 : i32
      scf.if %cond3A_230 {
        %dma_wait3A_245 = arith.constant 1 : i32
        %dma_wait3A_246 = arith.constant 0 : i32
        %dma_wait3A_247 = tpu.memref_slice %arg10[%dma_wait3A_245, %dma_wait3A_246] : memref<2x128xi32, #tpu.memory_space<vmem>> -> memref<1x128xi32, #tpu.memory_space<vmem>>
        %dma_wait3A_248 = tpu.memref_squeeze %dma_wait3A_247 : memref<1x128xi32, #tpu.memory_space<vmem>> -> memref<128xi32, #tpu.memory_space<vmem>>
        %dma_wait3A_249 = arith.constant 0 : i32
        %dma_wait3A_250 = arith.constant 0 : i32
        %dma_wait3A_251 = tpu.memref_slice %arg9[%dma_wait3A_249, %dma_wait3A_250] : memref<10000x128xf32, #tpu.memory_space<vmem_shared>> -> memref<10000x128xf32, #tpu.memory_space<vmem_shared>>
        tpu.wait_indirect_dma semaphore(%arg16 : memref<!tpu.dma_semaphore, #tpu.memory_space<semaphore_mem>>) src(%arg12 : memref<128x128xf32, #tpu.memory_space<vmem>>) dst(%dma_wait3A_251 : memref<10000x128xf32, #tpu.memory_space<vmem_shared>>)
        %add3A_252 = arith.constant 2 : i32
        %add3A_253 = arith.addi %add3A_198, %add3A_252 : i32
        "tpu.region"() ({
          %run_scoped3A = tpu.sem_alloc : memref<!tpu.dma_semaphore, #tpu.memory_space<semaphore_mem>>
          %dma_start3A_261 = arith.constant 0 : i32
          %dma_start3A_262 = arith.constant 0 : i32
          %dma_start3A_263 = tpu.memref_slice %arg2[%add3A_253, %dma_start3A_261, %dma_start3A_262] : memref<2500x2x128xi32, #tpu.memory_space<hbm>> -> memref<1x2x128xi32, #tpu.memory_space<hbm>>
          %dma_start3A_264 = tpu.memref_squeeze %dma_start3A_263 : memref<1x2x128xi32, #tpu.memory_space<hbm>> -> memref<2x128xi32, #tpu.memory_space<hbm>>
          %dma_start3A_265 = arith.constant 0 : i32
          %dma_start3A_266 = arith.constant 0 : i32
          %dma_start3A_267 = tpu.memref_slice %arg2[%add3A_253, %dma_start3A_265, %dma_start3A_266] : memref<2500x2x128xi32, #tpu.memory_space<hbm>> -> memref<1x2x128xi32, #tpu.memory_space<hbm>>
          %dma_start3A_268 = tpu.memref_squeeze %dma_start3A_267 : memref<1x2x128xi32, #tpu.memory_space<hbm>> -> memref<2x128xi32, #tpu.memory_space<hbm>>
          tpu.enqueue_dma source(%dma_start3A_268 : memref<2x128xi32, #tpu.memory_space<hbm>>) target(%arg10 : memref<2x128xi32, #tpu.memory_space<vmem>>) target_semaphore(%run_scoped3A : memref<!tpu.dma_semaphore, #tpu.memory_space<semaphore_mem>>)
          %dma_wait3A_269 = arith.constant 0 : i32
          %dma_wait3A_270 = arith.constant 0 : i32
          %dma_wait3A_271 = tpu.memref_slice %arg2[%add3A_253, %dma_wait3A_269, %dma_wait3A_270] : memref<2500x2x128xi32, #tpu.memory_space<hbm>> -> memref<1x2x128xi32, #tpu.memory_space<hbm>>
          %dma_wait3A_272 = tpu.memref_squeeze %dma_wait3A_271 : memref<1x2x128xi32, #tpu.memory_space<hbm>> -> memref<2x128xi32, #tpu.memory_space<hbm>>
          %dma_wait3A_273 = arith.constant 0 : i32
          %dma_wait3A_274 = arith.constant 0 : i32
          %dma_wait3A_275 = tpu.memref_slice %arg2[%add3A_253, %dma_wait3A_273, %dma_wait3A_274] : memref<2500x2x128xi32, #tpu.memory_space<hbm>> -> memref<1x2x128xi32, #tpu.memory_space<hbm>>
          %dma_wait3A_276 = tpu.memref_squeeze %dma_wait3A_275 : memref<1x2x128xi32, #tpu.memory_space<hbm>> -> memref<2x128xi32, #tpu.memory_space<hbm>>
          tpu.wait_dma2 semaphore(%run_scoped3A : memref<!tpu.dma_semaphore, #tpu.memory_space<semaphore_mem>>) src(%dma_wait3A_276 : memref<2x128xi32, #tpu.memory_space<hbm>>) dst(%arg10 : memref<2x128xi32, #tpu.memory_space<vmem>>)
          tpu.yield
        }) : () -> ()
        %dma_start3A_254 = arith.constant 0 : i32
        %dma_start3A_255 = arith.constant 0 : i32
        %dma_start3A_256 = tpu.memref_slice %arg10[%dma_start3A_254, %dma_start3A_255] : memref<2x128xi32, #tpu.memory_space<vmem>> -> memref<1x128xi32, #tpu.memory_space<vmem>>
        %dma_start3A_257 = tpu.memref_squeeze %dma_start3A_256 : memref<1x128xi32, #tpu.memory_space<vmem>> -> memref<128xi32, #tpu.memory_space<vmem>>
        %dma_start3A_258 = arith.constant 0 : i32
        %dma_start3A_259 = arith.constant 0 : i32
        %dma_start3A_260 = tpu.memref_slice %arg6[%dma_start3A_258, %dma_start3A_259] : memref<10000x128xf32, #tpu.memory_space<hbm>> -> memref<10000x128xf32, #tpu.memory_space<hbm>>
        tpu.enqueue_indirect_dma source(%dma_start3A_260 : memref<10000x128xf32, #tpu.memory_space<hbm>>) target(%arg12 : memref<128x128xf32, #tpu.memory_space<vmem>>) offsets(%dma_start3A_257 : memref<128xi32, #tpu.memory_space<vmem>>) semaphore(%arg14 : memref<!tpu.dma_semaphore, #tpu.memory_space<semaphore_mem>>)
      } else {
      }
      %dma_wait3A_231 = arith.constant 0 : i32
      %dma_wait3A_232 = arith.constant 0 : i32
      %dma_wait3A_233 = tpu.memref_slice %arg11[%dma_wait3A_231, %dma_wait3A_232] : memref<2x128xi32, #tpu.memory_space<vmem>> -> memref<1x128xi32, #tpu.memory_space<vmem>>
      %dma_wait3A_234 = tpu.memref_squeeze %dma_wait3A_233 : memref<1x128xi32, #tpu.memory_space<vmem>> -> memref<128xi32, #tpu.memory_space<vmem>>
      %dma_wait3A_235 = arith.constant 0 : i32
      %dma_wait3A_236 = arith.constant 0 : i32
      %dma_wait3A_237 = tpu.memref_slice %arg6[%dma_wait3A_235, %dma_wait3A_236] : memref<10000x128xf32, #tpu.memory_space<hbm>> -> memref<10000x128xf32, #tpu.memory_space<hbm>>
      tpu.wait_indirect_dma semaphore(%arg15 : memref<!tpu.dma_semaphore, #tpu.memory_space<semaphore_mem>>) src(%dma_wait3A_237 : memref<10000x128xf32, #tpu.memory_space<hbm>>) dst(%arg13 : memref<128x128xf32, #tpu.memory_space<vmem>>)
      %dma_start3A_238 = arith.constant 1 : i32
      %dma_start3A_239 = arith.constant 0 : i32
      %dma_start3A_240 = tpu.memref_slice %arg11[%dma_start3A_238, %dma_start3A_239] : memref<2x128xi32, #tpu.memory_space<vmem>> -> memref<1x128xi32, #tpu.memory_space<vmem>>
      %dma_start3A_241 = tpu.memref_squeeze %dma_start3A_240 : memref<1x128xi32, #tpu.memory_space<vmem>> -> memref<128xi32, #tpu.memory_space<vmem>>
      %dma_start3A_242 = arith.constant 0 : i32
      %dma_start3A_243 = arith.constant 0 : i32
      %dma_start3A_244 = tpu.memref_slice %arg9[%dma_start3A_242, %dma_start3A_243] : memref<10000x128xf32, #tpu.memory_space<vmem_shared>> -> memref<10000x128xf32, #tpu.memory_space<vmem_shared>>
      tpu.enqueue_indirect_dma source(%arg13 : memref<128x128xf32, #tpu.memory_space<vmem>>) target(%dma_start3A_244 : memref<10000x128xf32, #tpu.memory_space<vmem_shared>>) offsets(%dma_start3A_241 : memref<128xi32, #tpu.memory_space<vmem>>) semaphore(%arg17 : memref<!tpu.dma_semaphore, #tpu.memory_space<semaphore_mem>>) {add = true}
    }
    %scan3A_164 = arith.constant 39 : i32
    %dma_wait3A_165 = arith.constant 1 : i32
    %dma_wait3A_166 = arith.constant 0 : i32
    %dma_wait3A_167 = tpu.memref_slice %arg10[%dma_wait3A_165, %dma_wait3A_166] : memref<2x128xi32, #tpu.memory_space<vmem>> -> memref<1x128xi32, #tpu.memory_space<vmem>>
    %dma_wait3A_168 = tpu.memref_squeeze %dma_wait3A_167 : memref<1x128xi32, #tpu.memory_space<vmem>> -> memref<128xi32, #tpu.memory_space<vmem>>
    %dma_wait3A_169 = arith.constant 0 : i32
    %dma_wait3A_170 = arith.constant 0 : i32
    %dma_wait3A_171 = tpu.memref_slice %arg9[%dma_wait3A_169, %dma_wait3A_170] : memref<10000x128xf32, #tpu.memory_space<vmem_shared>> -> memref<10000x128xf32, #tpu.memory_space<vmem_shared>>
    tpu.wait_indirect_dma semaphore(%arg16 : memref<!tpu.dma_semaphore, #tpu.memory_space<semaphore_mem>>) src(%arg12 : memref<128x128xf32, #tpu.memory_space<vmem>>) dst(%dma_wait3A_171 : memref<10000x128xf32, #tpu.memory_space<vmem_shared>>)
    %dma_wait3A_172 = arith.constant 1 : i32
    %dma_wait3A_173 = arith.constant 0 : i32
    %dma_wait3A_174 = tpu.memref_slice %arg11[%dma_wait3A_172, %dma_wait3A_173] : memref<2x128xi32, #tpu.memory_space<vmem>> -> memref<1x128xi32, #tpu.memory_space<vmem>>
    %dma_wait3A_175 = tpu.memref_squeeze %dma_wait3A_174 : memref<1x128xi32, #tpu.memory_space<vmem>> -> memref<128xi32, #tpu.memory_space<vmem>>
    %dma_wait3A_176 = arith.constant 0 : i32
    %dma_wait3A_177 = arith.constant 0 : i32
    %dma_wait3A_178 = tpu.memref_slice %arg9[%dma_wait3A_176, %dma_wait3A_177] : memref<10000x128xf32, #tpu.memory_space<vmem_shared>> -> memref<10000x128xf32, #tpu.memory_space<vmem_shared>>
    tpu.wait_indirect_dma semaphore(%arg17 : memref<!tpu.dma_semaphore, #tpu.memory_space<semaphore_mem>>) src(%arg13 : memref<128x128xf32, #tpu.memory_space<vmem>>) dst(%dma_wait3A_178 : memref<10000x128xf32, #tpu.memory_space<vmem_shared>>)
    %lt3A_179 = arith.constant 2 : i32
    %lt3A_180 = arith.cmpi slt, %arg1, %lt3A_179 : i32
    %convert_element_type3A_181 = arith.extui %lt3A_180 : i1 to i32
    %cond3A_182 = arith.constant 0 : i32
    %cond3A_183 = arith.cmpi ne, %convert_element_type3A_181, %cond3A_182 : i32
    scf.if %cond3A_183 {
      %add3A_195 = arith.constant 78 : i32
      %add3A_196 = arith.addi %add3A_6, %add3A_195 : i32
      "tpu.region"() ({
        %run_scoped3A_211 = tpu.sem_alloc : memref<!tpu.dma_semaphore, #tpu.memory_space<semaphore_mem>>
        %dma_start3A_212 = arith.constant 0 : i32
        %dma_start3A_213 = arith.constant 0 : i32
        %dma_start3A_214 = tpu.memref_slice %arg2[%add3A_196, %dma_start3A_212, %dma_start3A_213] : memref<2500x2x128xi32, #tpu.memory_space<hbm>> -> memref<1x2x128xi32, #tpu.memory_space<hbm>>
        %dma_start3A_215 = tpu.memref_squeeze %dma_start3A_214 : memref<1x2x128xi32, #tpu.memory_space<hbm>> -> memref<2x128xi32, #tpu.memory_space<hbm>>
        %dma_start3A_216 = arith.constant 0 : i32
        %dma_start3A_217 = arith.constant 0 : i32
        %dma_start3A_218 = tpu.memref_slice %arg2[%add3A_196, %dma_start3A_216, %dma_start3A_217] : memref<2500x2x128xi32, #tpu.memory_space<hbm>> -> memref<1x2x128xi32, #tpu.memory_space<hbm>>
        %dma_start3A_219 = tpu.memref_squeeze %dma_start3A_218 : memref<1x2x128xi32, #tpu.memory_space<hbm>> -> memref<2x128xi32, #tpu.memory_space<hbm>>
        tpu.enqueue_dma source(%dma_start3A_219 : memref<2x128xi32, #tpu.memory_space<hbm>>) target(%arg10 : memref<2x128xi32, #tpu.memory_space<vmem>>) target_semaphore(%run_scoped3A_211 : memref<!tpu.dma_semaphore, #tpu.memory_space<semaphore_mem>>)
        %dma_wait3A_220 = arith.constant 0 : i32
        %dma_wait3A_221 = arith.constant 0 : i32
        %dma_wait3A_222 = tpu.memref_slice %arg2[%add3A_196, %dma_wait3A_220, %dma_wait3A_221] : memref<2500x2x128xi32, #tpu.memory_space<hbm>> -> memref<1x2x128xi32, #tpu.memory_space<hbm>>
        %dma_wait3A_223 = tpu.memref_squeeze %dma_wait3A_222 : memref<1x2x128xi32, #tpu.memory_space<hbm>> -> memref<2x128xi32, #tpu.memory_space<hbm>>
        %dma_wait3A_224 = arith.constant 0 : i32
        %dma_wait3A_225 = arith.constant 0 : i32
        %dma_wait3A_226 = tpu.memref_slice %arg2[%add3A_196, %dma_wait3A_224, %dma_wait3A_225] : memref<2500x2x128xi32, #tpu.memory_space<hbm>> -> memref<1x2x128xi32, #tpu.memory_space<hbm>>
        %dma_wait3A_227 = tpu.memref_squeeze %dma_wait3A_226 : memref<1x2x128xi32, #tpu.memory_space<hbm>> -> memref<2x128xi32, #tpu.memory_space<hbm>>
        tpu.wait_dma2 semaphore(%run_scoped3A_211 : memref<!tpu.dma_semaphore, #tpu.memory_space<semaphore_mem>>) src(%dma_wait3A_227 : memref<2x128xi32, #tpu.memory_space<hbm>>) dst(%arg10 : memref<2x128xi32, #tpu.memory_space<vmem>>)
        tpu.yield
      }) : () -> ()
      %dma_start3A_197 = arith.constant 0 : i32
      %dma_start3A_198 = arith.constant 0 : i32
      %dma_start3A_199 = tpu.memref_slice %arg10[%dma_start3A_197, %dma_start3A_198] : memref<2x128xi32, #tpu.memory_space<vmem>> -> memref<1x128xi32, #tpu.memory_space<vmem>>
      %dma_start3A_200 = tpu.memref_squeeze %dma_start3A_199 : memref<1x128xi32, #tpu.memory_space<vmem>> -> memref<128xi32, #tpu.memory_space<vmem>>
      %dma_start3A_201 = arith.constant 0 : i32
      %dma_start3A_202 = arith.constant 0 : i32
      %dma_start3A_203 = tpu.memref_slice %arg6[%dma_start3A_201, %dma_start3A_202] : memref<10000x128xf32, #tpu.memory_space<hbm>> -> memref<10000x128xf32, #tpu.memory_space<hbm>>
      tpu.enqueue_indirect_dma source(%dma_start3A_203 : memref<10000x128xf32, #tpu.memory_space<hbm>>) target(%arg12 : memref<128x128xf32, #tpu.memory_space<vmem>>) offsets(%dma_start3A_200 : memref<128xi32, #tpu.memory_space<vmem>>) semaphore(%arg14 : memref<!tpu.dma_semaphore, #tpu.memory_space<semaphore_mem>>)
      %dma_wait3A_204 = arith.constant 0 : i32
      %dma_wait3A_205 = arith.constant 0 : i32
      %dma_wait3A_206 = tpu.memref_slice %arg10[%dma_wait3A_204, %dma_wait3A_205] : memref<2x128xi32, #tpu.memory_space<vmem>> -> memref<1x128xi32, #tpu.memory_space<vmem>>
      %dma_wait3A_207 = tpu.memref_squeeze %dma_wait3A_206 : memref<1x128xi32, #tpu.memory_space<vmem>> -> memref<128xi32, #tpu.memory_space<vmem>>
      %dma_wait3A_208 = arith.constant 0 : i32
      %dma_wait3A_209 = arith.constant 0 : i32
      %dma_wait3A_210 = tpu.memref_slice %arg6[%dma_wait3A_208, %dma_wait3A_209] : memref<10000x128xf32, #tpu.memory_space<hbm>> -> memref<10000x128xf32, #tpu.memory_space<hbm>>
      tpu.wait_indirect_dma semaphore(%arg14 : memref<!tpu.dma_semaphore, #tpu.memory_space<semaphore_mem>>) src(%dma_wait3A_210 : memref<10000x128xf32, #tpu.memory_space<hbm>>) dst(%arg12 : memref<128x128xf32, #tpu.memory_space<vmem>>)
      %run_scoped3A = arith.constant 1 : i32
      "tpu.region"() ({
        %run_scoped3A_211 = tpu.sem_alloc : memref<!tpu.dma_semaphore, #tpu.memory_space<semaphore_mem>>
        %dma_start3A_212 = arith.constant 0 : i32
        %dma_start3A_213 = tpu.memref_slice %arg10[%run_scoped3A, %dma_start3A_212] : memref<2x128xi32, #tpu.memory_space<vmem>> -> memref<1x128xi32, #tpu.memory_space<vmem>>
        %dma_start3A_214 = tpu.memref_squeeze %dma_start3A_213 : memref<1x128xi32, #tpu.memory_space<vmem>> -> memref<128xi32, #tpu.memory_space<vmem>>
        %dma_start3A_215 = arith.constant 0 : i32
        %dma_start3A_216 = arith.constant 0 : i32
        %dma_start3A_217 = tpu.memref_slice %arg9[%dma_start3A_215, %dma_start3A_216] : memref<10000x128xf32, #tpu.memory_space<vmem_shared>> -> memref<10000x128xf32, #tpu.memory_space<vmem_shared>>
        tpu.enqueue_indirect_dma source(%arg12 : memref<128x128xf32, #tpu.memory_space<vmem>>) target(%dma_start3A_217 : memref<10000x128xf32, #tpu.memory_space<vmem_shared>>) offsets(%dma_start3A_214 : memref<128xi32, #tpu.memory_space<vmem>>) semaphore(%run_scoped3A_211 : memref<!tpu.dma_semaphore, #tpu.memory_space<semaphore_mem>>) {add = true}
        %dma_wait3A_218 = arith.constant 0 : i32
        %dma_wait3A_219 = tpu.memref_slice %arg10[%run_scoped3A, %dma_wait3A_218] : memref<2x128xi32, #tpu.memory_space<vmem>> -> memref<1x128xi32, #tpu.memory_space<vmem>>
        %dma_wait3A_220 = tpu.memref_squeeze %dma_wait3A_219 : memref<1x128xi32, #tpu.memory_space<vmem>> -> memref<128xi32, #tpu.memory_space<vmem>>
        %dma_wait3A_221 = arith.constant 0 : i32
        %dma_wait3A_222 = arith.constant 0 : i32
        %dma_wait3A_223 = tpu.memref_slice %arg9[%dma_wait3A_221, %dma_wait3A_222] : memref<10000x128xf32, #tpu.memory_space<vmem_shared>> -> memref<10000x128xf32, #tpu.memory_space<vmem_shared>>
        tpu.wait_indirect_dma semaphore(%run_scoped3A_211 : memref<!tpu.dma_semaphore, #tpu.memory_space<semaphore_mem>>) src(%arg12 : memref<128x128xf32, #tpu.memory_space<vmem>>) dst(%dma_wait3A_223 : memref<10000x128xf32, #tpu.memory_space<vmem_shared>>)
        tpu.yield
      }) : () -> ()
    } else {
    }
    %barrier3A_184 = arith.constant 0 : index
    tpu.barrier barrier_id(%barrier3A_184)
    %mul3A_185 = arith.constant 4 : i32
    %mul3A_186 = arith.muli %arg0, %mul3A_185 : i32
    %add3A_187 = arith.constant 3 : i32
    %add3A_188 = arith.addi %mul3A_186, %add3A_187 : i32
    "tpu.region"() ({
      %run_scoped3A = tpu.sem_alloc : memref<!tpu.dma_semaphore, #tpu.memory_space<semaphore_mem>>
      %dma_start3A_195 = arith.constant 0 : i32
      %dma_start3A_196 = tpu.memref_slice %arg8[%add3A_188, %mul3A_0, %dma_start3A_195] : memref<8x10000x128xf32, #tpu.memory_space<hbm>> -> memref<1x624x128xf32, #tpu.memory_space<hbm>>
      %dma_start3A_197 = tpu.memref_squeeze %dma_start3A_196 : memref<1x624x128xf32, #tpu.memory_space<hbm>> -> memref<624x128xf32, #tpu.memory_space<hbm>>
      %dma_start3A_198 = arith.constant 0 : i32
      %dma_start3A_199 = tpu.memref_slice %arg9[%mul3A_0, %dma_start3A_198] : memref<10000x128xf32, #tpu.memory_space<vmem_shared>> -> memref<624x128xf32, #tpu.memory_space<vmem_shared>>
      tpu.enqueue_dma source(%dma_start3A_199 : memref<624x128xf32, #tpu.memory_space<vmem_shared>>) target(%dma_start3A_197 : memref<624x128xf32, #tpu.memory_space<hbm>>) target_semaphore(%run_scoped3A : memref<!tpu.dma_semaphore, #tpu.memory_space<semaphore_mem>>)
      %dma_wait3A_200 = arith.constant 0 : i32
      %dma_wait3A_201 = tpu.memref_slice %arg8[%add3A_188, %mul3A_0, %dma_wait3A_200] : memref<8x10000x128xf32, #tpu.memory_space<hbm>> -> memref<1x624x128xf32, #tpu.memory_space<hbm>>
      %dma_wait3A_202 = tpu.memref_squeeze %dma_wait3A_201 : memref<1x624x128xf32, #tpu.memory_space<hbm>> -> memref<624x128xf32, #tpu.memory_space<hbm>>
      %dma_wait3A_203 = arith.constant 0 : i32
      %dma_wait3A_204 = tpu.memref_slice %arg9[%mul3A_0, %dma_wait3A_203] : memref<10000x128xf32, #tpu.memory_space<vmem_shared>> -> memref<624x128xf32, #tpu.memory_space<vmem_shared>>
      tpu.wait_dma2 semaphore(%run_scoped3A : memref<!tpu.dma_semaphore, #tpu.memory_space<semaphore_mem>>) src(%dma_wait3A_204 : memref<624x128xf32, #tpu.memory_space<vmem_shared>>) dst(%dma_wait3A_202 : memref<624x128xf32, #tpu.memory_space<hbm>>)
      tpu.yield
    }) : () -> ()
    %eq3A_189 = arith.constant 15 : i32
    %eq3A_190 = arith.cmpi eq, %arg1, %eq3A_189 : i32
    %convert_element_type3A_191 = arith.extui %eq3A_190 : i1 to i32
    %cond3A_192 = arith.constant 0 : i32
    %cond3A_193 = arith.cmpi ne, %convert_element_type3A_191, %cond3A_192 : i32
    scf.if %cond3A_193 {
      "tpu.region"() ({
        %run_scoped3A = tpu.sem_alloc : memref<!tpu.dma_semaphore, #tpu.memory_space<semaphore_mem>>
        %dma_start3A_195 = arith.constant 9984 : i32
        %dma_start3A_196 = arith.constant 0 : i32
        %dma_start3A_197 = tpu.memref_slice %arg8[%add3A_188, %dma_start3A_195, %dma_start3A_196] : memref<8x10000x128xf32, #tpu.memory_space<hbm>> -> memref<1x16x128xf32, #tpu.memory_space<hbm>>
        %dma_start3A_198 = tpu.memref_squeeze %dma_start3A_197 : memref<1x16x128xf32, #tpu.memory_space<hbm>> -> memref<16x128xf32, #tpu.memory_space<hbm>>
        %dma_start3A_199 = arith.constant 9984 : i32
        %dma_start3A_200 = arith.constant 0 : i32
        %dma_start3A_201 = tpu.memref_slice %arg9[%dma_start3A_199, %dma_start3A_200] : memref<10000x128xf32, #tpu.memory_space<vmem_shared>> -> memref<16x128xf32, #tpu.memory_space<vmem_shared>>
        tpu.enqueue_dma source(%dma_start3A_201 : memref<16x128xf32, #tpu.memory_space<vmem_shared>>) target(%dma_start3A_198 : memref<16x128xf32, #tpu.memory_space<hbm>>) target_semaphore(%run_scoped3A : memref<!tpu.dma_semaphore, #tpu.memory_space<semaphore_mem>>)
        %dma_wait3A_202 = arith.constant 9984 : i32
        %dma_wait3A_203 = arith.constant 0 : i32
        %dma_wait3A_204 = tpu.memref_slice %arg8[%add3A_188, %dma_wait3A_202, %dma_wait3A_203] : memref<8x10000x128xf32, #tpu.memory_space<hbm>> -> memref<1x16x128xf32, #tpu.memory_space<hbm>>
        %dma_wait3A_205 = tpu.memref_squeeze %dma_wait3A_204 : memref<1x16x128xf32, #tpu.memory_space<hbm>> -> memref<16x128xf32, #tpu.memory_space<hbm>>
        %dma_wait3A_206 = arith.constant 9984 : i32
        %dma_wait3A_207 = arith.constant 0 : i32
        %dma_wait3A_208 = tpu.memref_slice %arg9[%dma_wait3A_206, %dma_wait3A_207] : memref<10000x128xf32, #tpu.memory_space<vmem_shared>> -> memref<16x128xf32, #tpu.memory_space<vmem_shared>>
        tpu.wait_dma2 semaphore(%run_scoped3A : memref<!tpu.dma_semaphore, #tpu.memory_space<semaphore_mem>>) src(%dma_wait3A_208 : memref<16x128xf32, #tpu.memory_space<vmem_shared>>) dst(%dma_wait3A_205 : memref<16x128xf32, #tpu.memory_space<hbm>>)
        tpu.yield
      }) : () -> ()
    } else {
    }
    %barrier3A_194 = arith.constant 0 : index
    tpu.barrier barrier_id(%barrier3A_194)
    return
  }
}

#map = affine_map<(d0, d1) -> (0, 0, 0)>
#map1 = affine_map<(d0, d1) -> (0, 0)>
module attributes {stable_mosaic.version = 14 : i64} {
  func.func @deg_kernel(%arg0: i32, %arg1: i32, %arg2: memref<2500x2x128xi32, #tpu.memory_space<hbm>>, %arg3: memref<128x128xf32, #tpu.memory_space<hbm>>, %arg4: memref<10000x128xf32, #tpu.memory_space<hbm>>, %arg5: memref<2x10000x128xf32, #tpu.memory_space<hbm>>, %arg6: memref<10000x128xf32, #tpu.memory_space<vmem_shared>>, %arg7: memref<128x128xf32, #tpu.memory_space<vmem>>, %arg8: memref<2x128xi32, #tpu.memory_space<vmem>>, %arg9: memref<2x128xi32, #tpu.memory_space<vmem>>, %arg10: memref<!tpu.dma_semaphore, #tpu.memory_space<semaphore_mem>>, %arg11: memref<!tpu.dma_semaphore, #tpu.memory_space<semaphore_mem>>) attributes {dimension_semantics = [#tpu.dimension_semantics<core_parallel>, #tpu.dimension_semantics<subcore_parallel>], iteration_bounds = array<i64: 2, 16>, scalar_prefetch = 0 : i64, scratch_operands = 6 : i64, tpu.core_type = #tpu.core_type<sc_vector_subcore>, window_params = [{transform_indices = #map}, {transform_indices = #map1}, {transform_indices = #map1}, {transform_indices = #map}]} {
    %mul3A = arith.constant 624 : i32
    %mul3A_0 = arith.muli %arg1, %mul3A : i32
    %mul3A_1 = arith.constant 1250 : i32
    %mul3A_2 = arith.muli %arg0, %mul3A_1 : i32
    %mul3A_3 = arith.constant 78 : i32
    %mul3A_4 = arith.muli %mul3A_3, %arg1 : i32
    %add3A = arith.addi %mul3A_2, %mul3A_4 : i32
    %min3A = arith.constant 2 : i32
    %min3A_5 = arith.minsi %arg1, %min3A : i32
    %add3A_6 = arith.addi %add3A, %min3A_5 : i32
    "tpu.region"() ({
      %run_scoped3A = tpu.sem_alloc : memref<!tpu.dma_semaphore, #tpu.memory_space<semaphore_mem>>
      tpu.enqueue_dma source(%arg3 : memref<128x128xf32, #tpu.memory_space<hbm>>) target(%arg7 : memref<128x128xf32, #tpu.memory_space<vmem>>) target_semaphore(%run_scoped3A : memref<!tpu.dma_semaphore, #tpu.memory_space<semaphore_mem>>)
      tpu.wait_dma2 semaphore(%run_scoped3A : memref<!tpu.dma_semaphore, #tpu.memory_space<semaphore_mem>>) src(%arg3 : memref<128x128xf32, #tpu.memory_space<hbm>>) dst(%arg7 : memref<128x128xf32, #tpu.memory_space<vmem>>)
      tpu.yield
    }) : () -> ()
    "tpu.region"() ({
      %run_scoped3A = tpu.sem_alloc : memref<!tpu.dma_semaphore, #tpu.memory_space<semaphore_mem>>
      %dma_start3A = arith.constant 0 : i32
      %dma_start3A_37 = tpu.memref_slice %arg6[%mul3A_0, %dma_start3A] : memref<10000x128xf32, #tpu.memory_space<vmem_shared>> -> memref<624x128xf32, #tpu.memory_space<vmem_shared>>
      %dma_start3A_38 = arith.constant 0 : i32
      %dma_start3A_39 = tpu.memref_slice %arg4[%mul3A_0, %dma_start3A_38] : memref<10000x128xf32, #tpu.memory_space<hbm>> -> memref<624x128xf32, #tpu.memory_space<hbm>>
      tpu.enqueue_dma source(%dma_start3A_39 : memref<624x128xf32, #tpu.memory_space<hbm>>) target(%dma_start3A_37 : memref<624x128xf32, #tpu.memory_space<vmem_shared>>) target_semaphore(%run_scoped3A : memref<!tpu.dma_semaphore, #tpu.memory_space<semaphore_mem>>)
      %dma_wait3A_40 = arith.constant 0 : i32
      %dma_wait3A_41 = tpu.memref_slice %arg6[%mul3A_0, %dma_wait3A_40] : memref<10000x128xf32, #tpu.memory_space<vmem_shared>> -> memref<624x128xf32, #tpu.memory_space<vmem_shared>>
      %dma_wait3A_42 = arith.constant 0 : i32
      %dma_wait3A_43 = tpu.memref_slice %arg4[%mul3A_0, %dma_wait3A_42] : memref<10000x128xf32, #tpu.memory_space<hbm>> -> memref<624x128xf32, #tpu.memory_space<hbm>>
      tpu.wait_dma2 semaphore(%run_scoped3A : memref<!tpu.dma_semaphore, #tpu.memory_space<semaphore_mem>>) src(%dma_wait3A_43 : memref<624x128xf32, #tpu.memory_space<hbm>>) dst(%dma_wait3A_41 : memref<624x128xf32, #tpu.memory_space<vmem_shared>>)
      tpu.yield
    }) : () -> ()
    %eq3A = arith.constant 15 : i32
    %eq3A_7 = arith.cmpi eq, %arg1, %eq3A : i32
    %convert_element_type3A = arith.extui %eq3A_7 : i1 to i32
    %cond3A = arith.constant 0 : i32
    %cond3A_8 = arith.cmpi ne, %convert_element_type3A, %cond3A : i32
    scf.if %cond3A_8 {
      "tpu.region"() ({
        %run_scoped3A = tpu.sem_alloc : memref<!tpu.dma_semaphore, #tpu.memory_space<semaphore_mem>>
        %dma_start3A = arith.constant 9984 : i32
        %dma_start3A_37 = arith.constant 0 : i32
        %dma_start3A_38 = tpu.memref_slice %arg6[%dma_start3A, %dma_start3A_37] : memref<10000x128xf32, #tpu.memory_space<vmem_shared>> -> memref<16x128xf32, #tpu.memory_space<vmem_shared>>
        %dma_start3A_39 = arith.constant 9984 : i32
        %dma_start3A_40 = arith.constant 0 : i32
        %dma_start3A_41 = tpu.memref_slice %arg4[%dma_start3A_39, %dma_start3A_40] : memref<10000x128xf32, #tpu.memory_space<hbm>> -> memref<16x128xf32, #tpu.memory_space<hbm>>
        tpu.enqueue_dma source(%dma_start3A_41 : memref<16x128xf32, #tpu.memory_space<hbm>>) target(%dma_start3A_38 : memref<16x128xf32, #tpu.memory_space<vmem_shared>>) target_semaphore(%run_scoped3A : memref<!tpu.dma_semaphore, #tpu.memory_space<semaphore_mem>>)
        %dma_wait3A_42 = arith.constant 9984 : i32
        %dma_wait3A_43 = arith.constant 0 : i32
        %dma_wait3A_44 = tpu.memref_slice %arg6[%dma_wait3A_42, %dma_wait3A_43] : memref<10000x128xf32, #tpu.memory_space<vmem_shared>> -> memref<16x128xf32, #tpu.memory_space<vmem_shared>>
        %dma_wait3A_45 = arith.constant 9984 : i32
        %dma_wait3A_46 = arith.constant 0 : i32
        %dma_wait3A_47 = tpu.memref_slice %arg4[%dma_wait3A_45, %dma_wait3A_46] : memref<10000x128xf32, #tpu.memory_space<hbm>> -> memref<16x128xf32, #tpu.memory_space<hbm>>
        tpu.wait_dma2 semaphore(%run_scoped3A : memref<!tpu.dma_semaphore, #tpu.memory_space<semaphore_mem>>) src(%dma_wait3A_47 : memref<16x128xf32, #tpu.memory_space<hbm>>) dst(%dma_wait3A_44 : memref<16x128xf32, #tpu.memory_space<vmem_shared>>)
        tpu.yield
      }) : () -> ()
    } else {
    }
    %barrier3A = arith.constant 0 : index
    tpu.barrier barrier_id(%barrier3A)
    "tpu.region"() ({
      %run_scoped3A = tpu.sem_alloc : memref<!tpu.dma_semaphore, #tpu.memory_space<semaphore_mem>>
      %dma_start3A = arith.constant 0 : i32
      %dma_start3A_37 = arith.constant 0 : i32
      %dma_start3A_38 = tpu.memref_slice %arg2[%add3A_6, %dma_start3A, %dma_start3A_37] : memref<2500x2x128xi32, #tpu.memory_space<hbm>> -> memref<1x2x128xi32, #tpu.memory_space<hbm>>
      %dma_start3A_39 = tpu.memref_squeeze %dma_start3A_38 : memref<1x2x128xi32, #tpu.memory_space<hbm>> -> memref<2x128xi32, #tpu.memory_space<hbm>>
      %dma_start3A_40 = arith.constant 0 : i32
      %dma_start3A_41 = arith.constant 0 : i32
      %dma_start3A_42 = tpu.memref_slice %arg2[%add3A_6, %dma_start3A_40, %dma_start3A_41] : memref<2500x2x128xi32, #tpu.memory_space<hbm>> -> memref<1x2x128xi32, #tpu.memory_space<hbm>>
      %dma_start3A_43 = tpu.memref_squeeze %dma_start3A_42 : memref<1x2x128xi32, #tpu.memory_space<hbm>> -> memref<2x128xi32, #tpu.memory_space<hbm>>
      tpu.enqueue_dma source(%dma_start3A_43 : memref<2x128xi32, #tpu.memory_space<hbm>>) target(%arg8 : memref<2x128xi32, #tpu.memory_space<vmem>>) target_semaphore(%run_scoped3A : memref<!tpu.dma_semaphore, #tpu.memory_space<semaphore_mem>>)
      %dma_wait3A_44 = arith.constant 0 : i32
      %dma_wait3A_45 = arith.constant 0 : i32
      %dma_wait3A_46 = tpu.memref_slice %arg2[%add3A_6, %dma_wait3A_44, %dma_wait3A_45] : memref<2500x2x128xi32, #tpu.memory_space<hbm>> -> memref<1x2x128xi32, #tpu.memory_space<hbm>>
      %dma_wait3A_47 = tpu.memref_squeeze %dma_wait3A_46 : memref<1x2x128xi32, #tpu.memory_space<hbm>> -> memref<2x128xi32, #tpu.memory_space<hbm>>
      %dma_wait3A_48 = arith.constant 0 : i32
      %dma_wait3A_49 = arith.constant 0 : i32
      %dma_wait3A_50 = tpu.memref_slice %arg2[%add3A_6, %dma_wait3A_48, %dma_wait3A_49] : memref<2500x2x128xi32, #tpu.memory_space<hbm>> -> memref<1x2x128xi32, #tpu.memory_space<hbm>>
      %dma_wait3A_51 = tpu.memref_squeeze %dma_wait3A_50 : memref<1x2x128xi32, #tpu.memory_space<hbm>> -> memref<2x128xi32, #tpu.memory_space<hbm>>
      tpu.wait_dma2 semaphore(%run_scoped3A : memref<!tpu.dma_semaphore, #tpu.memory_space<semaphore_mem>>) src(%dma_wait3A_51 : memref<2x128xi32, #tpu.memory_space<hbm>>) dst(%arg8 : memref<2x128xi32, #tpu.memory_space<vmem>>)
      tpu.yield
    }) : () -> ()
    %scan3A = arith.constant 0 : i32
    %scan3A_9 = arith.constant 0 : i32
    %scan3A_10 = arith.constant 39 : i32
    %scan3A_11 = arith.addi %scan3A_9, %scan3A_10 : i32
    %scan3A_12 = arith.constant 1 : i32
    scf.for %scan3A_37 = %scan3A_9 to %scan3A_11 step %scan3A_12  : i32 {
      %mul3A_38 = arith.constant 2 : i32
      %mul3A_39 = arith.muli %mul3A_38, %scan3A_37 : i32
      %add3A_40 = arith.addi %add3A_6, %mul3A_39 : i32
      %dma_start3A = arith.constant 1 : i32
      %dma_start3A_41 = arith.constant 0 : i32
      %dma_start3A_42 = tpu.memref_slice %arg8[%dma_start3A, %dma_start3A_41] : memref<2x128xi32, #tpu.memory_space<vmem>> -> memref<1x128xi32, #tpu.memory_space<vmem>>
      %dma_start3A_43 = tpu.memref_squeeze %dma_start3A_42 : memref<1x128xi32, #tpu.memory_space<vmem>> -> memref<128xi32, #tpu.memory_space<vmem>>
      %dma_start3A_44 = arith.constant 0 : i32
      %dma_start3A_45 = arith.constant 0 : i32
      %dma_start3A_46 = tpu.memref_slice %arg6[%dma_start3A_44, %dma_start3A_45] : memref<10000x128xf32, #tpu.memory_space<vmem_shared>> -> memref<10000x128xf32, #tpu.memory_space<vmem_shared>>
      tpu.enqueue_indirect_dma source(%arg7 : memref<128x128xf32, #tpu.memory_space<vmem>>) target(%dma_start3A_46 : memref<10000x128xf32, #tpu.memory_space<vmem_shared>>) offsets(%dma_start3A_43 : memref<128xi32, #tpu.memory_space<vmem>>) semaphore(%arg10 : memref<!tpu.dma_semaphore, #tpu.memory_space<semaphore_mem>>) {add = true}
      %gt3A = arith.constant 0 : i32
      %gt3A_47 = arith.cmpi sgt, %scan3A_37, %gt3A : i32
      %convert_element_type3A_48 = arith.extui %gt3A_47 : i1 to i32
      %cond3A_49 = arith.constant 0 : i32
      %cond3A_50 = arith.cmpi ne, %convert_element_type3A_48, %cond3A_49 : i32
      scf.if %cond3A_50 {
        %dma_wait3A_65 = arith.constant 1 : i32
        %dma_wait3A_66 = arith.constant 0 : i32
        %dma_wait3A_67 = tpu.memref_slice %arg9[%dma_wait3A_65, %dma_wait3A_66] : memref<2x128xi32, #tpu.memory_space<vmem>> -> memref<1x128xi32, #tpu.memory_space<vmem>>
        %dma_wait3A_68 = tpu.memref_squeeze %dma_wait3A_67 : memref<1x128xi32, #tpu.memory_space<vmem>> -> memref<128xi32, #tpu.memory_space<vmem>>
        %dma_wait3A_69 = arith.constant 0 : i32
        %dma_wait3A_70 = arith.constant 0 : i32
        %dma_wait3A_71 = tpu.memref_slice %arg6[%dma_wait3A_69, %dma_wait3A_70] : memref<10000x128xf32, #tpu.memory_space<vmem_shared>> -> memref<10000x128xf32, #tpu.memory_space<vmem_shared>>
        tpu.wait_indirect_dma semaphore(%arg11 : memref<!tpu.dma_semaphore, #tpu.memory_space<semaphore_mem>>) src(%arg7 : memref<128x128xf32, #tpu.memory_space<vmem>>) dst(%dma_wait3A_71 : memref<10000x128xf32, #tpu.memory_space<vmem_shared>>)
      } else {
      }
      %add3A_51 = arith.constant 1 : i32
      %add3A_52 = arith.addi %add3A_40, %add3A_51 : i32
      "tpu.region"() ({
        %run_scoped3A = tpu.sem_alloc : memref<!tpu.dma_semaphore, #tpu.memory_space<semaphore_mem>>
        %dma_start3A_65 = arith.constant 0 : i32
        %dma_start3A_66 = arith.constant 0 : i32
        %dma_start3A_67 = tpu.memref_slice %arg2[%add3A_52, %dma_start3A_65, %dma_start3A_66] : memref<2500x2x128xi32, #tpu.memory_space<hbm>> -> memref<1x2x128xi32, #tpu.memory_space<hbm>>
        %dma_start3A_68 = tpu.memref_squeeze %dma_start3A_67 : memref<1x2x128xi32, #tpu.memory_space<hbm>> -> memref<2x128xi32, #tpu.memory_space<hbm>>
        %dma_start3A_69 = arith.constant 0 : i32
        %dma_start3A_70 = arith.constant 0 : i32
        %dma_start3A_71 = tpu.memref_slice %arg2[%add3A_52, %dma_start3A_69, %dma_start3A_70] : memref<2500x2x128xi32, #tpu.memory_space<hbm>> -> memref<1x2x128xi32, #tpu.memory_space<hbm>>
        %dma_start3A_72 = tpu.memref_squeeze %dma_start3A_71 : memref<1x2x128xi32, #tpu.memory_space<hbm>> -> memref<2x128xi32, #tpu.memory_space<hbm>>
        tpu.enqueue_dma source(%dma_start3A_72 : memref<2x128xi32, #tpu.memory_space<hbm>>) target(%arg9 : memref<2x128xi32, #tpu.memory_space<vmem>>) target_semaphore(%run_scoped3A : memref<!tpu.dma_semaphore, #tpu.memory_space<semaphore_mem>>)
        %dma_wait3A_73 = arith.constant 0 : i32
        %dma_wait3A_74 = arith.constant 0 : i32
        %dma_wait3A_75 = tpu.memref_slice %arg2[%add3A_52, %dma_wait3A_73, %dma_wait3A_74] : memref<2500x2x128xi32, #tpu.memory_space<hbm>> -> memref<1x2x128xi32, #tpu.memory_space<hbm>>
        %dma_wait3A_76 = tpu.memref_squeeze %dma_wait3A_75 : memref<1x2x128xi32, #tpu.memory_space<hbm>> -> memref<2x128xi32, #tpu.memory_space<hbm>>
        %dma_wait3A_77 = arith.constant 0 : i32
        %dma_wait3A_78 = arith.constant 0 : i32
        %dma_wait3A_79 = tpu.memref_slice %arg2[%add3A_52, %dma_wait3A_77, %dma_wait3A_78] : memref<2500x2x128xi32, #tpu.memory_space<hbm>> -> memref<1x2x128xi32, #tpu.memory_space<hbm>>
        %dma_wait3A_80 = tpu.memref_squeeze %dma_wait3A_79 : memref<1x2x128xi32, #tpu.memory_space<hbm>> -> memref<2x128xi32, #tpu.memory_space<hbm>>
        tpu.wait_dma2 semaphore(%run_scoped3A : memref<!tpu.dma_semaphore, #tpu.memory_space<semaphore_mem>>) src(%dma_wait3A_80 : memref<2x128xi32, #tpu.memory_space<hbm>>) dst(%arg9 : memref<2x128xi32, #tpu.memory_space<vmem>>)
        tpu.yield
      }) : () -> ()
      %dma_start3A_53 = arith.constant 1 : i32
      %dma_start3A_54 = arith.constant 0 : i32
      %dma_start3A_55 = tpu.memref_slice %arg9[%dma_start3A_53, %dma_start3A_54] : memref<2x128xi32, #tpu.memory_space<vmem>> -> memref<1x128xi32, #tpu.memory_space<vmem>>
      %dma_start3A_56 = tpu.memref_squeeze %dma_start3A_55 : memref<1x128xi32, #tpu.memory_space<vmem>> -> memref<128xi32, #tpu.memory_space<vmem>>
      %dma_start3A_57 = arith.constant 0 : i32
      %dma_start3A_58 = arith.constant 0 : i32
      %dma_start3A_59 = tpu.memref_slice %arg6[%dma_start3A_57, %dma_start3A_58] : memref<10000x128xf32, #tpu.memory_space<vmem_shared>> -> memref<10000x128xf32, #tpu.memory_space<vmem_shared>>
      tpu.enqueue_indirect_dma source(%arg7 : memref<128x128xf32, #tpu.memory_space<vmem>>) target(%dma_start3A_59 : memref<10000x128xf32, #tpu.memory_space<vmem_shared>>) offsets(%dma_start3A_56 : memref<128xi32, #tpu.memory_space<vmem>>) semaphore(%arg11 : memref<!tpu.dma_semaphore, #tpu.memory_space<semaphore_mem>>) {add = true}
      %lt3A_60 = arith.constant 38 : i32
      %lt3A_61 = arith.cmpi slt, %scan3A_37, %lt3A_60 : i32
      %convert_element_type3A_62 = arith.extui %lt3A_61 : i1 to i32
      %cond3A_63 = arith.constant 0 : i32
      %cond3A_64 = arith.cmpi ne, %convert_element_type3A_62, %cond3A_63 : i32
      scf.if %cond3A_64 {
        %dma_wait3A_65 = arith.constant 1 : i32
        %dma_wait3A_66 = arith.constant 0 : i32
        %dma_wait3A_67 = tpu.memref_slice %arg8[%dma_wait3A_65, %dma_wait3A_66] : memref<2x128xi32, #tpu.memory_space<vmem>> -> memref<1x128xi32, #tpu.memory_space<vmem>>
        %dma_wait3A_68 = tpu.memref_squeeze %dma_wait3A_67 : memref<1x128xi32, #tpu.memory_space<vmem>> -> memref<128xi32, #tpu.memory_space<vmem>>
        %dma_wait3A_69 = arith.constant 0 : i32
        %dma_wait3A_70 = arith.constant 0 : i32
        %dma_wait3A_71 = tpu.memref_slice %arg6[%dma_wait3A_69, %dma_wait3A_70] : memref<10000x128xf32, #tpu.memory_space<vmem_shared>> -> memref<10000x128xf32, #tpu.memory_space<vmem_shared>>
        tpu.wait_indirect_dma semaphore(%arg10 : memref<!tpu.dma_semaphore, #tpu.memory_space<semaphore_mem>>) src(%arg7 : memref<128x128xf32, #tpu.memory_space<vmem>>) dst(%dma_wait3A_71 : memref<10000x128xf32, #tpu.memory_space<vmem_shared>>)
        %add3A_72 = arith.constant 2 : i32
        %add3A_73 = arith.addi %add3A_40, %add3A_72 : i32
        "tpu.region"() ({
          %run_scoped3A = tpu.sem_alloc : memref<!tpu.dma_semaphore, #tpu.memory_space<semaphore_mem>>
          %dma_start3A_74 = arith.constant 0 : i32
          %dma_start3A_75 = arith.constant 0 : i32
          %dma_start3A_76 = tpu.memref_slice %arg2[%add3A_73, %dma_start3A_74, %dma_start3A_75] : memref<2500x2x128xi32, #tpu.memory_space<hbm>> -> memref<1x2x128xi32, #tpu.memory_space<hbm>>
          %dma_start3A_77 = tpu.memref_squeeze %dma_start3A_76 : memref<1x2x128xi32, #tpu.memory_space<hbm>> -> memref<2x128xi32, #tpu.memory_space<hbm>>
          %dma_start3A_78 = arith.constant 0 : i32
          %dma_start3A_79 = arith.constant 0 : i32
          %dma_start3A_80 = tpu.memref_slice %arg2[%add3A_73, %dma_start3A_78, %dma_start3A_79] : memref<2500x2x128xi32, #tpu.memory_space<hbm>> -> memref<1x2x128xi32, #tpu.memory_space<hbm>>
          %dma_start3A_81 = tpu.memref_squeeze %dma_start3A_80 : memref<1x2x128xi32, #tpu.memory_space<hbm>> -> memref<2x128xi32, #tpu.memory_space<hbm>>
          tpu.enqueue_dma source(%dma_start3A_81 : memref<2x128xi32, #tpu.memory_space<hbm>>) target(%arg8 : memref<2x128xi32, #tpu.memory_space<vmem>>) target_semaphore(%run_scoped3A : memref<!tpu.dma_semaphore, #tpu.memory_space<semaphore_mem>>)
          %dma_wait3A_82 = arith.constant 0 : i32
          %dma_wait3A_83 = arith.constant 0 : i32
          %dma_wait3A_84 = tpu.memref_slice %arg2[%add3A_73, %dma_wait3A_82, %dma_wait3A_83] : memref<2500x2x128xi32, #tpu.memory_space<hbm>> -> memref<1x2x128xi32, #tpu.memory_space<hbm>>
          %dma_wait3A_85 = tpu.memref_squeeze %dma_wait3A_84 : memref<1x2x128xi32, #tpu.memory_space<hbm>> -> memref<2x128xi32, #tpu.memory_space<hbm>>
          %dma_wait3A_86 = arith.constant 0 : i32
          %dma_wait3A_87 = arith.constant 0 : i32
          %dma_wait3A_88 = tpu.memref_slice %arg2[%add3A_73, %dma_wait3A_86, %dma_wait3A_87] : memref<2500x2x128xi32, #tpu.memory_space<hbm>> -> memref<1x2x128xi32, #tpu.memory_space<hbm>>
          %dma_wait3A_89 = tpu.memref_squeeze %dma_wait3A_88 : memref<1x2x128xi32, #tpu.memory_space<hbm>> -> memref<2x128xi32, #tpu.memory_space<hbm>>
          tpu.wait_dma2 semaphore(%run_scoped3A : memref<!tpu.dma_semaphore, #tpu.memory_space<semaphore_mem>>) src(%dma_wait3A_89 : memref<2x128xi32, #tpu.memory_space<hbm>>) dst(%arg8 : memref<2x128xi32, #tpu.memory_space<vmem>>)
          tpu.yield
        }) : () -> ()
      } else {
      }
    }
    %scan3A_13 = arith.constant 39 : i32
    %dma_wait3A = arith.constant 1 : i32
    %dma_wait3A_14 = arith.constant 0 : i32
    %dma_wait3A_15 = tpu.memref_slice %arg8[%dma_wait3A, %dma_wait3A_14] : memref<2x128xi32, #tpu.memory_space<vmem>> -> memref<1x128xi32, #tpu.memory_space<vmem>>
    %dma_wait3A_16 = tpu.memref_squeeze %dma_wait3A_15 : memref<1x128xi32, #tpu.memory_space<vmem>> -> memref<128xi32, #tpu.memory_space<vmem>>
    %dma_wait3A_17 = arith.constant 0 : i32
    %dma_wait3A_18 = arith.constant 0 : i32
    %dma_wait3A_19 = tpu.memref_slice %arg6[%dma_wait3A_17, %dma_wait3A_18] : memref<10000x128xf32, #tpu.memory_space<vmem_shared>> -> memref<10000x128xf32, #tpu.memory_space<vmem_shared>>
    tpu.wait_indirect_dma semaphore(%arg10 : memref<!tpu.dma_semaphore, #tpu.memory_space<semaphore_mem>>) src(%arg7 : memref<128x128xf32, #tpu.memory_space<vmem>>) dst(%dma_wait3A_19 : memref<10000x128xf32, #tpu.memory_space<vmem_shared>>)
    %dma_wait3A_20 = arith.constant 1 : i32
    %dma_wait3A_21 = arith.constant 0 : i32
    %dma_wait3A_22 = tpu.memref_slice %arg9[%dma_wait3A_20, %dma_wait3A_21] : memref<2x128xi32, #tpu.memory_space<vmem>> -> memref<1x128xi32, #tpu.memory_space<vmem>>
    %dma_wait3A_23 = tpu.memref_squeeze %dma_wait3A_22 : memref<1x128xi32, #tpu.memory_space<vmem>> -> memref<128xi32, #tpu.memory_space<vmem>>
    %dma_wait3A_24 = arith.constant 0 : i32
    %dma_wait3A_25 = arith.constant 0 : i32
    %dma_wait3A_26 = tpu.memref_slice %arg6[%dma_wait3A_24, %dma_wait3A_25] : memref<10000x128xf32, #tpu.memory_space<vmem_shared>> -> memref<10000x128xf32, #tpu.memory_space<vmem_shared>>
    tpu.wait_indirect_dma semaphore(%arg11 : memref<!tpu.dma_semaphore, #tpu.memory_space<semaphore_mem>>) src(%arg7 : memref<128x128xf32, #tpu.memory_space<vmem>>) dst(%dma_wait3A_26 : memref<10000x128xf32, #tpu.memory_space<vmem_shared>>)
    %lt3A = arith.constant 2 : i32
    %lt3A_27 = arith.cmpi slt, %arg1, %lt3A : i32
    %convert_element_type3A_28 = arith.extui %lt3A_27 : i1 to i32
    %cond3A_29 = arith.constant 0 : i32
    %cond3A_30 = arith.cmpi ne, %convert_element_type3A_28, %cond3A_29 : i32
    scf.if %cond3A_30 {
      %add3A_37 = arith.constant 78 : i32
      %add3A_38 = arith.addi %add3A_6, %add3A_37 : i32
      "tpu.region"() ({
        %run_scoped3A_39 = tpu.sem_alloc : memref<!tpu.dma_semaphore, #tpu.memory_space<semaphore_mem>>
        %dma_start3A = arith.constant 0 : i32
        %dma_start3A_40 = arith.constant 0 : i32
        %dma_start3A_41 = tpu.memref_slice %arg2[%add3A_38, %dma_start3A, %dma_start3A_40] : memref<2500x2x128xi32, #tpu.memory_space<hbm>> -> memref<1x2x128xi32, #tpu.memory_space<hbm>>
        %dma_start3A_42 = tpu.memref_squeeze %dma_start3A_41 : memref<1x2x128xi32, #tpu.memory_space<hbm>> -> memref<2x128xi32, #tpu.memory_space<hbm>>
        %dma_start3A_43 = arith.constant 0 : i32
        %dma_start3A_44 = arith.constant 0 : i32
        %dma_start3A_45 = tpu.memref_slice %arg2[%add3A_38, %dma_start3A_43, %dma_start3A_44] : memref<2500x2x128xi32, #tpu.memory_space<hbm>> -> memref<1x2x128xi32, #tpu.memory_space<hbm>>
        %dma_start3A_46 = tpu.memref_squeeze %dma_start3A_45 : memref<1x2x128xi32, #tpu.memory_space<hbm>> -> memref<2x128xi32, #tpu.memory_space<hbm>>
        tpu.enqueue_dma source(%dma_start3A_46 : memref<2x128xi32, #tpu.memory_space<hbm>>) target(%arg8 : memref<2x128xi32, #tpu.memory_space<vmem>>) target_semaphore(%run_scoped3A_39 : memref<!tpu.dma_semaphore, #tpu.memory_space<semaphore_mem>>)
        %dma_wait3A_47 = arith.constant 0 : i32
        %dma_wait3A_48 = arith.constant 0 : i32
        %dma_wait3A_49 = tpu.memref_slice %arg2[%add3A_38, %dma_wait3A_47, %dma_wait3A_48] : memref<2500x2x128xi32, #tpu.memory_space<hbm>> -> memref<1x2x128xi32, #tpu.memory_space<hbm>>
        %dma_wait3A_50 = tpu.memref_squeeze %dma_wait3A_49 : memref<1x2x128xi32, #tpu.memory_space<hbm>> -> memref<2x128xi32, #tpu.memory_space<hbm>>
        %dma_wait3A_51 = arith.constant 0 : i32
        %dma_wait3A_52 = arith.constant 0 : i32
        %dma_wait3A_53 = tpu.memref_slice %arg2[%add3A_38, %dma_wait3A_51, %dma_wait3A_52] : memref<2500x2x128xi32, #tpu.memory_space<hbm>> -> memref<1x2x128xi32, #tpu.memory_space<hbm>>
        %dma_wait3A_54 = tpu.memref_squeeze %dma_wait3A_53 : memref<1x2x128xi32, #tpu.memory_space<hbm>> -> memref<2x128xi32, #tpu.memory_space<hbm>>
        tpu.wait_dma2 semaphore(%run_scoped3A_39 : memref<!tpu.dma_semaphore, #tpu.memory_space<semaphore_mem>>) src(%dma_wait3A_54 : memref<2x128xi32, #tpu.memory_space<hbm>>) dst(%arg8 : memref<2x128xi32, #tpu.memory_space<vmem>>)
        tpu.yield
      }) : () -> ()
      %run_scoped3A = arith.constant 1 : i32
      "tpu.region"() ({
        %run_scoped3A_39 = tpu.sem_alloc : memref<!tpu.dma_semaphore, #tpu.memory_space<semaphore_mem>>
        %dma_start3A = arith.constant 0 : i32
        %dma_start3A_40 = tpu.memref_slice %arg8[%run_scoped3A, %dma_start3A] : memref<2x128xi32, #tpu.memory_space<vmem>> -> memref<1x128xi32, #tpu.memory_space<vmem>>
        %dma_start3A_41 = tpu.memref_squeeze %dma_start3A_40 : memref<1x128xi32, #tpu.memory_space<vmem>> -> memref<128xi32, #tpu.memory_space<vmem>>
        %dma_start3A_42 = arith.constant 0 : i32
        %dma_start3A_43 = arith.constant 0 : i32
        %dma_start3A_44 = tpu.memref_slice %arg6[%dma_start3A_42, %dma_start3A_43] : memref<10000x128xf32, #tpu.memory_space<vmem_shared>> -> memref<10000x128xf32, #tpu.memory_space<vmem_shared>>
        tpu.enqueue_indirect_dma source(%arg7 : memref<128x128xf32, #tpu.memory_space<vmem>>) target(%dma_start3A_44 : memref<10000x128xf32, #tpu.memory_space<vmem_shared>>) offsets(%dma_start3A_41 : memref<128xi32, #tpu.memory_space<vmem>>) semaphore(%run_scoped3A_39 : memref<!tpu.dma_semaphore, #tpu.memory_space<semaphore_mem>>) {add = true}
        %dma_wait3A_45 = arith.constant 0 : i32
        %dma_wait3A_46 = tpu.memref_slice %arg8[%run_scoped3A, %dma_wait3A_45] : memref<2x128xi32, #tpu.memory_space<vmem>> -> memref<1x128xi32, #tpu.memory_space<vmem>>
        %dma_wait3A_47 = tpu.memref_squeeze %dma_wait3A_46 : memref<1x128xi32, #tpu.memory_space<vmem>> -> memref<128xi32, #tpu.memory_space<vmem>>
        %dma_wait3A_48 = arith.constant 0 : i32
        %dma_wait3A_49 = arith.constant 0 : i32
        %dma_wait3A_50 = tpu.memref_slice %arg6[%dma_wait3A_48, %dma_wait3A_49] : memref<10000x128xf32, #tpu.memory_space<vmem_shared>> -> memref<10000x128xf32, #tpu.memory_space<vmem_shared>>
        tpu.wait_indirect_dma semaphore(%run_scoped3A_39 : memref<!tpu.dma_semaphore, #tpu.memory_space<semaphore_mem>>) src(%arg7 : memref<128x128xf32, #tpu.memory_space<vmem>>) dst(%dma_wait3A_50 : memref<10000x128xf32, #tpu.memory_space<vmem_shared>>)
        tpu.yield
      }) : () -> ()
    } else {
    }
    %barrier3A_31 = arith.constant 0 : index
    tpu.barrier barrier_id(%barrier3A_31)
    "tpu.region"() ({
      %run_scoped3A = tpu.sem_alloc : memref<!tpu.dma_semaphore, #tpu.memory_space<semaphore_mem>>
      %dma_start3A = arith.constant 0 : i32
      %dma_start3A_37 = tpu.memref_slice %arg5[%arg0, %mul3A_0, %dma_start3A] : memref<2x10000x128xf32, #tpu.memory_space<hbm>> -> memref<1x624x128xf32, #tpu.memory_space<hbm>>
      %dma_start3A_38 = tpu.memref_squeeze %dma_start3A_37 : memref<1x624x128xf32, #tpu.memory_space<hbm>> -> memref<624x128xf32, #tpu.memory_space<hbm>>
      %dma_start3A_39 = arith.constant 0 : i32
      %dma_start3A_40 = tpu.memref_slice %arg6[%mul3A_0, %dma_start3A_39] : memref<10000x128xf32, #tpu.memory_space<vmem_shared>> -> memref<624x128xf32, #tpu.memory_space<vmem_shared>>
      tpu.enqueue_dma source(%dma_start3A_40 : memref<624x128xf32, #tpu.memory_space<vmem_shared>>) target(%dma_start3A_38 : memref<624x128xf32, #tpu.memory_space<hbm>>) target_semaphore(%run_scoped3A : memref<!tpu.dma_semaphore, #tpu.memory_space<semaphore_mem>>)
      %dma_wait3A_41 = arith.constant 0 : i32
      %dma_wait3A_42 = tpu.memref_slice %arg5[%arg0, %mul3A_0, %dma_wait3A_41] : memref<2x10000x128xf32, #tpu.memory_space<hbm>> -> memref<1x624x128xf32, #tpu.memory_space<hbm>>
      %dma_wait3A_43 = tpu.memref_squeeze %dma_wait3A_42 : memref<1x624x128xf32, #tpu.memory_space<hbm>> -> memref<624x128xf32, #tpu.memory_space<hbm>>
      %dma_wait3A_44 = arith.constant 0 : i32
      %dma_wait3A_45 = tpu.memref_slice %arg6[%mul3A_0, %dma_wait3A_44] : memref<10000x128xf32, #tpu.memory_space<vmem_shared>> -> memref<624x128xf32, #tpu.memory_space<vmem_shared>>
      tpu.wait_dma2 semaphore(%run_scoped3A : memref<!tpu.dma_semaphore, #tpu.memory_space<semaphore_mem>>) src(%dma_wait3A_45 : memref<624x128xf32, #tpu.memory_space<vmem_shared>>) dst(%dma_wait3A_43 : memref<624x128xf32, #tpu.memory_space<hbm>>)
      tpu.yield
    }) : () -> ()
    %eq3A_32 = arith.constant 15 : i32
    %eq3A_33 = arith.cmpi eq, %arg1, %eq3A_32 : i32
    %convert_element_type3A_34 = arith.extui %eq3A_33 : i1 to i32
    %cond3A_35 = arith.constant 0 : i32
    %cond3A_36 = arith.cmpi ne, %convert_element_type3A_34, %cond3A_35 : i32
    scf.if %cond3A_36 {
      "tpu.region"() ({
        %run_scoped3A = tpu.sem_alloc : memref<!tpu.dma_semaphore, #tpu.memory_space<semaphore_mem>>
        %dma_start3A = arith.constant 9984 : i32
        %dma_start3A_37 = arith.constant 0 : i32
        %dma_start3A_38 = tpu.memref_slice %arg5[%arg0, %dma_start3A, %dma_start3A_37] : memref<2x10000x128xf32, #tpu.memory_space<hbm>> -> memref<1x16x128xf32, #tpu.memory_space<hbm>>
        %dma_start3A_39 = tpu.memref_squeeze %dma_start3A_38 : memref<1x16x128xf32, #tpu.memory_space<hbm>> -> memref<16x128xf32, #tpu.memory_space<hbm>>
        %dma_start3A_40 = arith.constant 9984 : i32
        %dma_start3A_41 = arith.constant 0 : i32
        %dma_start3A_42 = tpu.memref_slice %arg6[%dma_start3A_40, %dma_start3A_41] : memref<10000x128xf32, #tpu.memory_space<vmem_shared>> -> memref<16x128xf32, #tpu.memory_space<vmem_shared>>
        tpu.enqueue_dma source(%dma_start3A_42 : memref<16x128xf32, #tpu.memory_space<vmem_shared>>) target(%dma_start3A_39 : memref<16x128xf32, #tpu.memory_space<hbm>>) target_semaphore(%run_scoped3A : memref<!tpu.dma_semaphore, #tpu.memory_space<semaphore_mem>>)
        %dma_wait3A_43 = arith.constant 9984 : i32
        %dma_wait3A_44 = arith.constant 0 : i32
        %dma_wait3A_45 = tpu.memref_slice %arg5[%arg0, %dma_wait3A_43, %dma_wait3A_44] : memref<2x10000x128xf32, #tpu.memory_space<hbm>> -> memref<1x16x128xf32, #tpu.memory_space<hbm>>
        %dma_wait3A_46 = tpu.memref_squeeze %dma_wait3A_45 : memref<1x16x128xf32, #tpu.memory_space<hbm>> -> memref<16x128xf32, #tpu.memory_space<hbm>>
        %dma_wait3A_47 = arith.constant 9984 : i32
        %dma_wait3A_48 = arith.constant 0 : i32
        %dma_wait3A_49 = tpu.memref_slice %arg6[%dma_wait3A_47, %dma_wait3A_48] : memref<10000x128xf32, #tpu.memory_space<vmem_shared>> -> memref<16x128xf32, #tpu.memory_space<vmem_shared>>
        tpu.wait_dma2 semaphore(%run_scoped3A : memref<!tpu.dma_semaphore, #tpu.memory_space<semaphore_mem>>) src(%dma_wait3A_49 : memref<16x128xf32, #tpu.memory_space<vmem_shared>>) dst(%dma_wait3A_46 : memref<16x128xf32, #tpu.memory_space<hbm>>)
        tpu.yield
      }) : () -> ()
    } else {
    }
    return
  }
}

#map = affine_map<(d0, d1) -> (0, 0, 0)>
#map1 = affine_map<(d0, d1) -> (0, 0)>
module attributes {stable_mosaic.version = 14 : i64} {
  func.func @scatter_kernel(%arg0: i32, %arg1: i32, %arg2: memref<2500x2x128xi32, #tpu.memory_space<hbm>>, %arg3: memref<10000x128xf32, #tpu.memory_space<hbm>>, %arg4: memref<10000x128xf32, #tpu.memory_space<hbm>>, %arg5: memref<10000x128xf32, #tpu.memory_space<hbm>>, %arg6: memref<4x10000x128xf32, #tpu.memory_space<hbm>>, %arg7: memref<10000x128xf32, #tpu.memory_space<vmem_shared>>, %arg8: memref<2x128xi32, #tpu.memory_space<vmem>>, %arg9: memref<2x128xi32, #tpu.memory_space<vmem>>, %arg10: memref<128x128xf32, #tpu.memory_space<vmem>>, %arg11: memref<128x128xf32, #tpu.memory_space<vmem>>, %arg12: memref<!tpu.dma_semaphore, #tpu.memory_space<semaphore_mem>>, %arg13: memref<!tpu.dma_semaphore, #tpu.memory_space<semaphore_mem>>, %arg14: memref<!tpu.dma_semaphore, #tpu.memory_space<semaphore_mem>>, %arg15: memref<!tpu.dma_semaphore, #tpu.memory_space<semaphore_mem>>) attributes {dimension_semantics = [#tpu.dimension_semantics<core_parallel>, #tpu.dimension_semantics<subcore_parallel>], iteration_bounds = array<i64: 2, 16>, scalar_prefetch = 0 : i64, scratch_operands = 9 : i64, tpu.core_type = #tpu.core_type<sc_vector_subcore>, window_params = [{transform_indices = #map}, {transform_indices = #map1}, {transform_indices = #map1}, {transform_indices = #map1}, {transform_indices = #map}]} {
    %mul3A = arith.constant 624 : i32
    %mul3A_0 = arith.muli %arg1, %mul3A : i32
    %mul3A_1 = arith.constant 1250 : i32
    %mul3A_2 = arith.muli %arg0, %mul3A_1 : i32
    %mul3A_3 = arith.constant 78 : i32
    %mul3A_4 = arith.muli %mul3A_3, %arg1 : i32
    %add3A = arith.addi %mul3A_2, %mul3A_4 : i32
    %min3A = arith.constant 2 : i32
    %min3A_5 = arith.minsi %arg1, %min3A : i32
    %add3A_6 = arith.addi %add3A, %min3A_5 : i32
    "tpu.region"() ({
      %run_scoped3A = tpu.sem_alloc : memref<!tpu.dma_semaphore, #tpu.memory_space<semaphore_mem>>
      %dma_start3A_97 = arith.constant 0 : i32
      %dma_start3A_98 = tpu.memref_slice %arg7[%mul3A_0, %dma_start3A_97] : memref<10000x128xf32, #tpu.memory_space<vmem_shared>> -> memref<624x128xf32, #tpu.memory_space<vmem_shared>>
      %dma_start3A_99 = arith.constant 0 : i32
      %dma_start3A_100 = tpu.memref_slice %arg5[%mul3A_0, %dma_start3A_99] : memref<10000x128xf32, #tpu.memory_space<hbm>> -> memref<624x128xf32, #tpu.memory_space<hbm>>
      tpu.enqueue_dma source(%dma_start3A_100 : memref<624x128xf32, #tpu.memory_space<hbm>>) target(%dma_start3A_98 : memref<624x128xf32, #tpu.memory_space<vmem_shared>>) target_semaphore(%run_scoped3A : memref<!tpu.dma_semaphore, #tpu.memory_space<semaphore_mem>>)
      %dma_wait3A_101 = arith.constant 0 : i32
      %dma_wait3A_102 = tpu.memref_slice %arg7[%mul3A_0, %dma_wait3A_101] : memref<10000x128xf32, #tpu.memory_space<vmem_shared>> -> memref<624x128xf32, #tpu.memory_space<vmem_shared>>
      %dma_wait3A_103 = arith.constant 0 : i32
      %dma_wait3A_104 = tpu.memref_slice %arg5[%mul3A_0, %dma_wait3A_103] : memref<10000x128xf32, #tpu.memory_space<hbm>> -> memref<624x128xf32, #tpu.memory_space<hbm>>
      tpu.wait_dma2 semaphore(%run_scoped3A : memref<!tpu.dma_semaphore, #tpu.memory_space<semaphore_mem>>) src(%dma_wait3A_104 : memref<624x128xf32, #tpu.memory_space<hbm>>) dst(%dma_wait3A_102 : memref<624x128xf32, #tpu.memory_space<vmem_shared>>)
      tpu.yield
    }) : () -> ()
    %eq3A = arith.constant 15 : i32
    %eq3A_7 = arith.cmpi eq, %arg1, %eq3A : i32
    %convert_element_type3A = arith.extui %eq3A_7 : i1 to i32
    %cond3A = arith.constant 0 : i32
    %cond3A_8 = arith.cmpi ne, %convert_element_type3A, %cond3A : i32
    scf.if %cond3A_8 {
      "tpu.region"() ({
        %run_scoped3A = tpu.sem_alloc : memref<!tpu.dma_semaphore, #tpu.memory_space<semaphore_mem>>
        %dma_start3A_97 = arith.constant 9984 : i32
        %dma_start3A_98 = arith.constant 0 : i32
        %dma_start3A_99 = tpu.memref_slice %arg7[%dma_start3A_97, %dma_start3A_98] : memref<10000x128xf32, #tpu.memory_space<vmem_shared>> -> memref<16x128xf32, #tpu.memory_space<vmem_shared>>
        %dma_start3A_100 = arith.constant 9984 : i32
        %dma_start3A_101 = arith.constant 0 : i32
        %dma_start3A_102 = tpu.memref_slice %arg5[%dma_start3A_100, %dma_start3A_101] : memref<10000x128xf32, #tpu.memory_space<hbm>> -> memref<16x128xf32, #tpu.memory_space<hbm>>
        tpu.enqueue_dma source(%dma_start3A_102 : memref<16x128xf32, #tpu.memory_space<hbm>>) target(%dma_start3A_99 : memref<16x128xf32, #tpu.memory_space<vmem_shared>>) target_semaphore(%run_scoped3A : memref<!tpu.dma_semaphore, #tpu.memory_space<semaphore_mem>>)
        %dma_wait3A_103 = arith.constant 9984 : i32
        %dma_wait3A_104 = arith.constant 0 : i32
        %dma_wait3A_105 = tpu.memref_slice %arg7[%dma_wait3A_103, %dma_wait3A_104] : memref<10000x128xf32, #tpu.memory_space<vmem_shared>> -> memref<16x128xf32, #tpu.memory_space<vmem_shared>>
        %dma_wait3A_106 = arith.constant 9984 : i32
        %dma_wait3A_107 = arith.constant 0 : i32
        %dma_wait3A_108 = tpu.memref_slice %arg5[%dma_wait3A_106, %dma_wait3A_107] : memref<10000x128xf32, #tpu.memory_space<hbm>> -> memref<16x128xf32, #tpu.memory_space<hbm>>
        tpu.wait_dma2 semaphore(%run_scoped3A : memref<!tpu.dma_semaphore, #tpu.memory_space<semaphore_mem>>) src(%dma_wait3A_108 : memref<16x128xf32, #tpu.memory_space<hbm>>) dst(%dma_wait3A_105 : memref<16x128xf32, #tpu.memory_space<vmem_shared>>)
        tpu.yield
      }) : () -> ()
    } else {
    }
    %barrier3A = arith.constant 0 : index
    tpu.barrier barrier_id(%barrier3A)
    "tpu.region"() ({
      %run_scoped3A = tpu.sem_alloc : memref<!tpu.dma_semaphore, #tpu.memory_space<semaphore_mem>>
      %dma_start3A_97 = arith.constant 0 : i32
      %dma_start3A_98 = arith.constant 0 : i32
      %dma_start3A_99 = tpu.memref_slice %arg2[%add3A_6, %dma_start3A_97, %dma_start3A_98] : memref<2500x2x128xi32, #tpu.memory_space<hbm>> -> memref<1x2x128xi32, #tpu.memory_space<hbm>>
      %dma_start3A_100 = tpu.memref_squeeze %dma_start3A_99 : memref<1x2x128xi32, #tpu.memory_space<hbm>> -> memref<2x128xi32, #tpu.memory_space<hbm>>
      %dma_start3A_101 = arith.constant 0 : i32
      %dma_start3A_102 = arith.constant 0 : i32
      %dma_start3A_103 = tpu.memref_slice %arg2[%add3A_6, %dma_start3A_101, %dma_start3A_102] : memref<2500x2x128xi32, #tpu.memory_space<hbm>> -> memref<1x2x128xi32, #tpu.memory_space<hbm>>
      %dma_start3A_104 = tpu.memref_squeeze %dma_start3A_103 : memref<1x2x128xi32, #tpu.memory_space<hbm>> -> memref<2x128xi32, #tpu.memory_space<hbm>>
      tpu.enqueue_dma source(%dma_start3A_104 : memref<2x128xi32, #tpu.memory_space<hbm>>) target(%arg8 : memref<2x128xi32, #tpu.memory_space<vmem>>) target_semaphore(%run_scoped3A : memref<!tpu.dma_semaphore, #tpu.memory_space<semaphore_mem>>)
      %dma_wait3A_105 = arith.constant 0 : i32
      %dma_wait3A_106 = arith.constant 0 : i32
      %dma_wait3A_107 = tpu.memref_slice %arg2[%add3A_6, %dma_wait3A_105, %dma_wait3A_106] : memref<2500x2x128xi32, #tpu.memory_space<hbm>> -> memref<1x2x128xi32, #tpu.memory_space<hbm>>
      %dma_wait3A_108 = tpu.memref_squeeze %dma_wait3A_107 : memref<1x2x128xi32, #tpu.memory_space<hbm>> -> memref<2x128xi32, #tpu.memory_space<hbm>>
      %dma_wait3A_109 = arith.constant 0 : i32
      %dma_wait3A_110 = arith.constant 0 : i32
      %dma_wait3A_111 = tpu.memref_slice %arg2[%add3A_6, %dma_wait3A_109, %dma_wait3A_110] : memref<2500x2x128xi32, #tpu.memory_space<hbm>> -> memref<1x2x128xi32, #tpu.memory_space<hbm>>
      %dma_wait3A_112 = tpu.memref_squeeze %dma_wait3A_111 : memref<1x2x128xi32, #tpu.memory_space<hbm>> -> memref<2x128xi32, #tpu.memory_space<hbm>>
      tpu.wait_dma2 semaphore(%run_scoped3A : memref<!tpu.dma_semaphore, #tpu.memory_space<semaphore_mem>>) src(%dma_wait3A_112 : memref<2x128xi32, #tpu.memory_space<hbm>>) dst(%arg8 : memref<2x128xi32, #tpu.memory_space<vmem>>)
      tpu.yield
    }) : () -> ()
    %dma_start3A = arith.constant 0 : i32
    %dma_start3A_9 = arith.constant 0 : i32
    %dma_start3A_10 = tpu.memref_slice %arg8[%dma_start3A, %dma_start3A_9] : memref<2x128xi32, #tpu.memory_space<vmem>> -> memref<1x128xi32, #tpu.memory_space<vmem>>
    %dma_start3A_11 = tpu.memref_squeeze %dma_start3A_10 : memref<1x128xi32, #tpu.memory_space<vmem>> -> memref<128xi32, #tpu.memory_space<vmem>>
    %dma_start3A_12 = arith.constant 0 : i32
    %dma_start3A_13 = arith.constant 0 : i32
    %dma_start3A_14 = tpu.memref_slice %arg3[%dma_start3A_12, %dma_start3A_13] : memref<10000x128xf32, #tpu.memory_space<hbm>> -> memref<10000x128xf32, #tpu.memory_space<hbm>>
    tpu.enqueue_indirect_dma source(%dma_start3A_14 : memref<10000x128xf32, #tpu.memory_space<hbm>>) target(%arg10 : memref<128x128xf32, #tpu.memory_space<vmem>>) offsets(%dma_start3A_11 : memref<128xi32, #tpu.memory_space<vmem>>) semaphore(%arg12 : memref<!tpu.dma_semaphore, #tpu.memory_space<semaphore_mem>>)
    %scan3A = arith.constant 0 : i32
    %scan3A_15 = arith.constant 0 : i32
    %scan3A_16 = arith.constant 39 : i32
    %scan3A_17 = arith.addi %scan3A_15, %scan3A_16 : i32
    %scan3A_18 = arith.constant 1 : i32
    scf.for %scan3A_97 = %scan3A_15 to %scan3A_17 step %scan3A_18  : i32 {
      %mul3A_98 = arith.constant 2 : i32
      %mul3A_99 = arith.muli %mul3A_98, %scan3A_97 : i32
      %add3A_100 = arith.addi %add3A_6, %mul3A_99 : i32
      %add3A_101 = arith.constant 1 : i32
      %add3A_102 = arith.addi %add3A_100, %add3A_101 : i32
      %gt3A = arith.constant 0 : i32
      %gt3A_103 = arith.cmpi sgt, %scan3A_97, %gt3A : i32
      %convert_element_type3A_104 = arith.extui %gt3A_103 : i1 to i32
      %cond3A_105 = arith.constant 0 : i32
      %cond3A_106 = arith.cmpi ne, %convert_element_type3A_104, %cond3A_105 : i32
      scf.if %cond3A_106 {
        %dma_wait3A_147 = arith.constant 1 : i32
        %dma_wait3A_148 = arith.constant 0 : i32
        %dma_wait3A_149 = tpu.memref_slice %arg9[%dma_wait3A_147, %dma_wait3A_148] : memref<2x128xi32, #tpu.memory_space<vmem>> -> memref<1x128xi32, #tpu.memory_space<vmem>>
        %dma_wait3A_150 = tpu.memref_squeeze %dma_wait3A_149 : memref<1x128xi32, #tpu.memory_space<vmem>> -> memref<128xi32, #tpu.memory_space<vmem>>
        %dma_wait3A_151 = arith.constant 0 : i32
        %dma_wait3A_152 = arith.constant 0 : i32
        %dma_wait3A_153 = tpu.memref_slice %arg7[%dma_wait3A_151, %dma_wait3A_152] : memref<10000x128xf32, #tpu.memory_space<vmem_shared>> -> memref<10000x128xf32, #tpu.memory_space<vmem_shared>>
        tpu.wait_indirect_dma semaphore(%arg15 : memref<!tpu.dma_semaphore, #tpu.memory_space<semaphore_mem>>) src(%arg11 : memref<128x128xf32, #tpu.memory_space<vmem>>) dst(%dma_wait3A_153 : memref<10000x128xf32, #tpu.memory_space<vmem_shared>>)
      } else {
      }
      "tpu.region"() ({
        %run_scoped3A = tpu.sem_alloc : memref<!tpu.dma_semaphore, #tpu.memory_space<semaphore_mem>>
        %dma_start3A_147 = arith.constant 0 : i32
        %dma_start3A_148 = arith.constant 0 : i32
        %dma_start3A_149 = tpu.memref_slice %arg2[%add3A_102, %dma_start3A_147, %dma_start3A_148] : memref<2500x2x128xi32, #tpu.memory_space<hbm>> -> memref<1x2x128xi32, #tpu.memory_space<hbm>>
        %dma_start3A_150 = tpu.memref_squeeze %dma_start3A_149 : memref<1x2x128xi32, #tpu.memory_space<hbm>> -> memref<2x128xi32, #tpu.memory_space<hbm>>
        %dma_start3A_151 = arith.constant 0 : i32
        %dma_start3A_152 = arith.constant 0 : i32
        %dma_start3A_153 = tpu.memref_slice %arg2[%add3A_102, %dma_start3A_151, %dma_start3A_152] : memref<2500x2x128xi32, #tpu.memory_space<hbm>> -> memref<1x2x128xi32, #tpu.memory_space<hbm>>
        %dma_start3A_154 = tpu.memref_squeeze %dma_start3A_153 : memref<1x2x128xi32, #tpu.memory_space<hbm>> -> memref<2x128xi32, #tpu.memory_space<hbm>>
        tpu.enqueue_dma source(%dma_start3A_154 : memref<2x128xi32, #tpu.memory_space<hbm>>) target(%arg9 : memref<2x128xi32, #tpu.memory_space<vmem>>) target_semaphore(%run_scoped3A : memref<!tpu.dma_semaphore, #tpu.memory_space<semaphore_mem>>)
        %dma_wait3A_155 = arith.constant 0 : i32
        %dma_wait3A_156 = arith.constant 0 : i32
        %dma_wait3A_157 = tpu.memref_slice %arg2[%add3A_102, %dma_wait3A_155, %dma_wait3A_156] : memref<2500x2x128xi32, #tpu.memory_space<hbm>> -> memref<1x2x128xi32, #tpu.memory_space<hbm>>
        %dma_wait3A_158 = tpu.memref_squeeze %dma_wait3A_157 : memref<1x2x128xi32, #tpu.memory_space<hbm>> -> memref<2x128xi32, #tpu.memory_space<hbm>>
        %dma_wait3A_159 = arith.constant 0 : i32
        %dma_wait3A_160 = arith.constant 0 : i32
        %dma_wait3A_161 = tpu.memref_slice %arg2[%add3A_102, %dma_wait3A_159, %dma_wait3A_160] : memref<2500x2x128xi32, #tpu.memory_space<hbm>> -> memref<1x2x128xi32, #tpu.memory_space<hbm>>
        %dma_wait3A_162 = tpu.memref_squeeze %dma_wait3A_161 : memref<1x2x128xi32, #tpu.memory_space<hbm>> -> memref<2x128xi32, #tpu.memory_space<hbm>>
        tpu.wait_dma2 semaphore(%run_scoped3A : memref<!tpu.dma_semaphore, #tpu.memory_space<semaphore_mem>>) src(%dma_wait3A_162 : memref<2x128xi32, #tpu.memory_space<hbm>>) dst(%arg9 : memref<2x128xi32, #tpu.memory_space<vmem>>)
        tpu.yield
      }) : () -> ()
      %dma_start3A_107 = arith.constant 0 : i32
      %dma_start3A_108 = arith.constant 0 : i32
      %dma_start3A_109 = tpu.memref_slice %arg9[%dma_start3A_107, %dma_start3A_108] : memref<2x128xi32, #tpu.memory_space<vmem>> -> memref<1x128xi32, #tpu.memory_space<vmem>>
      %dma_start3A_110 = tpu.memref_squeeze %dma_start3A_109 : memref<1x128xi32, #tpu.memory_space<vmem>> -> memref<128xi32, #tpu.memory_space<vmem>>
      %dma_start3A_111 = arith.constant 0 : i32
      %dma_start3A_112 = arith.constant 0 : i32
      %dma_start3A_113 = tpu.memref_slice %arg3[%dma_start3A_111, %dma_start3A_112] : memref<10000x128xf32, #tpu.memory_space<hbm>> -> memref<10000x128xf32, #tpu.memory_space<hbm>>
      tpu.enqueue_indirect_dma source(%dma_start3A_113 : memref<10000x128xf32, #tpu.memory_space<hbm>>) target(%arg11 : memref<128x128xf32, #tpu.memory_space<vmem>>) offsets(%dma_start3A_110 : memref<128xi32, #tpu.memory_space<vmem>>) semaphore(%arg13 : memref<!tpu.dma_semaphore, #tpu.memory_space<semaphore_mem>>)
      %dma_wait3A_114 = arith.constant 0 : i32
      %dma_wait3A_115 = arith.constant 0 : i32
      %dma_wait3A_116 = tpu.memref_slice %arg8[%dma_wait3A_114, %dma_wait3A_115] : memref<2x128xi32, #tpu.memory_space<vmem>> -> memref<1x128xi32, #tpu.memory_space<vmem>>
      %dma_wait3A_117 = tpu.memref_squeeze %dma_wait3A_116 : memref<1x128xi32, #tpu.memory_space<vmem>> -> memref<128xi32, #tpu.memory_space<vmem>>
      %dma_wait3A_118 = arith.constant 0 : i32
      %dma_wait3A_119 = arith.constant 0 : i32
      %dma_wait3A_120 = tpu.memref_slice %arg3[%dma_wait3A_118, %dma_wait3A_119] : memref<10000x128xf32, #tpu.memory_space<hbm>> -> memref<10000x128xf32, #tpu.memory_space<hbm>>
      tpu.wait_indirect_dma semaphore(%arg12 : memref<!tpu.dma_semaphore, #tpu.memory_space<semaphore_mem>>) src(%dma_wait3A_120 : memref<10000x128xf32, #tpu.memory_space<hbm>>) dst(%arg10 : memref<128x128xf32, #tpu.memory_space<vmem>>)
      %dma_start3A_121 = arith.constant 1 : i32
      %dma_start3A_122 = arith.constant 0 : i32
      %dma_start3A_123 = tpu.memref_slice %arg8[%dma_start3A_121, %dma_start3A_122] : memref<2x128xi32, #tpu.memory_space<vmem>> -> memref<1x128xi32, #tpu.memory_space<vmem>>
      %dma_start3A_124 = tpu.memref_squeeze %dma_start3A_123 : memref<1x128xi32, #tpu.memory_space<vmem>> -> memref<128xi32, #tpu.memory_space<vmem>>
      %dma_start3A_125 = arith.constant 0 : i32
      %dma_start3A_126 = arith.constant 0 : i32
      %dma_start3A_127 = tpu.memref_slice %arg7[%dma_start3A_125, %dma_start3A_126] : memref<10000x128xf32, #tpu.memory_space<vmem_shared>> -> memref<10000x128xf32, #tpu.memory_space<vmem_shared>>
      tpu.enqueue_indirect_dma source(%arg10 : memref<128x128xf32, #tpu.memory_space<vmem>>) target(%dma_start3A_127 : memref<10000x128xf32, #tpu.memory_space<vmem_shared>>) offsets(%dma_start3A_124 : memref<128xi32, #tpu.memory_space<vmem>>) semaphore(%arg14 : memref<!tpu.dma_semaphore, #tpu.memory_space<semaphore_mem>>) {add = true}
      %lt3A_128 = arith.constant 38 : i32
      %lt3A_129 = arith.cmpi slt, %scan3A_97, %lt3A_128 : i32
      %convert_element_type3A_130 = arith.extui %lt3A_129 : i1 to i32
      %cond3A_131 = arith.constant 0 : i32
      %cond3A_132 = arith.cmpi ne, %convert_element_type3A_130, %cond3A_131 : i32
      scf.if %cond3A_132 {
        %dma_wait3A_147 = arith.constant 1 : i32
        %dma_wait3A_148 = arith.constant 0 : i32
        %dma_wait3A_149 = tpu.memref_slice %arg8[%dma_wait3A_147, %dma_wait3A_148] : memref<2x128xi32, #tpu.memory_space<vmem>> -> memref<1x128xi32, #tpu.memory_space<vmem>>
        %dma_wait3A_150 = tpu.memref_squeeze %dma_wait3A_149 : memref<1x128xi32, #tpu.memory_space<vmem>> -> memref<128xi32, #tpu.memory_space<vmem>>
        %dma_wait3A_151 = arith.constant 0 : i32
        %dma_wait3A_152 = arith.constant 0 : i32
        %dma_wait3A_153 = tpu.memref_slice %arg7[%dma_wait3A_151, %dma_wait3A_152] : memref<10000x128xf32, #tpu.memory_space<vmem_shared>> -> memref<10000x128xf32, #tpu.memory_space<vmem_shared>>
        tpu.wait_indirect_dma semaphore(%arg14 : memref<!tpu.dma_semaphore, #tpu.memory_space<semaphore_mem>>) src(%arg10 : memref<128x128xf32, #tpu.memory_space<vmem>>) dst(%dma_wait3A_153 : memref<10000x128xf32, #tpu.memory_space<vmem_shared>>)
        %add3A_154 = arith.constant 2 : i32
        %add3A_155 = arith.addi %add3A_100, %add3A_154 : i32
        "tpu.region"() ({
          %run_scoped3A = tpu.sem_alloc : memref<!tpu.dma_semaphore, #tpu.memory_space<semaphore_mem>>
          %dma_start3A_163 = arith.constant 0 : i32
          %dma_start3A_164 = arith.constant 0 : i32
          %dma_start3A_165 = tpu.memref_slice %arg2[%add3A_155, %dma_start3A_163, %dma_start3A_164] : memref<2500x2x128xi32, #tpu.memory_space<hbm>> -> memref<1x2x128xi32, #tpu.memory_space<hbm>>
          %dma_start3A_166 = tpu.memref_squeeze %dma_start3A_165 : memref<1x2x128xi32, #tpu.memory_space<hbm>> -> memref<2x128xi32, #tpu.memory_space<hbm>>
          %dma_start3A_167 = arith.constant 0 : i32
          %dma_start3A_168 = arith.constant 0 : i32
          %dma_start3A_169 = tpu.memref_slice %arg2[%add3A_155, %dma_start3A_167, %dma_start3A_168] : memref<2500x2x128xi32, #tpu.memory_space<hbm>> -> memref<1x2x128xi32, #tpu.memory_space<hbm>>
          %dma_start3A_170 = tpu.memref_squeeze %dma_start3A_169 : memref<1x2x128xi32, #tpu.memory_space<hbm>> -> memref<2x128xi32, #tpu.memory_space<hbm>>
          tpu.enqueue_dma source(%dma_start3A_170 : memref<2x128xi32, #tpu.memory_space<hbm>>) target(%arg8 : memref<2x128xi32, #tpu.memory_space<vmem>>) target_semaphore(%run_scoped3A : memref<!tpu.dma_semaphore, #tpu.memory_space<semaphore_mem>>)
          %dma_wait3A_171 = arith.constant 0 : i32
          %dma_wait3A_172 = arith.constant 0 : i32
          %dma_wait3A_173 = tpu.memref_slice %arg2[%add3A_155, %dma_wait3A_171, %dma_wait3A_172] : memref<2500x2x128xi32, #tpu.memory_space<hbm>> -> memref<1x2x128xi32, #tpu.memory_space<hbm>>
          %dma_wait3A_174 = tpu.memref_squeeze %dma_wait3A_173 : memref<1x2x128xi32, #tpu.memory_space<hbm>> -> memref<2x128xi32, #tpu.memory_space<hbm>>
          %dma_wait3A_175 = arith.constant 0 : i32
          %dma_wait3A_176 = arith.constant 0 : i32
          %dma_wait3A_177 = tpu.memref_slice %arg2[%add3A_155, %dma_wait3A_175, %dma_wait3A_176] : memref<2500x2x128xi32, #tpu.memory_space<hbm>> -> memref<1x2x128xi32, #tpu.memory_space<hbm>>
          %dma_wait3A_178 = tpu.memref_squeeze %dma_wait3A_177 : memref<1x2x128xi32, #tpu.memory_space<hbm>> -> memref<2x128xi32, #tpu.memory_space<hbm>>
          tpu.wait_dma2 semaphore(%run_scoped3A : memref<!tpu.dma_semaphore, #tpu.memory_space<semaphore_mem>>) src(%dma_wait3A_178 : memref<2x128xi32, #tpu.memory_space<hbm>>) dst(%arg8 : memref<2x128xi32, #tpu.memory_space<vmem>>)
          tpu.yield
        }) : () -> ()
        %dma_start3A_156 = arith.constant 0 : i32
        %dma_start3A_157 = arith.constant 0 : i32
        %dma_start3A_158 = tpu.memref_slice %arg8[%dma_start3A_156, %dma_start3A_157] : memref<2x128xi32, #tpu.memory_space<vmem>> -> memref<1x128xi32, #tpu.memory_space<vmem>>
        %dma_start3A_159 = tpu.memref_squeeze %dma_start3A_158 : memref<1x128xi32, #tpu.memory_space<vmem>> -> memref<128xi32, #tpu.memory_space<vmem>>
        %dma_start3A_160 = arith.constant 0 : i32
        %dma_start3A_161 = arith.constant 0 : i32
        %dma_start3A_162 = tpu.memref_slice %arg3[%dma_start3A_160, %dma_start3A_161] : memref<10000x128xf32, #tpu.memory_space<hbm>> -> memref<10000x128xf32, #tpu.memory_space<hbm>>
        tpu.enqueue_indirect_dma source(%dma_start3A_162 : memref<10000x128xf32, #tpu.memory_space<hbm>>) target(%arg10 : memref<128x128xf32, #tpu.memory_space<vmem>>) offsets(%dma_start3A_159 : memref<128xi32, #tpu.memory_space<vmem>>) semaphore(%arg12 : memref<!tpu.dma_semaphore, #tpu.memory_space<semaphore_mem>>)
      } else {
      }
      %dma_wait3A_133 = arith.constant 0 : i32
      %dma_wait3A_134 = arith.constant 0 : i32
      %dma_wait3A_135 = tpu.memref_slice %arg9[%dma_wait3A_133, %dma_wait3A_134] : memref<2x128xi32, #tpu.memory_space<vmem>> -> memref<1x128xi32, #tpu.memory_space<vmem>>
      %dma_wait3A_136 = tpu.memref_squeeze %dma_wait3A_135 : memref<1x128xi32, #tpu.memory_space<vmem>> -> memref<128xi32, #tpu.memory_space<vmem>>
      %dma_wait3A_137 = arith.constant 0 : i32
      %dma_wait3A_138 = arith.constant 0 : i32
      %dma_wait3A_139 = tpu.memref_slice %arg3[%dma_wait3A_137, %dma_wait3A_138] : memref<10000x128xf32, #tpu.memory_space<hbm>> -> memref<10000x128xf32, #tpu.memory_space<hbm>>
      tpu.wait_indirect_dma semaphore(%arg13 : memref<!tpu.dma_semaphore, #tpu.memory_space<semaphore_mem>>) src(%dma_wait3A_139 : memref<10000x128xf32, #tpu.memory_space<hbm>>) dst(%arg11 : memref<128x128xf32, #tpu.memory_space<vmem>>)
      %dma_start3A_140 = arith.constant 1 : i32
      %dma_start3A_141 = arith.constant 0 : i32
      %dma_start3A_142 = tpu.memref_slice %arg9[%dma_start3A_140, %dma_start3A_141] : memref<2x128xi32, #tpu.memory_space<vmem>> -> memref<1x128xi32, #tpu.memory_space<vmem>>
      %dma_start3A_143 = tpu.memref_squeeze %dma_start3A_142 : memref<1x128xi32, #tpu.memory_space<vmem>> -> memref<128xi32, #tpu.memory_space<vmem>>
      %dma_start3A_144 = arith.constant 0 : i32
      %dma_start3A_145 = arith.constant 0 : i32
      %dma_start3A_146 = tpu.memref_slice %arg7[%dma_start3A_144, %dma_start3A_145] : memref<10000x128xf32, #tpu.memory_space<vmem_shared>> -> memref<10000x128xf32, #tpu.memory_space<vmem_shared>>
      tpu.enqueue_indirect_dma source(%arg11 : memref<128x128xf32, #tpu.memory_space<vmem>>) target(%dma_start3A_146 : memref<10000x128xf32, #tpu.memory_space<vmem_shared>>) offsets(%dma_start3A_143 : memref<128xi32, #tpu.memory_space<vmem>>) semaphore(%arg15 : memref<!tpu.dma_semaphore, #tpu.memory_space<semaphore_mem>>) {add = true}
    }
    %scan3A_19 = arith.constant 39 : i32
    %dma_wait3A = arith.constant 1 : i32
    %dma_wait3A_20 = arith.constant 0 : i32
    %dma_wait3A_21 = tpu.memref_slice %arg8[%dma_wait3A, %dma_wait3A_20] : memref<2x128xi32, #tpu.memory_space<vmem>> -> memref<1x128xi32, #tpu.memory_space<vmem>>
    %dma_wait3A_22 = tpu.memref_squeeze %dma_wait3A_21 : memref<1x128xi32, #tpu.memory_space<vmem>> -> memref<128xi32, #tpu.memory_space<vmem>>
    %dma_wait3A_23 = arith.constant 0 : i32
    %dma_wait3A_24 = arith.constant 0 : i32
    %dma_wait3A_25 = tpu.memref_slice %arg7[%dma_wait3A_23, %dma_wait3A_24] : memref<10000x128xf32, #tpu.memory_space<vmem_shared>> -> memref<10000x128xf32, #tpu.memory_space<vmem_shared>>
    tpu.wait_indirect_dma semaphore(%arg14 : memref<!tpu.dma_semaphore, #tpu.memory_space<semaphore_mem>>) src(%arg10 : memref<128x128xf32, #tpu.memory_space<vmem>>) dst(%dma_wait3A_25 : memref<10000x128xf32, #tpu.memory_space<vmem_shared>>)
    %dma_wait3A_26 = arith.constant 1 : i32
    %dma_wait3A_27 = arith.constant 0 : i32
    %dma_wait3A_28 = tpu.memref_slice %arg9[%dma_wait3A_26, %dma_wait3A_27] : memref<2x128xi32, #tpu.memory_space<vmem>> -> memref<1x128xi32, #tpu.memory_space<vmem>>
    %dma_wait3A_29 = tpu.memref_squeeze %dma_wait3A_28 : memref<1x128xi32, #tpu.memory_space<vmem>> -> memref<128xi32, #tpu.memory_space<vmem>>
    %dma_wait3A_30 = arith.constant 0 : i32
    %dma_wait3A_31 = arith.constant 0 : i32
    %dma_wait3A_32 = tpu.memref_slice %arg7[%dma_wait3A_30, %dma_wait3A_31] : memref<10000x128xf32, #tpu.memory_space<vmem_shared>> -> memref<10000x128xf32, #tpu.memory_space<vmem_shared>>
    tpu.wait_indirect_dma semaphore(%arg15 : memref<!tpu.dma_semaphore, #tpu.memory_space<semaphore_mem>>) src(%arg11 : memref<128x128xf32, #tpu.memory_space<vmem>>) dst(%dma_wait3A_32 : memref<10000x128xf32, #tpu.memory_space<vmem_shared>>)
    %lt3A = arith.constant 2 : i32
    %lt3A_33 = arith.cmpi slt, %arg1, %lt3A : i32
    %convert_element_type3A_34 = arith.extui %lt3A_33 : i1 to i32
    %cond3A_35 = arith.constant 0 : i32
    %cond3A_36 = arith.cmpi ne, %convert_element_type3A_34, %cond3A_35 : i32
    scf.if %cond3A_36 {
      %add3A_97 = arith.constant 78 : i32
      %add3A_98 = arith.addi %add3A_6, %add3A_97 : i32
      "tpu.region"() ({
        %run_scoped3A_113 = tpu.sem_alloc : memref<!tpu.dma_semaphore, #tpu.memory_space<semaphore_mem>>
        %dma_start3A_114 = arith.constant 0 : i32
        %dma_start3A_115 = arith.constant 0 : i32
        %dma_start3A_116 = tpu.memref_slice %arg2[%add3A_98, %dma_start3A_114, %dma_start3A_115] : memref<2500x2x128xi32, #tpu.memory_space<hbm>> -> memref<1x2x128xi32, #tpu.memory_space<hbm>>
        %dma_start3A_117 = tpu.memref_squeeze %dma_start3A_116 : memref<1x2x128xi32, #tpu.memory_space<hbm>> -> memref<2x128xi32, #tpu.memory_space<hbm>>
        %dma_start3A_118 = arith.constant 0 : i32
        %dma_start3A_119 = arith.constant 0 : i32
        %dma_start3A_120 = tpu.memref_slice %arg2[%add3A_98, %dma_start3A_118, %dma_start3A_119] : memref<2500x2x128xi32, #tpu.memory_space<hbm>> -> memref<1x2x128xi32, #tpu.memory_space<hbm>>
        %dma_start3A_121 = tpu.memref_squeeze %dma_start3A_120 : memref<1x2x128xi32, #tpu.memory_space<hbm>> -> memref<2x128xi32, #tpu.memory_space<hbm>>
        tpu.enqueue_dma source(%dma_start3A_121 : memref<2x128xi32, #tpu.memory_space<hbm>>) target(%arg8 : memref<2x128xi32, #tpu.memory_space<vmem>>) target_semaphore(%run_scoped3A_113 : memref<!tpu.dma_semaphore, #tpu.memory_space<semaphore_mem>>)
        %dma_wait3A_122 = arith.constant 0 : i32
        %dma_wait3A_123 = arith.constant 0 : i32
        %dma_wait3A_124 = tpu.memref_slice %arg2[%add3A_98, %dma_wait3A_122, %dma_wait3A_123] : memref<2500x2x128xi32, #tpu.memory_space<hbm>> -> memref<1x2x128xi32, #tpu.memory_space<hbm>>
        %dma_wait3A_125 = tpu.memref_squeeze %dma_wait3A_124 : memref<1x2x128xi32, #tpu.memory_space<hbm>> -> memref<2x128xi32, #tpu.memory_space<hbm>>
        %dma_wait3A_126 = arith.constant 0 : i32
        %dma_wait3A_127 = arith.constant 0 : i32
        %dma_wait3A_128 = tpu.memref_slice %arg2[%add3A_98, %dma_wait3A_126, %dma_wait3A_127] : memref<2500x2x128xi32, #tpu.memory_space<hbm>> -> memref<1x2x128xi32, #tpu.memory_space<hbm>>
        %dma_wait3A_129 = tpu.memref_squeeze %dma_wait3A_128 : memref<1x2x128xi32, #tpu.memory_space<hbm>> -> memref<2x128xi32, #tpu.memory_space<hbm>>
        tpu.wait_dma2 semaphore(%run_scoped3A_113 : memref<!tpu.dma_semaphore, #tpu.memory_space<semaphore_mem>>) src(%dma_wait3A_129 : memref<2x128xi32, #tpu.memory_space<hbm>>) dst(%arg8 : memref<2x128xi32, #tpu.memory_space<vmem>>)
        tpu.yield
      }) : () -> ()
      %dma_start3A_99 = arith.constant 0 : i32
      %dma_start3A_100 = arith.constant 0 : i32
      %dma_start3A_101 = tpu.memref_slice %arg8[%dma_start3A_99, %dma_start3A_100] : memref<2x128xi32, #tpu.memory_space<vmem>> -> memref<1x128xi32, #tpu.memory_space<vmem>>
      %dma_start3A_102 = tpu.memref_squeeze %dma_start3A_101 : memref<1x128xi32, #tpu.memory_space<vmem>> -> memref<128xi32, #tpu.memory_space<vmem>>
      %dma_start3A_103 = arith.constant 0 : i32
      %dma_start3A_104 = arith.constant 0 : i32
      %dma_start3A_105 = tpu.memref_slice %arg3[%dma_start3A_103, %dma_start3A_104] : memref<10000x128xf32, #tpu.memory_space<hbm>> -> memref<10000x128xf32, #tpu.memory_space<hbm>>
      tpu.enqueue_indirect_dma source(%dma_start3A_105 : memref<10000x128xf32, #tpu.memory_space<hbm>>) target(%arg10 : memref<128x128xf32, #tpu.memory_space<vmem>>) offsets(%dma_start3A_102 : memref<128xi32, #tpu.memory_space<vmem>>) semaphore(%arg12 : memref<!tpu.dma_semaphore, #tpu.memory_space<semaphore_mem>>)
      %dma_wait3A_106 = arith.constant 0 : i32
      %dma_wait3A_107 = arith.constant 0 : i32
      %dma_wait3A_108 = tpu.memref_slice %arg8[%dma_wait3A_106, %dma_wait3A_107] : memref<2x128xi32, #tpu.memory_space<vmem>> -> memref<1x128xi32, #tpu.memory_space<vmem>>
      %dma_wait3A_109 = tpu.memref_squeeze %dma_wait3A_108 : memref<1x128xi32, #tpu.memory_space<vmem>> -> memref<128xi32, #tpu.memory_space<vmem>>
      %dma_wait3A_110 = arith.constant 0 : i32
      %dma_wait3A_111 = arith.constant 0 : i32
      %dma_wait3A_112 = tpu.memref_slice %arg3[%dma_wait3A_110, %dma_wait3A_111] : memref<10000x128xf32, #tpu.memory_space<hbm>> -> memref<10000x128xf32, #tpu.memory_space<hbm>>
      tpu.wait_indirect_dma semaphore(%arg12 : memref<!tpu.dma_semaphore, #tpu.memory_space<semaphore_mem>>) src(%dma_wait3A_112 : memref<10000x128xf32, #tpu.memory_space<hbm>>) dst(%arg10 : memref<128x128xf32, #tpu.memory_space<vmem>>)
      %run_scoped3A = arith.constant 1 : i32
      "tpu.region"() ({
        %run_scoped3A_113 = tpu.sem_alloc : memref<!tpu.dma_semaphore, #tpu.memory_space<semaphore_mem>>
        %dma_start3A_114 = arith.constant 0 : i32
        %dma_start3A_115 = tpu.memref_slice %arg8[%run_scoped3A, %dma_start3A_114] : memref<2x128xi32, #tpu.memory_space<vmem>> -> memref<1x128xi32, #tpu.memory_space<vmem>>
        %dma_start3A_116 = tpu.memref_squeeze %dma_start3A_115 : memref<1x128xi32, #tpu.memory_space<vmem>> -> memref<128xi32, #tpu.memory_space<vmem>>
        %dma_start3A_117 = arith.constant 0 : i32
        %dma_start3A_118 = arith.constant 0 : i32
        %dma_start3A_119 = tpu.memref_slice %arg7[%dma_start3A_117, %dma_start3A_118] : memref<10000x128xf32, #tpu.memory_space<vmem_shared>> -> memref<10000x128xf32, #tpu.memory_space<vmem_shared>>
        tpu.enqueue_indirect_dma source(%arg10 : memref<128x128xf32, #tpu.memory_space<vmem>>) target(%dma_start3A_119 : memref<10000x128xf32, #tpu.memory_space<vmem_shared>>) offsets(%dma_start3A_116 : memref<128xi32, #tpu.memory_space<vmem>>) semaphore(%run_scoped3A_113 : memref<!tpu.dma_semaphore, #tpu.memory_space<semaphore_mem>>) {add = true}
        %dma_wait3A_120 = arith.constant 0 : i32
        %dma_wait3A_121 = tpu.memref_slice %arg8[%run_scoped3A, %dma_wait3A_120] : memref<2x128xi32, #tpu.memory_space<vmem>> -> memref<1x128xi32, #tpu.memory_space<vmem>>
        %dma_wait3A_122 = tpu.memref_squeeze %dma_wait3A_121 : memref<1x128xi32, #tpu.memory_space<vmem>> -> memref<128xi32, #tpu.memory_space<vmem>>
        %dma_wait3A_123 = arith.constant 0 : i32
        %dma_wait3A_124 = arith.constant 0 : i32
        %dma_wait3A_125 = tpu.memref_slice %arg7[%dma_wait3A_123, %dma_wait3A_124] : memref<10000x128xf32, #tpu.memory_space<vmem_shared>> -> memref<10000x128xf32, #tpu.memory_space<vmem_shared>>
        tpu.wait_indirect_dma semaphore(%run_scoped3A_113 : memref<!tpu.dma_semaphore, #tpu.memory_space<semaphore_mem>>) src(%arg10 : memref<128x128xf32, #tpu.memory_space<vmem>>) dst(%dma_wait3A_125 : memref<10000x128xf32, #tpu.memory_space<vmem_shared>>)
        tpu.yield
      }) : () -> ()
    } else {
    }
    %barrier3A_37 = arith.constant 0 : index
    tpu.barrier barrier_id(%barrier3A_37)
    %mul3A_38 = arith.constant 2 : i32
    %mul3A_39 = arith.muli %arg0, %mul3A_38 : i32
    %add3A_40 = arith.constant 0 : i32
    %add3A_41 = arith.addi %mul3A_39, %add3A_40 : i32
    "tpu.region"() ({
      %run_scoped3A = tpu.sem_alloc : memref<!tpu.dma_semaphore, #tpu.memory_space<semaphore_mem>>
      %dma_start3A_97 = arith.constant 0 : i32
      %dma_start3A_98 = tpu.memref_slice %arg6[%add3A_41, %mul3A_0, %dma_start3A_97] : memref<4x10000x128xf32, #tpu.memory_space<hbm>> -> memref<1x624x128xf32, #tpu.memory_space<hbm>>
      %dma_start3A_99 = tpu.memref_squeeze %dma_start3A_98 : memref<1x624x128xf32, #tpu.memory_space<hbm>> -> memref<624x128xf32, #tpu.memory_space<hbm>>
      %dma_start3A_100 = arith.constant 0 : i32
      %dma_start3A_101 = tpu.memref_slice %arg7[%mul3A_0, %dma_start3A_100] : memref<10000x128xf32, #tpu.memory_space<vmem_shared>> -> memref<624x128xf32, #tpu.memory_space<vmem_shared>>
      tpu.enqueue_dma source(%dma_start3A_101 : memref<624x128xf32, #tpu.memory_space<vmem_shared>>) target(%dma_start3A_99 : memref<624x128xf32, #tpu.memory_space<hbm>>) target_semaphore(%run_scoped3A : memref<!tpu.dma_semaphore, #tpu.memory_space<semaphore_mem>>)
      %dma_wait3A_102 = arith.constant 0 : i32
      %dma_wait3A_103 = tpu.memref_slice %arg6[%add3A_41, %mul3A_0, %dma_wait3A_102] : memref<4x10000x128xf32, #tpu.memory_space<hbm>> -> memref<1x624x128xf32, #tpu.memory_space<hbm>>
      %dma_wait3A_104 = tpu.memref_squeeze %dma_wait3A_103 : memref<1x624x128xf32, #tpu.memory_space<hbm>> -> memref<624x128xf32, #tpu.memory_space<hbm>>
      %dma_wait3A_105 = arith.constant 0 : i32
      %dma_wait3A_106 = tpu.memref_slice %arg7[%mul3A_0, %dma_wait3A_105] : memref<10000x128xf32, #tpu.memory_space<vmem_shared>> -> memref<624x128xf32, #tpu.memory_space<vmem_shared>>
      tpu.wait_dma2 semaphore(%run_scoped3A : memref<!tpu.dma_semaphore, #tpu.memory_space<semaphore_mem>>) src(%dma_wait3A_106 : memref<624x128xf32, #tpu.memory_space<vmem_shared>>) dst(%dma_wait3A_104 : memref<624x128xf32, #tpu.memory_space<hbm>>)
      tpu.yield
    }) : () -> ()
    %eq3A_42 = arith.constant 15 : i32
    %eq3A_43 = arith.cmpi eq, %arg1, %eq3A_42 : i32
    %convert_element_type3A_44 = arith.extui %eq3A_43 : i1 to i32
    %cond3A_45 = arith.constant 0 : i32
    %cond3A_46 = arith.cmpi ne, %convert_element_type3A_44, %cond3A_45 : i32
    scf.if %cond3A_46 {
      "tpu.region"() ({
        %run_scoped3A = tpu.sem_alloc : memref<!tpu.dma_semaphore, #tpu.memory_space<semaphore_mem>>
        %dma_start3A_97 = arith.constant 9984 : i32
        %dma_start3A_98 = arith.constant 0 : i32
        %dma_start3A_99 = tpu.memref_slice %arg6[%add3A_41, %dma_start3A_97, %dma_start3A_98] : memref<4x10000x128xf32, #tpu.memory_space<hbm>> -> memref<1x16x128xf32, #tpu.memory_space<hbm>>
        %dma_start3A_100 = tpu.memref_squeeze %dma_start3A_99 : memref<1x16x128xf32, #tpu.memory_space<hbm>> -> memref<16x128xf32, #tpu.memory_space<hbm>>
        %dma_start3A_101 = arith.constant 9984 : i32
        %dma_start3A_102 = arith.constant 0 : i32
        %dma_start3A_103 = tpu.memref_slice %arg7[%dma_start3A_101, %dma_start3A_102] : memref<10000x128xf32, #tpu.memory_space<vmem_shared>> -> memref<16x128xf32, #tpu.memory_space<vmem_shared>>
        tpu.enqueue_dma source(%dma_start3A_103 : memref<16x128xf32, #tpu.memory_space<vmem_shared>>) target(%dma_start3A_100 : memref<16x128xf32, #tpu.memory_space<hbm>>) target_semaphore(%run_scoped3A : memref<!tpu.dma_semaphore, #tpu.memory_space<semaphore_mem>>)
        %dma_wait3A_104 = arith.constant 9984 : i32
        %dma_wait3A_105 = arith.constant 0 : i32
        %dma_wait3A_106 = tpu.memref_slice %arg6[%add3A_41, %dma_wait3A_104, %dma_wait3A_105] : memref<4x10000x128xf32, #tpu.memory_space<hbm>> -> memref<1x16x128xf32, #tpu.memory_space<hbm>>
        %dma_wait3A_107 = tpu.memref_squeeze %dma_wait3A_106 : memref<1x16x128xf32, #tpu.memory_space<hbm>> -> memref<16x128xf32, #tpu.memory_space<hbm>>
        %dma_wait3A_108 = arith.constant 9984 : i32
        %dma_wait3A_109 = arith.constant 0 : i32
        %dma_wait3A_110 = tpu.memref_slice %arg7[%dma_wait3A_108, %dma_wait3A_109] : memref<10000x128xf32, #tpu.memory_space<vmem_shared>> -> memref<16x128xf32, #tpu.memory_space<vmem_shared>>
        tpu.wait_dma2 semaphore(%run_scoped3A : memref<!tpu.dma_semaphore, #tpu.memory_space<semaphore_mem>>) src(%dma_wait3A_110 : memref<16x128xf32, #tpu.memory_space<vmem_shared>>) dst(%dma_wait3A_107 : memref<16x128xf32, #tpu.memory_space<hbm>>)
        tpu.yield
      }) : () -> ()
    } else {
    }
    %barrier3A_47 = arith.constant 0 : index
    tpu.barrier barrier_id(%barrier3A_47)
    "tpu.region"() ({
      %run_scoped3A = tpu.sem_alloc : memref<!tpu.dma_semaphore, #tpu.memory_space<semaphore_mem>>
      %dma_start3A_97 = arith.constant 0 : i32
      %dma_start3A_98 = tpu.memref_slice %arg7[%mul3A_0, %dma_start3A_97] : memref<10000x128xf32, #tpu.memory_space<vmem_shared>> -> memref<624x128xf32, #tpu.memory_space<vmem_shared>>
      %dma_start3A_99 = arith.constant 0 : i32
      %dma_start3A_100 = tpu.memref_slice %arg5[%mul3A_0, %dma_start3A_99] : memref<10000x128xf32, #tpu.memory_space<hbm>> -> memref<624x128xf32, #tpu.memory_space<hbm>>
      tpu.enqueue_dma source(%dma_start3A_100 : memref<624x128xf32, #tpu.memory_space<hbm>>) target(%dma_start3A_98 : memref<624x128xf32, #tpu.memory_space<vmem_shared>>) target_semaphore(%run_scoped3A : memref<!tpu.dma_semaphore, #tpu.memory_space<semaphore_mem>>)
      %dma_wait3A_101 = arith.constant 0 : i32
      %dma_wait3A_102 = tpu.memref_slice %arg7[%mul3A_0, %dma_wait3A_101] : memref<10000x128xf32, #tpu.memory_space<vmem_shared>> -> memref<624x128xf32, #tpu.memory_space<vmem_shared>>
      %dma_wait3A_103 = arith.constant 0 : i32
      %dma_wait3A_104 = tpu.memref_slice %arg5[%mul3A_0, %dma_wait3A_103] : memref<10000x128xf32, #tpu.memory_space<hbm>> -> memref<624x128xf32, #tpu.memory_space<hbm>>
      tpu.wait_dma2 semaphore(%run_scoped3A : memref<!tpu.dma_semaphore, #tpu.memory_space<semaphore_mem>>) src(%dma_wait3A_104 : memref<624x128xf32, #tpu.memory_space<hbm>>) dst(%dma_wait3A_102 : memref<624x128xf32, #tpu.memory_space<vmem_shared>>)
      tpu.yield
    }) : () -> ()
    %eq3A_48 = arith.constant 15 : i32
    %eq3A_49 = arith.cmpi eq, %arg1, %eq3A_48 : i32
    %convert_element_type3A_50 = arith.extui %eq3A_49 : i1 to i32
    %cond3A_51 = arith.constant 0 : i32
    %cond3A_52 = arith.cmpi ne, %convert_element_type3A_50, %cond3A_51 : i32
    scf.if %cond3A_52 {
      "tpu.region"() ({
        %run_scoped3A = tpu.sem_alloc : memref<!tpu.dma_semaphore, #tpu.memory_space<semaphore_mem>>
        %dma_start3A_97 = arith.constant 9984 : i32
        %dma_start3A_98 = arith.constant 0 : i32
        %dma_start3A_99 = tpu.memref_slice %arg7[%dma_start3A_97, %dma_start3A_98] : memref<10000x128xf32, #tpu.memory_space<vmem_shared>> -> memref<16x128xf32, #tpu.memory_space<vmem_shared>>
        %dma_start3A_100 = arith.constant 9984 : i32
        %dma_start3A_101 = arith.constant 0 : i32
        %dma_start3A_102 = tpu.memref_slice %arg5[%dma_start3A_100, %dma_start3A_101] : memref<10000x128xf32, #tpu.memory_space<hbm>> -> memref<16x128xf32, #tpu.memory_space<hbm>>
        tpu.enqueue_dma source(%dma_start3A_102 : memref<16x128xf32, #tpu.memory_space<hbm>>) target(%dma_start3A_99 : memref<16x128xf32, #tpu.memory_space<vmem_shared>>) target_semaphore(%run_scoped3A : memref<!tpu.dma_semaphore, #tpu.memory_space<semaphore_mem>>)
        %dma_wait3A_103 = arith.constant 9984 : i32
        %dma_wait3A_104 = arith.constant 0 : i32
        %dma_wait3A_105 = tpu.memref_slice %arg7[%dma_wait3A_103, %dma_wait3A_104] : memref<10000x128xf32, #tpu.memory_space<vmem_shared>> -> memref<16x128xf32, #tpu.memory_space<vmem_shared>>
        %dma_wait3A_106 = arith.constant 9984 : i32
        %dma_wait3A_107 = arith.constant 0 : i32
        %dma_wait3A_108 = tpu.memref_slice %arg5[%dma_wait3A_106, %dma_wait3A_107] : memref<10000x128xf32, #tpu.memory_space<hbm>> -> memref<16x128xf32, #tpu.memory_space<hbm>>
        tpu.wait_dma2 semaphore(%run_scoped3A : memref<!tpu.dma_semaphore, #tpu.memory_space<semaphore_mem>>) src(%dma_wait3A_108 : memref<16x128xf32, #tpu.memory_space<hbm>>) dst(%dma_wait3A_105 : memref<16x128xf32, #tpu.memory_space<vmem_shared>>)
        tpu.yield
      }) : () -> ()
    } else {
    }
    %barrier3A_53 = arith.constant 0 : index
    tpu.barrier barrier_id(%barrier3A_53)
    "tpu.region"() ({
      %run_scoped3A = tpu.sem_alloc : memref<!tpu.dma_semaphore, #tpu.memory_space<semaphore_mem>>
      %dma_start3A_97 = arith.constant 0 : i32
      %dma_start3A_98 = arith.constant 0 : i32
      %dma_start3A_99 = tpu.memref_slice %arg2[%add3A_6, %dma_start3A_97, %dma_start3A_98] : memref<2500x2x128xi32, #tpu.memory_space<hbm>> -> memref<1x2x128xi32, #tpu.memory_space<hbm>>
      %dma_start3A_100 = tpu.memref_squeeze %dma_start3A_99 : memref<1x2x128xi32, #tpu.memory_space<hbm>> -> memref<2x128xi32, #tpu.memory_space<hbm>>
      %dma_start3A_101 = arith.constant 0 : i32
      %dma_start3A_102 = arith.constant 0 : i32
      %dma_start3A_103 = tpu.memref_slice %arg2[%add3A_6, %dma_start3A_101, %dma_start3A_102] : memref<2500x2x128xi32, #tpu.memory_space<hbm>> -> memref<1x2x128xi32, #tpu.memory_space<hbm>>
      %dma_start3A_104 = tpu.memref_squeeze %dma_start3A_103 : memref<1x2x128xi32, #tpu.memory_space<hbm>> -> memref<2x128xi32, #tpu.memory_space<hbm>>
      tpu.enqueue_dma source(%dma_start3A_104 : memref<2x128xi32, #tpu.memory_space<hbm>>) target(%arg8 : memref<2x128xi32, #tpu.memory_space<vmem>>) target_semaphore(%run_scoped3A : memref<!tpu.dma_semaphore, #tpu.memory_space<semaphore_mem>>)
      %dma_wait3A_105 = arith.constant 0 : i32
      %dma_wait3A_106 = arith.constant 0 : i32
      %dma_wait3A_107 = tpu.memref_slice %arg2[%add3A_6, %dma_wait3A_105, %dma_wait3A_106] : memref<2500x2x128xi32, #tpu.memory_space<hbm>> -> memref<1x2x128xi32, #tpu.memory_space<hbm>>
      %dma_wait3A_108 = tpu.memref_squeeze %dma_wait3A_107 : memref<1x2x128xi32, #tpu.memory_space<hbm>> -> memref<2x128xi32, #tpu.memory_space<hbm>>
      %dma_wait3A_109 = arith.constant 0 : i32
      %dma_wait3A_110 = arith.constant 0 : i32
      %dma_wait3A_111 = tpu.memref_slice %arg2[%add3A_6, %dma_wait3A_109, %dma_wait3A_110] : memref<2500x2x128xi32, #tpu.memory_space<hbm>> -> memref<1x2x128xi32, #tpu.memory_space<hbm>>
      %dma_wait3A_112 = tpu.memref_squeeze %dma_wait3A_111 : memref<1x2x128xi32, #tpu.memory_space<hbm>> -> memref<2x128xi32, #tpu.memory_space<hbm>>
      tpu.wait_dma2 semaphore(%run_scoped3A : memref<!tpu.dma_semaphore, #tpu.memory_space<semaphore_mem>>) src(%dma_wait3A_112 : memref<2x128xi32, #tpu.memory_space<hbm>>) dst(%arg8 : memref<2x128xi32, #tpu.memory_space<vmem>>)
      tpu.yield
    }) : () -> ()
    %dma_start3A_54 = arith.constant 0 : i32
    %dma_start3A_55 = arith.constant 0 : i32
    %dma_start3A_56 = tpu.memref_slice %arg8[%dma_start3A_54, %dma_start3A_55] : memref<2x128xi32, #tpu.memory_space<vmem>> -> memref<1x128xi32, #tpu.memory_space<vmem>>
    %dma_start3A_57 = tpu.memref_squeeze %dma_start3A_56 : memref<1x128xi32, #tpu.memory_space<vmem>> -> memref<128xi32, #tpu.memory_space<vmem>>
    %dma_start3A_58 = arith.constant 0 : i32
    %dma_start3A_59 = arith.constant 0 : i32
    %dma_start3A_60 = tpu.memref_slice %arg4[%dma_start3A_58, %dma_start3A_59] : memref<10000x128xf32, #tpu.memory_space<hbm>> -> memref<10000x128xf32, #tpu.memory_space<hbm>>
    tpu.enqueue_indirect_dma source(%dma_start3A_60 : memref<10000x128xf32, #tpu.memory_space<hbm>>) target(%arg10 : memref<128x128xf32, #tpu.memory_space<vmem>>) offsets(%dma_start3A_57 : memref<128xi32, #tpu.memory_space<vmem>>) semaphore(%arg12 : memref<!tpu.dma_semaphore, #tpu.memory_space<semaphore_mem>>)
    %scan3A_61 = arith.constant 0 : i32
    %scan3A_62 = arith.constant 0 : i32
    %scan3A_63 = arith.constant 39 : i32
    %scan3A_64 = arith.addi %scan3A_62, %scan3A_63 : i32
    %scan3A_65 = arith.constant 1 : i32
    scf.for %scan3A_97 = %scan3A_62 to %scan3A_64 step %scan3A_65  : i32 {
      %mul3A_98 = arith.constant 2 : i32
      %mul3A_99 = arith.muli %mul3A_98, %scan3A_97 : i32
      %add3A_100 = arith.addi %add3A_6, %mul3A_99 : i32
      %add3A_101 = arith.constant 1 : i32
      %add3A_102 = arith.addi %add3A_100, %add3A_101 : i32
      %gt3A = arith.constant 0 : i32
      %gt3A_103 = arith.cmpi sgt, %scan3A_97, %gt3A : i32
      %convert_element_type3A_104 = arith.extui %gt3A_103 : i1 to i32
      %cond3A_105 = arith.constant 0 : i32
      %cond3A_106 = arith.cmpi ne, %convert_element_type3A_104, %cond3A_105 : i32
      scf.if %cond3A_106 {
        %dma_wait3A_147 = arith.constant 1 : i32
        %dma_wait3A_148 = arith.constant 0 : i32
        %dma_wait3A_149 = tpu.memref_slice %arg9[%dma_wait3A_147, %dma_wait3A_148] : memref<2x128xi32, #tpu.memory_space<vmem>> -> memref<1x128xi32, #tpu.memory_space<vmem>>
        %dma_wait3A_150 = tpu.memref_squeeze %dma_wait3A_149 : memref<1x128xi32, #tpu.memory_space<vmem>> -> memref<128xi32, #tpu.memory_space<vmem>>
        %dma_wait3A_151 = arith.constant 0 : i32
        %dma_wait3A_152 = arith.constant 0 : i32
        %dma_wait3A_153 = tpu.memref_slice %arg7[%dma_wait3A_151, %dma_wait3A_152] : memref<10000x128xf32, #tpu.memory_space<vmem_shared>> -> memref<10000x128xf32, #tpu.memory_space<vmem_shared>>
        tpu.wait_indirect_dma semaphore(%arg15 : memref<!tpu.dma_semaphore, #tpu.memory_space<semaphore_mem>>) src(%arg11 : memref<128x128xf32, #tpu.memory_space<vmem>>) dst(%dma_wait3A_153 : memref<10000x128xf32, #tpu.memory_space<vmem_shared>>)
      } else {
      }
      "tpu.region"() ({
        %run_scoped3A = tpu.sem_alloc : memref<!tpu.dma_semaphore, #tpu.memory_space<semaphore_mem>>
        %dma_start3A_147 = arith.constant 0 : i32
        %dma_start3A_148 = arith.constant 0 : i32
        %dma_start3A_149 = tpu.memref_slice %arg2[%add3A_102, %dma_start3A_147, %dma_start3A_148] : memref<2500x2x128xi32, #tpu.memory_space<hbm>> -> memref<1x2x128xi32, #tpu.memory_space<hbm>>
        %dma_start3A_150 = tpu.memref_squeeze %dma_start3A_149 : memref<1x2x128xi32, #tpu.memory_space<hbm>> -> memref<2x128xi32, #tpu.memory_space<hbm>>
        %dma_start3A_151 = arith.constant 0 : i32
        %dma_start3A_152 = arith.constant 0 : i32
        %dma_start3A_153 = tpu.memref_slice %arg2[%add3A_102, %dma_start3A_151, %dma_start3A_152] : memref<2500x2x128xi32, #tpu.memory_space<hbm>> -> memref<1x2x128xi32, #tpu.memory_space<hbm>>
        %dma_start3A_154 = tpu.memref_squeeze %dma_start3A_153 : memref<1x2x128xi32, #tpu.memory_space<hbm>> -> memref<2x128xi32, #tpu.memory_space<hbm>>
        tpu.enqueue_dma source(%dma_start3A_154 : memref<2x128xi32, #tpu.memory_space<hbm>>) target(%arg9 : memref<2x128xi32, #tpu.memory_space<vmem>>) target_semaphore(%run_scoped3A : memref<!tpu.dma_semaphore, #tpu.memory_space<semaphore_mem>>)
        %dma_wait3A_155 = arith.constant 0 : i32
        %dma_wait3A_156 = arith.constant 0 : i32
        %dma_wait3A_157 = tpu.memref_slice %arg2[%add3A_102, %dma_wait3A_155, %dma_wait3A_156] : memref<2500x2x128xi32, #tpu.memory_space<hbm>> -> memref<1x2x128xi32, #tpu.memory_space<hbm>>
        %dma_wait3A_158 = tpu.memref_squeeze %dma_wait3A_157 : memref<1x2x128xi32, #tpu.memory_space<hbm>> -> memref<2x128xi32, #tpu.memory_space<hbm>>
        %dma_wait3A_159 = arith.constant 0 : i32
        %dma_wait3A_160 = arith.constant 0 : i32
        %dma_wait3A_161 = tpu.memref_slice %arg2[%add3A_102, %dma_wait3A_159, %dma_wait3A_160] : memref<2500x2x128xi32, #tpu.memory_space<hbm>> -> memref<1x2x128xi32, #tpu.memory_space<hbm>>
        %dma_wait3A_162 = tpu.memref_squeeze %dma_wait3A_161 : memref<1x2x128xi32, #tpu.memory_space<hbm>> -> memref<2x128xi32, #tpu.memory_space<hbm>>
        tpu.wait_dma2 semaphore(%run_scoped3A : memref<!tpu.dma_semaphore, #tpu.memory_space<semaphore_mem>>) src(%dma_wait3A_162 : memref<2x128xi32, #tpu.memory_space<hbm>>) dst(%arg9 : memref<2x128xi32, #tpu.memory_space<vmem>>)
        tpu.yield
      }) : () -> ()
      %dma_start3A_107 = arith.constant 0 : i32
      %dma_start3A_108 = arith.constant 0 : i32
      %dma_start3A_109 = tpu.memref_slice %arg9[%dma_start3A_107, %dma_start3A_108] : memref<2x128xi32, #tpu.memory_space<vmem>> -> memref<1x128xi32, #tpu.memory_space<vmem>>
      %dma_start3A_110 = tpu.memref_squeeze %dma_start3A_109 : memref<1x128xi32, #tpu.memory_space<vmem>> -> memref<128xi32, #tpu.memory_space<vmem>>
      %dma_start3A_111 = arith.constant 0 : i32
      %dma_start3A_112 = arith.constant 0 : i32
      %dma_start3A_113 = tpu.memref_slice %arg4[%dma_start3A_111, %dma_start3A_112] : memref<10000x128xf32, #tpu.memory_space<hbm>> -> memref<10000x128xf32, #tpu.memory_space<hbm>>
      tpu.enqueue_indirect_dma source(%dma_start3A_113 : memref<10000x128xf32, #tpu.memory_space<hbm>>) target(%arg11 : memref<128x128xf32, #tpu.memory_space<vmem>>) offsets(%dma_start3A_110 : memref<128xi32, #tpu.memory_space<vmem>>) semaphore(%arg13 : memref<!tpu.dma_semaphore, #tpu.memory_space<semaphore_mem>>)
      %dma_wait3A_114 = arith.constant 0 : i32
      %dma_wait3A_115 = arith.constant 0 : i32
      %dma_wait3A_116 = tpu.memref_slice %arg8[%dma_wait3A_114, %dma_wait3A_115] : memref<2x128xi32, #tpu.memory_space<vmem>> -> memref<1x128xi32, #tpu.memory_space<vmem>>
      %dma_wait3A_117 = tpu.memref_squeeze %dma_wait3A_116 : memref<1x128xi32, #tpu.memory_space<vmem>> -> memref<128xi32, #tpu.memory_space<vmem>>
      %dma_wait3A_118 = arith.constant 0 : i32
      %dma_wait3A_119 = arith.constant 0 : i32
      %dma_wait3A_120 = tpu.memref_slice %arg4[%dma_wait3A_118, %dma_wait3A_119] : memref<10000x128xf32, #tpu.memory_space<hbm>> -> memref<10000x128xf32, #tpu.memory_space<hbm>>
      tpu.wait_indirect_dma semaphore(%arg12 : memref<!tpu.dma_semaphore, #tpu.memory_space<semaphore_mem>>) src(%dma_wait3A_120 : memref<10000x128xf32, #tpu.memory_space<hbm>>) dst(%arg10 : memref<128x128xf32, #tpu.memory_space<vmem>>)
      %dma_start3A_121 = arith.constant 1 : i32
      %dma_start3A_122 = arith.constant 0 : i32
      %dma_start3A_123 = tpu.memref_slice %arg8[%dma_start3A_121, %dma_start3A_122] : memref<2x128xi32, #tpu.memory_space<vmem>> -> memref<1x128xi32, #tpu.memory_space<vmem>>
      %dma_start3A_124 = tpu.memref_squeeze %dma_start3A_123 : memref<1x128xi32, #tpu.memory_space<vmem>> -> memref<128xi32, #tpu.memory_space<vmem>>
      %dma_start3A_125 = arith.constant 0 : i32
      %dma_start3A_126 = arith.constant 0 : i32
      %dma_start3A_127 = tpu.memref_slice %arg7[%dma_start3A_125, %dma_start3A_126] : memref<10000x128xf32, #tpu.memory_space<vmem_shared>> -> memref<10000x128xf32, #tpu.memory_space<vmem_shared>>
      tpu.enqueue_indirect_dma source(%arg10 : memref<128x128xf32, #tpu.memory_space<vmem>>) target(%dma_start3A_127 : memref<10000x128xf32, #tpu.memory_space<vmem_shared>>) offsets(%dma_start3A_124 : memref<128xi32, #tpu.memory_space<vmem>>) semaphore(%arg14 : memref<!tpu.dma_semaphore, #tpu.memory_space<semaphore_mem>>) {add = true}
      %lt3A_128 = arith.constant 38 : i32
      %lt3A_129 = arith.cmpi slt, %scan3A_97, %lt3A_128 : i32
      %convert_element_type3A_130 = arith.extui %lt3A_129 : i1 to i32
      %cond3A_131 = arith.constant 0 : i32
      %cond3A_132 = arith.cmpi ne, %convert_element_type3A_130, %cond3A_131 : i32
      scf.if %cond3A_132 {
        %dma_wait3A_147 = arith.constant 1 : i32
        %dma_wait3A_148 = arith.constant 0 : i32
        %dma_wait3A_149 = tpu.memref_slice %arg8[%dma_wait3A_147, %dma_wait3A_148] : memref<2x128xi32, #tpu.memory_space<vmem>> -> memref<1x128xi32, #tpu.memory_space<vmem>>
        %dma_wait3A_150 = tpu.memref_squeeze %dma_wait3A_149 : memref<1x128xi32, #tpu.memory_space<vmem>> -> memref<128xi32, #tpu.memory_space<vmem>>
        %dma_wait3A_151 = arith.constant 0 : i32
        %dma_wait3A_152 = arith.constant 0 : i32
        %dma_wait3A_153 = tpu.memref_slice %arg7[%dma_wait3A_151, %dma_wait3A_152] : memref<10000x128xf32, #tpu.memory_space<vmem_shared>> -> memref<10000x128xf32, #tpu.memory_space<vmem_shared>>
        tpu.wait_indirect_dma semaphore(%arg14 : memref<!tpu.dma_semaphore, #tpu.memory_space<semaphore_mem>>) src(%arg10 : memref<128x128xf32, #tpu.memory_space<vmem>>) dst(%dma_wait3A_153 : memref<10000x128xf32, #tpu.memory_space<vmem_shared>>)
        %add3A_154 = arith.constant 2 : i32
        %add3A_155 = arith.addi %add3A_100, %add3A_154 : i32
        "tpu.region"() ({
          %run_scoped3A = tpu.sem_alloc : memref<!tpu.dma_semaphore, #tpu.memory_space<semaphore_mem>>
          %dma_start3A_163 = arith.constant 0 : i32
          %dma_start3A_164 = arith.constant 0 : i32
          %dma_start3A_165 = tpu.memref_slice %arg2[%add3A_155, %dma_start3A_163, %dma_start3A_164] : memref<2500x2x128xi32, #tpu.memory_space<hbm>> -> memref<1x2x128xi32, #tpu.memory_space<hbm>>
          %dma_start3A_166 = tpu.memref_squeeze %dma_start3A_165 : memref<1x2x128xi32, #tpu.memory_space<hbm>> -> memref<2x128xi32, #tpu.memory_space<hbm>>
          %dma_start3A_167 = arith.constant 0 : i32
          %dma_start3A_168 = arith.constant 0 : i32
          %dma_start3A_169 = tpu.memref_slice %arg2[%add3A_155, %dma_start3A_167, %dma_start3A_168] : memref<2500x2x128xi32, #tpu.memory_space<hbm>> -> memref<1x2x128xi32, #tpu.memory_space<hbm>>
          %dma_start3A_170 = tpu.memref_squeeze %dma_start3A_169 : memref<1x2x128xi32, #tpu.memory_space<hbm>> -> memref<2x128xi32, #tpu.memory_space<hbm>>
          tpu.enqueue_dma source(%dma_start3A_170 : memref<2x128xi32, #tpu.memory_space<hbm>>) target(%arg8 : memref<2x128xi32, #tpu.memory_space<vmem>>) target_semaphore(%run_scoped3A : memref<!tpu.dma_semaphore, #tpu.memory_space<semaphore_mem>>)
          %dma_wait3A_171 = arith.constant 0 : i32
          %dma_wait3A_172 = arith.constant 0 : i32
          %dma_wait3A_173 = tpu.memref_slice %arg2[%add3A_155, %dma_wait3A_171, %dma_wait3A_172] : memref<2500x2x128xi32, #tpu.memory_space<hbm>> -> memref<1x2x128xi32, #tpu.memory_space<hbm>>
          %dma_wait3A_174 = tpu.memref_squeeze %dma_wait3A_173 : memref<1x2x128xi32, #tpu.memory_space<hbm>> -> memref<2x128xi32, #tpu.memory_space<hbm>>
          %dma_wait3A_175 = arith.constant 0 : i32
          %dma_wait3A_176 = arith.constant 0 : i32
          %dma_wait3A_177 = tpu.memref_slice %arg2[%add3A_155, %dma_wait3A_175, %dma_wait3A_176] : memref<2500x2x128xi32, #tpu.memory_space<hbm>> -> memref<1x2x128xi32, #tpu.memory_space<hbm>>
          %dma_wait3A_178 = tpu.memref_squeeze %dma_wait3A_177 : memref<1x2x128xi32, #tpu.memory_space<hbm>> -> memref<2x128xi32, #tpu.memory_space<hbm>>
          tpu.wait_dma2 semaphore(%run_scoped3A : memref<!tpu.dma_semaphore, #tpu.memory_space<semaphore_mem>>) src(%dma_wait3A_178 : memref<2x128xi32, #tpu.memory_space<hbm>>) dst(%arg8 : memref<2x128xi32, #tpu.memory_space<vmem>>)
          tpu.yield
        }) : () -> ()
        %dma_start3A_156 = arith.constant 0 : i32
        %dma_start3A_157 = arith.constant 0 : i32
        %dma_start3A_158 = tpu.memref_slice %arg8[%dma_start3A_156, %dma_start3A_157] : memref<2x128xi32, #tpu.memory_space<vmem>> -> memref<1x128xi32, #tpu.memory_space<vmem>>
        %dma_start3A_159 = tpu.memref_squeeze %dma_start3A_158 : memref<1x128xi32, #tpu.memory_space<vmem>> -> memref<128xi32, #tpu.memory_space<vmem>>
        %dma_start3A_160 = arith.constant 0 : i32
        %dma_start3A_161 = arith.constant 0 : i32
        %dma_start3A_162 = tpu.memref_slice %arg4[%dma_start3A_160, %dma_start3A_161] : memref<10000x128xf32, #tpu.memory_space<hbm>> -> memref<10000x128xf32, #tpu.memory_space<hbm>>
        tpu.enqueue_indirect_dma source(%dma_start3A_162 : memref<10000x128xf32, #tpu.memory_space<hbm>>) target(%arg10 : memref<128x128xf32, #tpu.memory_space<vmem>>) offsets(%dma_start3A_159 : memref<128xi32, #tpu.memory_space<vmem>>) semaphore(%arg12 : memref<!tpu.dma_semaphore, #tpu.memory_space<semaphore_mem>>)
      } else {
      }
      %dma_wait3A_133 = arith.constant 0 : i32
      %dma_wait3A_134 = arith.constant 0 : i32
      %dma_wait3A_135 = tpu.memref_slice %arg9[%dma_wait3A_133, %dma_wait3A_134] : memref<2x128xi32, #tpu.memory_space<vmem>> -> memref<1x128xi32, #tpu.memory_space<vmem>>
      %dma_wait3A_136 = tpu.memref_squeeze %dma_wait3A_135 : memref<1x128xi32, #tpu.memory_space<vmem>> -> memref<128xi32, #tpu.memory_space<vmem>>
      %dma_wait3A_137 = arith.constant 0 : i32
      %dma_wait3A_138 = arith.constant 0 : i32
      %dma_wait3A_139 = tpu.memref_slice %arg4[%dma_wait3A_137, %dma_wait3A_138] : memref<10000x128xf32, #tpu.memory_space<hbm>> -> memref<10000x128xf32, #tpu.memory_space<hbm>>
      tpu.wait_indirect_dma semaphore(%arg13 : memref<!tpu.dma_semaphore, #tpu.memory_space<semaphore_mem>>) src(%dma_wait3A_139 : memref<10000x128xf32, #tpu.memory_space<hbm>>) dst(%arg11 : memref<128x128xf32, #tpu.memory_space<vmem>>)
      %dma_start3A_140 = arith.constant 1 : i32
      %dma_start3A_141 = arith.constant 0 : i32
      %dma_start3A_142 = tpu.memref_slice %arg9[%dma_start3A_140, %dma_start3A_141] : memref<2x128xi32, #tpu.memory_space<vmem>> -> memref<1x128xi32, #tpu.memory_space<vmem>>
      %dma_start3A_143 = tpu.memref_squeeze %dma_start3A_142 : memref<1x128xi32, #tpu.memory_space<vmem>> -> memref<128xi32, #tpu.memory_space<vmem>>
      %dma_start3A_144 = arith.constant 0 : i32
      %dma_start3A_145 = arith.constant 0 : i32
      %dma_start3A_146 = tpu.memref_slice %arg7[%dma_start3A_144, %dma_start3A_145] : memref<10000x128xf32, #tpu.memory_space<vmem_shared>> -> memref<10000x128xf32, #tpu.memory_space<vmem_shared>>
      tpu.enqueue_indirect_dma source(%arg11 : memref<128x128xf32, #tpu.memory_space<vmem>>) target(%dma_start3A_146 : memref<10000x128xf32, #tpu.memory_space<vmem_shared>>) offsets(%dma_start3A_143 : memref<128xi32, #tpu.memory_space<vmem>>) semaphore(%arg15 : memref<!tpu.dma_semaphore, #tpu.memory_space<semaphore_mem>>) {add = true}
    }
    %scan3A_66 = arith.constant 39 : i32
    %dma_wait3A_67 = arith.constant 1 : i32
    %dma_wait3A_68 = arith.constant 0 : i32
    %dma_wait3A_69 = tpu.memref_slice %arg8[%dma_wait3A_67, %dma_wait3A_68] : memref<2x128xi32, #tpu.memory_space<vmem>> -> memref<1x128xi32, #tpu.memory_space<vmem>>
    %dma_wait3A_70 = tpu.memref_squeeze %dma_wait3A_69 : memref<1x128xi32, #tpu.memory_space<vmem>> -> memref<128xi32, #tpu.memory_space<vmem>>
    %dma_wait3A_71 = arith.constant 0 : i32
    %dma_wait3A_72 = arith.constant 0 : i32
    %dma_wait3A_73 = tpu.memref_slice %arg7[%dma_wait3A_71, %dma_wait3A_72] : memref<10000x128xf32, #tpu.memory_space<vmem_shared>> -> memref<10000x128xf32, #tpu.memory_space<vmem_shared>>
    tpu.wait_indirect_dma semaphore(%arg14 : memref<!tpu.dma_semaphore, #tpu.memory_space<semaphore_mem>>) src(%arg10 : memref<128x128xf32, #tpu.memory_space<vmem>>) dst(%dma_wait3A_73 : memref<10000x128xf32, #tpu.memory_space<vmem_shared>>)
    %dma_wait3A_74 = arith.constant 1 : i32
    %dma_wait3A_75 = arith.constant 0 : i32
    %dma_wait3A_76 = tpu.memref_slice %arg9[%dma_wait3A_74, %dma_wait3A_75] : memref<2x128xi32, #tpu.memory_space<vmem>> -> memref<1x128xi32, #tpu.memory_space<vmem>>
    %dma_wait3A_77 = tpu.memref_squeeze %dma_wait3A_76 : memref<1x128xi32, #tpu.memory_space<vmem>> -> memref<128xi32, #tpu.memory_space<vmem>>
    %dma_wait3A_78 = arith.constant 0 : i32
    %dma_wait3A_79 = arith.constant 0 : i32
    %dma_wait3A_80 = tpu.memref_slice %arg7[%dma_wait3A_78, %dma_wait3A_79] : memref<10000x128xf32, #tpu.memory_space<vmem_shared>> -> memref<10000x128xf32, #tpu.memory_space<vmem_shared>>
    tpu.wait_indirect_dma semaphore(%arg15 : memref<!tpu.dma_semaphore, #tpu.memory_space<semaphore_mem>>) src(%arg11 : memref<128x128xf32, #tpu.memory_space<vmem>>) dst(%dma_wait3A_80 : memref<10000x128xf32, #tpu.memory_space<vmem_shared>>)
    %lt3A_81 = arith.constant 2 : i32
    %lt3A_82 = arith.cmpi slt, %arg1, %lt3A_81 : i32
    %convert_element_type3A_83 = arith.extui %lt3A_82 : i1 to i32
    %cond3A_84 = arith.constant 0 : i32
    %cond3A_85 = arith.cmpi ne, %convert_element_type3A_83, %cond3A_84 : i32
    scf.if %cond3A_85 {
      %add3A_97 = arith.constant 78 : i32
      %add3A_98 = arith.addi %add3A_6, %add3A_97 : i32
      "tpu.region"() ({
        %run_scoped3A_113 = tpu.sem_alloc : memref<!tpu.dma_semaphore, #tpu.memory_space<semaphore_mem>>
        %dma_start3A_114 = arith.constant 0 : i32
        %dma_start3A_115 = arith.constant 0 : i32
        %dma_start3A_116 = tpu.memref_slice %arg2[%add3A_98, %dma_start3A_114, %dma_start3A_115] : memref<2500x2x128xi32, #tpu.memory_space<hbm>> -> memref<1x2x128xi32, #tpu.memory_space<hbm>>
        %dma_start3A_117 = tpu.memref_squeeze %dma_start3A_116 : memref<1x2x128xi32, #tpu.memory_space<hbm>> -> memref<2x128xi32, #tpu.memory_space<hbm>>
        %dma_start3A_118 = arith.constant 0 : i32
        %dma_start3A_119 = arith.constant 0 : i32
        %dma_start3A_120 = tpu.memref_slice %arg2[%add3A_98, %dma_start3A_118, %dma_start3A_119] : memref<2500x2x128xi32, #tpu.memory_space<hbm>> -> memref<1x2x128xi32, #tpu.memory_space<hbm>>
        %dma_start3A_121 = tpu.memref_squeeze %dma_start3A_120 : memref<1x2x128xi32, #tpu.memory_space<hbm>> -> memref<2x128xi32, #tpu.memory_space<hbm>>
        tpu.enqueue_dma source(%dma_start3A_121 : memref<2x128xi32, #tpu.memory_space<hbm>>) target(%arg8 : memref<2x128xi32, #tpu.memory_space<vmem>>) target_semaphore(%run_scoped3A_113 : memref<!tpu.dma_semaphore, #tpu.memory_space<semaphore_mem>>)
        %dma_wait3A_122 = arith.constant 0 : i32
        %dma_wait3A_123 = arith.constant 0 : i32
        %dma_wait3A_124 = tpu.memref_slice %arg2[%add3A_98, %dma_wait3A_122, %dma_wait3A_123] : memref<2500x2x128xi32, #tpu.memory_space<hbm>> -> memref<1x2x128xi32, #tpu.memory_space<hbm>>
        %dma_wait3A_125 = tpu.memref_squeeze %dma_wait3A_124 : memref<1x2x128xi32, #tpu.memory_space<hbm>> -> memref<2x128xi32, #tpu.memory_space<hbm>>
        %dma_wait3A_126 = arith.constant 0 : i32
        %dma_wait3A_127 = arith.constant 0 : i32
        %dma_wait3A_128 = tpu.memref_slice %arg2[%add3A_98, %dma_wait3A_126, %dma_wait3A_127] : memref<2500x2x128xi32, #tpu.memory_space<hbm>> -> memref<1x2x128xi32, #tpu.memory_space<hbm>>
        %dma_wait3A_129 = tpu.memref_squeeze %dma_wait3A_128 : memref<1x2x128xi32, #tpu.memory_space<hbm>> -> memref<2x128xi32, #tpu.memory_space<hbm>>
        tpu.wait_dma2 semaphore(%run_scoped3A_113 : memref<!tpu.dma_semaphore, #tpu.memory_space<semaphore_mem>>) src(%dma_wait3A_129 : memref<2x128xi32, #tpu.memory_space<hbm>>) dst(%arg8 : memref<2x128xi32, #tpu.memory_space<vmem>>)
        tpu.yield
      }) : () -> ()
      %dma_start3A_99 = arith.constant 0 : i32
      %dma_start3A_100 = arith.constant 0 : i32
      %dma_start3A_101 = tpu.memref_slice %arg8[%dma_start3A_99, %dma_start3A_100] : memref<2x128xi32, #tpu.memory_space<vmem>> -> memref<1x128xi32, #tpu.memory_space<vmem>>
      %dma_start3A_102 = tpu.memref_squeeze %dma_start3A_101 : memref<1x128xi32, #tpu.memory_space<vmem>> -> memref<128xi32, #tpu.memory_space<vmem>>
      %dma_start3A_103 = arith.constant 0 : i32
      %dma_start3A_104 = arith.constant 0 : i32
      %dma_start3A_105 = tpu.memref_slice %arg4[%dma_start3A_103, %dma_start3A_104] : memref<10000x128xf32, #tpu.memory_space<hbm>> -> memref<10000x128xf32, #tpu.memory_space<hbm>>
      tpu.enqueue_indirect_dma source(%dma_start3A_105 : memref<10000x128xf32, #tpu.memory_space<hbm>>) target(%arg10 : memref<128x128xf32, #tpu.memory_space<vmem>>) offsets(%dma_start3A_102 : memref<128xi32, #tpu.memory_space<vmem>>) semaphore(%arg12 : memref<!tpu.dma_semaphore, #tpu.memory_space<semaphore_mem>>)
      %dma_wait3A_106 = arith.constant 0 : i32
      %dma_wait3A_107 = arith.constant 0 : i32
      %dma_wait3A_108 = tpu.memref_slice %arg8[%dma_wait3A_106, %dma_wait3A_107] : memref<2x128xi32, #tpu.memory_space<vmem>> -> memref<1x128xi32, #tpu.memory_space<vmem>>
      %dma_wait3A_109 = tpu.memref_squeeze %dma_wait3A_108 : memref<1x128xi32, #tpu.memory_space<vmem>> -> memref<128xi32, #tpu.memory_space<vmem>>
      %dma_wait3A_110 = arith.constant 0 : i32
      %dma_wait3A_111 = arith.constant 0 : i32
      %dma_wait3A_112 = tpu.memref_slice %arg4[%dma_wait3A_110, %dma_wait3A_111] : memref<10000x128xf32, #tpu.memory_space<hbm>> -> memref<10000x128xf32, #tpu.memory_space<hbm>>
      tpu.wait_indirect_dma semaphore(%arg12 : memref<!tpu.dma_semaphore, #tpu.memory_space<semaphore_mem>>) src(%dma_wait3A_112 : memref<10000x128xf32, #tpu.memory_space<hbm>>) dst(%arg10 : memref<128x128xf32, #tpu.memory_space<vmem>>)
      %run_scoped3A = arith.constant 1 : i32
      "tpu.region"() ({
        %run_scoped3A_113 = tpu.sem_alloc : memref<!tpu.dma_semaphore, #tpu.memory_space<semaphore_mem>>
        %dma_start3A_114 = arith.constant 0 : i32
        %dma_start3A_115 = tpu.memref_slice %arg8[%run_scoped3A, %dma_start3A_114] : memref<2x128xi32, #tpu.memory_space<vmem>> -> memref<1x128xi32, #tpu.memory_space<vmem>>
        %dma_start3A_116 = tpu.memref_squeeze %dma_start3A_115 : memref<1x128xi32, #tpu.memory_space<vmem>> -> memref<128xi32, #tpu.memory_space<vmem>>
        %dma_start3A_117 = arith.constant 0 : i32
        %dma_start3A_118 = arith.constant 0 : i32
        %dma_start3A_119 = tpu.memref_slice %arg7[%dma_start3A_117, %dma_start3A_118] : memref<10000x128xf32, #tpu.memory_space<vmem_shared>> -> memref<10000x128xf32, #tpu.memory_space<vmem_shared>>
        tpu.enqueue_indirect_dma source(%arg10 : memref<128x128xf32, #tpu.memory_space<vmem>>) target(%dma_start3A_119 : memref<10000x128xf32, #tpu.memory_space<vmem_shared>>) offsets(%dma_start3A_116 : memref<128xi32, #tpu.memory_space<vmem>>) semaphore(%run_scoped3A_113 : memref<!tpu.dma_semaphore, #tpu.memory_space<semaphore_mem>>) {add = true}
        %dma_wait3A_120 = arith.constant 0 : i32
        %dma_wait3A_121 = tpu.memref_slice %arg8[%run_scoped3A, %dma_wait3A_120] : memref<2x128xi32, #tpu.memory_space<vmem>> -> memref<1x128xi32, #tpu.memory_space<vmem>>
        %dma_wait3A_122 = tpu.memref_squeeze %dma_wait3A_121 : memref<1x128xi32, #tpu.memory_space<vmem>> -> memref<128xi32, #tpu.memory_space<vmem>>
        %dma_wait3A_123 = arith.constant 0 : i32
        %dma_wait3A_124 = arith.constant 0 : i32
        %dma_wait3A_125 = tpu.memref_slice %arg7[%dma_wait3A_123, %dma_wait3A_124] : memref<10000x128xf32, #tpu.memory_space<vmem_shared>> -> memref<10000x128xf32, #tpu.memory_space<vmem_shared>>
        tpu.wait_indirect_dma semaphore(%run_scoped3A_113 : memref<!tpu.dma_semaphore, #tpu.memory_space<semaphore_mem>>) src(%arg10 : memref<128x128xf32, #tpu.memory_space<vmem>>) dst(%dma_wait3A_125 : memref<10000x128xf32, #tpu.memory_space<vmem_shared>>)
        tpu.yield
      }) : () -> ()
    } else {
    }
    %barrier3A_86 = arith.constant 0 : index
    tpu.barrier barrier_id(%barrier3A_86)
    %mul3A_87 = arith.constant 2 : i32
    %mul3A_88 = arith.muli %arg0, %mul3A_87 : i32
    %add3A_89 = arith.constant 1 : i32
    %add3A_90 = arith.addi %mul3A_88, %add3A_89 : i32
    "tpu.region"() ({
      %run_scoped3A = tpu.sem_alloc : memref<!tpu.dma_semaphore, #tpu.memory_space<semaphore_mem>>
      %dma_start3A_97 = arith.constant 0 : i32
      %dma_start3A_98 = tpu.memref_slice %arg6[%add3A_90, %mul3A_0, %dma_start3A_97] : memref<4x10000x128xf32, #tpu.memory_space<hbm>> -> memref<1x624x128xf32, #tpu.memory_space<hbm>>
      %dma_start3A_99 = tpu.memref_squeeze %dma_start3A_98 : memref<1x624x128xf32, #tpu.memory_space<hbm>> -> memref<624x128xf32, #tpu.memory_space<hbm>>
      %dma_start3A_100 = arith.constant 0 : i32
      %dma_start3A_101 = tpu.memref_slice %arg7[%mul3A_0, %dma_start3A_100] : memref<10000x128xf32, #tpu.memory_space<vmem_shared>> -> memref<624x128xf32, #tpu.memory_space<vmem_shared>>
      tpu.enqueue_dma source(%dma_start3A_101 : memref<624x128xf32, #tpu.memory_space<vmem_shared>>) target(%dma_start3A_99 : memref<624x128xf32, #tpu.memory_space<hbm>>) target_semaphore(%run_scoped3A : memref<!tpu.dma_semaphore, #tpu.memory_space<semaphore_mem>>)
      %dma_wait3A_102 = arith.constant 0 : i32
      %dma_wait3A_103 = tpu.memref_slice %arg6[%add3A_90, %mul3A_0, %dma_wait3A_102] : memref<4x10000x128xf32, #tpu.memory_space<hbm>> -> memref<1x624x128xf32, #tpu.memory_space<hbm>>
      %dma_wait3A_104 = tpu.memref_squeeze %dma_wait3A_103 : memref<1x624x128xf32, #tpu.memory_space<hbm>> -> memref<624x128xf32, #tpu.memory_space<hbm>>
      %dma_wait3A_105 = arith.constant 0 : i32
      %dma_wait3A_106 = tpu.memref_slice %arg7[%mul3A_0, %dma_wait3A_105] : memref<10000x128xf32, #tpu.memory_space<vmem_shared>> -> memref<624x128xf32, #tpu.memory_space<vmem_shared>>
      tpu.wait_dma2 semaphore(%run_scoped3A : memref<!tpu.dma_semaphore, #tpu.memory_space<semaphore_mem>>) src(%dma_wait3A_106 : memref<624x128xf32, #tpu.memory_space<vmem_shared>>) dst(%dma_wait3A_104 : memref<624x128xf32, #tpu.memory_space<hbm>>)
      tpu.yield
    }) : () -> ()
    %eq3A_91 = arith.constant 15 : i32
    %eq3A_92 = arith.cmpi eq, %arg1, %eq3A_91 : i32
    %convert_element_type3A_93 = arith.extui %eq3A_92 : i1 to i32
    %cond3A_94 = arith.constant 0 : i32
    %cond3A_95 = arith.cmpi ne, %convert_element_type3A_93, %cond3A_94 : i32
    scf.if %cond3A_95 {
      "tpu.region"() ({
        %run_scoped3A = tpu.sem_alloc : memref<!tpu.dma_semaphore, #tpu.memory_space<semaphore_mem>>
        %dma_start3A_97 = arith.constant 9984 : i32
        %dma_start3A_98 = arith.constant 0 : i32
        %dma_start3A_99 = tpu.memref_slice %arg6[%add3A_90, %dma_start3A_97, %dma_start3A_98] : memref<4x10000x128xf32, #tpu.memory_space<hbm>> -> memref<1x16x128xf32, #tpu.memory_space<hbm>>
        %dma_start3A_100 = tpu.memref_squeeze %dma_start3A_99 : memref<1x16x128xf32, #tpu.memory_space<hbm>> -> memref<16x128xf32, #tpu.memory_space<hbm>>
        %dma_start3A_101 = arith.constant 9984 : i32
        %dma_start3A_102 = arith.constant 0 : i32
        %dma_start3A_103 = tpu.memref_slice %arg7[%dma_start3A_101, %dma_start3A_102] : memref<10000x128xf32, #tpu.memory_space<vmem_shared>> -> memref<16x128xf32, #tpu.memory_space<vmem_shared>>
        tpu.enqueue_dma source(%dma_start3A_103 : memref<16x128xf32, #tpu.memory_space<vmem_shared>>) target(%dma_start3A_100 : memref<16x128xf32, #tpu.memory_space<hbm>>) target_semaphore(%run_scoped3A : memref<!tpu.dma_semaphore, #tpu.memory_space<semaphore_mem>>)
        %dma_wait3A_104 = arith.constant 9984 : i32
        %dma_wait3A_105 = arith.constant 0 : i32
        %dma_wait3A_106 = tpu.memref_slice %arg6[%add3A_90, %dma_wait3A_104, %dma_wait3A_105] : memref<4x10000x128xf32, #tpu.memory_space<hbm>> -> memref<1x16x128xf32, #tpu.memory_space<hbm>>
        %dma_wait3A_107 = tpu.memref_squeeze %dma_wait3A_106 : memref<1x16x128xf32, #tpu.memory_space<hbm>> -> memref<16x128xf32, #tpu.memory_space<hbm>>
        %dma_wait3A_108 = arith.constant 9984 : i32
        %dma_wait3A_109 = arith.constant 0 : i32
        %dma_wait3A_110 = tpu.memref_slice %arg7[%dma_wait3A_108, %dma_wait3A_109] : memref<10000x128xf32, #tpu.memory_space<vmem_shared>> -> memref<16x128xf32, #tpu.memory_space<vmem_shared>>
        tpu.wait_dma2 semaphore(%run_scoped3A : memref<!tpu.dma_semaphore, #tpu.memory_space<semaphore_mem>>) src(%dma_wait3A_110 : memref<16x128xf32, #tpu.memory_space<vmem_shared>>) dst(%dma_wait3A_107 : memref<16x128xf32, #tpu.memory_space<hbm>>)
        tpu.yield
      }) : () -> ()
    } else {
    }
    %barrier3A_96 = arith.constant 0 : index
    tpu.barrier barrier_id(%barrier3A_96)
    return
  }
}

#map = affine_map<(d0, d1) -> (0, 0, 0)>
#map1 = affine_map<(d0, d1) -> (0, 0)>
module attributes {stable_mosaic.version = 14 : i64} {
  func.func @scatter_kernel(%arg0: i32, %arg1: i32, %arg2: memref<2500x2x128xi32, #tpu.memory_space<hbm>>, %arg3: memref<10000x128xf32, #tpu.memory_space<hbm>>, %arg4: memref<10000x128xf32, #tpu.memory_space<hbm>>, %arg5: memref<2x10000x128xf32, #tpu.memory_space<hbm>>, %arg6: memref<10000x128xf32, #tpu.memory_space<vmem_shared>>, %arg7: memref<2x128xi32, #tpu.memory_space<vmem>>, %arg8: memref<2x128xi32, #tpu.memory_space<vmem>>, %arg9: memref<128x128xf32, #tpu.memory_space<vmem>>, %arg10: memref<128x128xf32, #tpu.memory_space<vmem>>, %arg11: memref<!tpu.dma_semaphore, #tpu.memory_space<semaphore_mem>>, %arg12: memref<!tpu.dma_semaphore, #tpu.memory_space<semaphore_mem>>, %arg13: memref<!tpu.dma_semaphore, #tpu.memory_space<semaphore_mem>>, %arg14: memref<!tpu.dma_semaphore, #tpu.memory_space<semaphore_mem>>) attributes {dimension_semantics = [#tpu.dimension_semantics<core_parallel>, #tpu.dimension_semantics<subcore_parallel>], iteration_bounds = array<i64: 2, 16>, scalar_prefetch = 0 : i64, scratch_operands = 9 : i64, tpu.core_type = #tpu.core_type<sc_vector_subcore>, window_params = [{transform_indices = #map}, {transform_indices = #map1}, {transform_indices = #map1}, {transform_indices = #map}]} {
    %mul3A = arith.constant 624 : i32
    %mul3A_0 = arith.muli %arg1, %mul3A : i32
    %mul3A_1 = arith.constant 1250 : i32
    %mul3A_2 = arith.muli %arg0, %mul3A_1 : i32
    %mul3A_3 = arith.constant 78 : i32
    %mul3A_4 = arith.muli %mul3A_3, %arg1 : i32
    %add3A = arith.addi %mul3A_2, %mul3A_4 : i32
    %min3A = arith.constant 2 : i32
    %min3A_5 = arith.minsi %arg1, %min3A : i32
    %add3A_6 = arith.addi %add3A, %min3A_5 : i32
    "tpu.region"() ({
      %run_scoped3A = tpu.sem_alloc : memref<!tpu.dma_semaphore, #tpu.memory_space<semaphore_mem>>
      %dma_start3A_48 = arith.constant 0 : i32
      %dma_start3A_49 = tpu.memref_slice %arg6[%mul3A_0, %dma_start3A_48] : memref<10000x128xf32, #tpu.memory_space<vmem_shared>> -> memref<624x128xf32, #tpu.memory_space<vmem_shared>>
      %dma_start3A_50 = arith.constant 0 : i32
      %dma_start3A_51 = tpu.memref_slice %arg4[%mul3A_0, %dma_start3A_50] : memref<10000x128xf32, #tpu.memory_space<hbm>> -> memref<624x128xf32, #tpu.memory_space<hbm>>
      tpu.enqueue_dma source(%dma_start3A_51 : memref<624x128xf32, #tpu.memory_space<hbm>>) target(%dma_start3A_49 : memref<624x128xf32, #tpu.memory_space<vmem_shared>>) target_semaphore(%run_scoped3A : memref<!tpu.dma_semaphore, #tpu.memory_space<semaphore_mem>>)
      %dma_wait3A_52 = arith.constant 0 : i32
      %dma_wait3A_53 = tpu.memref_slice %arg6[%mul3A_0, %dma_wait3A_52] : memref<10000x128xf32, #tpu.memory_space<vmem_shared>> -> memref<624x128xf32, #tpu.memory_space<vmem_shared>>
      %dma_wait3A_54 = arith.constant 0 : i32
      %dma_wait3A_55 = tpu.memref_slice %arg4[%mul3A_0, %dma_wait3A_54] : memref<10000x128xf32, #tpu.memory_space<hbm>> -> memref<624x128xf32, #tpu.memory_space<hbm>>
      tpu.wait_dma2 semaphore(%run_scoped3A : memref<!tpu.dma_semaphore, #tpu.memory_space<semaphore_mem>>) src(%dma_wait3A_55 : memref<624x128xf32, #tpu.memory_space<hbm>>) dst(%dma_wait3A_53 : memref<624x128xf32, #tpu.memory_space<vmem_shared>>)
      tpu.yield
    }) : () -> ()
    %eq3A = arith.constant 15 : i32
    %eq3A_7 = arith.cmpi eq, %arg1, %eq3A : i32
    %convert_element_type3A = arith.extui %eq3A_7 : i1 to i32
    %cond3A = arith.constant 0 : i32
    %cond3A_8 = arith.cmpi ne, %convert_element_type3A, %cond3A : i32
    scf.if %cond3A_8 {
      "tpu.region"() ({
        %run_scoped3A = tpu.sem_alloc : memref<!tpu.dma_semaphore, #tpu.memory_space<semaphore_mem>>
        %dma_start3A_48 = arith.constant 9984 : i32
        %dma_start3A_49 = arith.constant 0 : i32
        %dma_start3A_50 = tpu.memref_slice %arg6[%dma_start3A_48, %dma_start3A_49] : memref<10000x128xf32, #tpu.memory_space<vmem_shared>> -> memref<16x128xf32, #tpu.memory_space<vmem_shared>>
        %dma_start3A_51 = arith.constant 9984 : i32
        %dma_start3A_52 = arith.constant 0 : i32
        %dma_start3A_53 = tpu.memref_slice %arg4[%dma_start3A_51, %dma_start3A_52] : memref<10000x128xf32, #tpu.memory_space<hbm>> -> memref<16x128xf32, #tpu.memory_space<hbm>>
        tpu.enqueue_dma source(%dma_start3A_53 : memref<16x128xf32, #tpu.memory_space<hbm>>) target(%dma_start3A_50 : memref<16x128xf32, #tpu.memory_space<vmem_shared>>) target_semaphore(%run_scoped3A : memref<!tpu.dma_semaphore, #tpu.memory_space<semaphore_mem>>)
        %dma_wait3A_54 = arith.constant 9984 : i32
        %dma_wait3A_55 = arith.constant 0 : i32
        %dma_wait3A_56 = tpu.memref_slice %arg6[%dma_wait3A_54, %dma_wait3A_55] : memref<10000x128xf32, #tpu.memory_space<vmem_shared>> -> memref<16x128xf32, #tpu.memory_space<vmem_shared>>
        %dma_wait3A_57 = arith.constant 9984 : i32
        %dma_wait3A_58 = arith.constant 0 : i32
        %dma_wait3A_59 = tpu.memref_slice %arg4[%dma_wait3A_57, %dma_wait3A_58] : memref<10000x128xf32, #tpu.memory_space<hbm>> -> memref<16x128xf32, #tpu.memory_space<hbm>>
        tpu.wait_dma2 semaphore(%run_scoped3A : memref<!tpu.dma_semaphore, #tpu.memory_space<semaphore_mem>>) src(%dma_wait3A_59 : memref<16x128xf32, #tpu.memory_space<hbm>>) dst(%dma_wait3A_56 : memref<16x128xf32, #tpu.memory_space<vmem_shared>>)
        tpu.yield
      }) : () -> ()
    } else {
    }
    %barrier3A = arith.constant 0 : index
    tpu.barrier barrier_id(%barrier3A)
    "tpu.region"() ({
      %run_scoped3A = tpu.sem_alloc : memref<!tpu.dma_semaphore, #tpu.memory_space<semaphore_mem>>
      %dma_start3A_48 = arith.constant 0 : i32
      %dma_start3A_49 = arith.constant 0 : i32
      %dma_start3A_50 = tpu.memref_slice %arg2[%add3A_6, %dma_start3A_48, %dma_start3A_49] : memref<2500x2x128xi32, #tpu.memory_space<hbm>> -> memref<1x2x128xi32, #tpu.memory_space<hbm>>
      %dma_start3A_51 = tpu.memref_squeeze %dma_start3A_50 : memref<1x2x128xi32, #tpu.memory_space<hbm>> -> memref<2x128xi32, #tpu.memory_space<hbm>>
      %dma_start3A_52 = arith.constant 0 : i32
      %dma_start3A_53 = arith.constant 0 : i32
      %dma_start3A_54 = tpu.memref_slice %arg2[%add3A_6, %dma_start3A_52, %dma_start3A_53] : memref<2500x2x128xi32, #tpu.memory_space<hbm>> -> memref<1x2x128xi32, #tpu.memory_space<hbm>>
      %dma_start3A_55 = tpu.memref_squeeze %dma_start3A_54 : memref<1x2x128xi32, #tpu.memory_space<hbm>> -> memref<2x128xi32, #tpu.memory_space<hbm>>
      tpu.enqueue_dma source(%dma_start3A_55 : memref<2x128xi32, #tpu.memory_space<hbm>>) target(%arg7 : memref<2x128xi32, #tpu.memory_space<vmem>>) target_semaphore(%run_scoped3A : memref<!tpu.dma_semaphore, #tpu.memory_space<semaphore_mem>>)
      %dma_wait3A_56 = arith.constant 0 : i32
      %dma_wait3A_57 = arith.constant 0 : i32
      %dma_wait3A_58 = tpu.memref_slice %arg2[%add3A_6, %dma_wait3A_56, %dma_wait3A_57] : memref<2500x2x128xi32, #tpu.memory_space<hbm>> -> memref<1x2x128xi32, #tpu.memory_space<hbm>>
      %dma_wait3A_59 = tpu.memref_squeeze %dma_wait3A_58 : memref<1x2x128xi32, #tpu.memory_space<hbm>> -> memref<2x128xi32, #tpu.memory_space<hbm>>
      %dma_wait3A_60 = arith.constant 0 : i32
      %dma_wait3A_61 = arith.constant 0 : i32
      %dma_wait3A_62 = tpu.memref_slice %arg2[%add3A_6, %dma_wait3A_60, %dma_wait3A_61] : memref<2500x2x128xi32, #tpu.memory_space<hbm>> -> memref<1x2x128xi32, #tpu.memory_space<hbm>>
      %dma_wait3A_63 = tpu.memref_squeeze %dma_wait3A_62 : memref<1x2x128xi32, #tpu.memory_space<hbm>> -> memref<2x128xi32, #tpu.memory_space<hbm>>
      tpu.wait_dma2 semaphore(%run_scoped3A : memref<!tpu.dma_semaphore, #tpu.memory_space<semaphore_mem>>) src(%dma_wait3A_63 : memref<2x128xi32, #tpu.memory_space<hbm>>) dst(%arg7 : memref<2x128xi32, #tpu.memory_space<vmem>>)
      tpu.yield
    }) : () -> ()
    %dma_start3A = arith.constant 0 : i32
    %dma_start3A_9 = arith.constant 0 : i32
    %dma_start3A_10 = tpu.memref_slice %arg7[%dma_start3A, %dma_start3A_9] : memref<2x128xi32, #tpu.memory_space<vmem>> -> memref<1x128xi32, #tpu.memory_space<vmem>>
    %dma_start3A_11 = tpu.memref_squeeze %dma_start3A_10 : memref<1x128xi32, #tpu.memory_space<vmem>> -> memref<128xi32, #tpu.memory_space<vmem>>
    %dma_start3A_12 = arith.constant 0 : i32
    %dma_start3A_13 = arith.constant 0 : i32
    %dma_start3A_14 = tpu.memref_slice %arg3[%dma_start3A_12, %dma_start3A_13] : memref<10000x128xf32, #tpu.memory_space<hbm>> -> memref<10000x128xf32, #tpu.memory_space<hbm>>
    tpu.enqueue_indirect_dma source(%dma_start3A_14 : memref<10000x128xf32, #tpu.memory_space<hbm>>) target(%arg9 : memref<128x128xf32, #tpu.memory_space<vmem>>) offsets(%dma_start3A_11 : memref<128xi32, #tpu.memory_space<vmem>>) semaphore(%arg11 : memref<!tpu.dma_semaphore, #tpu.memory_space<semaphore_mem>>)
    %scan3A = arith.constant 0 : i32
    %scan3A_15 = arith.constant 0 : i32
    %scan3A_16 = arith.constant 39 : i32
    %scan3A_17 = arith.addi %scan3A_15, %scan3A_16 : i32
    %scan3A_18 = arith.constant 1 : i32
    scf.for %scan3A_48 = %scan3A_15 to %scan3A_17 step %scan3A_18  : i32 {
      %mul3A_49 = arith.constant 2 : i32
      %mul3A_50 = arith.muli %mul3A_49, %scan3A_48 : i32
      %add3A_51 = arith.addi %add3A_6, %mul3A_50 : i32
      %add3A_52 = arith.constant 1 : i32
      %add3A_53 = arith.addi %add3A_51, %add3A_52 : i32
      %gt3A = arith.constant 0 : i32
      %gt3A_54 = arith.cmpi sgt, %scan3A_48, %gt3A : i32
      %convert_element_type3A_55 = arith.extui %gt3A_54 : i1 to i32
      %cond3A_56 = arith.constant 0 : i32
      %cond3A_57 = arith.cmpi ne, %convert_element_type3A_55, %cond3A_56 : i32
      scf.if %cond3A_57 {
        %dma_wait3A_98 = arith.constant 1 : i32
        %dma_wait3A_99 = arith.constant 0 : i32
        %dma_wait3A_100 = tpu.memref_slice %arg8[%dma_wait3A_98, %dma_wait3A_99] : memref<2x128xi32, #tpu.memory_space<vmem>> -> memref<1x128xi32, #tpu.memory_space<vmem>>
        %dma_wait3A_101 = tpu.memref_squeeze %dma_wait3A_100 : memref<1x128xi32, #tpu.memory_space<vmem>> -> memref<128xi32, #tpu.memory_space<vmem>>
        %dma_wait3A_102 = arith.constant 0 : i32
        %dma_wait3A_103 = arith.constant 0 : i32
        %dma_wait3A_104 = tpu.memref_slice %arg6[%dma_wait3A_102, %dma_wait3A_103] : memref<10000x128xf32, #tpu.memory_space<vmem_shared>> -> memref<10000x128xf32, #tpu.memory_space<vmem_shared>>
        tpu.wait_indirect_dma semaphore(%arg14 : memref<!tpu.dma_semaphore, #tpu.memory_space<semaphore_mem>>) src(%arg10 : memref<128x128xf32, #tpu.memory_space<vmem>>) dst(%dma_wait3A_104 : memref<10000x128xf32, #tpu.memory_space<vmem_shared>>)
      } else {
      }
      "tpu.region"() ({
        %run_scoped3A = tpu.sem_alloc : memref<!tpu.dma_semaphore, #tpu.memory_space<semaphore_mem>>
        %dma_start3A_98 = arith.constant 0 : i32
        %dma_start3A_99 = arith.constant 0 : i32
        %dma_start3A_100 = tpu.memref_slice %arg2[%add3A_53, %dma_start3A_98, %dma_start3A_99] : memref<2500x2x128xi32, #tpu.memory_space<hbm>> -> memref<1x2x128xi32, #tpu.memory_space<hbm>>
        %dma_start3A_101 = tpu.memref_squeeze %dma_start3A_100 : memref<1x2x128xi32, #tpu.memory_space<hbm>> -> memref<2x128xi32, #tpu.memory_space<hbm>>
        %dma_start3A_102 = arith.constant 0 : i32
        %dma_start3A_103 = arith.constant 0 : i32
        %dma_start3A_104 = tpu.memref_slice %arg2[%add3A_53, %dma_start3A_102, %dma_start3A_103] : memref<2500x2x128xi32, #tpu.memory_space<hbm>> -> memref<1x2x128xi32, #tpu.memory_space<hbm>>
        %dma_start3A_105 = tpu.memref_squeeze %dma_start3A_104 : memref<1x2x128xi32, #tpu.memory_space<hbm>> -> memref<2x128xi32, #tpu.memory_space<hbm>>
        tpu.enqueue_dma source(%dma_start3A_105 : memref<2x128xi32, #tpu.memory_space<hbm>>) target(%arg8 : memref<2x128xi32, #tpu.memory_space<vmem>>) target_semaphore(%run_scoped3A : memref<!tpu.dma_semaphore, #tpu.memory_space<semaphore_mem>>)
        %dma_wait3A_106 = arith.constant 0 : i32
        %dma_wait3A_107 = arith.constant 0 : i32
        %dma_wait3A_108 = tpu.memref_slice %arg2[%add3A_53, %dma_wait3A_106, %dma_wait3A_107] : memref<2500x2x128xi32, #tpu.memory_space<hbm>> -> memref<1x2x128xi32, #tpu.memory_space<hbm>>
        %dma_wait3A_109 = tpu.memref_squeeze %dma_wait3A_108 : memref<1x2x128xi32, #tpu.memory_space<hbm>> -> memref<2x128xi32, #tpu.memory_space<hbm>>
        %dma_wait3A_110 = arith.constant 0 : i32
        %dma_wait3A_111 = arith.constant 0 : i32
        %dma_wait3A_112 = tpu.memref_slice %arg2[%add3A_53, %dma_wait3A_110, %dma_wait3A_111] : memref<2500x2x128xi32, #tpu.memory_space<hbm>> -> memref<1x2x128xi32, #tpu.memory_space<hbm>>
        %dma_wait3A_113 = tpu.memref_squeeze %dma_wait3A_112 : memref<1x2x128xi32, #tpu.memory_space<hbm>> -> memref<2x128xi32, #tpu.memory_space<hbm>>
        tpu.wait_dma2 semaphore(%run_scoped3A : memref<!tpu.dma_semaphore, #tpu.memory_space<semaphore_mem>>) src(%dma_wait3A_113 : memref<2x128xi32, #tpu.memory_space<hbm>>) dst(%arg8 : memref<2x128xi32, #tpu.memory_space<vmem>>)
        tpu.yield
      }) : () -> ()
      %dma_start3A_58 = arith.constant 0 : i32
      %dma_start3A_59 = arith.constant 0 : i32
      %dma_start3A_60 = tpu.memref_slice %arg8[%dma_start3A_58, %dma_start3A_59] : memref<2x128xi32, #tpu.memory_space<vmem>> -> memref<1x128xi32, #tpu.memory_space<vmem>>
      %dma_start3A_61 = tpu.memref_squeeze %dma_start3A_60 : memref<1x128xi32, #tpu.memory_space<vmem>> -> memref<128xi32, #tpu.memory_space<vmem>>
      %dma_start3A_62 = arith.constant 0 : i32
      %dma_start3A_63 = arith.constant 0 : i32
      %dma_start3A_64 = tpu.memref_slice %arg3[%dma_start3A_62, %dma_start3A_63] : memref<10000x128xf32, #tpu.memory_space<hbm>> -> memref<10000x128xf32, #tpu.memory_space<hbm>>
      tpu.enqueue_indirect_dma source(%dma_start3A_64 : memref<10000x128xf32, #tpu.memory_space<hbm>>) target(%arg10 : memref<128x128xf32, #tpu.memory_space<vmem>>) offsets(%dma_start3A_61 : memref<128xi32, #tpu.memory_space<vmem>>) semaphore(%arg12 : memref<!tpu.dma_semaphore, #tpu.memory_space<semaphore_mem>>)
      %dma_wait3A_65 = arith.constant 0 : i32
      %dma_wait3A_66 = arith.constant 0 : i32
      %dma_wait3A_67 = tpu.memref_slice %arg7[%dma_wait3A_65, %dma_wait3A_66] : memref<2x128xi32, #tpu.memory_space<vmem>> -> memref<1x128xi32, #tpu.memory_space<vmem>>
      %dma_wait3A_68 = tpu.memref_squeeze %dma_wait3A_67 : memref<1x128xi32, #tpu.memory_space<vmem>> -> memref<128xi32, #tpu.memory_space<vmem>>
      %dma_wait3A_69 = arith.constant 0 : i32
      %dma_wait3A_70 = arith.constant 0 : i32
      %dma_wait3A_71 = tpu.memref_slice %arg3[%dma_wait3A_69, %dma_wait3A_70] : memref<10000x128xf32, #tpu.memory_space<hbm>> -> memref<10000x128xf32, #tpu.memory_space<hbm>>
      tpu.wait_indirect_dma semaphore(%arg11 : memref<!tpu.dma_semaphore, #tpu.memory_space<semaphore_mem>>) src(%dma_wait3A_71 : memref<10000x128xf32, #tpu.memory_space<hbm>>) dst(%arg9 : memref<128x128xf32, #tpu.memory_space<vmem>>)
      %dma_start3A_72 = arith.constant 1 : i32
      %dma_start3A_73 = arith.constant 0 : i32
      %dma_start3A_74 = tpu.memref_slice %arg7[%dma_start3A_72, %dma_start3A_73] : memref<2x128xi32, #tpu.memory_space<vmem>> -> memref<1x128xi32, #tpu.memory_space<vmem>>
      %dma_start3A_75 = tpu.memref_squeeze %dma_start3A_74 : memref<1x128xi32, #tpu.memory_space<vmem>> -> memref<128xi32, #tpu.memory_space<vmem>>
      %dma_start3A_76 = arith.constant 0 : i32
      %dma_start3A_77 = arith.constant 0 : i32
      %dma_start3A_78 = tpu.memref_slice %arg6[%dma_start3A_76, %dma_start3A_77] : memref<10000x128xf32, #tpu.memory_space<vmem_shared>> -> memref<10000x128xf32, #tpu.memory_space<vmem_shared>>
      tpu.enqueue_indirect_dma source(%arg9 : memref<128x128xf32, #tpu.memory_space<vmem>>) target(%dma_start3A_78 : memref<10000x128xf32, #tpu.memory_space<vmem_shared>>) offsets(%dma_start3A_75 : memref<128xi32, #tpu.memory_space<vmem>>) semaphore(%arg13 : memref<!tpu.dma_semaphore, #tpu.memory_space<semaphore_mem>>) {add = true}
      %lt3A_79 = arith.constant 38 : i32
      %lt3A_80 = arith.cmpi slt, %scan3A_48, %lt3A_79 : i32
      %convert_element_type3A_81 = arith.extui %lt3A_80 : i1 to i32
      %cond3A_82 = arith.constant 0 : i32
      %cond3A_83 = arith.cmpi ne, %convert_element_type3A_81, %cond3A_82 : i32
      scf.if %cond3A_83 {
        %dma_wait3A_98 = arith.constant 1 : i32
        %dma_wait3A_99 = arith.constant 0 : i32
        %dma_wait3A_100 = tpu.memref_slice %arg7[%dma_wait3A_98, %dma_wait3A_99] : memref<2x128xi32, #tpu.memory_space<vmem>> -> memref<1x128xi32, #tpu.memory_space<vmem>>
        %dma_wait3A_101 = tpu.memref_squeeze %dma_wait3A_100 : memref<1x128xi32, #tpu.memory_space<vmem>> -> memref<128xi32, #tpu.memory_space<vmem>>
        %dma_wait3A_102 = arith.constant 0 : i32
        %dma_wait3A_103 = arith.constant 0 : i32
        %dma_wait3A_104 = tpu.memref_slice %arg6[%dma_wait3A_102, %dma_wait3A_103] : memref<10000x128xf32, #tpu.memory_space<vmem_shared>> -> memref<10000x128xf32, #tpu.memory_space<vmem_shared>>
        tpu.wait_indirect_dma semaphore(%arg13 : memref<!tpu.dma_semaphore, #tpu.memory_space<semaphore_mem>>) src(%arg9 : memref<128x128xf32, #tpu.memory_space<vmem>>) dst(%dma_wait3A_104 : memref<10000x128xf32, #tpu.memory_space<vmem_shared>>)
        %add3A_105 = arith.constant 2 : i32
        %add3A_106 = arith.addi %add3A_51, %add3A_105 : i32
        "tpu.region"() ({
          %run_scoped3A = tpu.sem_alloc : memref<!tpu.dma_semaphore, #tpu.memory_space<semaphore_mem>>
          %dma_start3A_114 = arith.constant 0 : i32
          %dma_start3A_115 = arith.constant 0 : i32
          %dma_start3A_116 = tpu.memref_slice %arg2[%add3A_106, %dma_start3A_114, %dma_start3A_115] : memref<2500x2x128xi32, #tpu.memory_space<hbm>> -> memref<1x2x128xi32, #tpu.memory_space<hbm>>
          %dma_start3A_117 = tpu.memref_squeeze %dma_start3A_116 : memref<1x2x128xi32, #tpu.memory_space<hbm>> -> memref<2x128xi32, #tpu.memory_space<hbm>>
          %dma_start3A_118 = arith.constant 0 : i32
          %dma_start3A_119 = arith.constant 0 : i32
          %dma_start3A_120 = tpu.memref_slice %arg2[%add3A_106, %dma_start3A_118, %dma_start3A_119] : memref<2500x2x128xi32, #tpu.memory_space<hbm>> -> memref<1x2x128xi32, #tpu.memory_space<hbm>>
          %dma_start3A_121 = tpu.memref_squeeze %dma_start3A_120 : memref<1x2x128xi32, #tpu.memory_space<hbm>> -> memref<2x128xi32, #tpu.memory_space<hbm>>
          tpu.enqueue_dma source(%dma_start3A_121 : memref<2x128xi32, #tpu.memory_space<hbm>>) target(%arg7 : memref<2x128xi32, #tpu.memory_space<vmem>>) target_semaphore(%run_scoped3A : memref<!tpu.dma_semaphore, #tpu.memory_space<semaphore_mem>>)
          %dma_wait3A_122 = arith.constant 0 : i32
          %dma_wait3A_123 = arith.constant 0 : i32
          %dma_wait3A_124 = tpu.memref_slice %arg2[%add3A_106, %dma_wait3A_122, %dma_wait3A_123] : memref<2500x2x128xi32, #tpu.memory_space<hbm>> -> memref<1x2x128xi32, #tpu.memory_space<hbm>>
          %dma_wait3A_125 = tpu.memref_squeeze %dma_wait3A_124 : memref<1x2x128xi32, #tpu.memory_space<hbm>> -> memref<2x128xi32, #tpu.memory_space<hbm>>
          %dma_wait3A_126 = arith.constant 0 : i32
          %dma_wait3A_127 = arith.constant 0 : i32
          %dma_wait3A_128 = tpu.memref_slice %arg2[%add3A_106, %dma_wait3A_126, %dma_wait3A_127] : memref<2500x2x128xi32, #tpu.memory_space<hbm>> -> memref<1x2x128xi32, #tpu.memory_space<hbm>>
          %dma_wait3A_129 = tpu.memref_squeeze %dma_wait3A_128 : memref<1x2x128xi32, #tpu.memory_space<hbm>> -> memref<2x128xi32, #tpu.memory_space<hbm>>
          tpu.wait_dma2 semaphore(%run_scoped3A : memref<!tpu.dma_semaphore, #tpu.memory_space<semaphore_mem>>) src(%dma_wait3A_129 : memref<2x128xi32, #tpu.memory_space<hbm>>) dst(%arg7 : memref<2x128xi32, #tpu.memory_space<vmem>>)
          tpu.yield
        }) : () -> ()
        %dma_start3A_107 = arith.constant 0 : i32
        %dma_start3A_108 = arith.constant 0 : i32
        %dma_start3A_109 = tpu.memref_slice %arg7[%dma_start3A_107, %dma_start3A_108] : memref<2x128xi32, #tpu.memory_space<vmem>> -> memref<1x128xi32, #tpu.memory_space<vmem>>
        %dma_start3A_110 = tpu.memref_squeeze %dma_start3A_109 : memref<1x128xi32, #tpu.memory_space<vmem>> -> memref<128xi32, #tpu.memory_space<vmem>>
        %dma_start3A_111 = arith.constant 0 : i32
        %dma_start3A_112 = arith.constant 0 : i32
        %dma_start3A_113 = tpu.memref_slice %arg3[%dma_start3A_111, %dma_start3A_112] : memref<10000x128xf32, #tpu.memory_space<hbm>> -> memref<10000x128xf32, #tpu.memory_space<hbm>>
        tpu.enqueue_indirect_dma source(%dma_start3A_113 : memref<10000x128xf32, #tpu.memory_space<hbm>>) target(%arg9 : memref<128x128xf32, #tpu.memory_space<vmem>>) offsets(%dma_start3A_110 : memref<128xi32, #tpu.memory_space<vmem>>) semaphore(%arg11 : memref<!tpu.dma_semaphore, #tpu.memory_space<semaphore_mem>>)
      } else {
      }
      %dma_wait3A_84 = arith.constant 0 : i32
      %dma_wait3A_85 = arith.constant 0 : i32
      %dma_wait3A_86 = tpu.memref_slice %arg8[%dma_wait3A_84, %dma_wait3A_85] : memref<2x128xi32, #tpu.memory_space<vmem>> -> memref<1x128xi32, #tpu.memory_space<vmem>>
      %dma_wait3A_87 = tpu.memref_squeeze %dma_wait3A_86 : memref<1x128xi32, #tpu.memory_space<vmem>> -> memref<128xi32, #tpu.memory_space<vmem>>
      %dma_wait3A_88 = arith.constant 0 : i32
      %dma_wait3A_89 = arith.constant 0 : i32
      %dma_wait3A_90 = tpu.memref_slice %arg3[%dma_wait3A_88, %dma_wait3A_89] : memref<10000x128xf32, #tpu.memory_space<hbm>> -> memref<10000x128xf32, #tpu.memory_space<hbm>>
      tpu.wait_indirect_dma semaphore(%arg12 : memref<!tpu.dma_semaphore, #tpu.memory_space<semaphore_mem>>) src(%dma_wait3A_90 : memref<10000x128xf32, #tpu.memory_space<hbm>>) dst(%arg10 : memref<128x128xf32, #tpu.memory_space<vmem>>)
      %dma_start3A_91 = arith.constant 1 : i32
      %dma_start3A_92 = arith.constant 0 : i32
      %dma_start3A_93 = tpu.memref_slice %arg8[%dma_start3A_91, %dma_start3A_92] : memref<2x128xi32, #tpu.memory_space<vmem>> -> memref<1x128xi32, #tpu.memory_space<vmem>>
      %dma_start3A_94 = tpu.memref_squeeze %dma_start3A_93 : memref<1x128xi32, #tpu.memory_space<vmem>> -> memref<128xi32, #tpu.memory_space<vmem>>
      %dma_start3A_95 = arith.constant 0 : i32
      %dma_start3A_96 = arith.constant 0 : i32
      %dma_start3A_97 = tpu.memref_slice %arg6[%dma_start3A_95, %dma_start3A_96] : memref<10000x128xf32, #tpu.memory_space<vmem_shared>> -> memref<10000x128xf32, #tpu.memory_space<vmem_shared>>
      tpu.enqueue_indirect_dma source(%arg10 : memref<128x128xf32, #tpu.memory_space<vmem>>) target(%dma_start3A_97 : memref<10000x128xf32, #tpu.memory_space<vmem_shared>>) offsets(%dma_start3A_94 : memref<128xi32, #tpu.memory_space<vmem>>) semaphore(%arg14 : memref<!tpu.dma_semaphore, #tpu.memory_space<semaphore_mem>>) {add = true}
    }
    %scan3A_19 = arith.constant 39 : i32
    %dma_wait3A = arith.constant 1 : i32
    %dma_wait3A_20 = arith.constant 0 : i32
    %dma_wait3A_21 = tpu.memref_slice %arg7[%dma_wait3A, %dma_wait3A_20] : memref<2x128xi32, #tpu.memory_space<vmem>> -> memref<1x128xi32, #tpu.memory_space<vmem>>
    %dma_wait3A_22 = tpu.memref_squeeze %dma_wait3A_21 : memref<1x128xi32, #tpu.memory_space<vmem>> -> memref<128xi32, #tpu.memory_space<vmem>>
    %dma_wait3A_23 = arith.constant 0 : i32
    %dma_wait3A_24 = arith.constant 0 : i32
    %dma_wait3A_25 = tpu.memref_slice %arg6[%dma_wait3A_23, %dma_wait3A_24] : memref<10000x128xf32, #tpu.memory_space<vmem_shared>> -> memref<10000x128xf32, #tpu.memory_space<vmem_shared>>
    tpu.wait_indirect_dma semaphore(%arg13 : memref<!tpu.dma_semaphore, #tpu.memory_space<semaphore_mem>>) src(%arg9 : memref<128x128xf32, #tpu.memory_space<vmem>>) dst(%dma_wait3A_25 : memref<10000x128xf32, #tpu.memory_space<vmem_shared>>)
    %dma_wait3A_26 = arith.constant 1 : i32
    %dma_wait3A_27 = arith.constant 0 : i32
    %dma_wait3A_28 = tpu.memref_slice %arg8[%dma_wait3A_26, %dma_wait3A_27] : memref<2x128xi32, #tpu.memory_space<vmem>> -> memref<1x128xi32, #tpu.memory_space<vmem>>
    %dma_wait3A_29 = tpu.memref_squeeze %dma_wait3A_28 : memref<1x128xi32, #tpu.memory_space<vmem>> -> memref<128xi32, #tpu.memory_space<vmem>>
    %dma_wait3A_30 = arith.constant 0 : i32
    %dma_wait3A_31 = arith.constant 0 : i32
    %dma_wait3A_32 = tpu.memref_slice %arg6[%dma_wait3A_30, %dma_wait3A_31] : memref<10000x128xf32, #tpu.memory_space<vmem_shared>> -> memref<10000x128xf32, #tpu.memory_space<vmem_shared>>
    tpu.wait_indirect_dma semaphore(%arg14 : memref<!tpu.dma_semaphore, #tpu.memory_space<semaphore_mem>>) src(%arg10 : memref<128x128xf32, #tpu.memory_space<vmem>>) dst(%dma_wait3A_32 : memref<10000x128xf32, #tpu.memory_space<vmem_shared>>)
    %lt3A = arith.constant 2 : i32
    %lt3A_33 = arith.cmpi slt, %arg1, %lt3A : i32
    %convert_element_type3A_34 = arith.extui %lt3A_33 : i1 to i32
    %cond3A_35 = arith.constant 0 : i32
    %cond3A_36 = arith.cmpi ne, %convert_element_type3A_34, %cond3A_35 : i32
    scf.if %cond3A_36 {
      %add3A_48 = arith.constant 78 : i32
      %add3A_49 = arith.addi %add3A_6, %add3A_48 : i32
      "tpu.region"() ({
        %run_scoped3A_64 = tpu.sem_alloc : memref<!tpu.dma_semaphore, #tpu.memory_space<semaphore_mem>>
        %dma_start3A_65 = arith.constant 0 : i32
        %dma_start3A_66 = arith.constant 0 : i32
        %dma_start3A_67 = tpu.memref_slice %arg2[%add3A_49, %dma_start3A_65, %dma_start3A_66] : memref<2500x2x128xi32, #tpu.memory_space<hbm>> -> memref<1x2x128xi32, #tpu.memory_space<hbm>>
        %dma_start3A_68 = tpu.memref_squeeze %dma_start3A_67 : memref<1x2x128xi32, #tpu.memory_space<hbm>> -> memref<2x128xi32, #tpu.memory_space<hbm>>
        %dma_start3A_69 = arith.constant 0 : i32
        %dma_start3A_70 = arith.constant 0 : i32
        %dma_start3A_71 = tpu.memref_slice %arg2[%add3A_49, %dma_start3A_69, %dma_start3A_70] : memref<2500x2x128xi32, #tpu.memory_space<hbm>> -> memref<1x2x128xi32, #tpu.memory_space<hbm>>
        %dma_start3A_72 = tpu.memref_squeeze %dma_start3A_71 : memref<1x2x128xi32, #tpu.memory_space<hbm>> -> memref<2x128xi32, #tpu.memory_space<hbm>>
        tpu.enqueue_dma source(%dma_start3A_72 : memref<2x128xi32, #tpu.memory_space<hbm>>) target(%arg7 : memref<2x128xi32, #tpu.memory_space<vmem>>) target_semaphore(%run_scoped3A_64 : memref<!tpu.dma_semaphore, #tpu.memory_space<semaphore_mem>>)
        %dma_wait3A_73 = arith.constant 0 : i32
        %dma_wait3A_74 = arith.constant 0 : i32
        %dma_wait3A_75 = tpu.memref_slice %arg2[%add3A_49, %dma_wait3A_73, %dma_wait3A_74] : memref<2500x2x128xi32, #tpu.memory_space<hbm>> -> memref<1x2x128xi32, #tpu.memory_space<hbm>>
        %dma_wait3A_76 = tpu.memref_squeeze %dma_wait3A_75 : memref<1x2x128xi32, #tpu.memory_space<hbm>> -> memref<2x128xi32, #tpu.memory_space<hbm>>
        %dma_wait3A_77 = arith.constant 0 : i32
        %dma_wait3A_78 = arith.constant 0 : i32
        %dma_wait3A_79 = tpu.memref_slice %arg2[%add3A_49, %dma_wait3A_77, %dma_wait3A_78] : memref<2500x2x128xi32, #tpu.memory_space<hbm>> -> memref<1x2x128xi32, #tpu.memory_space<hbm>>
        %dma_wait3A_80 = tpu.memref_squeeze %dma_wait3A_79 : memref<1x2x128xi32, #tpu.memory_space<hbm>> -> memref<2x128xi32, #tpu.memory_space<hbm>>
        tpu.wait_dma2 semaphore(%run_scoped3A_64 : memref<!tpu.dma_semaphore, #tpu.memory_space<semaphore_mem>>) src(%dma_wait3A_80 : memref<2x128xi32, #tpu.memory_space<hbm>>) dst(%arg7 : memref<2x128xi32, #tpu.memory_space<vmem>>)
        tpu.yield
      }) : () -> ()
      %dma_start3A_50 = arith.constant 0 : i32
      %dma_start3A_51 = arith.constant 0 : i32
      %dma_start3A_52 = tpu.memref_slice %arg7[%dma_start3A_50, %dma_start3A_51] : memref<2x128xi32, #tpu.memory_space<vmem>> -> memref<1x128xi32, #tpu.memory_space<vmem>>
      %dma_start3A_53 = tpu.memref_squeeze %dma_start3A_52 : memref<1x128xi32, #tpu.memory_space<vmem>> -> memref<128xi32, #tpu.memory_space<vmem>>
      %dma_start3A_54 = arith.constant 0 : i32
      %dma_start3A_55 = arith.constant 0 : i32
      %dma_start3A_56 = tpu.memref_slice %arg3[%dma_start3A_54, %dma_start3A_55] : memref<10000x128xf32, #tpu.memory_space<hbm>> -> memref<10000x128xf32, #tpu.memory_space<hbm>>
      tpu.enqueue_indirect_dma source(%dma_start3A_56 : memref<10000x128xf32, #tpu.memory_space<hbm>>) target(%arg9 : memref<128x128xf32, #tpu.memory_space<vmem>>) offsets(%dma_start3A_53 : memref<128xi32, #tpu.memory_space<vmem>>) semaphore(%arg11 : memref<!tpu.dma_semaphore, #tpu.memory_space<semaphore_mem>>)
      %dma_wait3A_57 = arith.constant 0 : i32
      %dma_wait3A_58 = arith.constant 0 : i32
      %dma_wait3A_59 = tpu.memref_slice %arg7[%dma_wait3A_57, %dma_wait3A_58] : memref<2x128xi32, #tpu.memory_space<vmem>> -> memref<1x128xi32, #tpu.memory_space<vmem>>
      %dma_wait3A_60 = tpu.memref_squeeze %dma_wait3A_59 : memref<1x128xi32, #tpu.memory_space<vmem>> -> memref<128xi32, #tpu.memory_space<vmem>>
      %dma_wait3A_61 = arith.constant 0 : i32
      %dma_wait3A_62 = arith.constant 0 : i32
      %dma_wait3A_63 = tpu.memref_slice %arg3[%dma_wait3A_61, %dma_wait3A_62] : memref<10000x128xf32, #tpu.memory_space<hbm>> -> memref<10000x128xf32, #tpu.memory_space<hbm>>
      tpu.wait_indirect_dma semaphore(%arg11 : memref<!tpu.dma_semaphore, #tpu.memory_space<semaphore_mem>>) src(%dma_wait3A_63 : memref<10000x128xf32, #tpu.memory_space<hbm>>) dst(%arg9 : memref<128x128xf32, #tpu.memory_space<vmem>>)
      %run_scoped3A = arith.constant 1 : i32
      "tpu.region"() ({
        %run_scoped3A_64 = tpu.sem_alloc : memref<!tpu.dma_semaphore, #tpu.memory_space<semaphore_mem>>
        %dma_start3A_65 = arith.constant 0 : i32
        %dma_start3A_66 = tpu.memref_slice %arg7[%run_scoped3A, %dma_start3A_65] : memref<2x128xi32, #tpu.memory_space<vmem>> -> memref<1x128xi32, #tpu.memory_space<vmem>>
        %dma_start3A_67 = tpu.memref_squeeze %dma_start3A_66 : memref<1x128xi32, #tpu.memory_space<vmem>> -> memref<128xi32, #tpu.memory_space<vmem>>
        %dma_start3A_68 = arith.constant 0 : i32
        %dma_start3A_69 = arith.constant 0 : i32
        %dma_start3A_70 = tpu.memref_slice %arg6[%dma_start3A_68, %dma_start3A_69] : memref<10000x128xf32, #tpu.memory_space<vmem_shared>> -> memref<10000x128xf32, #tpu.memory_space<vmem_shared>>
        tpu.enqueue_indirect_dma source(%arg9 : memref<128x128xf32, #tpu.memory_space<vmem>>) target(%dma_start3A_70 : memref<10000x128xf32, #tpu.memory_space<vmem_shared>>) offsets(%dma_start3A_67 : memref<128xi32, #tpu.memory_space<vmem>>) semaphore(%run_scoped3A_64 : memref<!tpu.dma_semaphore, #tpu.memory_space<semaphore_mem>>) {add = true}
        %dma_wait3A_71 = arith.constant 0 : i32
        %dma_wait3A_72 = tpu.memref_slice %arg7[%run_scoped3A, %dma_wait3A_71] : memref<2x128xi32, #tpu.memory_space<vmem>> -> memref<1x128xi32, #tpu.memory_space<vmem>>
        %dma_wait3A_73 = tpu.memref_squeeze %dma_wait3A_72 : memref<1x128xi32, #tpu.memory_space<vmem>> -> memref<128xi32, #tpu.memory_space<vmem>>
        %dma_wait3A_74 = arith.constant 0 : i32
        %dma_wait3A_75 = arith.constant 0 : i32
        %dma_wait3A_76 = tpu.memref_slice %arg6[%dma_wait3A_74, %dma_wait3A_75] : memref<10000x128xf32, #tpu.memory_space<vmem_shared>> -> memref<10000x128xf32, #tpu.memory_space<vmem_shared>>
        tpu.wait_indirect_dma semaphore(%run_scoped3A_64 : memref<!tpu.dma_semaphore, #tpu.memory_space<semaphore_mem>>) src(%arg9 : memref<128x128xf32, #tpu.memory_space<vmem>>) dst(%dma_wait3A_76 : memref<10000x128xf32, #tpu.memory_space<vmem_shared>>)
        tpu.yield
      }) : () -> ()
    } else {
    }
    %barrier3A_37 = arith.constant 0 : index
    tpu.barrier barrier_id(%barrier3A_37)
    %mul3A_38 = arith.constant 1 : i32
    %mul3A_39 = arith.muli %arg0, %mul3A_38 : i32
    %add3A_40 = arith.constant 0 : i32
    %add3A_41 = arith.addi %mul3A_39, %add3A_40 : i32
    "tpu.region"() ({
      %run_scoped3A = tpu.sem_alloc : memref<!tpu.dma_semaphore, #tpu.memory_space<semaphore_mem>>
      %dma_start3A_48 = arith.constant 0 : i32
      %dma_start3A_49 = tpu.memref_slice %arg5[%add3A_41, %mul3A_0, %dma_start3A_48] : memref<2x10000x128xf32, #tpu.memory_space<hbm>> -> memref<1x624x128xf32, #tpu.memory_space<hbm>>
      %dma_start3A_50 = tpu.memref_squeeze %dma_start3A_49 : memref<1x624x128xf32, #tpu.memory_space<hbm>> -> memref<624x128xf32, #tpu.memory_space<hbm>>
      %dma_start3A_51 = arith.constant 0 : i32
      %dma_start3A_52 = tpu.memref_slice %arg6[%mul3A_0, %dma_start3A_51] : memref<10000x128xf32, #tpu.memory_space<vmem_shared>> -> memref<624x128xf32, #tpu.memory_space<vmem_shared>>
      tpu.enqueue_dma source(%dma_start3A_52 : memref<624x128xf32, #tpu.memory_space<vmem_shared>>) target(%dma_start3A_50 : memref<624x128xf32, #tpu.memory_space<hbm>>) target_semaphore(%run_scoped3A : memref<!tpu.dma_semaphore, #tpu.memory_space<semaphore_mem>>)
      %dma_wait3A_53 = arith.constant 0 : i32
      %dma_wait3A_54 = tpu.memref_slice %arg5[%add3A_41, %mul3A_0, %dma_wait3A_53] : memref<2x10000x128xf32, #tpu.memory_space<hbm>> -> memref<1x624x128xf32, #tpu.memory_space<hbm>>
      %dma_wait3A_55 = tpu.memref_squeeze %dma_wait3A_54 : memref<1x624x128xf32, #tpu.memory_space<hbm>> -> memref<624x128xf32, #tpu.memory_space<hbm>>
      %dma_wait3A_56 = arith.constant 0 : i32
      %dma_wait3A_57 = tpu.memref_slice %arg6[%mul3A_0, %dma_wait3A_56] : memref<10000x128xf32, #tpu.memory_space<vmem_shared>> -> memref<624x128xf32, #tpu.memory_space<vmem_shared>>
      tpu.wait_dma2 semaphore(%run_scoped3A : memref<!tpu.dma_semaphore, #tpu.memory_space<semaphore_mem>>) src(%dma_wait3A_57 : memref<624x128xf32, #tpu.memory_space<vmem_shared>>) dst(%dma_wait3A_55 : memref<624x128xf32, #tpu.memory_space<hbm>>)
      tpu.yield
    }) : () -> ()
    %eq3A_42 = arith.constant 15 : i32
    %eq3A_43 = arith.cmpi eq, %arg1, %eq3A_42 : i32
    %convert_element_type3A_44 = arith.extui %eq3A_43 : i1 to i32
    %cond3A_45 = arith.constant 0 : i32
    %cond3A_46 = arith.cmpi ne, %convert_element_type3A_44, %cond3A_45 : i32
    scf.if %cond3A_46 {
      "tpu.region"() ({
        %run_scoped3A = tpu.sem_alloc : memref<!tpu.dma_semaphore, #tpu.memory_space<semaphore_mem>>
        %dma_start3A_48 = arith.constant 9984 : i32
        %dma_start3A_49 = arith.constant 0 : i32
        %dma_start3A_50 = tpu.memref_slice %arg5[%add3A_41, %dma_start3A_48, %dma_start3A_49] : memref<2x10000x128xf32, #tpu.memory_space<hbm>> -> memref<1x16x128xf32, #tpu.memory_space<hbm>>
        %dma_start3A_51 = tpu.memref_squeeze %dma_start3A_50 : memref<1x16x128xf32, #tpu.memory_space<hbm>> -> memref<16x128xf32, #tpu.memory_space<hbm>>
        %dma_start3A_52 = arith.constant 9984 : i32
        %dma_start3A_53 = arith.constant 0 : i32
        %dma_start3A_54 = tpu.memref_slice %arg6[%dma_start3A_52, %dma_start3A_53] : memref<10000x128xf32, #tpu.memory_space<vmem_shared>> -> memref<16x128xf32, #tpu.memory_space<vmem_shared>>
        tpu.enqueue_dma source(%dma_start3A_54 : memref<16x128xf32, #tpu.memory_space<vmem_shared>>) target(%dma_start3A_51 : memref<16x128xf32, #tpu.memory_space<hbm>>) target_semaphore(%run_scoped3A : memref<!tpu.dma_semaphore, #tpu.memory_space<semaphore_mem>>)
        %dma_wait3A_55 = arith.constant 9984 : i32
        %dma_wait3A_56 = arith.constant 0 : i32
        %dma_wait3A_57 = tpu.memref_slice %arg5[%add3A_41, %dma_wait3A_55, %dma_wait3A_56] : memref<2x10000x128xf32, #tpu.memory_space<hbm>> -> memref<1x16x128xf32, #tpu.memory_space<hbm>>
        %dma_wait3A_58 = tpu.memref_squeeze %dma_wait3A_57 : memref<1x16x128xf32, #tpu.memory_space<hbm>> -> memref<16x128xf32, #tpu.memory_space<hbm>>
        %dma_wait3A_59 = arith.constant 9984 : i32
        %dma_wait3A_60 = arith.constant 0 : i32
        %dma_wait3A_61 = tpu.memref_slice %arg6[%dma_wait3A_59, %dma_wait3A_60] : memref<10000x128xf32, #tpu.memory_space<vmem_shared>> -> memref<16x128xf32, #tpu.memory_space<vmem_shared>>
        tpu.wait_dma2 semaphore(%run_scoped3A : memref<!tpu.dma_semaphore, #tpu.memory_space<semaphore_mem>>) src(%dma_wait3A_61 : memref<16x128xf32, #tpu.memory_space<vmem_shared>>) dst(%dma_wait3A_58 : memref<16x128xf32, #tpu.memory_space<hbm>>)
        tpu.yield
      }) : () -> ()
    } else {
    }
    %barrier3A_47 = arith.constant 0 : index
    tpu.barrier barrier_id(%barrier3A_47)
    return
  }
}

module attributes {stable_mosaic.version = 14 : i64} {
  func.func @body(%arg0: i32, %arg1: memref<400x128xf32, #tpu.memory_space<vmem>>, %arg2: memref<400x1xi32, #tpu.memory_space<vmem>>, %arg3: memref<128x128xf32, #tpu.memory_space<vmem>>, %arg4: memref<400x128xf32, #tpu.memory_space<vmem>>, %arg5: memref<1x256xf32, #tpu.memory_space<vmem>>) attributes {dimension_semantics = [#tpu.dimension_semantics<arbitrary>], iteration_bounds = array<i64: 25>, scalar_prefetch = 0 : i64, scratch_operands = 0 : i64, tpu.core_type = #tpu.core_type<tc>, window_params = [{transform_indices = @transform_0, window_bounds = array<i64: 400, 128>}, {transform_indices = @transform_1, window_bounds = array<i64: 400, 1>}, {pipeline_mode = #tpu.pipeline_mode<synchronous>, transform_indices = @transform_2, window_bounds = array<i64: 128, 128>}, {transform_indices = @transform_3, window_bounds = array<i64: 400, 128>}, {pipeline_mode = #tpu.pipeline_mode<synchronous>, transform_indices = @transform_4, window_bounds = array<i64: 1, 256>}]} {
    %get3A = arith.constant 0 : index
    %get3A_0 = arith.constant 0 : index
    %get3A_1 = vector.load %arg1[%get3A, %get3A_0] : memref<400x128xf32, #tpu.memory_space<vmem>>, vector<400x128xf32>
    %get3A_2 = arith.constant 0 : index
    %get3A_3 = arith.constant 0 : index
    %get3A_4 = vector.load %arg3[%get3A_2, %get3A_3] : memref<128x128xf32, #tpu.memory_space<vmem>>, vector<128x128xf32>
    %dot_general3A = arith.constant dense<0.000000e+00> : vector<400x128xf32>
    %dot_general3A_5 = tpu.matmul %get3A_1, %get3A_4, %dot_general3A {dimension_numbers = #tpu.dot_dimension_numbers<[1], [0], [0], [1], [0, 0, 1, 1], [], []>, transpose_lhs_hint = false} : vector<400x128xf32>, vector<128x128xf32>, vector<400x128xf32> -> vector<400x128xf32>
    %swap3A = arith.constant 0 : index
    %swap3A_6 = arith.constant 0 : index
    %swap3A_7 = vector.load %arg4[%swap3A, %swap3A_6] : memref<400x128xf32, #tpu.memory_space<vmem>>, vector<400x128xf32>
    tpu.vector_store %arg4[%swap3A, %swap3A_6], %dot_general3A_5 {strides = array<i32>} : memref<400x128xf32, #tpu.memory_space<vmem>>, vector<400x128xf32>,
    %get3A_8 = arith.constant 0 : index
    %get3A_9 = arith.constant 0 : index
    %get3A_10 = vector.load %arg2[%get3A_8, %get3A_9] : memref<400x1xi32, #tpu.memory_space<vmem>>, vector<400x1xi32>
    %iota3A = tpu.iota {dimensions = array<i32: 1>} : vector<1x256xi32>
    %eq3A = vector.broadcast %get3A_10 : vector<400x1xi32> to vector<400x256xi32>
    %eq3A_11 = vector.broadcast %iota3A : vector<1x256xi32> to vector<400x256xi32>
    %eq3A_12 = arith.cmpi eq, %eq3A, %eq3A_11 : vector<400x256xi32>
    %convert_element_type3A = arith.extui %eq3A_12 : vector<400x256xi1> to vector<400x256xi32>
    %convert_element_type3A_13 = arith.sitofp %convert_element_type3A : vector<400x256xi32> to vector<400x256xf32>
    %reduce_sum3A = arith.constant dense<0.000000e+00> : vector<256xf32>
    %reduce_sum3A_14 = vector.multi_reduction <add>, %convert_element_type3A_13, %reduce_sum3A [0] : vector<400x256xf32> to vector<256xf32>
    %broadcast_in_dim3A = vector.shape_cast %reduce_sum3A_14 : vector<256xf32> to vector<1x256xf32>
    %eq3A_15 = arith.constant 0 : i32
    %eq3A_16 = arith.cmpi eq, %arg0, %eq3A_15 : i32
    %convert_element_type3A_17 = arith.extui %eq3A_16 : i1 to i32
    %cond3A = arith.constant 0 : i32
    %cond3A_18 = arith.cmpi ne, %convert_element_type3A_17, %cond3A : i32
    scf.if %cond3A_18 {
      %swap3A_23 = arith.constant 0 : index
      %swap3A_24 = arith.constant 0 : index
      %swap3A_25 = vector.load %arg5[%swap3A_23, %swap3A_24] : memref<1x256xf32, #tpu.memory_space<vmem>>, vector<1x256xf32>
      tpu.vector_store %arg5[%swap3A_23, %swap3A_24], %broadcast_in_dim3A {strides = array<i32>} : memref<1x256xf32, #tpu.memory_space<vmem>>, vector<1x256xf32>,
    } else {
    }
    %gt3A = arith.constant 0 : i32
    %gt3A_19 = arith.cmpi sgt, %arg0, %gt3A : i32
    %convert_element_type3A_20 = arith.extui %gt3A_19 : i1 to i32
    %cond3A_21 = arith.constant 0 : i32
    %cond3A_22 = arith.cmpi ne, %convert_element_type3A_20, %cond3A_21 : i32
    scf.if %cond3A_22 {
      %get3A_23 = arith.constant 0 : index
      %get3A_24 = arith.constant 0 : index
      %get3A_25 = vector.load %arg5[%get3A_23, %get3A_24] : memref<1x256xf32, #tpu.memory_space<vmem>>, vector<1x256xf32>
      %add3A = arith.addf %get3A_25, %broadcast_in_dim3A : vector<1x256xf32>
      %swap3A_26 = arith.constant 0 : index
      %swap3A_27 = arith.constant 0 : index
      %swap3A_28 = vector.load %arg5[%swap3A_26, %swap3A_27] : memref<1x256xf32, #tpu.memory_space<vmem>>, vector<1x256xf32>
      tpu.vector_store %arg5[%swap3A_26, %swap3A_27], %add3A {strides = array<i32>} : memref<1x256xf32, #tpu.memory_space<vmem>>, vector<1x256xf32>,
    } else {
    }
    return
  }
  func.func @transform_0(%arg0: i32) -> (i32, i32) {
    %c0_i32 = arith.constant 0 : i32
    %c0_i32_0 = arith.constant 0 : i32
    return %arg0, %c0_i32 : i32, i32
  }
  func.func @transform_1(%arg0: i32) -> (i32, i32) {
    %c0_i32 = arith.constant 0 : i32
    %c0_i32_0 = arith.constant 0 : i32
    return %arg0, %c0_i32 : i32, i32
  }
  func.func @transform_2(%arg0: i32) -> (i32, i32) {
    %c0_i32 = arith.constant 0 : i32
    %c0_i32_0 = arith.constant 0 : i32
    %c0_i32_1 = arith.constant 0 : i32
    return %c0_i32, %c0_i32_0 : i32, i32
  }
  func.func @transform_3(%arg0: i32) -> (i32, i32) {
    %c0_i32 = arith.constant 0 : i32
    %c0_i32_0 = arith.constant 0 : i32
    return %arg0, %c0_i32 : i32, i32
  }
  func.func @transform_4(%arg0: i32) -> (i32, i32) {
    %c0_i32 = arith.constant 0 : i32
    %c0_i32_0 = arith.constant 0 : i32
    %c0_i32_1 = arith.constant 0 : i32
    return %c0_i32, %c0_i32_0 : i32, i32
  }
}

module attributes {stable_mosaic.version = 14 : i64} {
  func.func @body(%arg0: i32, %arg1: memref<400x128xf32, #tpu.memory_space<vmem>>, %arg2: memref<400x128xf32, #tpu.memory_space<vmem>>, %arg3: memref<400x128xf32, #tpu.memory_space<vmem>>, %arg4: memref<400x128xf32, #tpu.memory_space<vmem>>, %arg5: memref<400x1xf32, #tpu.memory_space<vmem>>) attributes {dimension_semantics = [#tpu.dimension_semantics<arbitrary>], iteration_bounds = array<i64: 25>, scalar_prefetch = 0 : i64, scratch_operands = 0 : i64, tpu.core_type = #tpu.core_type<tc>, window_params = [{transform_indices = @transform_0, window_bounds = array<i64: 400, 128>}, {transform_indices = @transform_1, window_bounds = array<i64: 400, 128>}, {transform_indices = @transform_2, window_bounds = array<i64: 400, 128>}, {transform_indices = @transform_3, window_bounds = array<i64: 400, 128>}, {transform_indices = @transform_4, window_bounds = array<i64: 400, 1>}]} {
    %get3A = arith.constant 0 : index
    %get3A_0 = arith.constant 0 : index
    %get3A_1 = vector.load %arg2[%get3A, %get3A_0] : memref<400x128xf32, #tpu.memory_space<vmem>>, vector<400x1xf32>
    %get3A_2 = arith.constant 0 : index
    %get3A_3 = arith.constant 0 : index
    %get3A_4 = vector.load %arg3[%get3A_2, %get3A_3] : memref<400x128xf32, #tpu.memory_space<vmem>>, vector<400x1xf32>
    %add3A = arith.addf %get3A_1, %get3A_4 : vector<400x1xf32>
    %add3A_5 = arith.constant 1.000000e+00 : f32
    %add3A_6 = vector.broadcast %add3A_5 : f32 to vector<400x1xf32>
    %add3A_7 = arith.addf %add3A, %add3A_6 : vector<400x1xf32>
    %rsqrt3A = math.rsqrt %add3A_7 : vector<400x1xf32>
    %swap3A = arith.constant 0 : index
    %swap3A_8 = arith.constant 0 : index
    %swap3A_9 = vector.load %arg5[%swap3A, %swap3A_8] : memref<400x1xf32, #tpu.memory_space<vmem>>, vector<400x1xf32>
    tpu.vector_store %arg5[%swap3A, %swap3A_8], %rsqrt3A {strides = array<i32>} : memref<400x1xf32, #tpu.memory_space<vmem>>, vector<400x1xf32>,
    %get3A_10 = arith.constant 0 : index
    %get3A_11 = arith.constant 0 : index
    %get3A_12 = vector.load %arg1[%get3A_10, %get3A_11] : memref<400x128xf32, #tpu.memory_space<vmem>>, vector<400x128xf32>
    %mul3A = vector.broadcast %rsqrt3A : vector<400x1xf32> to vector<400x128xf32>
    %mul3A_13 = arith.mulf %mul3A, %get3A_12 : vector<400x128xf32>
    %swap3A_14 = arith.constant 0 : index
    %swap3A_15 = arith.constant 0 : index
    %swap3A_16 = vector.load %arg4[%swap3A_14, %swap3A_15] : memref<400x128xf32, #tpu.memory_space<vmem>>, vector<400x128xf32>
    tpu.vector_store %arg4[%swap3A_14, %swap3A_15], %mul3A_13 {strides = array<i32>} : memref<400x128xf32, #tpu.memory_space<vmem>>, vector<400x128xf32>,
    return
  }
  func.func @transform_0(%arg0: i32) -> (i32, i32) {
    %c0_i32 = arith.constant 0 : i32
    %c0_i32_0 = arith.constant 0 : i32
    return %arg0, %c0_i32 : i32, i32
  }
  func.func @transform_1(%arg0: i32) -> (i32, i32) {
    %c0_i32 = arith.constant 0 : i32
    %c0_i32_0 = arith.constant 0 : i32
    return %arg0, %c0_i32 : i32, i32
  }
  func.func @transform_2(%arg0: i32) -> (i32, i32) {
    %c0_i32 = arith.constant 0 : i32
    %c0_i32_0 = arith.constant 0 : i32
    return %arg0, %c0_i32 : i32, i32
  }
  func.func @transform_3(%arg0: i32) -> (i32, i32) {
    %c0_i32 = arith.constant 0 : i32
    %c0_i32_0 = arith.constant 0 : i32
    return %arg0, %c0_i32 : i32, i32
  }
  func.func @transform_4(%arg0: i32) -> (i32, i32) {
    %c0_i32 = arith.constant 0 : i32
    %c0_i32_0 = arith.constant 0 : i32
    return %arg0, %c0_i32 : i32, i32
  }
}

module attributes {stable_mosaic.version = 14 : i64} {
  func.func @body(%arg0: i32, %arg1: memref<400x128xf32, #tpu.memory_space<vmem>>, %arg2: memref<400x128xf32, #tpu.memory_space<vmem>>, %arg3: memref<400x128xf32, #tpu.memory_space<vmem>>, %arg4: memref<400x1xf32, #tpu.memory_space<vmem>>, %arg5: memref<1x128xf32, #tpu.memory_space<vmem>>, %arg6: memref<128x256xf32, #tpu.memory_space<vmem>>, %arg7: memref<400x128xf32, #tpu.memory_space<vmem>>, %arg8: memref<400x128xf32, #tpu.memory_space<vmem>>) attributes {dimension_semantics = [#tpu.dimension_semantics<arbitrary>], iteration_bounds = array<i64: 25>, scalar_prefetch = 0 : i64, scratch_operands = 0 : i64, tpu.core_type = #tpu.core_type<tc>, window_params = [{transform_indices = @transform_0, window_bounds = array<i64: 400, 128>}, {transform_indices = @transform_1, window_bounds = array<i64: 400, 128>}, {transform_indices = @transform_2, window_bounds = array<i64: 400, 128>}, {transform_indices = @transform_3, window_bounds = array<i64: 400, 1>}, {pipeline_mode = #tpu.pipeline_mode<synchronous>, transform_indices = @transform_4, window_bounds = array<i64: 1, 128>}, {pipeline_mode = #tpu.pipeline_mode<synchronous>, transform_indices = @transform_5, window_bounds = array<i64: 128, 256>}, {transform_indices = @transform_6, window_bounds = array<i64: 400, 128>}, {transform_indices = @transform_7, window_bounds = array<i64: 400, 128>}]} {
    %get3A = arith.constant 0 : index
    %get3A_0 = arith.constant 0 : index
    %get3A_1 = vector.load %arg4[%get3A, %get3A_0] : memref<400x1xf32, #tpu.memory_space<vmem>>, vector<400x1xf32>
    %get3A_2 = arith.constant 0 : index
    %get3A_3 = arith.constant 0 : index
    %get3A_4 = vector.load %arg1[%get3A_2, %get3A_3] : memref<400x128xf32, #tpu.memory_space<vmem>>, vector<400x128xf32>
    %get3A_5 = arith.constant 0 : index
    %get3A_6 = arith.constant 0 : index
    %get3A_7 = vector.load %arg2[%get3A_5, %get3A_6] : memref<400x128xf32, #tpu.memory_space<vmem>>, vector<400x128xf32>
    %add3A = arith.addf %get3A_4, %get3A_7 : vector<400x128xf32>
    %get3A_8 = arith.constant 0 : index
    %get3A_9 = arith.constant 0 : index
    %get3A_10 = vector.load %arg3[%get3A_8, %get3A_9] : memref<400x128xf32, #tpu.memory_space<vmem>>, vector<400x128xf32>
    %add3A_11 = arith.addf %add3A, %get3A_10 : vector<400x128xf32>
    %mul3A = vector.broadcast %get3A_1 : vector<400x1xf32> to vector<400x128xf32>
    %mul3A_12 = arith.mulf %mul3A, %add3A_11 : vector<400x128xf32>
    %get3A_13 = arith.constant 0 : index
    %get3A_14 = arith.constant 0 : index
    %get3A_15 = vector.load %arg5[%get3A_13, %get3A_14] : memref<1x128xf32, #tpu.memory_space<vmem>>, vector<1x128xf32>
    %add3A_16 = vector.broadcast %get3A_15 : vector<1x128xf32> to vector<400x128xf32>
    %add3A_17 = arith.addf %mul3A_12, %add3A_16 : vector<400x128xf32>
    %max3A = arith.constant 0.000000e+00 : f32
    %max3A_18 = vector.broadcast %max3A : f32 to vector<400x128xf32>
    %max3A_19 = arith.maximumf %add3A_17, %max3A_18 : vector<400x128xf32>
    %get3A_20 = arith.constant 0 : index
    %get3A_21 = arith.constant 0 : index
    %get3A_22 = vector.load %arg6[%get3A_20, %get3A_21] : memref<128x256xf32, #tpu.memory_space<vmem>>, vector<128x256xf32>
    %dot_general3A = arith.constant dense<0.000000e+00> : vector<400x256xf32>
    %dot_general3A_23 = tpu.matmul %max3A_19, %get3A_22, %dot_general3A {dimension_numbers = #tpu.dot_dimension_numbers<[1], [0], [0], [1], [0, 0, 1, 1], [], []>, transpose_lhs_hint = false} : vector<400x128xf32>, vector<128x256xf32>, vector<400x256xf32> -> vector<400x256xf32>
    %mul3A_24 = vector.broadcast %get3A_1 : vector<400x1xf32> to vector<400x256xf32>
    %mul3A_25 = arith.mulf %mul3A_24, %dot_general3A_23 : vector<400x256xf32>
    %slice3A = vector.extract_strided_slice %mul3A_25 {offsets = [0, 0], sizes = [400, 128], strides = [1, 1]} : vector<400x256xf32> to vector<400x128xf32>
    %swap3A = arith.constant 0 : index
    %swap3A_26 = arith.constant 0 : index
    %swap3A_27 = vector.load %arg7[%swap3A, %swap3A_26] : memref<400x128xf32, #tpu.memory_space<vmem>>, vector<400x128xf32>
    tpu.vector_store %arg7[%swap3A, %swap3A_26], %slice3A {strides = array<i32>} : memref<400x128xf32, #tpu.memory_space<vmem>>, vector<400x128xf32>,
    %slice3A_28 = vector.extract_strided_slice %mul3A_25 {offsets = [0, 128], sizes = [400, 128], strides = [1, 1]} : vector<400x256xf32> to vector<400x128xf32>
    %swap3A_29 = arith.constant 0 : index
    %swap3A_30 = arith.constant 0 : index
    %swap3A_31 = vector.load %arg8[%swap3A_29, %swap3A_30] : memref<400x128xf32, #tpu.memory_space<vmem>>, vector<400x128xf32>
    tpu.vector_store %arg8[%swap3A_29, %swap3A_30], %slice3A_28 {strides = array<i32>} : memref<400x128xf32, #tpu.memory_space<vmem>>, vector<400x128xf32>,
    return
  }
  func.func @transform_0(%arg0: i32) -> (i32, i32) {
    %c0_i32 = arith.constant 0 : i32
    %c0_i32_0 = arith.constant 0 : i32
    return %arg0, %c0_i32 : i32, i32
  }
  func.func @transform_1(%arg0: i32) -> (i32, i32) {
    %c0_i32 = arith.constant 0 : i32
    %c0_i32_0 = arith.constant 0 : i32
    return %arg0, %c0_i32 : i32, i32
  }
  func.func @transform_2(%arg0: i32) -> (i32, i32) {
    %c0_i32 = arith.constant 0 : i32
    %c0_i32_0 = arith.constant 0 : i32
    return %arg0, %c0_i32 : i32, i32
  }
  func.func @transform_3(%arg0: i32) -> (i32, i32) {
    %c0_i32 = arith.constant 0 : i32
    %c0_i32_0 = arith.constant 0 : i32
    return %arg0, %c0_i32 : i32, i32
  }
  func.func @transform_4(%arg0: i32) -> (i32, i32) {
    %c0_i32 = arith.constant 0 : i32
    %c0_i32_0 = arith.constant 0 : i32
    %c0_i32_1 = arith.constant 0 : i32
    return %c0_i32, %c0_i32_0 : i32, i32
  }
  func.func @transform_5(%arg0: i32) -> (i32, i32) {
    %c0_i32 = arith.constant 0 : i32
    %c0_i32_0 = arith.constant 0 : i32
    %c0_i32_1 = arith.constant 0 : i32
    return %c0_i32, %c0_i32_0 : i32, i32
  }
  func.func @transform_6(%arg0: i32) -> (i32, i32) {
    %c0_i32 = arith.constant 0 : i32
    %c0_i32_0 = arith.constant 0 : i32
    return %arg0, %c0_i32 : i32, i32
  }
  func.func @transform_7(%arg0: i32) -> (i32, i32) {
    %c0_i32 = arith.constant 0 : i32
    %c0_i32_0 = arith.constant 0 : i32
    return %arg0, %c0_i32 : i32, i32
  }
}

module attributes {stable_mosaic.version = 14 : i64} {
  func.func @body(%arg0: i32, %arg1: memref<400x128xf32, #tpu.memory_space<vmem>>, %arg2: memref<400x128xf32, #tpu.memory_space<vmem>>, %arg3: memref<400x128xf32, #tpu.memory_space<vmem>>, %arg4: memref<400x128xf32, #tpu.memory_space<vmem>>, %arg5: memref<400x128xf32, #tpu.memory_space<vmem>>, %arg6: memref<400x128xf32, #tpu.memory_space<vmem>>, %arg7: memref<400x1xf32, #tpu.memory_space<vmem>>, %arg8: memref<1x256xf32, #tpu.memory_space<vmem>>, %arg9: memref<256x512xf32, #tpu.memory_space<vmem>>, %arg10: memref<400x128xf32, #tpu.memory_space<vmem>>, %arg11: memref<400x128xf32, #tpu.memory_space<vmem>>, %arg12: memref<400x128xf32, #tpu.memory_space<vmem>>, %arg13: memref<400x128xf32, #tpu.memory_space<vmem>>) attributes {dimension_semantics = [#tpu.dimension_semantics<arbitrary>], iteration_bounds = array<i64: 25>, scalar_prefetch = 0 : i64, scratch_operands = 0 : i64, tpu.core_type = #tpu.core_type<tc>, window_params = [{transform_indices = @transform_0, window_bounds = array<i64: 400, 128>}, {transform_indices = @transform_1, window_bounds = array<i64: 400, 128>}, {transform_indices = @transform_2, window_bounds = array<i64: 400, 128>}, {transform_indices = @transform_3, window_bounds = array<i64: 400, 128>}, {transform_indices = @transform_4, window_bounds = array<i64: 400, 128>}, {transform_indices = @transform_5, window_bounds = array<i64: 400, 128>}, {transform_indices = @transform_6, window_bounds = array<i64: 400, 1>}, {pipeline_mode = #tpu.pipeline_mode<synchronous>, transform_indices = @transform_7, window_bounds = array<i64: 1, 256>}, {pipeline_mode = #tpu.pipeline_mode<synchronous>, transform_indices = @transform_8, window_bounds = array<i64: 256, 512>}, {transform_indices = @transform_9, window_bounds = array<i64: 400, 128>}, {transform_indices = @transform_10, window_bounds = array<i64: 400, 128>}, {transform_indices = @transform_11, window_bounds = array<i64: 400, 128>}, {transform_indices = @transform_12, window_bounds = array<i64: 400, 128>}]} {
    %get3A = arith.constant 0 : index
    %get3A_0 = arith.constant 0 : index
    %get3A_1 = vector.load %arg7[%get3A, %get3A_0] : memref<400x1xf32, #tpu.memory_space<vmem>>, vector<400x1xf32>
    %get3A_2 = arith.constant 0 : index
    %get3A_3 = arith.constant 0 : index
    %get3A_4 = vector.load %arg1[%get3A_2, %get3A_3] : memref<400x128xf32, #tpu.memory_space<vmem>>, vector<400x128xf32>
    %get3A_5 = arith.constant 0 : index
    %get3A_6 = arith.constant 0 : index
    %get3A_7 = vector.load %arg2[%get3A_5, %get3A_6] : memref<400x128xf32, #tpu.memory_space<vmem>>, vector<400x128xf32>
    %add3A = arith.addf %get3A_4, %get3A_7 : vector<400x128xf32>
    %get3A_8 = arith.constant 0 : index
    %get3A_9 = arith.constant 0 : index
    %get3A_10 = vector.load %arg5[%get3A_8, %get3A_9] : memref<400x128xf32, #tpu.memory_space<vmem>>, vector<400x128xf32>
    %add3A_11 = arith.addf %add3A, %get3A_10 : vector<400x128xf32>
    %get3A_12 = arith.constant 0 : index
    %get3A_13 = arith.constant 0 : index
    %get3A_14 = vector.load %arg3[%get3A_12, %get3A_13] : memref<400x128xf32, #tpu.memory_space<vmem>>, vector<400x128xf32>
    %get3A_15 = arith.constant 0 : index
    %get3A_16 = arith.constant 0 : index
    %get3A_17 = vector.load %arg4[%get3A_15, %get3A_16] : memref<400x128xf32, #tpu.memory_space<vmem>>, vector<400x128xf32>
    %add3A_18 = arith.addf %get3A_14, %get3A_17 : vector<400x128xf32>
    %get3A_19 = arith.constant 0 : index
    %get3A_20 = arith.constant 0 : index
    %get3A_21 = vector.load %arg6[%get3A_19, %get3A_20] : memref<400x128xf32, #tpu.memory_space<vmem>>, vector<400x128xf32>
    %add3A_22 = arith.addf %add3A_18, %get3A_21 : vector<400x128xf32>
    %concatenate3A = tpu.concatenate %add3A_11, %add3A_22 in 1 : vector<400x128xf32>, vector<400x128xf32> -> vector<400x256xf32>
    %mul3A = vector.broadcast %get3A_1 : vector<400x1xf32> to vector<400x256xf32>
    %mul3A_23 = arith.mulf %mul3A, %concatenate3A : vector<400x256xf32>
    %get3A_24 = arith.constant 0 : index
    %get3A_25 = arith.constant 0 : index
    %get3A_26 = vector.load %arg8[%get3A_24, %get3A_25] : memref<1x256xf32, #tpu.memory_space<vmem>>, vector<1x256xf32>
    %add3A_27 = vector.broadcast %get3A_26 : vector<1x256xf32> to vector<400x256xf32>
    %add3A_28 = arith.addf %mul3A_23, %add3A_27 : vector<400x256xf32>
    %max3A = arith.constant 0.000000e+00 : f32
    %max3A_29 = vector.broadcast %max3A : f32 to vector<400x256xf32>
    %max3A_30 = arith.maximumf %add3A_28, %max3A_29 : vector<400x256xf32>
    %get3A_31 = arith.constant 0 : index
    %get3A_32 = arith.constant 0 : index
    %get3A_33 = vector.load %arg9[%get3A_31, %get3A_32] : memref<256x512xf32, #tpu.memory_space<vmem>>, vector<256x512xf32>
    %dot_general3A = arith.constant dense<0.000000e+00> : vector<400x512xf32>
    %dot_general3A_34 = tpu.matmul %max3A_30, %get3A_33, %dot_general3A {dimension_numbers = #tpu.dot_dimension_numbers<[1], [0], [0], [1], [0, 0, 1, 1], [], []>, transpose_lhs_hint = false} : vector<400x256xf32>, vector<256x512xf32>, vector<400x512xf32> -> vector<400x512xf32>
    %mul3A_35 = vector.broadcast %get3A_1 : vector<400x1xf32> to vector<400x512xf32>
    %mul3A_36 = arith.mulf %mul3A_35, %dot_general3A_34 : vector<400x512xf32>
    %slice3A = vector.extract_strided_slice %mul3A_36 {offsets = [0, 0], sizes = [400, 128], strides = [1, 1]} : vector<400x512xf32> to vector<400x128xf32>
    %swap3A = arith.constant 0 : index
    %swap3A_37 = arith.constant 0 : index
    %swap3A_38 = vector.load %arg10[%swap3A, %swap3A_37] : memref<400x128xf32, #tpu.memory_space<vmem>>, vector<400x128xf32>
    tpu.vector_store %arg10[%swap3A, %swap3A_37], %slice3A {strides = array<i32>} : memref<400x128xf32, #tpu.memory_space<vmem>>, vector<400x128xf32>,
    %slice3A_39 = vector.extract_strided_slice %mul3A_36 {offsets = [0, 128], sizes = [400, 128], strides = [1, 1]} : vector<400x512xf32> to vector<400x128xf32>
    %swap3A_40 = arith.constant 0 : index
    %swap3A_41 = arith.constant 0 : index
    %swap3A_42 = vector.load %arg11[%swap3A_40, %swap3A_41] : memref<400x128xf32, #tpu.memory_space<vmem>>, vector<400x128xf32>
    tpu.vector_store %arg11[%swap3A_40, %swap3A_41], %slice3A_39 {strides = array<i32>} : memref<400x128xf32, #tpu.memory_space<vmem>>, vector<400x128xf32>,
    %slice3A_43 = vector.extract_strided_slice %mul3A_36 {offsets = [0, 256], sizes = [400, 128], strides = [1, 1]} : vector<400x512xf32> to vector<400x128xf32>
    %swap3A_44 = arith.constant 0 : index
    %swap3A_45 = arith.constant 0 : index
    %swap3A_46 = vector.load %arg12[%swap3A_44, %swap3A_45] : memref<400x128xf32, #tpu.memory_space<vmem>>, vector<400x128xf32>
    tpu.vector_store %arg12[%swap3A_44, %swap3A_45], %slice3A_43 {strides = array<i32>} : memref<400x128xf32, #tpu.memory_space<vmem>>, vector<400x128xf32>,
    %slice3A_47 = vector.extract_strided_slice %mul3A_36 {offsets = [0, 384], sizes = [400, 128], strides = [1, 1]} : vector<400x512xf32> to vector<400x128xf32>
    %swap3A_48 = arith.constant 0 : index
    %swap3A_49 = arith.constant 0 : index
    %swap3A_50 = vector.load %arg13[%swap3A_48, %swap3A_49] : memref<400x128xf32, #tpu.memory_space<vmem>>, vector<400x128xf32>
    tpu.vector_store %arg13[%swap3A_48, %swap3A_49], %slice3A_47 {strides = array<i32>} : memref<400x128xf32, #tpu.memory_space<vmem>>, vector<400x128xf32>,
    return
  }
  func.func @transform_0(%arg0: i32) -> (i32, i32) {
    %c0_i32 = arith.constant 0 : i32
    %c0_i32_0 = arith.constant 0 : i32
    return %arg0, %c0_i32 : i32, i32
  }
  func.func @transform_1(%arg0: i32) -> (i32, i32) {
    %c0_i32 = arith.constant 0 : i32
    %c0_i32_0 = arith.constant 0 : i32
    return %arg0, %c0_i32 : i32, i32
  }
  func.func @transform_2(%arg0: i32) -> (i32, i32) {
    %c0_i32 = arith.constant 0 : i32
    %c0_i32_0 = arith.constant 0 : i32
    return %arg0, %c0_i32 : i32, i32
  }
  func.func @transform_3(%arg0: i32) -> (i32, i32) {
    %c0_i32 = arith.constant 0 : i32
    %c0_i32_0 = arith.constant 0 : i32
    return %arg0, %c0_i32 : i32, i32
  }
  func.func @transform_4(%arg0: i32) -> (i32, i32) {
    %c0_i32 = arith.constant 0 : i32
    %c0_i32_0 = arith.constant 0 : i32
    return %arg0, %c0_i32 : i32, i32
  }
  func.func @transform_5(%arg0: i32) -> (i32, i32) {
    %c0_i32 = arith.constant 0 : i32
    %c0_i32_0 = arith.constant 0 : i32
    return %arg0, %c0_i32 : i32, i32
  }
  func.func @transform_6(%arg0: i32) -> (i32, i32) {
    %c0_i32 = arith.constant 0 : i32
    %c0_i32_0 = arith.constant 0 : i32
    return %arg0, %c0_i32 : i32, i32
  }
  func.func @transform_7(%arg0: i32) -> (i32, i32) {
    %c0_i32 = arith.constant 0 : i32
    %c0_i32_0 = arith.constant 0 : i32
    %c0_i32_1 = arith.constant 0 : i32
    return %c0_i32, %c0_i32_0 : i32, i32
  }
  func.func @transform_8(%arg0: i32) -> (i32, i32) {
    %c0_i32 = arith.constant 0 : i32
    %c0_i32_0 = arith.constant 0 : i32
    %c0_i32_1 = arith.constant 0 : i32
    return %c0_i32, %c0_i32_0 : i32, i32
  }
  func.func @transform_9(%arg0: i32) -> (i32, i32) {
    %c0_i32 = arith.constant 0 : i32
    %c0_i32_0 = arith.constant 0 : i32
    return %arg0, %c0_i32 : i32, i32
  }
  func.func @transform_10(%arg0: i32) -> (i32, i32) {
    %c0_i32 = arith.constant 0 : i32
    %c0_i32_0 = arith.constant 0 : i32
    return %arg0, %c0_i32 : i32, i32
  }
  func.func @transform_11(%arg0: i32) -> (i32, i32) {
    %c0_i32 = arith.constant 0 : i32
    %c0_i32_0 = arith.constant 0 : i32
    return %arg0, %c0_i32 : i32, i32
  }
  func.func @transform_12(%arg0: i32) -> (i32, i32) {
    %c0_i32 = arith.constant 0 : i32
    %c0_i32_0 = arith.constant 0 : i32
    return %arg0, %c0_i32 : i32, i32
  }
}

module attributes {stable_mosaic.version = 14 : i64} {
  func.func @body(%arg0: i32, %arg1: memref<50xi32, #tpu.memory_space<smem>>, %arg2: memref<400x128xf32, #tpu.memory_space<vmem>>, %arg3: memref<400x128xf32, #tpu.memory_space<vmem>>, %arg4: memref<400x128xf32, #tpu.memory_space<vmem>>, %arg5: memref<400x128xf32, #tpu.memory_space<vmem>>, %arg6: memref<400x128xf32, #tpu.memory_space<vmem>>, %arg7: memref<400x128xf32, #tpu.memory_space<vmem>>, %arg8: memref<400x128xf32, #tpu.memory_space<vmem>>, %arg9: memref<400x128xf32, #tpu.memory_space<vmem>>, %arg10: memref<400x128xf32, #tpu.memory_space<vmem>>, %arg11: memref<400x128xf32, #tpu.memory_space<vmem>>, %arg12: memref<400x128xf32, #tpu.memory_space<vmem>>, %arg13: memref<400x128xf32, #tpu.memory_space<vmem>>, %arg14: memref<400x1xf32, #tpu.memory_space<vmem>>, %arg15: memref<1x512xf32, #tpu.memory_space<vmem>>, %arg16: memref<400x1xi32, #tpu.memory_space<vmem>>, %arg17: memref<256x1xf32, #tpu.memory_space<vmem>>, %arg18: memref<1024x1024xf32, #tpu.memory_space<vmem>>, %arg19: memref<1x1024xf32, #tpu.memory_space<vmem>>, %arg20: memref<1024x128xf32, #tpu.memory_space<vmem>>, %arg21: memref<1x128xf32, #tpu.memory_space<vmem>>, %arg22: memref<256x128xf32, #tpu.memory_space<vmem>>, %arg23: memref<256x512xf32, #tpu.memory_space<vmem>>, %arg24: memref<256x512xf32, #tpu.memory_space<vmem>>) attributes {dimension_semantics = [#tpu.dimension_semantics<arbitrary>], iteration_bounds = array<i64: 25>, scalar_prefetch = 1 : i64, scratch_operands = 2 : i64, tpu.core_type = #tpu.core_type<tc>, window_params = [{transform_indices = @transform_0, window_bounds = array<i64: 400, 128>}, {transform_indices = @transform_1, window_bounds = array<i64: 400, 128>}, {transform_indices = @transform_2, window_bounds = array<i64: 400, 128>}, {transform_indices = @transform_3, window_bounds = array<i64: 400, 128>}, {transform_indices = @transform_4, window_bounds = array<i64: 400, 128>}, {transform_indices = @transform_5, window_bounds = array<i64: 400, 128>}, {transform_indices = @transform_6, window_bounds = array<i64: 400, 128>}, {transform_indices = @transform_7, window_bounds = array<i64: 400, 128>}, {transform_indices = @transform_8, window_bounds = array<i64: 400, 128>}, {transform_indices = @transform_9, window_bounds = array<i64: 400, 128>}, {transform_indices = @transform_10, window_bounds = array<i64: 400, 128>}, {transform_indices = @transform_11, window_bounds = array<i64: 400, 128>}, {transform_indices = @transform_12, window_bounds = array<i64: 400, 1>}, {pipeline_mode = #tpu.pipeline_mode<synchronous>, transform_indices = @transform_13, window_bounds = array<i64: 1, 512>}, {transform_indices = @transform_14, window_bounds = array<i64: 400, 1>}, {pipeline_mode = #tpu.pipeline_mode<synchronous>, transform_indices = @transform_15, window_bounds = array<i64: 256, 1>}, {pipeline_mode = #tpu.pipeline_mode<synchronous>, transform_indices = @transform_16, window_bounds = array<i64: 1024, 1024>}, {pipeline_mode = #tpu.pipeline_mode<synchronous>, transform_indices = @transform_17, window_bounds = array<i64: 1, 1024>}, {pipeline_mode = #tpu.pipeline_mode<synchronous>, transform_indices = @transform_18, window_bounds = array<i64: 1024, 128>}, {pipeline_mode = #tpu.pipeline_mode<synchronous>, transform_indices = @transform_19, window_bounds = array<i64: 1, 128>}, {pipeline_mode = #tpu.pipeline_mode<synchronous>, transform_indices = @transform_20, window_bounds = array<i64: 256, 128>}]} {
    %eq3A = arith.constant 0 : i32
    %eq3A_0 = arith.cmpi eq, %arg0, %eq3A : i32
    %convert_element_type3A = arith.extui %eq3A_0 : i1 to i32
    %cond3A = arith.constant 0 : i32
    %cond3A_1 = arith.cmpi ne, %convert_element_type3A, %cond3A : i32
    scf.if %cond3A_1 {
      %broadcast_in_dim3A = arith.constant -1.000000e+30 : f32
      %broadcast_in_dim3A_95 = vector.broadcast %broadcast_in_dim3A : f32 to vector<256x512xf32>
      %swap3A_96 = arith.constant 0 : index
      %swap3A_97 = arith.constant 0 : index
      %swap3A_98 = vector.load %arg23[%swap3A_96, %swap3A_97] : memref<256x512xf32, #tpu.memory_space<vmem>>, vector<256x512xf32>
      tpu.vector_store %arg23[%swap3A_96, %swap3A_97], %broadcast_in_dim3A_95 {strides = array<i32>} : memref<256x512xf32, #tpu.memory_space<vmem>>, vector<256x512xf32>,
      %broadcast_in_dim3A_99 = arith.constant 0.000000e+00 : f32
      %broadcast_in_dim3A_100 = vector.broadcast %broadcast_in_dim3A_99 : f32 to vector<256x512xf32>
      %swap3A_101 = arith.constant 0 : index
      %swap3A_102 = arith.constant 0 : index
      %swap3A_103 = vector.load %arg24[%swap3A_101, %swap3A_102] : memref<256x512xf32, #tpu.memory_space<vmem>>, vector<256x512xf32>
      tpu.vector_store %arg24[%swap3A_101, %swap3A_102], %broadcast_in_dim3A_100 {strides = array<i32>} : memref<256x512xf32, #tpu.memory_space<vmem>>, vector<256x512xf32>,
    } else {
    }
    %get3A = arith.constant 0 : index
    %get3A_2 = arith.constant 0 : index
    %get3A_3 = vector.load %arg2[%get3A, %get3A_2] : memref<400x128xf32, #tpu.memory_space<vmem>>, vector<400x128xf32>
    %get3A_4 = arith.constant 0 : index
    %get3A_5 = arith.constant 0 : index
    %get3A_6 = vector.load %arg6[%get3A_4, %get3A_5] : memref<400x128xf32, #tpu.memory_space<vmem>>, vector<400x128xf32>
    %add3A = arith.addf %get3A_3, %get3A_6 : vector<400x128xf32>
    %get3A_7 = arith.constant 0 : index
    %get3A_8 = arith.constant 0 : index
    %get3A_9 = vector.load %arg10[%get3A_7, %get3A_8] : memref<400x128xf32, #tpu.memory_space<vmem>>, vector<400x128xf32>
    %add3A_10 = arith.addf %add3A, %get3A_9 : vector<400x128xf32>
    %get3A_11 = arith.constant 0 : index
    %get3A_12 = arith.constant 0 : index
    %get3A_13 = vector.load %arg3[%get3A_11, %get3A_12] : memref<400x128xf32, #tpu.memory_space<vmem>>, vector<400x128xf32>
    %get3A_14 = arith.constant 0 : index
    %get3A_15 = arith.constant 0 : index
    %get3A_16 = vector.load %arg7[%get3A_14, %get3A_15] : memref<400x128xf32, #tpu.memory_space<vmem>>, vector<400x128xf32>
    %add3A_17 = arith.addf %get3A_13, %get3A_16 : vector<400x128xf32>
    %get3A_18 = arith.constant 0 : index
    %get3A_19 = arith.constant 0 : index
    %get3A_20 = vector.load %arg11[%get3A_18, %get3A_19] : memref<400x128xf32, #tpu.memory_space<vmem>>, vector<400x128xf32>
    %add3A_21 = arith.addf %add3A_17, %get3A_20 : vector<400x128xf32>
    %get3A_22 = arith.constant 0 : index
    %get3A_23 = arith.constant 0 : index
    %get3A_24 = vector.load %arg4[%get3A_22, %get3A_23] : memref<400x128xf32, #tpu.memory_space<vmem>>, vector<400x128xf32>
    %get3A_25 = arith.constant 0 : index
    %get3A_26 = arith.constant 0 : index
    %get3A_27 = vector.load %arg8[%get3A_25, %get3A_26] : memref<400x128xf32, #tpu.memory_space<vmem>>, vector<400x128xf32>
    %add3A_28 = arith.addf %get3A_24, %get3A_27 : vector<400x128xf32>
    %get3A_29 = arith.constant 0 : index
    %get3A_30 = arith.constant 0 : index
    %get3A_31 = vector.load %arg12[%get3A_29, %get3A_30] : memref<400x128xf32, #tpu.memory_space<vmem>>, vector<400x128xf32>
    %add3A_32 = arith.addf %add3A_28, %get3A_31 : vector<400x128xf32>
    %get3A_33 = arith.constant 0 : index
    %get3A_34 = arith.constant 0 : index
    %get3A_35 = vector.load %arg5[%get3A_33, %get3A_34] : memref<400x128xf32, #tpu.memory_space<vmem>>, vector<400x128xf32>
    %get3A_36 = arith.constant 0 : index
    %get3A_37 = arith.constant 0 : index
    %get3A_38 = vector.load %arg9[%get3A_36, %get3A_37] : memref<400x128xf32, #tpu.memory_space<vmem>>, vector<400x128xf32>
    %add3A_39 = arith.addf %get3A_35, %get3A_38 : vector<400x128xf32>
    %get3A_40 = arith.constant 0 : index
    %get3A_41 = arith.constant 0 : index
    %get3A_42 = vector.load %arg13[%get3A_40, %get3A_41] : memref<400x128xf32, #tpu.memory_space<vmem>>, vector<400x128xf32>
    %add3A_43 = arith.addf %add3A_39, %get3A_42 : vector<400x128xf32>
    %concatenate3A = tpu.concatenate %add3A_10, %add3A_21, %add3A_32, %add3A_43 in 1 : vector<400x128xf32>, vector<400x128xf32>, vector<400x128xf32>, vector<400x128xf32> -> vector<400x512xf32>
    %get3A_44 = arith.constant 0 : index
    %get3A_45 = arith.constant 0 : index
    %get3A_46 = vector.load %arg14[%get3A_44, %get3A_45] : memref<400x1xf32, #tpu.memory_space<vmem>>, vector<400x1xf32>
    %mul3A = vector.broadcast %get3A_46 : vector<400x1xf32> to vector<400x512xf32>
    %mul3A_47 = arith.mulf %mul3A, %concatenate3A : vector<400x512xf32>
    %get3A_48 = arith.constant 0 : index
    %get3A_49 = arith.constant 0 : index
    %get3A_50 = vector.load %arg15[%get3A_48, %get3A_49] : memref<1x512xf32, #tpu.memory_space<vmem>>, vector<1x512xf32>
    %add3A_51 = vector.broadcast %get3A_50 : vector<1x512xf32> to vector<400x512xf32>
    %add3A_52 = arith.addf %mul3A_47, %add3A_51 : vector<400x512xf32>
    %max3A = arith.constant 0.000000e+00 : f32
    %max3A_53 = vector.broadcast %max3A : f32 to vector<400x512xf32>
    %max3A_54 = arith.maximumf %add3A_52, %max3A_53 : vector<400x512xf32>
    %get3A_55 = arith.constant 0 : index
    %get3A_56 = arith.constant 0 : index
    %get3A_57 = vector.load %arg16[%get3A_55, %get3A_56] : memref<400x1xi32, #tpu.memory_space<vmem>>, vector<400x1xi32>
    %iota3A = tpu.iota {dimensions = array<i32: 1>} : vector<1x256xi32>
    %eq3A_58 = vector.broadcast %get3A_57 : vector<400x1xi32> to vector<400x256xi32>
    %eq3A_59 = vector.broadcast %iota3A : vector<1x256xi32> to vector<400x256xi32>
    %eq3A_60 = arith.cmpi eq, %eq3A_58, %eq3A_59 : vector<400x256xi32>
    %convert_element_type3A_61 = arith.extui %eq3A_60 : vector<400x256xi1> to vector<400x256xi32>
    %convert_element_type3A_62 = arith.sitofp %convert_element_type3A_61 : vector<400x256xi32> to vector<400x256xf32>
    %get3A_63 = arith.constant 0 : index
    %get3A_64 = arith.constant 0 : index
    %get3A_65 = vector.load %arg24[%get3A_63, %get3A_64] : memref<256x512xf32, #tpu.memory_space<vmem>>, vector<256x512xf32>
    %dot_general3A = arith.constant dense<0.000000e+00> : vector<256x512xf32>
    %dot_general3A_66 = tpu.matmul %convert_element_type3A_62, %max3A_54, %dot_general3A {dimension_numbers = #tpu.dot_dimension_numbers<[0], [0], [1], [1], [0, 1, 1, 1], [], []>, transpose_lhs_hint = false} : vector<400x256xf32>, vector<400x512xf32>, vector<256x512xf32> -> vector<256x512xf32>
    %add3A_67 = arith.addf %get3A_65, %dot_general3A_66 : vector<256x512xf32>
    %swap3A = arith.constant 0 : index
    %swap3A_68 = arith.constant 0 : index
    %swap3A_69 = vector.load %arg24[%swap3A, %swap3A_68] : memref<256x512xf32, #tpu.memory_space<vmem>>, vector<256x512xf32>
    tpu.vector_store %arg24[%swap3A, %swap3A_68], %add3A_67 {strides = array<i32>} : memref<256x512xf32, #tpu.memory_space<vmem>>, vector<256x512xf32>,
    %mul3A_70 = arith.constant 2 : i32
    %mul3A_71 = arith.muli %mul3A_70, %arg0 : i32
    %get3A_72 = arith.index_cast %mul3A_71 : i32 to index
    %get3A_73 = memref.load %arg1[%get3A_72] : memref<50xi32, #tpu.memory_space<smem>>
    %mul3A_74 = arith.constant 2 : i32
    %mul3A_75 = arith.muli %mul3A_74, %arg0 : i32
    %add3A_76 = arith.constant 1 : i32
    %add3A_77 = arith.addi %mul3A_75, %add3A_76 : i32
    %get3A_78 = arith.index_cast %add3A_77 : i32 to index
    %get3A_79 = memref.load %arg1[%get3A_78] : memref<50xi32, #tpu.memory_space<smem>>
    %add3A_80 = arith.constant 1 : i32
    %add3A_81 = arith.addi %get3A_79, %add3A_80 : i32
    %while3A = arith.constant 0 : i32
    %while3A_82 = arith.subi %add3A_81, %get3A_73 : i32
    %while3A_83 = arith.addi %get3A_73, %while3A_82 : i32
    %while3A_84 = arith.constant 1 : i32
    %while3A_85 = arith.divsi %while3A_82, %while3A_84 : i32
    %while3A_86 = arith.muli %while3A_85, %while3A_84 : i32
    %while3A_87 = arith.addi %get3A_73, %while3A_86 : i32
    %while3A_88 = arith.constant 1 : i32
    scf.for %while3A_95 = %get3A_73 to %while3A_87 step %while3A_88  : i32 {
      %eq3A_96 = vector.broadcast %while3A_95 : i32 to vector<400x1xi32>
      %eq3A_97 = arith.cmpi eq, %get3A_57, %eq3A_96 : vector<400x1xi32>
      %jit3A = arith.constant -1.000000e+30 : f32
      %broadcast_in_dim3A = vector.shape_cast %eq3A_97 : vector<400x1xi1> to vector<400x1xi1>
      %broadcast_in_dim3A_98 = vector.broadcast %broadcast_in_dim3A : vector<400x1xi1> to vector<400x512xi1>
      %broadcast_in_dim3A_99 = vector.broadcast %jit3A : f32 to vector<400x512xf32>
      %select_n3A = arith.select %broadcast_in_dim3A_98, %max3A_54, %broadcast_in_dim3A_99 : vector<400x512xi1>, vector<400x512xf32>
      %reduce_max3A = arith.constant dense<0xFF800000> : vector<512xf32>
      %reduce_max3A_100 = vector.multi_reduction <maximumf>, %select_n3A, %reduce_max3A [0] : vector<400x512xf32> to vector<512xf32>
      %broadcast_in_dim3A_101 = vector.shape_cast %reduce_max3A_100 : vector<512xf32> to vector<1x512xf32>
      %get3A_102 = arith.index_cast %while3A_95 : i32 to index
      %get3A_103 = arith.constant 0 : index
      %get3A_104 = vector.load %arg23[%get3A_102, %get3A_103] : memref<256x512xf32, #tpu.memory_space<vmem>>, vector<1x512xf32>
      %max3A_105 = arith.maximumf %get3A_104, %broadcast_in_dim3A_101 : vector<1x512xf32>
      %swap3A_106 = arith.index_cast %while3A_95 : i32 to index
      %swap3A_107 = arith.constant 0 : index
      %swap3A_108 = vector.load %arg23[%swap3A_106, %swap3A_107] : memref<256x512xf32, #tpu.memory_space<vmem>>, vector<1x512xf32>
      tpu.vector_store %arg23[%swap3A_106, %swap3A_107], %max3A_105 {strides = array<i32>} : memref<256x512xf32, #tpu.memory_space<vmem>>, vector<1x512xf32>,
    }
    %while3A_89 = arith.constant 1 : i32
    scf.for %while3A_95 = %while3A_87 to %while3A_83 step %while3A_89  : i32 {
      %eq3A_96 = vector.broadcast %while3A_95 : i32 to vector<400x1xi32>
      %eq3A_97 = arith.cmpi eq, %get3A_57, %eq3A_96 : vector<400x1xi32>
      %jit3A = arith.constant -1.000000e+30 : f32
      %broadcast_in_dim3A = vector.shape_cast %eq3A_97 : vector<400x1xi1> to vector<400x1xi1>
      %broadcast_in_dim3A_98 = vector.broadcast %broadcast_in_dim3A : vector<400x1xi1> to vector<400x512xi1>
      %broadcast_in_dim3A_99 = vector.broadcast %jit3A : f32 to vector<400x512xf32>
      %select_n3A = arith.select %broadcast_in_dim3A_98, %max3A_54, %broadcast_in_dim3A_99 : vector<400x512xi1>, vector<400x512xf32>
      %reduce_max3A = arith.constant dense<0xFF800000> : vector<512xf32>
      %reduce_max3A_100 = vector.multi_reduction <maximumf>, %select_n3A, %reduce_max3A [0] : vector<400x512xf32> to vector<512xf32>
      %broadcast_in_dim3A_101 = vector.shape_cast %reduce_max3A_100 : vector<512xf32> to vector<1x512xf32>
      %get3A_102 = arith.index_cast %while3A_95 : i32 to index
      %get3A_103 = arith.constant 0 : index
      %get3A_104 = vector.load %arg23[%get3A_102, %get3A_103] : memref<256x512xf32, #tpu.memory_space<vmem>>, vector<1x512xf32>
      %max3A_105 = arith.maximumf %get3A_104, %broadcast_in_dim3A_101 : vector<1x512xf32>
      %swap3A_106 = arith.index_cast %while3A_95 : i32 to index
      %swap3A_107 = arith.constant 0 : index
      %swap3A_108 = vector.load %arg23[%swap3A_106, %swap3A_107] : memref<256x512xf32, #tpu.memory_space<vmem>>, vector<1x512xf32>
      tpu.vector_store %arg23[%swap3A_106, %swap3A_107], %max3A_105 {strides = array<i32>} : memref<256x512xf32, #tpu.memory_space<vmem>>, vector<1x512xf32>,
    }
    %eq3A_90 = arith.constant 24 : i32
    %eq3A_91 = arith.cmpi eq, %arg0, %eq3A_90 : i32
    %convert_element_type3A_92 = arith.extui %eq3A_91 : i1 to i32
    %cond3A_93 = arith.constant 0 : i32
    %cond3A_94 = arith.cmpi ne, %convert_element_type3A_92, %cond3A_93 : i32
    scf.if %cond3A_94 {
      %get3A_95 = arith.constant 0 : index
      %get3A_96 = arith.constant 0 : index
      %get3A_97 = vector.load %arg17[%get3A_95, %get3A_96] : memref<256x1xf32, #tpu.memory_space<vmem>>, vector<256x1xf32>
      %get3A_98 = arith.constant 0 : index
      %get3A_99 = arith.constant 0 : index
      %get3A_100 = vector.load %arg24[%get3A_98, %get3A_99] : memref<256x512xf32, #tpu.memory_space<vmem>>, vector<256x512xf32>
      %max3A_101 = arith.constant 1.000000e+00 : f32
      %max3A_102 = vector.broadcast %max3A_101 : f32 to vector<256x1xf32>
      %max3A_103 = arith.maximumf %get3A_97, %max3A_102 : vector<256x1xf32>
      %div3A = vector.broadcast %max3A_103 : vector<256x1xf32> to vector<256x512xf32>
      %div3A_104 = arith.divf %get3A_100, %div3A : vector<256x512xf32>
      %gt3A = arith.constant 0.000000e+00 : f32
      %gt3A_105 = vector.broadcast %gt3A : f32 to vector<256x1xf32>
      %gt3A_106 = arith.cmpf ogt, %get3A_97, %gt3A_105 : vector<256x1xf32>
      %get3A_107 = arith.constant 0 : index
      %get3A_108 = arith.constant 0 : index
      %get3A_109 = vector.load %arg23[%get3A_107, %get3A_108] : memref<256x512xf32, #tpu.memory_space<vmem>>, vector<256x512xf32>
      %jit3A = arith.constant 0.000000e+00 : f32
      %broadcast_in_dim3A = vector.shape_cast %gt3A_106 : vector<256x1xi1> to vector<256x1xi1>
      %broadcast_in_dim3A_110 = vector.broadcast %broadcast_in_dim3A : vector<256x1xi1> to vector<256x512xi1>
      %broadcast_in_dim3A_111 = vector.broadcast %jit3A : f32 to vector<256x512xf32>
      %select_n3A = arith.select %broadcast_in_dim3A_110, %get3A_109, %broadcast_in_dim3A_111 : vector<256x512xi1>, vector<256x512xf32>
      %concatenate3A_112 = tpu.concatenate %select_n3A, %div3A_104 in 1 : vector<256x512xf32>, vector<256x512xf32> -> vector<256x1024xf32>
      %get3A_113 = arith.constant 0 : index
      %get3A_114 = arith.constant 0 : index
      %get3A_115 = vector.load %arg18[%get3A_113, %get3A_114] : memref<1024x1024xf32, #tpu.memory_space<vmem>>, vector<1024x1024xf32>
      %dot_general3A_116 = arith.constant dense<0.000000e+00> : vector<256x1024xf32>
      %dot_general3A_117 = tpu.matmul %concatenate3A_112, %get3A_115, %dot_general3A_116 {dimension_numbers = #tpu.dot_dimension_numbers<[1], [0], [0], [1], [0, 0, 1, 1], [], []>, transpose_lhs_hint = false} : vector<256x1024xf32>, vector<1024x1024xf32>, vector<256x1024xf32> -> vector<256x1024xf32>
      %get3A_118 = arith.constant 0 : index
      %get3A_119 = arith.constant 0 : index
      %get3A_120 = vector.load %arg19[%get3A_118, %get3A_119] : memref<1x1024xf32, #tpu.memory_space<vmem>>, vector<1x1024xf32>
      %add3A_121 = vector.broadcast %get3A_120 : vector<1x1024xf32> to vector<256x1024xf32>
      %add3A_122 = arith.addf %dot_general3A_117, %add3A_121 : vector<256x1024xf32>
      %max3A_123 = arith.constant 0.000000e+00 : f32
      %max3A_124 = vector.broadcast %max3A_123 : f32 to vector<256x1024xf32>
      %max3A_125 = arith.maximumf %add3A_122, %max3A_124 : vector<256x1024xf32>
      %get3A_126 = arith.constant 0 : index
      %get3A_127 = arith.constant 0 : index
      %get3A_128 = vector.load %arg20[%get3A_126, %get3A_127] : memref<1024x128xf32, #tpu.memory_space<vmem>>, vector<1024x128xf32>
      %dot_general3A_129 = arith.constant dense<0.000000e+00> : vector<256x128xf32>
      %dot_general3A_130 = tpu.matmul %max3A_125, %get3A_128, %dot_general3A_129 {dimension_numbers = #tpu.dot_dimension_numbers<[1], [0], [0], [1], [0, 0, 1, 1], [], []>, transpose_lhs_hint = false} : vector<256x1024xf32>, vector<1024x128xf32>, vector<256x128xf32> -> vector<256x128xf32>
      %get3A_131 = arith.constant 0 : index
      %get3A_132 = arith.constant 0 : index
      %get3A_133 = vector.load %arg21[%get3A_131, %get3A_132] : memref<1x128xf32, #tpu.memory_space<vmem>>, vector<1x128xf32>
      %add3A_134 = vector.broadcast %get3A_133 : vector<1x128xf32> to vector<256x128xf32>
      %add3A_135 = arith.addf %dot_general3A_130, %add3A_134 : vector<256x128xf32>
      %swap3A_136 = arith.constant 0 : index
      %swap3A_137 = arith.constant 0 : index
      %swap3A_138 = vector.load %arg22[%swap3A_136, %swap3A_137] : memref<256x128xf32, #tpu.memory_space<vmem>>, vector<256x128xf32>
      tpu.vector_store %arg22[%swap3A_136, %swap3A_137], %add3A_135 {strides = array<i32>} : memref<256x128xf32, #tpu.memory_space<vmem>>, vector<256x128xf32>,
    } else {
    }
    return
  }
  func.func @transform_0(%arg0: i32, %arg1: memref<50xi32, #tpu.memory_space<smem>>) -> (i32, i32) {
    %c0_i32 = arith.constant 0 : i32
    %c0_i32_0 = arith.constant 0 : i32
    return %arg0, %c0_i32 : i32, i32
  }
  func.func @transform_1(%arg0: i32, %arg1: memref<50xi32, #tpu.memory_space<smem>>) -> (i32, i32) {
    %c0_i32 = arith.constant 0 : i32
    %c0_i32_0 = arith.constant 0 : i32
    return %arg0, %c0_i32 : i32, i32
  }
  func.func @transform_2(%arg0: i32, %arg1: memref<50xi32, #tpu.memory_space<smem>>) -> (i32, i32) {
    %c0_i32 = arith.constant 0 : i32
    %c0_i32_0 = arith.constant 0 : i32
    return %arg0, %c0_i32 : i32, i32
  }
  func.func @transform_3(%arg0: i32, %arg1: memref<50xi32, #tpu.memory_space<smem>>) -> (i32, i32) {
    %c0_i32 = arith.constant 0 : i32
    %c0_i32_0 = arith.constant 0 : i32
    return %arg0, %c0_i32 : i32, i32
  }
  func.func @transform_4(%arg0: i32, %arg1: memref<50xi32, #tpu.memory_space<smem>>) -> (i32, i32) {
    %c0_i32 = arith.constant 0 : i32
    %c0_i32_0 = arith.constant 0 : i32
    return %arg0, %c0_i32 : i32, i32
  }
  func.func @transform_5(%arg0: i32, %arg1: memref<50xi32, #tpu.memory_space<smem>>) -> (i32, i32) {
    %c0_i32 = arith.constant 0 : i32
    %c0_i32_0 = arith.constant 0 : i32
    return %arg0, %c0_i32 : i32, i32
  }
  func.func @transform_6(%arg0: i32, %arg1: memref<50xi32, #tpu.memory_space<smem>>) -> (i32, i32) {
    %c0_i32 = arith.constant 0 : i32
    %c0_i32_0 = arith.constant 0 : i32
    return %arg0, %c0_i32 : i32, i32
  }
  func.func @transform_7(%arg0: i32, %arg1: memref<50xi32, #tpu.memory_space<smem>>) -> (i32, i32) {
    %c0_i32 = arith.constant 0 : i32
    %c0_i32_0 = arith.constant 0 : i32
    return %arg0, %c0_i32 : i32, i32
  }
  func.func @transform_8(%arg0: i32, %arg1: memref<50xi32, #tpu.memory_space<smem>>) -> (i32, i32) {
    %c0_i32 = arith.constant 0 : i32
    %c0_i32_0 = arith.constant 0 : i32
    return %arg0, %c0_i32 : i32, i32
  }
  func.func @transform_9(%arg0: i32, %arg1: memref<50xi32, #tpu.memory_space<smem>>) -> (i32, i32) {
    %c0_i32 = arith.constant 0 : i32
    %c0_i32_0 = arith.constant 0 : i32
    return %arg0, %c0_i32 : i32, i32
  }
  func.func @transform_10(%arg0: i32, %arg1: memref<50xi32, #tpu.memory_space<smem>>) -> (i32, i32) {
    %c0_i32 = arith.constant 0 : i32
    %c0_i32_0 = arith.constant 0 : i32
    return %arg0, %c0_i32 : i32, i32
  }
  func.func @transform_11(%arg0: i32, %arg1: memref<50xi32, #tpu.memory_space<smem>>) -> (i32, i32) {
    %c0_i32 = arith.constant 0 : i32
    %c0_i32_0 = arith.constant 0 : i32
    return %arg0, %c0_i32 : i32, i32
  }
  func.func @transform_12(%arg0: i32, %arg1: memref<50xi32, #tpu.memory_space<smem>>) -> (i32, i32) {
    %c0_i32 = arith.constant 0 : i32
    %c0_i32_0 = arith.constant 0 : i32
    return %arg0, %c0_i32 : i32, i32
  }
  func.func @transform_13(%arg0: i32, %arg1: memref<50xi32, #tpu.memory_space<smem>>) -> (i32, i32) {
    %c0_i32 = arith.constant 0 : i32
    %c0_i32_0 = arith.constant 0 : i32
    %c0_i32_1 = arith.constant 0 : i32
    return %c0_i32, %c0_i32_0 : i32, i32
  }
  func.func @transform_14(%arg0: i32, %arg1: memref<50xi32, #tpu.memory_space<smem>>) -> (i32, i32) {
    %c0_i32 = arith.constant 0 : i32
    %c0_i32_0 = arith.constant 0 : i32
    return %arg0, %c0_i32 : i32, i32
  }
  func.func @transform_15(%arg0: i32, %arg1: memref<50xi32, #tpu.memory_space<smem>>) -> (i32, i32) {
    %c0_i32 = arith.constant 0 : i32
    %c0_i32_0 = arith.constant 0 : i32
    %c0_i32_1 = arith.constant 0 : i32
    return %c0_i32, %c0_i32_0 : i32, i32
  }
  func.func @transform_16(%arg0: i32, %arg1: memref<50xi32, #tpu.memory_space<smem>>) -> (i32, i32) {
    %c0_i32 = arith.constant 0 : i32
    %c0_i32_0 = arith.constant 0 : i32
    %c0_i32_1 = arith.constant 0 : i32
    return %c0_i32, %c0_i32_0 : i32, i32
  }
  func.func @transform_17(%arg0: i32, %arg1: memref<50xi32, #tpu.memory_space<smem>>) -> (i32, i32) {
    %c0_i32 = arith.constant 0 : i32
    %c0_i32_0 = arith.constant 0 : i32
    %c0_i32_1 = arith.constant 0 : i32
    return %c0_i32, %c0_i32_0 : i32, i32
  }
  func.func @transform_18(%arg0: i32, %arg1: memref<50xi32, #tpu.memory_space<smem>>) -> (i32, i32) {
    %c0_i32 = arith.constant 0 : i32
    %c0_i32_0 = arith.constant 0 : i32
    %c0_i32_1 = arith.constant 0 : i32
    return %c0_i32, %c0_i32_0 : i32, i32
  }
  func.func @transform_19(%arg0: i32, %arg1: memref<50xi32, #tpu.memory_space<smem>>) -> (i32, i32) {
    %c0_i32 = arith.constant 0 : i32
    %c0_i32_0 = arith.constant 0 : i32
    %c0_i32_1 = arith.constant 0 : i32
    return %c0_i32, %c0_i32_0 : i32, i32
  }
  func.func @transform_20(%arg0: i32, %arg1: memref<50xi32, #tpu.memory_space<smem>>) -> (i32, i32) {
    %c0_i32 = arith.constant 0 : i32
    %c0_i32_0 = arith.constant 0 : i32
    %c0_i32_1 = arith.constant 0 : i32
    return %c0_i32, %c0_i32_0 : i32, i32
  }
}

</mosaic_0001>

<sc_bundles>
// kernel: kernel.11.cloned.1.call-start
scs
__scs_entry_jumppad:
0x0: {  	(pc) =	sbr.rel $0x88, $3  }
0x1: {  	(tag) =	ssettag $0x0;
	lr =	simm.s32 $0x1  }
0x2: {  	[smem:$0x3F94] =	sst lr;
	_ =	strace $0xD0000000  }
0x3: {  	_ = 	snop  }
0x4: {  	_ = 	snop  }
0x5: {  	_ = 	snop  }
0x6: {  	_ = 	snop  }
0x7: {  	_ = 	snop  }
__scs_overlays_trampoline_lowered:
0x8: {  	[smem:$0x3FA3] =	sst s0  }
0x9: {  	[smem:$0x3FA4] =	sst s1  }
0xa: {  	[smem:$0x3FA5] =	sst s2  }
0xb: {  	[smem:$0x3FA6] =	sst s3  }
0xc: {  	[smem:$0x3FA7] =	sst s4  }
0xd: {  	[smem:$0x3FA8] =	sst s5  }
0xe: {  	[smem:$0x3FA9] =	sst s6  }
0xf: {  	[smem:$0x3FAA] =	sst s7  }
0x10: {  	[smem:$0x3FAB] =	sst s8  }
0x11: {  	[smem:$0x3FAC] =	sst s9;
	s0 =	simm.s32 @!p0 $0x0  }
0x12: {  	s1 =	sld [smem:$0x3F92];
	s0 =	simm.s32 @p0 $0x1  }
0x13: {  	[smem:$0x3FAD] =	sst s0;
	s0 =	simm.s32 @!p1 $0x0  }
0x14: {  	s2 =	sld [smem:$0x3F91];
	s0 =	simm.s32 @p1 $0x1  }
0x15: {  	[smem:$0x3FAE] =	sst s0;
	s0 =	simm.s32 @!p2 $0x0  }
0x16: {  	s3 =	sld [smem:$0x3FDB];
	s0 =	simm.s32 @p2 $0x1  }
0x17: {  	s4 =	simm.s32 $0x1BF5;
	[smem:$0x3FB0] =	sst s0  }
0x18: {  	s0 =	sld [smem:$0x3F93];
	_ =	swait.ge [sflag:s4], $0x0  }
0x19: {  	s7 =	sld [smem:$0x3F94]  }
0x1a: {  	s8 =	sadd.s32 $0xFFFFE003, lr  }
0x1b: {  	s9 =	sadd.s32 $0xFFFFFEF7, lr;
	s5 =	simm.s32 $0xFFFFFFFF;
	p2 =	slt.u32 s8, $0xFFFFF086  }
0x1c: {  	p1 =	slt.u32 s9, $0xF7A;
	s5 =	simm.s32 @!p2 $0x0  }
0x1d: {  	s5 =	simm.s32 @p1 $0x1;
	p0 =	seq.s32 s7, s2  }
0x1e: {  	s7 =	smul.u32 @!p0 $0xF7A, s2;
	p2 =	seq.s32 @!p0 s5, $0x0  }
0x1f: {  	s9 =	smul.u32 $0xF7A, s1;
	s8 =	simm.s32 @!p0 $0x1BF5;
	p2 =	por !p2, p0  }
0x20: {  	[sflag:s8] =	ssyncset.s32 @!p0 $0xFFFFF086;
	s6 =	sadd.s32 @!p0 s3, s7;
	s7 =	simm.s32 @!p0 $0x108  }
0x21: {  	s3 =	sadd.s32 s3, s9;
	s6 =	sadd.s32 @!p0 $0x88, s6;
	s7 =	simm.s32 @p2 $0x1082  }
0x22: {  	[simem:s7], [sflag:s8] =	dma.local @!p0 [hbm:s6], $0xF7A  }
0x23: {  	s9 =	sor.u32 $0xD0000000, s2;
	s6 =	simm.s32 $0x108;
	_ =	swait.ge @!p0 [sflag:s8], $0x0  }
0x24: {  	s3 =	sadd.s32 $0x88, s3;
	s6 =	simm.s32 @!p1 $0x1082;
	[sflag:s4] =	ssyncset.s32 $0xFFFFF086  }
0x25: {  	[simem:s6], [sflag:s4] =	dma.local [hbm:s3], $0xF7A  }
0x26: {  	[smem:$0x3F94] =	sst s1;
	(tag) =	ssettag s2;
	_ =	strace s9  }
0x27: {  	s1 =	sld [smem:$0x3FA4]  }
0x28: {  	s2 =	sld [smem:$0x3FA5]  }
0x29: {  	s4 =	sld [smem:$0x3FA7]  }
0x2a: {  	p0 =	seq.s32 s5, $0x0;
	s5 =	sld [smem:$0x3FA8]  }
0x2b: {  	s6 =	sld [smem:$0x3FA9]  }
0x2c: {  	s7 =	sld [smem:$0x3FAA]  }
0x2d: {  	s3 =	simm.s32 $0x108;
	s8 =	sld [smem:$0x3FAB]  }
0x2e: {  	s3 =	simm.s32 @!p0 $0x1082;
	s9 =	sld [smem:$0x3FAC]  }
0x2f: {  	lr =	sadd.s32 s0, s3;
	s0 =	sld [smem:$0x3FA3]  }
0x30: {  	s3 =	sld [smem:$0x3FA6]  }
0x31: {  	[smem:$0x3FAF] =	sst s10  }
0x32: {  	s10 =	sld [smem:$0x3FAD];
	_ =	sdelay $0x3  }
0x33: {  	p0 =	seq.s32 s10, $0x1;
	s10 =	sld [smem:$0x3FAF];
	_ =	sdelay $0x3  }
0x34: {  	[smem:$0x3FAF] =	sst s10  }
0x35: {  	s10 =	sld [smem:$0x3FAE];
	_ =	sdelay $0x3  }
0x36: {  	p1 =	seq.s32 s10, $0x1;
	s10 =	sld [smem:$0x3FAF];
	_ =	sdelay $0x3  }
0x37: {  	[smem:$0x3FAF] =	sst s10  }
0x38: {  	s10 =	sld [smem:$0x3FB0]  }
0x39: {  	_ = 	snop;
	(pc) =	sbr.ind lr, $3  }
0x3a: {  	_ = 	snop  }
0x3b: {  	_ = 	snop  }
0x3c: {  	p2 =	seq.s32 s10, $0x1;
	s10 =	sld [smem:$0x3FAF]  }
0x3d: {  	_ =	shalt  }
0x3e: {  	_ =	shalt  }
0x3f: {  	_ =	shalt  }
0x40: {  	_ =	shalt  }
0x41: {  	_ =	shalt  }
0x42: {  	_ =	shalt  }
0x43: {  	_ =	shalt  }
0x44: {  	_ =	shalt  }
0x45: {  	_ =	shalt  }
0x46: {  	_ =	shalt  }
0x47: {  	_ =	shalt  }
0x48: {  	_ =	shalt  }
0x49: {  	_ =	shalt  }
0x4a: {  	_ =	shalt  }
0x4b: {  	_ =	shalt  }
0x4c: {  	_ =	shalt  }
0x4d: {  	_ =	shalt  }
0x4e: {  	_ =	shalt  }
0x4f: {  	_ =	shalt  }
0x50: {  	_ =	shalt  }
0x51: {  	_ =	shalt  }
0x52: {  	_ =	shalt  }
0x53: {  	_ =	shalt  }
0x54: {  	_ =	shalt  }
0x55: {  	_ =	shalt  }
0x56: {  	_ =	shalt  }
0x57: {  	_ =	shalt  }
0x58: {  	_ =	shalt  }
0x59: {  	_ =	shalt  }
0x5a: {  	_ =	shalt  }
0x5b: {  	_ =	shalt  }
0x5c: {  	_ =	shalt  }
0x5d: {  	_ =	shalt  }
0x5e: {  	_ =	shalt  }
0x5f: {  	_ =	shalt  }
0x60: {  	_ =	shalt  }
0x61: {  	_ =	shalt  }
0x62: {  	_ =	shalt  }
0x63: {  	_ =	shalt  }
0x64: {  	_ =	shalt  }
0x65: {  	_ =	shalt  }
0x66: {  	_ =	shalt  }
0x67: {  	_ =	shalt  }
0x68: {  	_ =	shalt  }
0x69: {  	_ =	shalt  }
0x6a: {  	_ =	shalt  }
0x6b: {  	_ =	shalt  }
0x6c: {  	_ =	shalt  }
0x6d: {  	_ =	shalt  }
0x6e: {  	_ =	shalt  }
0x6f: {  	_ =	shalt  }
0x70: {  	_ =	shalt  }
0x71: {  	_ =	shalt  }
0x72: {  	_ =	shalt  }
0x73: {  	_ =	shalt  }
0x74: {  	_ =	shalt  }
0x75: {  	_ =	shalt  }
0x76: {  	_ =	shalt  }
0x77: {  	_ =	shalt  }
0x78: {  	_ =	shalt  }
0x79: {  	_ =	shalt  }
0x7a: {  	_ =	shalt  }
0x7b: {  	_ =	shalt  }
0x7c: {  	_ =	shalt  }
0x7d: {  	_ =	shalt  }
0x7e: {  	_ =	shalt  }
0x7f: {  	_ =	shalt  }
0x80: {  	_ =	shalt  }
0x81: {  	_ =	shalt  }
0x82: {  	_ =	shalt  }
0x83: {  	_ =	shalt  }
0x84: {  	_ =	shalt  }
0x85: {  	_ =	shalt  }
0x86: {  	_ =	shalt  }
0x87: {  	_ =	shalt  }
.Lfunc_end0:
.L_simem_size_0:
called_computation_lowered:
.L_overlay_start_0:
0x88: {  	s2 =	sld [smem:$0x3FD9]  }
0x89: {  	s3 =	sld [smem:$0x3FFE];
	_ =	sdelay $0x1  }
0x8a: {  	s1 =	srdreg.scid  }
0x8b: {  	s0 =	sand.u32 $0x1, s1  }
0x8c: {  	s17 =	sshll.u32 s0, $0xA;
	s2 =	sadd.s32 s3, s2  }
0x8d: {  	s2 =	sadd.s32 s2, s17  }
0x8e: {  	[smem:$0x3FBB] =	sst s2  }
0x8f: {  	_ = 	snop  }
0x90: {  	s2 =	sld [smem:$0x3FD0];
	(tm) =	ssettm $0x1  }
0x91: {  	s18 =	sld [smem:$0x3FFB];
	_ =	sdelay $0x3  }
0x92: {  	_ =	strace s18  }
0x93: {  	s3 =	sld [smem:$0x3FFC];
	_ =	sdelay $0x3  }
0x94: {  	_ =	strace s3  }
0x95: {  	s3 =	sld [smem:$0x3FFD];
	_ =	sdelay $0x3  }
0x96: {  	_ =	strace s3  }
0x97: {  	_ =	strace $0x8FFFFFFF  }
0x98: {  	s19 =	sld [smem:$0x3FDB];
	_ =	sdelay $0x1  }
0x99: {  	s4 =	simm.s32 $_scs_section_size  }
0x9a: {  	s5 =	simm.s32 $_size__tile_overlayer_lowered;
	s6 =	simm.s32 $_tile_overlayer_lowered  }
0x9b: {  	s22 =	simm.s32 $0x1BFF;
	s21 =	sshll.u32 s6, $0x1;
	s3 =	sadd.s32 s4, s19  }
0x9c: {  	s7 =	simm.s32 $0x0;
	s20 =	sshll.u32 s5, $0x1;
	s5 =	sadd.s32 s21, s3  }
0x9d: {  	[timem:s7], [sflag:s22] =	dma.local [hbm:s5], s20  }
0x9e: {  	_ =	swait.ge [sflag:s22], s20  }
0x9f: {  	s4 =	ssub.s32 $0x0, s20;
	[sflag:s22] =	ssyncset.done $0x0  }
0xa0: {  	[sflag:s22] =	ssyncadd.s32 s4;
	_ =	sdelay $0x1  }
0xa1: {  	s23 =	simm.s32 $0x1B8B  }
0xa2: {  	_ =	swait.ge [sflag:s23], $0x1  }
0xa3: {  	[sflag:s23] =	ssyncset.done $0x0  }
0xa4: {  	s25 =	simm.s32 $0x1B8E;
	s24 =	sld [smem:$0x3FFE];
	[sflag:s23] =	ssyncadd.s32 $0xFFFFFFFF  }
0xa5: {  	s26 =	simm.s32 $execute0_lowered;
	[smem:$0x3FD2] =	sst s25  }
0xa6: {  	s5 =	sshll.u32 s26, $0x1;
	_ =	strace $0x80000046;
	[dreg:$0x1] =	wrdreg $0xFFFFFFFF  }
0xa7: {  	s28 =	simm.s32 $_size_execute0_lowered;
	s3 =	sadd.s32 s3, s5;
	[dreg:$0x0] =	wrdreg $0x0  }
0xa8: {  	s5 =	sshll.u32 s28, $0x1;
	[dreg:$0x2] =	wrdreg s3  }
0xa9: {  	[dreg:$0x3] =	wrdreg s5  }
0xaa: {  	[dreg:$0x4] =	wrdreg $0xC0  }
0xab: {  	_ =	task [dreg:s7], $0x5FFFF  }
0xac: {  	[dreg:$0x1] =	wrdreg $0xFFFFFFFF  }
0xad: {  	[dreg:$0x0] =	wrdreg $0x60  }
0xae: {  	[dreg:$0x2] =	wrdreg s24  }
0xaf: {  	[dreg:$0x3] =	wrdreg s2  }
0xb0: {  	[dreg:$0x4] =	wrdreg $0x0  }
0xb1: {  	[dreg:$0x5] =	wrdreg $0x9  }
0xb2: {  	_ =	task.clear_ibuf [dreg:s7], $0x6FFFF;
	_ =	strace $0x90000046  }
0xb3: {  	s29 =	simm.s32 $0x9;
	_ =	strace $0x80000048  }
0xb4: {  	_ =	swait.ge [sflag:s29], $0x1  }
0xb5: {  	[sflag:s29] =	ssyncadd.s32 $0xFFFFFFFF  }
0xb6: {  	_ =	strace $0x90000048  }
0xb7: {  	_ =	sfence  }
0xb8: {  	s30 =	sld [smem:$0x0];
	_ =	sdelay $0x2  }
0xb9: {  	s31 =	sshll.u32 s1, $0xD;
	s1 =	sshrl.u32 s1, $0x2  }
0xba: {  	s3 =	sand.u32 $0x4000, s31;
	s1 =	sadd.s32 s1, s30  }
0xbb: {  	s0 =	sor.u32 s3, s0;
	s1 =	sshll.u32 s1, $0x11  }
0xbc: {  	s0 =	sor.u32 s1, s0  }
0xbd: {  	s0 =	sadd.s32 $0x8F2B, s0  }
0xbe: {  	[sflag:s0] =	ssyncadd.remote.s32 $0x1  }
0xbf: {  	_ =	sfence.sel $0xFFFF  }
0xc0: {  	[dreg:$0x0] =	wrdreg $0xFFFFFFFF;
	(pc) =	sbr.abs _section_cstart, $3  }
0xc1: {  	[dreg:$0x1] =	wrdreg $0xFFFFFFFF  }
0xc2: {  	_ =	task.clear_ibuf [dreg:s7], $0x2FFFF;
	_ =	strace $0x9FFFFFFF  }
0xc3: {  	(tm) =	ssettm $0x7FFFFFFF  }
tec
execute0_lowered:
.L_overlay_start_1:
0x0: {  	(tag) =	ssettag $0x1  }
0x1: {  	s6 =	rddreg [dreg:$0x0]  }
0x2: {  	s2 =	rddreg [dreg:$0x1]  }
0x3: {  	s0 =	srdreg.scid;
	s3 =	rddreg [dreg:$0x2];
	s4 =	simm.s32 $0x0  }
0x4: {  	s15 =	simm.s32 $0x3;
	s19 =	simm.s32 $0x17880;
	s20 =	simm.s32 $0x80  }
0x5: {  	s21 =	simm.s32 $0x17900;
	s22 =	simm.s32 $0x17980;
	s5 =	sand.u32 $0x1, s0  }
0x6: {  	s23 =	simm.s32 $0x4;
	s0 =	stileid.u32;
	s7 =	smul.u32 $0x4E2, s5  }
0x7: {  	s24 =	simm.s32 $0x17A00;
	s28 =	simm.s32 $0x0;
	s8 =	smul.u32 $0x4E, s0  }
0x8: {  	[smem:$0x7FF] =	sst s4;
	s10 =	sadd.s32 $0x40200, s6;
	s26 =	smul.u32 $0x13800, s0  }
0x9: {  	s18 =	sadd.s32 $0x138000, s3;
	s25 =	smin.u32 s0, $0x2;
	s9 =	smul.u32 $0x4E000, s0  }
0xa: {  	_ =	strace $0x80000047;
	s11 =	ssub.s32 $0x2, s5;
	s14 =	smul.u32 $0x138800, s5  }
0xb: {  	p0 =	sne.s32 s0, $0xF;
	s16 =	sshll.u32 s0, $0x6;
	p1 =	sgt.u32 s0, $0x1  }
0xc: {  	s12 =	sshrl.u32 s11, $0x1;
	s16 =	sor.u32 $0x1C03, s16;
	s18 =	sshrl.u32 @!p0 s18, $0x3  }
0xd: {  	s7 =	sadd.s32 s8, s7;
	s29 =	sshrl.u32 s26, $0x3;
	s9 =	sshrl.u32 s9, $0x2  }
0xe: {  	s11 =	ssub.s32 s11, s12;
	s8 =	sadd.s32 s26, s14;
	s31 =	sshrl.u32 s14, $0x3  }
0xf: {  	s14 =	simm.s32 $0x13880;
	s26 =	simm.s32 $0x2;
	s7 =	sadd.s32 s25, s7  }
0x10: {  	s17 =	sadd.s32 s9, s3;
	s30 =	sshrl.u32 s8, $0x3;
	s11 =	smax.u32 s11, $0x1  }
.Ltmp0:
0x11: {  	s25 =	simm.s32 $0x1;
	s7 =	sshll.u32 s7, $0x5;
	(pc) =	sbr.rel .LBB2_1-.Ltmp0, $4  }
0x12: {  	s9 =	sadd.s32 s10, s30;
	s10 =	sadd.s32 s10, s31;
	s17 =	sshrl.u32 s17, $0x3  }
0x13: {  	s13 =	sadd.s32 s7, s6;
	s7 =	sadd.s32 s29, s6;
	s6 =	sadd.s32 $0x40000, s6  }
0x14: {  	s10 =	sadd.s32 $0x27000, s10;
	s5 =	sadd.s32 $0x19000, s7;
	s7 =	sadd.s32 $0x5600, s13  }
0x15: {  	s8 =	sadd.s32 $0x5FC0, s13;
	s12 =	sadd.s32 $0x5620, s13;
	s13 =	sadd.s32 $0x5640, s13  }
.LBB2_4:
0x16: {  	_ =	swait.ge [sflag:s26], $0x4000  }
0x17: {  	[sflag:s26] =	ssyncset.done $0x0  }
0x18: {  	s29 =	simm.s32 @!p1 $0x0;
	s30 =	simm.s32 @!p1 $0x17880;
	[sflag:s26] =	ssyncadd.s32 $0xFFFFC000  }
0x19: {  	[tilespmem:s30], [sflag:$0x3] =	stream.linear.gather @!p1 [hbm4b:s8+s29], $0x100, $0x38;
	[tilespmem:$0x17A80] =	vst v63  }
0x1a: {  	s29 =	simm.s32 @!p1 $0x3  }
0x1b: {  	_ =	swait.ge @!p1 [sflag:s29], $0x100  }
0x1c: {  	s31 =	simm.s32 @!p1 $0x17900;
	[sflag:s29] =	ssyncset.done @!p1 $0x0  }
0x1d: {  	s1 =	simm.s32 @!p1 $0x13880;
	s30 =	simm.s32 @!p1 $0x80;
	[sflag:s29] =	ssyncadd.s32 @!p1 $0xFFFFFF00  }
0x1e: {  	[spmem:s3] =	stream.indirect.scatter.add.f32 @!p1 [tilespmem:s1], [sflag:$0x3], $0x80, s31, s30, $0xb8;
	[tilespmem:$0x17A80] =	vst v63  }
0x1f: {  	_ =	swait.ge @!p1 [sflag:s29], $0x4000  }
0x20: {  	[sflag:s29] =	ssyncset.done @!p1 $0x0  }
0x21: {  	[sflag:s29] =	ssyncadd.s32 @!p1 $0xFFFFC000  }
0x22: {  	[bflag:$0x0] =	sbarrier.arrive $0xFFFF  }
0x23: {  	[hbm:s9], [sflag:s16] =	dma.local [spmem:s17], $0x2700  }
0x24: {  	s28 =	sadd.s32 $0x1, s28;
	_ =	swait.ge [sflag:s15], $0x2700  }
0x25: {  	p2 =	sne.s32 s28, s11;
	[sflag:s15] =	ssyncset.done $0x0  }
.Ltmp1:
0x26: {  	s1 =	simm.s32 @!p0 $0x3;
	[sflag:s15] =	ssyncadd.s32 $0xFFFFD900;
	(pc) =	sbr.rel @!p2 .LBB2_5-.Ltmp1, $4  }
0x27: {  	[hbm:s10], [sflag:s16] =	dma.local @!p0 [spmem:s18], $0x100  }
0x28: {  	_ =	swait.ge @!p0 [sflag:s1], $0x100  }
0x29: {  	[sflag:s1] =	ssyncset.done @!p0 $0x0  }
0x2a: {  	[sflag:s1] =	ssyncadd.s32 @!p0 $0xFFFFFF00  }
.LBB2_1:
0x2b: {  	[tilespmem:s14], [sflag:$0x3] =	stream.linear.gather [hbm4b:s2+s4], $0x4000, $0x38;
	[tilespmem:$0x17A80] =	vst v63  }
0x2c: {  	_ =	swait.ge [sflag:s15], $0x4000  }
0x2d: {  	[sflag:s15] =	ssyncset.done $0x0  }
0x2e: {  	[sflag:s15] =	ssyncadd.s32 $0xFFFFC000  }
0x2f: {  	[spmem:s17], [sflag:s16] =	dma.local [hbm:s5], $0x2700  }
0x30: {  	_ =	swait.ge [sflag:s15], $0x2700  }
0x31: {  	[sflag:s15] =	ssyncset.done $0x0  }
0x32: {  	s29 =	simm.s32 @!p0 $0x3;
	[sflag:s15] =	ssyncadd.s32 $0xFFFFD900  }
0x33: {  	[spmem:s18], [sflag:s16] =	dma.local @!p0 [hbm:s6], $0x100  }
0x34: {  	_ =	swait.ge @!p0 [sflag:s29], $0x100  }
0x35: {  	[sflag:s29] =	ssyncset.done @!p0 $0x0  }
0x36: {  	[sflag:s29] =	ssyncadd.s32 @!p0 $0xFFFFFF00  }
0x37: {  	[bflag:$0x0] =	sbarrier.arrive $0xFFFF  }
0x38: {  	[tilespmem:s19], [sflag:$0x3] =	stream.linear.gather [hbm4b:s7+s4], $0x100, $0x38;
	[tilespmem:$0x17A80] =	vst v63  }
0x39: {  	_ =	swait.ge [sflag:s15], $0x100  }
0x3a: {  	[sflag:s15] =	ssyncset.done $0x0  }
0x3b: {  	[sflag:s15] =	ssyncadd.s32 $0xFFFFFF00  }
0x3c: {  	[spmem:s3] =	stream.indirect.scatter.add.f32 [tilespmem:s14], [sflag:$0x1], $0x80, s21, s20, $0xb8;
	[tilespmem:$0x17A80] =	vst v63  }
0x3d: {  	_ = 	snop  }
0x3e: {  	[tilespmem:s22], [sflag:$0x4] =	stream.linear.gather [hbm4b:s12+s4], $0x100, $0x38;
	[tilespmem:$0x17A80] =	vst v63  }
0x3f: {  	_ =	swait.ge [sflag:s23], $0x100  }
0x40: {  	[sflag:s23] =	ssyncset.done $0x0  }
0x41: {  	[sflag:s23] =	ssyncadd.s32 $0xFFFFFF00  }
0x42: {  	[spmem:s3] =	stream.indirect.scatter.add.f32 [tilespmem:s14], [sflag:$0x2], $0x80, s24, s20, $0xb8;
	[tilespmem:$0x17A80] =	vst v63  }
0x43: {  	_ =	swait.ge [sflag:s25], $0x4000  }
0x44: {  	[sflag:s25] =	ssyncset.done $0x0  }
0x45: {  	[sflag:s25] =	ssyncadd.s32 $0xFFFFC000  }
0x46: {  	[tilespmem:s19], [sflag:$0x3] =	stream.linear.gather [hbm4b:s13+s4], $0x100, $0x38;
	[tilespmem:$0x17A80] =	vst v63  }
0x47: {  	_ =	swait.ge [sflag:s15], $0x100  }
0x48: {  	[sflag:s15] =	ssyncset.done $0x0  }
0x49: {  	s29 =	simm.s32 $0xFFFFF6C0;
	[sflag:s15] =	ssyncadd.s32 $0xFFFFFF00  }
.LBB2_2:
0x4a: {  	[spmem:s3] =	stream.indirect.scatter.add.f32 [tilespmem:s14], [sflag:$0x1], $0x80, s21, s20, $0xb8;
	[tilespmem:$0x17A80] =	vst v63  }
0x4b: {  	_ =	swait.ge [sflag:s26], $0x4000  }
0x4c: {  	s30 =	sadd.s32 s29, s7;
	[sflag:s26] =	ssyncset.done $0x0  }
0x4d: {  	s31 =	sadd.s32 $0x9A0, s30;
	[sflag:s26] =	ssyncadd.s32 $0xFFFFC000  }
0x4e: {  	[tilespmem:s22], [sflag:$0x4] =	stream.linear.gather [hbm4b:s31+s4], $0x100, $0x38;
	[tilespmem:$0x17A80] =	vst v63  }
0x4f: {  	_ =	swait.ge [sflag:s23], $0x100  }
0x50: {  	p2 =	seq.s32 s29, $0x0;
	[sflag:s23] =	ssyncset.done $0x0  }
.Ltmp2:
0x51: {  	[sflag:s23] =	ssyncadd.s32 $0xFFFFFF00;
	(pc) =	sbr.rel @p2 .LBB2_4-.Ltmp2, $4  }
0x52: {  	[spmem:s3] =	stream.indirect.scatter.add.f32 [tilespmem:s14], [sflag:$0x2], $0x80, s24, s20, $0xb8;
	[tilespmem:$0x17A80] =	vst v63  }
0x53: {  	_ =	swait.ge [sflag:s25], $0x4000  }
0x54: {  	[sflag:s25] =	ssyncset.done $0x0  }
0x55: {  	[sflag:s25] =	ssyncadd.s32 $0xFFFFC000  }
.Ltmp3:
0x56: {  	s30 =	sadd.s32 $0x9C0, s30;
	(pc) =	sbr.rel .LBB2_2-.Ltmp3, $4  }
0x57: {  	[tilespmem:s19], [sflag:$0x3] =	stream.linear.gather [hbm4b:s30+s4], $0x100, $0x38;
	[tilespmem:$0x17A80] =	vst v63  }
0x58: {  	_ =	swait.ge [sflag:s15], $0x100  }
0x59: {  	[sflag:s15] =	ssyncset.done $0x0  }
0x5a: {  	s29 =	sadd.s32 $0x40, s29;
	[sflag:s15] =	ssyncadd.s32 $0xFFFFFF00  }
.LBB2_5:
0x5b: {  	_ =	sfence.sel $0x180000  }
0x5c: {  	[bflag:$0x0] =	sbarrier.arrive $0xFFFF  }
0x5d: {  	_ =	strace $0x90000047  }
0x5e: {  	[bflag:$0x2] =	sbarrier.arrive $0xFFFF  }
0x5f: {  	p0 =	sne.s32 s0, $0x0;
	s0 =	rddreg [dreg:$0x3]  }
0x60: {  	s0 =	sadd.s32 @!p0 $0x100000, s0  }
0x61: {  	[sflag:s0] =	ssyncadd.tile.s32 @!p0 $0x1;
	_ =	shalt  }
.Lfunc_end2:
_tile_overlayer_lowered:
.L_overlay_start_2:
0x62: {  	(tag) =	ssettag $0x2  }
0x63: {  	s0 =	rddreg [dreg:$0x0];
	s2 =	stileid.u32  }
0x64: {  	s1 =	rddreg [dreg:$0x1];
	p0 =	sne.s32 s2, $0x0  }
0x65: {  	s3 =	rddreg [dreg:$0x2];
	[bflag:$0x3] =	sbarrier.arrive $0xFFFF;
	s2 =	simm.s32 @!p0 $0x1C03  }
0x66: {  	[timem:s3], [sflag:s2] =	dma.local @!p0 [hbm:s0], s1  }
0x67: {  	s0 =	simm.s32 @!p0 $0x3  }
0x68: {  	_ =	swait.ge @!p0 [sflag:s0], s1  }
0x69: {  	s1 =	ssub.s32 @!p0 $0x0, s1;
	[sflag:s0] =	ssyncset.done @!p0 $0x0  }
0x6a: {  	[sflag:s0] =	ssyncadd.s32 @!p0 s1  }
0x6b: {  	[bflag:$0x3] =	sbarrier.arrive $0xFFFF  }
0x6c: {  	_ =	shalt  }

// kernel: kernel.14.cloned.1.call-start
scs
__scs_entry_jumppad:
0x0: {  	(pc) =	sbr.rel $0x88, $3  }
0x1: {  	(tag) =	ssettag $0x0;
	lr =	simm.s32 $0x1  }
0x2: {  	[smem:$0x3F94] =	sst lr;
	_ =	strace $0xD0000000  }
0x3: {  	_ = 	snop  }
0x4: {  	_ = 	snop  }
0x5: {  	_ = 	snop  }
0x6: {  	_ = 	snop  }
0x7: {  	_ = 	snop  }
__scs_overlays_trampoline_lowered:
0x8: {  	[smem:$0x3FA3] =	sst s0  }
0x9: {  	[smem:$0x3FA4] =	sst s1  }
0xa: {  	[smem:$0x3FA5] =	sst s2  }
0xb: {  	[smem:$0x3FA6] =	sst s3  }
0xc: {  	[smem:$0x3FA7] =	sst s4  }
0xd: {  	[smem:$0x3FA8] =	sst s5  }
0xe: {  	[smem:$0x3FA9] =	sst s6  }
0xf: {  	[smem:$0x3FAA] =	sst s7  }
0x10: {  	[smem:$0x3FAB] =	sst s8  }
0x11: {  	[smem:$0x3FAC] =	sst s9;
	s0 =	simm.s32 @!p0 $0x0  }
0x12: {  	s1 =	sld [smem:$0x3F92];
	s0 =	simm.s32 @p0 $0x1  }
0x13: {  	[smem:$0x3FAD] =	sst s0;
	s0 =	simm.s32 @!p1 $0x0  }
0x14: {  	s2 =	sld [smem:$0x3F91];
	s0 =	simm.s32 @p1 $0x1  }
0x15: {  	[smem:$0x3FAE] =	sst s0;
	s0 =	simm.s32 @!p2 $0x0  }
0x16: {  	s3 =	sld [smem:$0x3FDB];
	s0 =	simm.s32 @p2 $0x1  }
0x17: {  	s4 =	simm.s32 $0x1BF5;
	[smem:$0x3FB0] =	sst s0  }
0x18: {  	s0 =	sld [smem:$0x3F93];
	_ =	swait.ge [sflag:s4], $0x0  }
0x19: {  	s7 =	sld [smem:$0x3F94]  }
0x1a: {  	s8 =	sadd.s32 $0xFFFFE003, lr  }
0x1b: {  	s9 =	sadd.s32 $0xFFFFFEF7, lr;
	s5 =	simm.s32 $0xFFFFFFFF;
	p2 =	slt.u32 s8, $0xFFFFF086  }
0x1c: {  	p1 =	slt.u32 s9, $0xF7A;
	s5 =	simm.s32 @!p2 $0x0  }
0x1d: {  	s5 =	simm.s32 @p1 $0x1;
	p0 =	seq.s32 s7, s2  }
0x1e: {  	s7 =	smul.u32 @!p0 $0xF7A, s2;
	p2 =	seq.s32 @!p0 s5, $0x0  }
0x1f: {  	s9 =	smul.u32 $0xF7A, s1;
	s8 =	simm.s32 @!p0 $0x1BF5;
	p2 =	por !p2, p0  }
0x20: {  	[sflag:s8] =	ssyncset.s32 @!p0 $0xFFFFF086;
	s6 =	sadd.s32 @!p0 s3, s7;
	s7 =	simm.s32 @!p0 $0x108  }
0x21: {  	s3 =	sadd.s32 s3, s9;
	s6 =	sadd.s32 @!p0 $0x88, s6;
	s7 =	simm.s32 @p2 $0x1082  }
0x22: {  	[simem:s7], [sflag:s8] =	dma.local @!p0 [hbm:s6], $0xF7A  }
0x23: {  	s9 =	sor.u32 $0xD0000000, s2;
	s6 =	simm.s32 $0x108;
	_ =	swait.ge @!p0 [sflag:s8], $0x0  }
0x24: {  	s3 =	sadd.s32 $0x88, s3;
	s6 =	simm.s32 @!p1 $0x1082;
	[sflag:s4] =	ssyncset.s32 $0xFFFFF086  }
0x25: {  	[simem:s6], [sflag:s4] =	dma.local [hbm:s3], $0xF7A  }
0x26: {  	[smem:$0x3F94] =	sst s1;
	(tag) =	ssettag s2;
	_ =	strace s9  }
0x27: {  	s1 =	sld [smem:$0x3FA4]  }
0x28: {  	s2 =	sld [smem:$0x3FA5]  }
0x29: {  	s4 =	sld [smem:$0x3FA7]  }
0x2a: {  	p0 =	seq.s32 s5, $0x0;
	s5 =	sld [smem:$0x3FA8]  }
0x2b: {  	s6 =	sld [smem:$0x3FA9]  }
0x2c: {  	s7 =	sld [smem:$0x3FAA]  }
0x2d: {  	s3 =	simm.s32 $0x108;
	s8 =	sld [smem:$0x3FAB]  }
0x2e: {  	s3 =	simm.s32 @!p0 $0x1082;
	s9 =	sld [smem:$0x3FAC]  }
0x2f: {  	lr =	sadd.s32 s0, s3;
	s0 =	sld [smem:$0x3FA3]  }
0x30: {  	s3 =	sld [smem:$0x3FA6]  }
0x31: {  	[smem:$0x3FAF] =	sst s10  }
0x32: {  	s10 =	sld [smem:$0x3FAD];
	_ =	sdelay $0x3  }
0x33: {  	p0 =	seq.s32 s10, $0x1;
	s10 =	sld [smem:$0x3FAF];
	_ =	sdelay $0x3  }
0x34: {  	[smem:$0x3FAF] =	sst s10  }
0x35: {  	s10 =	sld [smem:$0x3FAE];
	_ =	sdelay $0x3  }
0x36: {  	p1 =	seq.s32 s10, $0x1;
	s10 =	sld [smem:$0x3FAF];
	_ =	sdelay $0x3  }
0x37: {  	[smem:$0x3FAF] =	sst s10  }
0x38: {  	s10 =	sld [smem:$0x3FB0]  }
0x39: {  	_ = 	snop;
	(pc) =	sbr.ind lr, $3  }
0x3a: {  	_ = 	snop  }
0x3b: {  	_ = 	snop  }
0x3c: {  	p2 =	seq.s32 s10, $0x1;
	s10 =	sld [smem:$0x3FAF]  }
0x3d: {  	_ =	shalt  }
0x3e: {  	_ =	shalt  }
0x3f: {  	_ =	shalt  }
0x40: {  	_ =	shalt  }
0x41: {  	_ =	shalt  }
0x42: {  	_ =	shalt  }
0x43: {  	_ =	shalt  }
0x44: {  	_ =	shalt  }
0x45: {  	_ =	shalt  }
0x46: {  	_ =	shalt  }
0x47: {  	_ =	shalt  }
0x48: {  	_ =	shalt  }
0x49: {  	_ =	shalt  }
0x4a: {  	_ =	shalt  }
0x4b: {  	_ =	shalt  }
0x4c: {  	_ =	shalt  }
0x4d: {  	_ =	shalt  }
0x4e: {  	_ =	shalt  }
0x4f: {  	_ =	shalt  }
0x50: {  	_ =	shalt  }
0x51: {  	_ =	shalt  }
0x52: {  	_ =	shalt  }
0x53: {  	_ =	shalt  }
0x54: {  	_ =	shalt  }
0x55: {  	_ =	shalt  }
0x56: {  	_ =	shalt  }
0x57: {  	_ =	shalt  }
0x58: {  	_ =	shalt  }
0x59: {  	_ =	shalt  }
0x5a: {  	_ =	shalt  }
0x5b: {  	_ =	shalt  }
0x5c: {  	_ =	shalt  }
0x5d: {  	_ =	shalt  }
0x5e: {  	_ =	shalt  }
0x5f: {  	_ =	shalt  }
0x60: {  	_ =	shalt  }
0x61: {  	_ =	shalt  }
0x62: {  	_ =	shalt  }
0x63: {  	_ =	shalt  }
0x64: {  	_ =	shalt  }
0x65: {  	_ =	shalt  }
0x66: {  	_ =	shalt  }
0x67: {  	_ =	shalt  }
0x68: {  	_ =	shalt  }
0x69: {  	_ =	shalt  }
0x6a: {  	_ =	shalt  }
0x6b: {  	_ =	shalt  }
0x6c: {  	_ =	shalt  }
0x6d: {  	_ =	shalt  }
0x6e: {  	_ =	shalt  }
0x6f: {  	_ =	shalt  }
0x70: {  	_ =	shalt  }
0x71: {  	_ =	shalt  }
0x72: {  	_ =	shalt  }
0x73: {  	_ =	shalt  }
0x74: {  	_ =	shalt  }
0x75: {  	_ =	shalt  }
0x76: {  	_ =	shalt  }
0x77: {  	_ =	shalt  }
0x78: {  	_ =	shalt  }
0x79: {  	_ =	shalt  }
0x7a: {  	_ =	shalt  }
0x7b: {  	_ =	shalt  }
0x7c: {  	_ =	shalt  }
0x7d: {  	_ =	shalt  }
0x7e: {  	_ =	shalt  }
0x7f: {  	_ =	shalt  }
0x80: {  	_ =	shalt  }
0x81: {  	_ =	shalt  }
0x82: {  	_ =	shalt  }
0x83: {  	_ =	shalt  }
0x84: {  	_ =	shalt  }
0x85: {  	_ =	shalt  }
0x86: {  	_ =	shalt  }
0x87: {  	_ =	shalt  }
.Lfunc_end0:
.L_simem_size_0:
called_computation.1_lowered:
.L_overlay_start_0:
0x88: {  	s2 =	sld [smem:$0x3FD9]  }
0x89: {  	s3 =	sld [smem:$0x3FFE];
	_ =	sdelay $0x1  }
0x8a: {  	s1 =	srdreg.scid  }
0x8b: {  	s0 =	sand.u32 $0x1, s1  }
0x8c: {  	s16 =	sshll.u32 s0, $0xA;
	s2 =	sadd.s32 s3, s2  }
0x8d: {  	s2 =	sadd.s32 s2, s16  }
0x8e: {  	[smem:$0x3FBB] =	sst s2  }
0x8f: {  	_ = 	snop  }
0x90: {  	(tm) =	ssettm $0x1  }
0x91: {  	s17 =	sld [smem:$0x3FFB];
	_ =	sdelay $0x3  }
0x92: {  	_ =	strace s17  }
0x93: {  	s2 =	sld [smem:$0x3FFC];
	_ =	sdelay $0x3  }
0x94: {  	_ =	strace s2  }
0x95: {  	s2 =	sld [smem:$0x3FFD];
	_ =	sdelay $0x3  }
0x96: {  	_ =	strace s2  }
0x97: {  	_ =	strace $0x8FFFFFFF  }
0x98: {  	s18 =	sld [smem:$0x3FDB];
	_ =	sdelay $0x1  }
0x99: {  	s19 =	simm.s32 $_scs_section_size  }
0x9a: {  	s4 =	simm.s32 $_size__tile_overlayer_lowered;
	s5 =	simm.s32 $_tile_overlayer_lowered  }
0x9b: {  	s22 =	simm.s32 $0x1BFF;
	s21 =	sshll.u32 s5, $0x1;
	s2 =	sadd.s32 s19, s18  }
0x9c: {  	s6 =	simm.s32 $0x0;
	s20 =	sshll.u32 s4, $0x1;
	s4 =	sadd.s32 s21, s2  }
0x9d: {  	[timem:s6], [sflag:s22] =	dma.local [hbm:s4], s20  }
0x9e: {  	_ =	swait.ge [sflag:s22], s20  }
0x9f: {  	s3 =	ssub.s32 $0x0, s20;
	[sflag:s22] =	ssyncset.done $0x0  }
0xa0: {  	[sflag:s22] =	ssyncadd.s32 s3;
	_ =	sdelay $0x1  }
0xa1: {  	s23 =	simm.s32 $0x1B8B  }
0xa2: {  	_ =	swait.ge [sflag:s23], $0x1  }
0xa3: {  	[sflag:s23] =	ssyncset.done $0x0  }
0xa4: {  	s25 =	simm.s32 $0x1B8E;
	s24 =	sld [smem:$0x3FFE];
	[sflag:s23] =	ssyncadd.s32 $0xFFFFFFFF  }
0xa5: {  	s26 =	simm.s32 $execute0_lowered;
	[smem:$0x3FD2] =	sst s25  }
0xa6: {  	s4 =	sshll.u32 s26, $0x1;
	_ =	strace $0x80000049;
	[dreg:$0x1] =	wrdreg $0xFFFFFFFF  }
0xa7: {  	s28 =	simm.s32 $_size_execute0_lowered;
	s2 =	sadd.s32 s2, s4;
	[dreg:$0x0] =	wrdreg $0x0  }
0xa8: {  	s4 =	sshll.u32 s28, $0x1;
	[dreg:$0x2] =	wrdreg s2  }
0xa9: {  	[dreg:$0x3] =	wrdreg s4  }
0xaa: {  	[dreg:$0x4] =	wrdreg $0xC0  }
0xab: {  	_ =	task [dreg:s6], $0x5FFFF  }
0xac: {  	[dreg:$0x1] =	wrdreg $0xFFFFFFFF  }
0xad: {  	[dreg:$0x0] =	wrdreg $0x60  }
0xae: {  	[dreg:$0x2] =	wrdreg s24  }
0xaf: {  	[dreg:$0x3] =	wrdreg $0x0  }
0xb0: {  	[dreg:$0x4] =	wrdreg $0x9  }
0xb1: {  	_ =	task.clear_ibuf [dreg:s6], $0x5FFFF;
	_ =	strace $0x90000049  }
0xb2: {  	s29 =	simm.s32 $0x9;
	_ =	strace $0x8000004B  }
0xb3: {  	_ =	swait.ge [sflag:s29], $0x1  }
0xb4: {  	[sflag:s29] =	ssyncadd.s32 $0xFFFFFFFF  }
0xb5: {  	_ =	strace $0x9000004B  }
0xb6: {  	_ =	sfence  }
0xb7: {  	s30 =	sld [smem:$0x0];
	_ =	sdelay $0x2  }
0xb8: {  	s31 =	sshll.u32 s1, $0xD;
	s1 =	sshrl.u32 s1, $0x2  }
0xb9: {  	s3 =	sand.u32 $0x4000, s31;
	s1 =	sadd.s32 s1, s30  }
0xba: {  	s0 =	sor.u32 s3, s0;
	s1 =	sshll.u32 s1, $0x11  }
0xbb: {  	s0 =	sor.u32 s1, s0  }
0xbc: {  	s0 =	sadd.s32 $0x8F2B, s0  }
0xbd: {  	[sflag:s0] =	ssyncadd.remote.s32 $0x1  }
0xbe: {  	_ =	sfence.sel $0xFFFF  }
0xbf: {  	[dreg:$0x0] =	wrdreg $0xFFFFFFFF;
	(pc) =	sbr.abs _section_cstart, $3  }
0xc0: {  	[dreg:$0x1] =	wrdreg $0xFFFFFFFF  }
0xc1: {  	_ =	task.clear_ibuf [dreg:s6], $0x2FFFF;
	_ =	strace $0x9FFFFFFF  }
0xc2: {  	(tm) =	ssettm $0x7FFFFFFF  }
0xc3: {  	_ =	shalt  }
tec
execute0_lowered:
.L_overlay_start_1:
0x0: {  	(tag) =	ssettag $0x1  }
0x1: {  	s7 =	rddreg [dreg:$0x0]  }
0x2: {  	s0 =	srdreg.scid;
	s2 =	rddreg [dreg:$0x1]  }
0x3: {  	s17 =	simm.s32 $0x5;
	s19 =	simm.s32 $0x13880;
	s20 =	simm.s32 $0x80  }
0x4: {  	s28 =	simm.s32 $0x2;
	s29 =	simm.s32 $0x13A00;
	s1 =	sand.u32 $0x1, s0  }
0x5: {  	s30 =	simm.s32 $0x4;
	s0 =	stileid.u32;
	s3 =	smul.u32 $0x4E2, s1  }
0x6: {  	s31 =	simm.s32 $0x0;
	s11 =	sadd.s32 $0xDCA00, s7;
	s4 =	smul.u32 $0x4E, s0  }
0x7: {  	s18 =	sadd.s32 $0x138000, s2;
	s24 =	sadd.s32 $0x40000, s7;
	s8 =	smul.u32 $0x13800, s0  }
0x8: {  	s5 =	smin.u32 s0, $0x2;
	s6 =	ssub.s32 $0x2, s1;
	s9 =	smul.u32 $0x4E000, s0  }
0x9: {  	s23 =	sshll.u32 s0, $0x6;
	s1 =	smul.u32 $0x138800, s1;
	p0 =	sne.s32 s0, $0xF  }
0xa: {  	p1 =	sgt.u32 s0, $0x1;
	s10 =	sshrl.u32 s6, $0x1;
	s18 =	sshrl.u32 @!p0 s18, $0x3  }
0xb: {  	s4 =	sadd.s32 s4, s3;
	s3 =	simm.s32 $0x0;
	s21 =	sshrl.u32 s8, $0x3  }
0xc: {  	s12 =	ssub.s32 s6, s10;
	s22 =	sshrl.u32 s9, $0x2;
	s6 =	sor.u32 $0x1C05, s23  }
0xd: {  	s25 =	sadd.s32 s8, s1;
	s1 =	sshrl.u32 s1, $0x3;
	s23 =	simm.s32 $0x17A80  }
0xe: {  	s4 =	sadd.s32 s5, s4;
	[smem:$0x7FF] =	sst s3;
	s5 =	sadd.s32 s21, s7  }
0xf: {  	s16 =	sadd.s32 s22, s2;
	s26 =	sshrl.u32 s25, $0x3;
	s1 =	sadd.s32 s11, s1  }
0x10: {  	s12 =	smax.u32 s12, $0x1;
	s21 =	simm.s32 $0x13A80;
	s22 =	simm.s32 $0x13980  }
0x11: {  	s25 =	simm.s32 $0x13900;
	s4 =	sshll.u32 s4, $0x5;
	_ =	strace $0x8000004A  }
0x12: {  	s5 =	sadd.s32 $0x19000, s5;
	[dreg:$0x4] =	wrdreg s24;
	s10 =	sadd.s32 s11, s26  }
0x13: {  	s11 =	sadd.s32 $0x27000, s1;
	s16 =	sshrl.u32 s16, $0x3;
	s24 =	simm.s32 $0x1  }
0x14: {  	s26 =	simm.s32 $0x3;
	s15 =	sadd.s32 s4, s7;
	s4 =	sadd.s32 $0x40200, s7  }
0x15: {  	[dreg:$0x3] =	wrdreg s5;
	s8 =	sadd.s32 $0x5600, s15;
	s9 =	sadd.s32 $0x5FC0, s15  }
0x16: {  	s13 =	sadd.s32 $0x5620, s15;
	s14 =	sadd.s32 $0x5640, s15;
	s15 =	sadd.s32 $0x5FA0, s15  }
.LBB2_1:
0x17: {  	s0 =	rddreg [dreg:$0x3]  }
0x18: {  	[spmem:s16], [sflag:s6] =	dma.local [hbm:s0], $0x2700  }
0x19: {  	_ =	swait.ge [sflag:s17], $0x2700  }
0x1a: {  	[sflag:s17] =	ssyncset.done $0x0  }
0x1b: {  	s1 =	simm.s32 @!p0 $0x5;
	s0 =	rddreg [dreg:$0x4];
	[sflag:s17] =	ssyncadd.s32 $0xFFFFD900  }
0x1c: {  	[spmem:s18], [sflag:s6] =	dma.local @!p0 [hbm:s0], $0x100  }
0x1d: {  	_ =	swait.ge @!p0 [sflag:s1], $0x100  }
0x1e: {  	[sflag:s1] =	ssyncset.done @!p0 $0x0  }
0x1f: {  	[sflag:s1] =	ssyncadd.s32 @!p0 $0xFFFFFF00  }
0x20: {  	[bflag:$0x0] =	sbarrier.arrive $0xFFFF  }
0x21: {  	[tilespmem:s19], [sflag:$0x5] =	stream.linear.gather [hbm4b:s8+s3], $0x100, $0x38;
	[tilespmem:$0x1BA80] =	vst v63  }
0x22: {  	_ =	swait.ge [sflag:s17], $0x100  }
0x23: {  	[sflag:s17] =	ssyncset.done $0x0  }
0x24: {  	[sflag:s17] =	ssyncadd.s32 $0xFFFFFF00  }
0x25: {  	[tilespmem:s21], [sflag:$0x1] =	stream.indirect.gather [hbm4b:s4+s20], $0x80, s19, s20, $0xb8;
	[tilespmem:$0x1BA80] =	vst v63  }
0x26: {  	_ = 	snop  }
0x27: {  	[tilespmem:s22], [sflag:$0x5] =	stream.linear.gather [hbm4b:s13+s3], $0x100, $0x38;
	[tilespmem:$0x1BA80] =	vst v63  }
0x28: {  	_ =	swait.ge [sflag:s17], $0x100  }
0x29: {  	[sflag:s17] =	ssyncset.done $0x0  }
0x2a: {  	[sflag:s17] =	ssyncadd.s32 $0xFFFFFF00  }
0x2b: {  	[tilespmem:s23], [sflag:$0x2] =	stream.indirect.gather [hbm4b:s4+s20], $0x80, s22, s20, $0xb8;
	[tilespmem:$0x1BA80] =	vst v63  }
0x2c: {  	_ =	swait.ge [sflag:s24], $0x4000  }
0x2d: {  	[sflag:s24] =	ssyncset.done $0x0  }
0x2e: {  	[sflag:s24] =	ssyncadd.s32 $0xFFFFC000  }
0x2f: {  	[spmem:s2] =	stream.indirect.scatter.add.f32 [tilespmem:s21], [sflag:$0x3], $0x80, s25, s20, $0xb8;
	[tilespmem:$0x1BA80] =	vst v63  }
0x30: {  	_ =	swait.ge [sflag:s26], $0x4000  }
0x31: {  	[sflag:s26] =	ssyncset.done $0x0  }
0x32: {  	[sflag:s26] =	ssyncadd.s32 $0xFFFFC000  }
0x33: {  	[tilespmem:s19], [sflag:$0x5] =	stream.linear.gather [hbm4b:s14+s3], $0x100, $0x38;
	[tilespmem:$0x1BA80] =	vst v63  }
0x34: {  	_ =	swait.ge [sflag:s17], $0x100  }
0x35: {  	[sflag:s17] =	ssyncset.done $0x0  }
0x36: {  	[sflag:s17] =	ssyncadd.s32 $0xFFFFFF00  }
0x37: {  	[tilespmem:s21], [sflag:$0x1] =	stream.indirect.gather [hbm4b:s4+s20], $0x80, s19, s20, $0xb8;
	[tilespmem:$0x1BA80] =	vst v63  }
0x38: {  	_ =	swait.ge [sflag:s28], $0x4000  }
0x39: {  	[sflag:s28] =	ssyncset.done $0x0  }
0x3a: {  	[sflag:s28] =	ssyncadd.s32 $0xFFFFC000  }
0x3b: {  	[spmem:s2] =	stream.indirect.scatter.add.f32 [tilespmem:s23], [sflag:$0x4], $0x80, s29, s20, $0xb8;
	[tilespmem:$0x1BA80] =	vst v63  }
0x3c: {  	_ =	swait.ge [sflag:s30], $0x4000  }
0x3d: {  	s7 =	sadd.s32 $0xFFFFF6C0, s8;
	[sflag:s30] =	ssyncset.done $0x0  }
0x3e: {  	s5 =	sadd.s32 $0x9A0, s7;
	[sflag:s30] =	ssyncadd.s32 $0xFFFFC000  }
0x3f: {  	[tilespmem:s22], [sflag:$0x5] =	stream.linear.gather [hbm4b:s5+s3], $0x100, $0x38;
	[tilespmem:$0x1BA80] =	vst v63  }
0x40: {  	_ =	swait.ge [sflag:s17], $0x100  }
0x41: {  	[sflag:s17] =	ssyncset.done $0x0  }
0x42: {  	[sflag:s17] =	ssyncadd.s32 $0xFFFFFF00  }
0x43: {  	[tilespmem:s23], [sflag:$0x2] =	stream.indirect.gather [hbm4b:s4+s20], $0x80, s22, s20, $0xb8;
	[tilespmem:$0x1BA80] =	vst v63  }
0x44: {  	_ =	swait.ge [sflag:s24], $0x4000  }
0x45: {  	[sflag:s24] =	ssyncset.done $0x0  }
0x46: {  	[sflag:s24] =	ssyncadd.s32 $0xFFFFC000  }
0x47: {  	[spmem:s2] =	stream.indirect.scatter.add.f32 [tilespmem:s21], [sflag:$0x3], $0x80, s25, s20, $0xb8;
	[tilespmem:$0x1BA80] =	vst v63  }
0x48: {  	_ =	swait.ge [sflag:s26], $0x4000  }
0x49: {  	[sflag:s26] =	ssyncset.done $0x0  }
0x4a: {  	s7 =	sadd.s32 $0x9C0, s7;
	[sflag:s26] =	ssyncadd.s32 $0xFFFFC000  }
0x4b: {  	[tilespmem:s19], [sflag:$0x5] =	stream.linear.gather [hbm4b:s7+s3], $0x100, $0x38;
	[tilespmem:$0x1BA80] =	vst v63  }
0x4c: {  	_ =	swait.ge [sflag:s17], $0x100  }
0x4d: {  	[sflag:s17] =	ssyncset.done $0x0  }
0x4e: {  	[sflag:s17] =	ssyncadd.s32 $0xFFFFFF00  }
0x4f: {  	[tilespmem:s21], [sflag:$0x1] =	stream.indirect.gather [hbm4b:s4+s20], $0x80, s19, s20, $0xb8;
	[tilespmem:$0x1BA80] =	vst v63  }
0x50: {  	_ =	swait.ge [sflag:s28], $0x4000  }
0x51: {  	[sflag:s28] =	ssyncset.done $0x0  }
0x52: {  	s1 =	simm.s32 $0xFFFFF700;
	[sflag:s28] =	ssyncadd.s32 $0xFFFFC000  }
.LBB2_2:
0x53: {  	[spmem:s2] =	stream.indirect.scatter.add.f32 [tilespmem:s23], [sflag:$0x4], $0x80, s29, s20, $0xb8;
	[tilespmem:$0x1BA80] =	vst v63  }
0x54: {  	s0 =	smov.u32 s1  }
0x55: {  	p2 =	sne.s32 s1, $0xFFFFFFC0;
	s1 =	sadd.s32 $0x40, s1;
	_ =	swait.ge [sflag:s30], $0x4000  }
0x56: {  	s0 =	sadd.s32 s0, s8;
	[sflag:s30] =	ssyncset.done $0x0  }
0x57: {  	s5 =	sadd.s32 $0x9A0, s0;
	[sflag:s30] =	ssyncadd.s32 $0xFFFFC000  }
0x58: {  	[tilespmem:s22], [sflag:$0x5] =	stream.linear.gather [hbm4b:s5+s3], $0x100, $0x38;
	[tilespmem:$0x1BA80] =	vst v63  }
0x59: {  	_ =	swait.ge [sflag:s17], $0x100  }
0x5a: {  	[sflag:s17] =	ssyncset.done $0x0  }
0x5b: {  	[sflag:s17] =	ssyncadd.s32 $0xFFFFFF00  }
0x5c: {  	[tilespmem:s23], [sflag:$0x2] =	stream.indirect.gather [hbm4b:s4+s20], $0x80, s22, s20, $0xb8;
	[tilespmem:$0x1BA80] =	vst v63  }
0x5d: {  	_ =	swait.ge [sflag:s24], $0x4000  }
0x5e: {  	[sflag:s24] =	ssyncset.done $0x0  }
0x5f: {  	[sflag:s24] =	ssyncadd.s32 $0xFFFFC000  }
0x60: {  	[spmem:s2] =	stream.indirect.scatter.add.f32 [tilespmem:s21], [sflag:$0x3], $0x80, s25, s20, $0xb8;
	[tilespmem:$0x1BA80] =	vst v63  }
0x61: {  	_ =	swait.ge [sflag:s26], $0x4000  }
0x62: {  	[sflag:s26] =	ssyncset.done $0x0  }
0x63: {  	s0 =	sadd.s32 $0x9C0, s0;
	[sflag:s26] =	ssyncadd.s32 $0xFFFFC000  }
0x64: {  	[tilespmem:s19], [sflag:$0x5] =	stream.linear.gather [hbm4b:s0+s3], $0x100, $0x38;
	[tilespmem:$0x1BA80] =	vst v63  }
0x65: {  	_ =	swait.ge [sflag:s17], $0x100  }
0x66: {  	[sflag:s17] =	ssyncset.done $0x0  }
.Ltmp0:
0x67: {  	[sflag:s17] =	ssyncadd.s32 $0xFFFFFF00;
	(pc) =	sbr.rel @p2 .LBB2_2-.Ltmp0, $4  }
0x68: {  	[tilespmem:s21], [sflag:$0x1] =	stream.indirect.gather [hbm4b:s4+s20], $0x80, s19, s20, $0xb8;
	[tilespmem:$0x1BA80] =	vst v63  }
0x69: {  	_ =	swait.ge [sflag:s28], $0x4000  }
0x6a: {  	[sflag:s28] =	ssyncset.done $0x0  }
0x6b: {  	[sflag:s28] =	ssyncadd.s32 $0xFFFFC000  }
0x6c: {  	[spmem:s2] =	stream.indirect.scatter.add.f32 [tilespmem:s23], [sflag:$0x4], $0x80, s29, s20, $0xb8;
	[tilespmem:$0x1BA80] =	vst v63  }
0x6d: {  	_ =	swait.ge [sflag:s30], $0x4000  }
0x6e: {  	[sflag:s30] =	ssyncset.done $0x0  }
0x6f: {  	[sflag:s30] =	ssyncadd.s32 $0xFFFFC000  }
0x70: {  	[tilespmem:s22], [sflag:$0x5] =	stream.linear.gather [hbm4b:s15+s3], $0x100, $0x38;
	[tilespmem:$0x1BA80] =	vst v63  }
0x71: {  	_ =	swait.ge [sflag:s17], $0x100  }
0x72: {  	[sflag:s17] =	ssyncset.done $0x0  }
0x73: {  	[sflag:s17] =	ssyncadd.s32 $0xFFFFFF00  }
0x74: {  	[tilespmem:s23], [sflag:$0x2] =	stream.indirect.gather [hbm4b:s4+s20], $0x80, s22, s20, $0xb8;
	[tilespmem:$0x1BA80] =	vst v63  }
0x75: {  	_ =	swait.ge [sflag:s24], $0x4000  }
0x76: {  	[sflag:s24] =	ssyncset.done $0x0  }
0x77: {  	[sflag:s24] =	ssyncadd.s32 $0xFFFFC000  }
0x78: {  	[spmem:s2] =	stream.indirect.scatter.add.f32 [tilespmem:s21], [sflag:$0x3], $0x80, s25, s20, $0xb8;
	[tilespmem:$0x1BA80] =	vst v63  }
0x79: {  	_ =	swait.ge [sflag:s28], $0x4000  }
0x7a: {  	[sflag:s28] =	ssyncset.done $0x0  }
0x7b: {  	[sflag:s28] =	ssyncadd.s32 $0xFFFFC000  }
0x7c: {  	[spmem:s2] =	stream.indirect.scatter.add.f32 [tilespmem:s23], [sflag:$0x4], $0x80, s29, s20, $0xb8;
	[tilespmem:$0x1BA80] =	vst v63  }
0x7d: {  	_ =	swait.ge [sflag:s26], $0x4000  }
0x7e: {  	[sflag:s26] =	ssyncset.done $0x0  }
0x7f: {  	[sflag:s26] =	ssyncadd.s32 $0xFFFFC000  }
0x80: {  	_ =	swait.ge [sflag:s30], $0x4000  }
0x81: {  	[sflag:s30] =	ssyncset.done $0x0  }
0x82: {  	s0 =	simm.s32 @!p1 $0x0;
	s1 =	simm.s32 @!p1 $0x13880;
	[sflag:s30] =	ssyncadd.s32 $0xFFFFC000  }
0x83: {  	[tilespmem:s1], [sflag:$0x5] =	stream.linear.gather @!p1 [hbm4b:s9+s0], $0x100, $0x38;
	[tilespmem:$0x1BA80] =	vst v63  }
0x84: {  	s0 =	simm.s32 @!p1 $0x5  }
0x85: {  	_ =	swait.ge @!p1 [sflag:s0], $0x100  }
0x86: {  	[sflag:s0] =	ssyncset.done @!p1 $0x0  }
0x87: {  	s5 =	simm.s32 @!p1 $0x80;
	s7 =	simm.s32 @!p1 $0x13A80;
	[sflag:s0] =	ssyncadd.s32 @!p1 $0xFFFFFF00  }
0x88: {  	[tilespmem:s7], [sflag:$0x1] =	stream.indirect.gather @!p1 [hbm4b:s4+s5], $0x80, s1, s5, $0xb8;
	[tilespmem:$0x1BA80] =	vst v63  }
0x89: {  	s1 =	simm.s32 @!p1 $0x1  }
0x8a: {  	_ =	swait.ge @!p1 [sflag:s1], $0x4000  }
0x8b: {  	[sflag:s1] =	ssyncset.done @!p1 $0x0  }
0x8c: {  	[sflag:s1] =	ssyncadd.s32 @!p1 $0xFFFFC000;
	s1 =	simm.s32 @!p1 $0x13900  }
0x8d: {  	[spmem:s2] =	stream.indirect.scatter.add.f32 @!p1 [tilespmem:s7], [sflag:$0x5], $0x80, s1, s5, $0xb8;
	[tilespmem:$0x1BA80] =	vst v63  }
0x8e: {  	_ =	swait.ge @!p1 [sflag:s0], $0x4000  }
0x8f: {  	[sflag:s0] =	ssyncset.done @!p1 $0x0  }
0x90: {  	[sflag:s0] =	ssyncadd.s32 @!p1 $0xFFFFC000  }
0x91: {  	[bflag:$0x0] =	sbarrier.arrive $0xFFFF  }
0x92: {  	[hbm:s10], [sflag:s6] =	dma.local [spmem:s16], $0x2700  }
0x93: {  	_ =	swait.ge [sflag:s17], $0x2700  }
0x94: {  	s31 =	sadd.s32 $0x1, s31;
	[sflag:s17] =	ssyncset.done $0x0  }
0x95: {  	p2 =	sne.s32 s31, s12;
	s0 =	simm.s32 @!p0 $0x5;
	[sflag:s17] =	ssyncadd.s32 $0xFFFFD900  }
0x96: {  	[hbm:s11], [sflag:s6] =	dma.local @!p0 [spmem:s18], $0x100  }
.Ltmp1:
0x97: {  	_ =	swait.ge @!p0 [sflag:s0], $0x100;
	(pc) =	sbr.rel @p2 .LBB2_1-.Ltmp1, $3  }
0x98: {  	[sflag:s0] =	ssyncset.done @!p0 $0x0  }
0x99: {  	[sflag:s0] =	ssyncadd.s32 @!p0 $0xFFFFFF00  }
0x9a: {  	[bflag:$0x0] =	sbarrier.arrive $0xFFFF;
	_ =	sdelay $0x1  }
0x9b: {  	_ =	sfence.sel $0x180000  }
0x9c: {  	[bflag:$0x0] =	sbarrier.arrive $0xFFFF  }
0x9d: {  	_ =	strace $0x9000004A  }
0x9e: {  	s0 =	stileid.u32;
	[bflag:$0x2] =	sbarrier.arrive $0xFFFF  }
0x9f: {  	p0 =	sne.s32 s0, $0x0;
	s0 =	rddreg [dreg:$0x2]  }
0xa0: {  	s0 =	sadd.s32 @!p0 $0x100000, s0  }
0xa1: {  	[sflag:s0] =	ssyncadd.tile.s32 @!p0 $0x1;
	_ =	shalt  }
.Lfunc_end2:
_tile_overlayer_lowered:
.L_overlay_start_2:
0xa2: {  	(tag) =	ssettag $0x2  }
0xa3: {  	s0 =	rddreg [dreg:$0x0];
	s2 =	stileid.u32  }
0xa4: {  	s1 =	rddreg [dreg:$0x1];
	p0 =	sne.s32 s2, $0x0  }
0xa5: {  	s3 =	rddreg [dreg:$0x2];
	[bflag:$0x3] =	sbarrier.arrive $0xFFFF;
	s2 =	simm.s32 @!p0 $0x1C05  }
0xa6: {  	[timem:s3], [sflag:s2] =	dma.local @!p0 [hbm:s0], s1  }
0xa7: {  	s0 =	simm.s32 @!p0 $0x5  }
0xa8: {  	_ =	swait.ge @!p0 [sflag:s0], s1  }
0xa9: {  	s1 =	ssub.s32 @!p0 $0x0, s1;
	[sflag:s0] =	ssyncset.done @!p0 $0x0  }
0xaa: {  	[sflag:s0] =	ssyncadd.s32 @!p0 s1  }
0xab: {  	[bflag:$0x3] =	sbarrier.arrive $0xFFFF  }
0xac: {  	_ =	shalt  }

// kernel: kernel.17.cloned.1.call-start
scs
__scs_entry_jumppad:
0x0: {  	(pc) =	sbr.rel $0x88, $3  }
0x1: {  	(tag) =	ssettag $0x0;
	lr =	simm.s32 $0x1  }
0x2: {  	[smem:$0x3F94] =	sst lr;
	_ =	strace $0xD0000000  }
0x3: {  	_ = 	snop  }
0x4: {  	_ = 	snop  }
0x5: {  	_ = 	snop  }
0x6: {  	_ = 	snop  }
0x7: {  	_ = 	snop  }
__scs_overlays_trampoline_lowered:
0x8: {  	[smem:$0x3FA3] =	sst s0  }
0x9: {  	[smem:$0x3FA4] =	sst s1  }
0xa: {  	[smem:$0x3FA5] =	sst s2  }
0xb: {  	[smem:$0x3FA6] =	sst s3  }
0xc: {  	[smem:$0x3FA7] =	sst s4  }
0xd: {  	[smem:$0x3FA8] =	sst s5  }
0xe: {  	[smem:$0x3FA9] =	sst s6  }
0xf: {  	[smem:$0x3FAA] =	sst s7  }
0x10: {  	[smem:$0x3FAB] =	sst s8  }
0x11: {  	[smem:$0x3FAC] =	sst s9;
	s0 =	simm.s32 @!p0 $0x0  }
0x12: {  	s1 =	sld [smem:$0x3F92];
	s0 =	simm.s32 @p0 $0x1  }
0x13: {  	[smem:$0x3FAD] =	sst s0;
	s0 =	simm.s32 @!p1 $0x0  }
0x14: {  	s2 =	sld [smem:$0x3F91];
	s0 =	simm.s32 @p1 $0x1  }
0x15: {  	[smem:$0x3FAE] =	sst s0;
	s0 =	simm.s32 @!p2 $0x0  }
0x16: {  	s3 =	sld [smem:$0x3FDB];
	s0 =	simm.s32 @p2 $0x1  }
0x17: {  	s4 =	simm.s32 $0x1BF5;
	[smem:$0x3FB0] =	sst s0  }
0x18: {  	s0 =	sld [smem:$0x3F93];
	_ =	swait.ge [sflag:s4], $0x0  }
0x19: {  	s7 =	sld [smem:$0x3F94]  }
0x1a: {  	s8 =	sadd.s32 $0xFFFFE003, lr  }
0x1b: {  	s9 =	sadd.s32 $0xFFFFFEF7, lr;
	s5 =	simm.s32 $0xFFFFFFFF;
	p2 =	slt.u32 s8, $0xFFFFF086  }
0x1c: {  	p1 =	slt.u32 s9, $0xF7A;
	s5 =	simm.s32 @!p2 $0x0  }
0x1d: {  	s5 =	simm.s32 @p1 $0x1;
	p0 =	seq.s32 s7, s2  }
0x1e: {  	s7 =	smul.u32 @!p0 $0xF7A, s2;
	p2 =	seq.s32 @!p0 s5, $0x0  }
0x1f: {  	s9 =	smul.u32 $0xF7A, s1;
	s8 =	simm.s32 @!p0 $0x1BF5;
	p2 =	por !p2, p0  }
0x20: {  	[sflag:s8] =	ssyncset.s32 @!p0 $0xFFFFF086;
	s6 =	sadd.s32 @!p0 s3, s7;
	s7 =	simm.s32 @!p0 $0x108  }
0x21: {  	s3 =	sadd.s32 s3, s9;
	s6 =	sadd.s32 @!p0 $0x88, s6;
	s7 =	simm.s32 @p2 $0x1082  }
0x22: {  	[simem:s7], [sflag:s8] =	dma.local @!p0 [hbm:s6], $0xF7A  }
0x23: {  	s9 =	sor.u32 $0xD0000000, s2;
	s6 =	simm.s32 $0x108;
	_ =	swait.ge @!p0 [sflag:s8], $0x0  }
0x24: {  	s3 =	sadd.s32 $0x88, s3;
	s6 =	simm.s32 @!p1 $0x1082;
	[sflag:s4] =	ssyncset.s32 $0xFFFFF086  }
0x25: {  	[simem:s6], [sflag:s4] =	dma.local [hbm:s3], $0xF7A  }
0x26: {  	[smem:$0x3F94] =	sst s1;
	(tag) =	ssettag s2;
	_ =	strace s9  }
0x27: {  	s1 =	sld [smem:$0x3FA4]  }
0x28: {  	s2 =	sld [smem:$0x3FA5]  }
0x29: {  	s4 =	sld [smem:$0x3FA7]  }
0x2a: {  	p0 =	seq.s32 s5, $0x0;
	s5 =	sld [smem:$0x3FA8]  }
0x2b: {  	s6 =	sld [smem:$0x3FA9]  }
0x2c: {  	s7 =	sld [smem:$0x3FAA]  }
0x2d: {  	s3 =	simm.s32 $0x108;
	s8 =	sld [smem:$0x3FAB]  }
0x2e: {  	s3 =	simm.s32 @!p0 $0x1082;
	s9 =	sld [smem:$0x3FAC]  }
0x2f: {  	lr =	sadd.s32 s0, s3;
	s0 =	sld [smem:$0x3FA3]  }
0x30: {  	s3 =	sld [smem:$0x3FA6]  }
0x31: {  	[smem:$0x3FAF] =	sst s10  }
0x32: {  	s10 =	sld [smem:$0x3FAD];
	_ =	sdelay $0x3  }
0x33: {  	p0 =	seq.s32 s10, $0x1;
	s10 =	sld [smem:$0x3FAF];
	_ =	sdelay $0x3  }
0x34: {  	[smem:$0x3FAF] =	sst s10  }
0x35: {  	s10 =	sld [smem:$0x3FAE];
	_ =	sdelay $0x3  }
0x36: {  	p1 =	seq.s32 s10, $0x1;
	s10 =	sld [smem:$0x3FAF];
	_ =	sdelay $0x3  }
0x37: {  	[smem:$0x3FAF] =	sst s10  }
0x38: {  	s10 =	sld [smem:$0x3FB0]  }
0x39: {  	_ = 	snop;
	(pc) =	sbr.ind lr, $3  }
0x3a: {  	_ = 	snop  }
0x3b: {  	_ = 	snop  }
0x3c: {  	p2 =	seq.s32 s10, $0x1;
	s10 =	sld [smem:$0x3FAF]  }
0x3d: {  	_ =	shalt  }
0x3e: {  	_ =	shalt  }
0x3f: {  	_ =	shalt  }
0x40: {  	_ =	shalt  }
0x41: {  	_ =	shalt  }
0x42: {  	_ =	shalt  }
0x43: {  	_ =	shalt  }
0x44: {  	_ =	shalt  }
0x45: {  	_ =	shalt  }
0x46: {  	_ =	shalt  }
0x47: {  	_ =	shalt  }
0x48: {  	_ =	shalt  }
0x49: {  	_ =	shalt  }
0x4a: {  	_ =	shalt  }
0x4b: {  	_ =	shalt  }
0x4c: {  	_ =	shalt  }
0x4d: {  	_ =	shalt  }
0x4e: {  	_ =	shalt  }
0x4f: {  	_ =	shalt  }
0x50: {  	_ =	shalt  }
0x51: {  	_ =	shalt  }
0x52: {  	_ =	shalt  }
0x53: {  	_ =	shalt  }
0x54: {  	_ =	shalt  }
0x55: {  	_ =	shalt  }
0x56: {  	_ =	shalt  }
0x57: {  	_ =	shalt  }
0x58: {  	_ =	shalt  }
0x59: {  	_ =	shalt  }
0x5a: {  	_ =	shalt  }
0x5b: {  	_ =	shalt  }
0x5c: {  	_ =	shalt  }
0x5d: {  	_ =	shalt  }
0x5e: {  	_ =	shalt  }
0x5f: {  	_ =	shalt  }
0x60: {  	_ =	shalt  }
0x61: {  	_ =	shalt  }
0x62: {  	_ =	shalt  }
0x63: {  	_ =	shalt  }
0x64: {  	_ =	shalt  }
0x65: {  	_ =	shalt  }
0x66: {  	_ =	shalt  }
0x67: {  	_ =	shalt  }
0x68: {  	_ =	shalt  }
0x69: {  	_ =	shalt  }
0x6a: {  	_ =	shalt  }
0x6b: {  	_ =	shalt  }
0x6c: {  	_ =	shalt  }
0x6d: {  	_ =	shalt  }
0x6e: {  	_ =	shalt  }
0x6f: {  	_ =	shalt  }
0x70: {  	_ =	shalt  }
0x71: {  	_ =	shalt  }
0x72: {  	_ =	shalt  }
0x73: {  	_ =	shalt  }
0x74: {  	_ =	shalt  }
0x75: {  	_ =	shalt  }
0x76: {  	_ =	shalt  }
0x77: {  	_ =	shalt  }
0x78: {  	_ =	shalt  }
0x79: {  	_ =	shalt  }
0x7a: {  	_ =	shalt  }
0x7b: {  	_ =	shalt  }
0x7c: {  	_ =	shalt  }
0x7d: {  	_ =	shalt  }
0x7e: {  	_ =	shalt  }
0x7f: {  	_ =	shalt  }
0x80: {  	_ =	shalt  }
0x81: {  	_ =	shalt  }
0x82: {  	_ =	shalt  }
0x83: {  	_ =	shalt  }
0x84: {  	_ =	shalt  }
0x85: {  	_ =	shalt  }
0x86: {  	_ =	shalt  }
0x87: {  	_ =	shalt  }
.Lfunc_end0:
.L_simem_size_0:
called_computation.2_lowered:
.L_overlay_start_0:
0x88: {  	s2 =	sld [smem:$0x3FD9]  }
0x89: {  	s3 =	sld [smem:$0x3FFE];
	_ =	sdelay $0x1  }
0x8a: {  	s1 =	srdreg.scid  }
0x8b: {  	s0 =	sand.u32 $0x1, s1  }
0x8c: {  	s16 =	sshll.u32 s0, $0xA;
	s2 =	sadd.s32 s3, s2  }
0x8d: {  	s2 =	sadd.s32 s2, s16  }
0x8e: {  	[smem:$0x3FBB] =	sst s2  }
0x8f: {  	_ = 	snop  }
0x90: {  	(tm) =	ssettm $0x1  }
0x91: {  	s17 =	sld [smem:$0x3FFB];
	_ =	sdelay $0x3  }
0x92: {  	_ =	strace s17  }
0x93: {  	s2 =	sld [smem:$0x3FFC];
	_ =	sdelay $0x3  }
0x94: {  	_ =	strace s2  }
0x95: {  	s2 =	sld [smem:$0x3FFD];
	_ =	sdelay $0x3  }
0x96: {  	_ =	strace s2  }
0x97: {  	_ =	strace $0x8FFFFFFF  }
0x98: {  	s18 =	sld [smem:$0x3FDB];
	_ =	sdelay $0x1  }
0x99: {  	s19 =	simm.s32 $_scs_section_size  }
0x9a: {  	s4 =	simm.s32 $_size__tile_overlayer_lowered;
	s5 =	simm.s32 $_tile_overlayer_lowered  }
0x9b: {  	s22 =	simm.s32 $0x1BFF;
	s21 =	sshll.u32 s5, $0x1;
	s2 =	sadd.s32 s19, s18  }
0x9c: {  	s6 =	simm.s32 $0x0;
	s20 =	sshll.u32 s4, $0x1;
	s4 =	sadd.s32 s21, s2  }
0x9d: {  	[timem:s6], [sflag:s22] =	dma.local [hbm:s4], s20  }
0x9e: {  	_ =	swait.ge [sflag:s22], s20  }
0x9f: {  	s3 =	ssub.s32 $0x0, s20;
	[sflag:s22] =	ssyncset.done $0x0  }
0xa0: {  	[sflag:s22] =	ssyncadd.s32 s3;
	_ =	sdelay $0x1  }
0xa1: {  	s23 =	simm.s32 $0x1B8B  }
0xa2: {  	_ =	swait.ge [sflag:s23], $0x1  }
0xa3: {  	[sflag:s23] =	ssyncset.done $0x0  }
0xa4: {  	s25 =	simm.s32 $0x1B8E;
	s24 =	sld [smem:$0x3FFE];
	[sflag:s23] =	ssyncadd.s32 $0xFFFFFFFF  }
0xa5: {  	s26 =	simm.s32 $execute0_lowered;
	[smem:$0x3FD2] =	sst s25  }
0xa6: {  	s4 =	sshll.u32 s26, $0x1;
	_ =	strace $0x8000004C;
	[dreg:$0x1] =	wrdreg $0xFFFFFFFF  }
0xa7: {  	s28 =	simm.s32 $_size_execute0_lowered;
	s2 =	sadd.s32 s2, s4;
	[dreg:$0x0] =	wrdreg $0x0  }
0xa8: {  	s4 =	sshll.u32 s28, $0x1;
	[dreg:$0x2] =	wrdreg s2  }
0xa9: {  	[dreg:$0x3] =	wrdreg s4  }
0xaa: {  	[dreg:$0x4] =	wrdreg $0xC0  }
0xab: {  	_ =	task [dreg:s6], $0x5FFFF  }
0xac: {  	[dreg:$0x1] =	wrdreg $0xFFFFFFFF  }
0xad: {  	[dreg:$0x0] =	wrdreg $0x60  }
0xae: {  	[dreg:$0x2] =	wrdreg s24  }
0xaf: {  	[dreg:$0x3] =	wrdreg $0x0  }
0xb0: {  	[dreg:$0x4] =	wrdreg $0x9  }
0xb1: {  	_ =	task.clear_ibuf [dreg:s6], $0x5FFFF;
	_ =	strace $0x9000004C  }
0xb2: {  	s29 =	simm.s32 $0x9;
	_ =	strace $0x8000004E  }
0xb3: {  	_ =	swait.ge [sflag:s29], $0x1  }
0xb4: {  	[sflag:s29] =	ssyncadd.s32 $0xFFFFFFFF  }
0xb5: {  	_ =	strace $0x9000004E  }
0xb6: {  	_ =	sfence  }
0xb7: {  	s30 =	sld [smem:$0x0];
	_ =	sdelay $0x2  }
0xb8: {  	s31 =	sshll.u32 s1, $0xD;
	s1 =	sshrl.u32 s1, $0x2  }
0xb9: {  	s3 =	sand.u32 $0x4000, s31;
	s1 =	sadd.s32 s1, s30  }
0xba: {  	s0 =	sor.u32 s3, s0;
	s1 =	sshll.u32 s1, $0x11  }
0xbb: {  	s0 =	sor.u32 s1, s0  }
0xbc: {  	s0 =	sadd.s32 $0x8F2B, s0  }
0xbd: {  	[sflag:s0] =	ssyncadd.remote.s32 $0x1  }
0xbe: {  	_ =	sfence.sel $0xFFFF  }
0xbf: {  	[dreg:$0x0] =	wrdreg $0xFFFFFFFF;
	(pc) =	sbr.abs _section_cstart, $3  }
0xc0: {  	[dreg:$0x1] =	wrdreg $0xFFFFFFFF  }
0xc1: {  	_ =	task.clear_ibuf [dreg:s6], $0x2FFFF;
	_ =	strace $0x9FFFFFFF  }
0xc2: {  	(tm) =	ssettm $0x7FFFFFFF  }
0xc3: {  	_ =	shalt  }
tec
execute0_lowered:
.L_overlay_start_1:
0x0: {  	(tag) =	ssettag $0x1  }
0x1: {  	s0 =	srdreg.scid;
	s1 =	rddreg [dreg:$0x0]  }
0x2: {  	s12 =	stileid.u32;
	s2 =	rddreg [dreg:$0x1]  }
0x3: {  	s3 =	simm.s32 $0x0;
	s28 =	simm.s32 $0x17A80;
	s29 =	simm.s32 $0x1  }
0x4: {  	s30 =	simm.s32 $0x13900;
	s31 =	simm.s32 $0x3;
	s5 =	smul.u32 $0x4E, s12  }
0x5: {  	s0 =	sand.u32 $0x1, s0;
	s19 =	smin.u32 s12, $0x2;
	s9 =	smul.u32 $0x13800, s12  }
0x6: {  	[smem:$0x7FF] =	sst s3;
	s8 =	smul.u32 $0x4E000, s12;
	s13 =	sadd.s32 $0x103C00, s1  }
0x7: {  	s22 =	sshll.u32 s12, $0x6;
	s23 =	sadd.s32 $0x138000, s2;
	p0 =	sne.s32 s12, $0xF  }
0x8: {  	p1 =	sgt.u32 s12, $0x1;
	s4 =	smul.u32 $0x4E2, s0;
	_ =	strace $0x8000004D  }
0x9: {  	s7 =	ssub.s32 $0x2, s0;
	s0 =	smul.u32 $0x271000, s0;
	[dreg:$0x3] =	wrdreg s23  }
0xa: {  	s23 =	simm.s32 $0x13880;
	s6 =	sshrl.u32 s9, $0x3;
	s20 =	sshrl.u32 s7, $0x1  }
0xb: {  	s21 =	sshrl.u32 s8, $0x2;
	s8 =	sor.u32 $0x1C05, s22;
	s22 =	simm.s32 $0x5  }
0xc: {  	s4 =	sadd.s32 s5, s4;
	s5 =	sadd.s32 $0xDCA00, s1;
	s10 =	sadd.s32 s6, s1  }
0xd: {  	s15 =	ssub.s32 s7, s20;
	s6 =	sadd.s32 s21, s2;
	s9 =	sadd.s32 s9, s0  }
0xe: {  	s0 =	sshrl.u32 s0, $0x3;
	s4 =	sadd.s32 s19, s4;
	s7 =	sadd.s32 $0x19000, s10  }
0xf: {  	s24 =	sshrl.u32 s9, $0x3;
	s0 =	sadd.s32 s13, s0;
	s26 =	smax.u32 s15, $0x1  }
0x10: {  	s21 =	sshrl.u32 s6, $0x3;
	s9 =	simm.s32 $0x4;
	s4 =	sshll.u32 s4, $0x5  }
0x11: {  	s25 =	sadd.s32 $0x27000, s0;
	s0 =	sadd.s32 $0x4E100, s0;
	[dreg:$0x9] =	wrdreg s26  }
0x12: {  	s26 =	simm.s32 $0x13980;
	s14 =	sadd.s32 s4, s1;
	[dreg:$0x6] =	wrdreg s25  }
0x13: {  	s4 =	sadd.s32 $0x40200, s1;
	s1 =	sadd.s32 $0x40000, s1;
	[dreg:$0x8] =	wrdreg s0  }
0x14: {  	s25 =	simm.s32 $0x13A80;
	s0 =	simm.s32 $0x13A00;
	[dreg:$0x4] =	wrdreg s1  }
0x15: {  	s11 =	sadd.s32 $0x5600, s14;
	s1 =	sadd.s32 s13, s24;
	s13 =	sadd.s32 $0x5FC0, s14  }
0x16: {  	s18 =	sadd.s32 $0x5620, s14;
	s19 =	sadd.s32 $0x5640, s14;
	s20 =	sadd.s32 $0x5FA0, s14  }
0x17: {  	s24 =	simm.s32 $0x80;
	[dreg:$0x5] =	wrdreg s1;
	s1 =	sadd.s32 $0x27100, s1  }
0x18: {  	s14 =	simm.s32 $0x0;
	[dreg:$0x7] =	wrdreg s1;
	s1 =	simm.s32 $0x2  }
.LBB2_1:
0x19: {  	[spmem:s21], [sflag:s8] =	dma.local [hbm:s7], $0x2700  }
0x1a: {  	_ =	swait.ge [sflag:s22], $0x2700  }
0x1b: {  	s16 =	simm.s32 @!p0 $0x5;
	[sflag:s22] =	ssyncset.done $0x0;
	s10 =	rddreg [dreg:$0x3]  }
0x1c: {  	[sflag:s22] =	ssyncadd.s32 $0xFFFFD900;
	s15 =	sshrl.u32 @!p0 s10, $0x3;
	s10 =	rddreg [dreg:$0x4]  }
0x1d: {  	[spmem:s15], [sflag:s8] =	dma.local @!p0 [hbm:s10], $0x100  }
0x1e: {  	_ =	swait.ge @!p0 [sflag:s16], $0x100  }
0x1f: {  	[sflag:s16] =	ssyncset.done @!p0 $0x0  }
0x20: {  	[sflag:s16] =	ssyncadd.s32 @!p0 $0xFFFFFF00  }
0x21: {  	[bflag:$0x0] =	sbarrier.arrive $0xFFFF  }
0x22: {  	[tilespmem:s23], [sflag:$0x5] =	stream.linear.gather [hbm4b:s11+s3], $0x100, $0x38;
	[tilespmem:$0x1BA80] =	vst v63  }
0x23: {  	_ =	swait.ge [sflag:s22], $0x100  }
0x24: {  	[sflag:s22] =	ssyncset.done $0x0  }
0x25: {  	[sflag:s22] =	ssyncadd.s32 $0xFFFFFF00  }
0x26: {  	[tilespmem:s25], [sflag:$0x1] =	stream.indirect.gather [hbm4b:s4+s24], $0x80, s23, s24, $0xb8;
	[tilespmem:$0x1BA80] =	vst v63  }
0x27: {  	_ = 	snop  }
0x28: {  	[tilespmem:s26], [sflag:$0x5] =	stream.linear.gather [hbm4b:s18+s3], $0x100, $0x38;
	[tilespmem:$0x1BA80] =	vst v63  }
0x29: {  	_ =	swait.ge [sflag:s22], $0x100  }
0x2a: {  	[sflag:s22] =	ssyncset.done $0x0  }
0x2b: {  	[sflag:s22] =	ssyncadd.s32 $0xFFFFFF00  }
0x2c: {  	[tilespmem:s28], [sflag:$0x2] =	stream.indirect.gather [hbm4b:s4+s24], $0x80, s26, s24, $0xb8;
	[tilespmem:$0x1BA80] =	vst v63  }
0x2d: {  	_ =	swait.ge [sflag:s29], $0x4000  }
0x2e: {  	[sflag:s29] =	ssyncset.done $0x0  }
0x2f: {  	[sflag:s29] =	ssyncadd.s32 $0xFFFFC000  }
0x30: {  	[spmem:s2] =	stream.indirect.scatter.add.f32 [tilespmem:s25], [sflag:$0x3], $0x80, s30, s24, $0xb8;
	[tilespmem:$0x1BA80] =	vst v63  }
0x31: {  	_ =	swait.ge [sflag:s31], $0x4000  }
0x32: {  	[sflag:s31] =	ssyncset.done $0x0  }
0x33: {  	[sflag:s31] =	ssyncadd.s32 $0xFFFFC000  }
0x34: {  	[tilespmem:s23], [sflag:$0x5] =	stream.linear.gather [hbm4b:s19+s3], $0x100, $0x38;
	[tilespmem:$0x1BA80] =	vst v63  }
0x35: {  	_ =	swait.ge [sflag:s22], $0x100  }
0x36: {  	[sflag:s22] =	ssyncset.done $0x0  }
0x37: {  	[sflag:s22] =	ssyncadd.s32 $0xFFFFFF00  }
0x38: {  	[tilespmem:s25], [sflag:$0x1] =	stream.indirect.gather [hbm4b:s4+s24], $0x80, s23, s24, $0xb8;
	[tilespmem:$0x1BA80] =	vst v63  }
0x39: {  	_ =	swait.ge [sflag:s1], $0x4000  }
0x3a: {  	[sflag:s1] =	ssyncset.done $0x0  }
0x3b: {  	[sflag:s1] =	ssyncadd.s32 $0xFFFFC000  }
0x3c: {  	[spmem:s2] =	stream.indirect.scatter.add.f32 [tilespmem:s28], [sflag:$0x4], $0x80, s0, s24, $0xb8;
	[tilespmem:$0x1BA80] =	vst v63  }
0x3d: {  	_ =	swait.ge [sflag:s9], $0x4000  }
0x3e: {  	s12 =	sadd.s32 $0xFFFFF6C0, s11;
	[sflag:s9] =	ssyncset.done $0x0  }
0x3f: {  	s17 =	sadd.s32 $0x9A0, s12;
	[sflag:s9] =	ssyncadd.s32 $0xFFFFC000  }
0x40: {  	[tilespmem:s26], [sflag:$0x5] =	stream.linear.gather [hbm4b:s17+s3], $0x100, $0x38;
	[tilespmem:$0x1BA80] =	vst v63  }
0x41: {  	_ =	swait.ge [sflag:s22], $0x100  }
0x42: {  	[sflag:s22] =	ssyncset.done $0x0  }
0x43: {  	[sflag:s22] =	ssyncadd.s32 $0xFFFFFF00  }
0x44: {  	[tilespmem:s28], [sflag:$0x2] =	stream.indirect.gather [hbm4b:s4+s24], $0x80, s26, s24, $0xb8;
	[tilespmem:$0x1BA80] =	vst v63  }
0x45: {  	_ =	swait.ge [sflag:s29], $0x4000  }
0x46: {  	[sflag:s29] =	ssyncset.done $0x0  }
0x47: {  	[sflag:s29] =	ssyncadd.s32 $0xFFFFC000  }
0x48: {  	[spmem:s2] =	stream.indirect.scatter.add.f32 [tilespmem:s25], [sflag:$0x3], $0x80, s30, s24, $0xb8;
	[tilespmem:$0x1BA80] =	vst v63  }
0x49: {  	_ =	swait.ge [sflag:s31], $0x4000  }
0x4a: {  	[sflag:s31] =	ssyncset.done $0x0  }
0x4b: {  	s16 =	sadd.s32 $0x9C0, s12;
	[sflag:s31] =	ssyncadd.s32 $0xFFFFC000  }
0x4c: {  	[tilespmem:s23], [sflag:$0x5] =	stream.linear.gather [hbm4b:s16+s3], $0x100, $0x38;
	[tilespmem:$0x1BA80] =	vst v63  }
0x4d: {  	_ =	swait.ge [sflag:s22], $0x100  }
0x4e: {  	[sflag:s22] =	ssyncset.done $0x0  }
0x4f: {  	[sflag:s22] =	ssyncadd.s32 $0xFFFFFF00  }
0x50: {  	[tilespmem:s25], [sflag:$0x1] =	stream.indirect.gather [hbm4b:s4+s24], $0x80, s23, s24, $0xb8;
	[tilespmem:$0x1BA80] =	vst v63  }
0x51: {  	_ =	swait.ge [sflag:s1], $0x4000  }
0x52: {  	[sflag:s1] =	ssyncset.done $0x0  }
0x53: {  	s16 =	simm.s32 $0xFFFFF700;
	[sflag:s1] =	ssyncadd.s32 $0xFFFFC000  }
.LBB2_2:
0x54: {  	[spmem:s2] =	stream.indirect.scatter.add.f32 [tilespmem:s28], [sflag:$0x4], $0x80, s0, s24, $0xb8;
	[tilespmem:$0x1BA80] =	vst v63  }
0x55: {  	s17 =	smov.u32 s16  }
0x56: {  	p2 =	sne.s32 s16, $0xFFFFFFC0;
	s16 =	sadd.s32 $0x40, s16;
	_ =	swait.ge [sflag:s9], $0x4000  }
0x57: {  	s17 =	sadd.s32 s17, s11;
	[sflag:s9] =	ssyncset.done $0x0  }
0x58: {  	s12 =	sadd.s32 $0x9A0, s17;
	[sflag:s9] =	ssyncadd.s32 $0xFFFFC000  }
0x59: {  	[tilespmem:s26], [sflag:$0x5] =	stream.linear.gather [hbm4b:s12+s3], $0x100, $0x38;
	[tilespmem:$0x1BA80] =	vst v63  }
0x5a: {  	_ =	swait.ge [sflag:s22], $0x100  }
0x5b: {  	[sflag:s22] =	ssyncset.done $0x0  }
0x5c: {  	[sflag:s22] =	ssyncadd.s32 $0xFFFFFF00  }
0x5d: {  	[tilespmem:s28], [sflag:$0x2] =	stream.indirect.gather [hbm4b:s4+s24], $0x80, s26, s24, $0xb8;
	[tilespmem:$0x1BA80] =	vst v63  }
0x5e: {  	_ =	swait.ge [sflag:s29], $0x4000  }
0x5f: {  	[sflag:s29] =	ssyncset.done $0x0  }
0x60: {  	[sflag:s29] =	ssyncadd.s32 $0xFFFFC000  }
0x61: {  	[spmem:s2] =	stream.indirect.scatter.add.f32 [tilespmem:s25], [sflag:$0x3], $0x80, s30, s24, $0xb8;
	[tilespmem:$0x1BA80] =	vst v63  }
0x62: {  	_ =	swait.ge [sflag:s31], $0x4000  }
0x63: {  	[sflag:s31] =	ssyncset.done $0x0  }
0x64: {  	s12 =	sadd.s32 $0x9C0, s17;
	[sflag:s31] =	ssyncadd.s32 $0xFFFFC000  }
0x65: {  	[tilespmem:s23], [sflag:$0x5] =	stream.linear.gather [hbm4b:s12+s3], $0x100, $0x38;
	[tilespmem:$0x1BA80] =	vst v63  }
0x66: {  	_ =	swait.ge [sflag:s22], $0x100  }
0x67: {  	[sflag:s22] =	ssyncset.done $0x0  }
.Ltmp0:
0x68: {  	[sflag:s22] =	ssyncadd.s32 $0xFFFFFF00;
	(pc) =	sbr.rel @p2 .LBB2_2-.Ltmp0, $4  }
0x69: {  	[tilespmem:s25], [sflag:$0x1] =	stream.indirect.gather [hbm4b:s4+s24], $0x80, s23, s24, $0xb8;
	[tilespmem:$0x1BA80] =	vst v63  }
0x6a: {  	_ =	swait.ge [sflag:s1], $0x4000  }
0x6b: {  	[sflag:s1] =	ssyncset.done $0x0  }
0x6c: {  	[sflag:s1] =	ssyncadd.s32 $0xFFFFC000  }
0x6d: {  	[spmem:s2] =	stream.indirect.scatter.add.f32 [tilespmem:s28], [sflag:$0x4], $0x80, s0, s24, $0xb8;
	[tilespmem:$0x1BA80] =	vst v63  }
0x6e: {  	_ =	swait.ge [sflag:s9], $0x4000  }
0x6f: {  	[sflag:s9] =	ssyncset.done $0x0  }
0x70: {  	[sflag:s9] =	ssyncadd.s32 $0xFFFFC000  }
0x71: {  	[tilespmem:s26], [sflag:$0x5] =	stream.linear.gather [hbm4b:s20+s3], $0x100, $0x38;
	[tilespmem:$0x1BA80] =	vst v63  }
0x72: {  	_ =	swait.ge [sflag:s22], $0x100  }
0x73: {  	[sflag:s22] =	ssyncset.done $0x0  }
0x74: {  	[sflag:s22] =	ssyncadd.s32 $0xFFFFFF00  }
0x75: {  	[tilespmem:s28], [sflag:$0x2] =	stream.indirect.gather [hbm4b:s4+s24], $0x80, s26, s24, $0xb8;
	[tilespmem:$0x1BA80] =	vst v63  }
0x76: {  	_ =	swait.ge [sflag:s29], $0x4000  }
0x77: {  	[sflag:s29] =	ssyncset.done $0x0  }
0x78: {  	[sflag:s29] =	ssyncadd.s32 $0xFFFFC000  }
0x79: {  	[spmem:s2] =	stream.indirect.scatter.add.f32 [tilespmem:s25], [sflag:$0x3], $0x80, s30, s24, $0xb8;
	[tilespmem:$0x1BA80] =	vst v63  }
0x7a: {  	_ =	swait.ge [sflag:s1], $0x4000  }
0x7b: {  	[sflag:s1] =	ssyncset.done $0x0  }
0x7c: {  	[sflag:s1] =	ssyncadd.s32 $0xFFFFC000  }
0x7d: {  	[spmem:s2] =	stream.indirect.scatter.add.f32 [tilespmem:s28], [sflag:$0x4], $0x80, s0, s24, $0xb8;
	[tilespmem:$0x1BA80] =	vst v63  }
0x7e: {  	_ =	swait.ge [sflag:s31], $0x4000  }
0x7f: {  	[sflag:s31] =	ssyncset.done $0x0  }
0x80: {  	[sflag:s31] =	ssyncadd.s32 $0xFFFFC000  }
0x81: {  	_ =	swait.ge [sflag:s9], $0x4000  }
0x82: {  	[sflag:s9] =	ssyncset.done $0x0  }
0x83: {  	s12 =	simm.s32 @!p1 $0x0;
	s16 =	simm.s32 @!p1 $0x13880;
	[sflag:s9] =	ssyncadd.s32 $0xFFFFC000  }
0x84: {  	[tilespmem:s16], [sflag:$0x5] =	stream.linear.gather @!p1 [hbm4b:s13+s12], $0x100, $0x38;
	[tilespmem:$0x1BA80] =	vst v63  }
0x85: {  	s12 =	simm.s32 @!p1 $0x5  }
0x86: {  	_ =	swait.ge @!p1 [sflag:s12], $0x100  }
0x87: {  	[sflag:s12] =	ssyncset.done @!p1 $0x0  }
0x88: {  	s17 =	simm.s32 @!p1 $0x80;
	s10 =	simm.s32 @!p1 $0x13A80;
	[sflag:s12] =	ssyncadd.s32 @!p1 $0xFFFFFF00  }
0x89: {  	[tilespmem:s10], [sflag:$0x1] =	stream.indirect.gather @!p1 [hbm4b:s4+s17], $0x80, s16, s17, $0xb8;
	[tilespmem:$0x1BA80] =	vst v63  }
0x8a: {  	s16 =	simm.s32 @!p1 $0x1  }
0x8b: {  	_ =	swait.ge @!p1 [sflag:s16], $0x4000  }
0x8c: {  	[sflag:s16] =	ssyncset.done @!p1 $0x0  }
0x8d: {  	[sflag:s16] =	ssyncadd.s32 @!p1 $0xFFFFC000;
	s16 =	simm.s32 @!p1 $0x13900  }
0x8e: {  	[spmem:s2] =	stream.indirect.scatter.add.f32 @!p1 [tilespmem:s10], [sflag:$0x5], $0x80, s16, s17, $0xb8;
	[tilespmem:$0x1BA80] =	vst v63  }
0x8f: {  	_ =	swait.ge @!p1 [sflag:s12], $0x4000  }
0x90: {  	[sflag:s12] =	ssyncset.done @!p1 $0x0  }
0x91: {  	[sflag:s12] =	ssyncadd.s32 @!p1 $0xFFFFC000  }
0x92: {  	[bflag:$0x0] =	sbarrier.arrive $0xFFFF  }
0x93: {  	s12 =	rddreg [dreg:$0x5]  }
0x94: {  	[hbm:s12], [sflag:s8] =	dma.local [spmem:s21], $0x2700  }
0x95: {  	_ =	swait.ge [sflag:s22], $0x2700  }
0x96: {  	[sflag:s22] =	ssyncset.done $0x0  }
0x97: {  	[sflag:s22] =	ssyncadd.s32 $0xFFFFD900  }
0x98: {  	s10 =	sshrl.u32 @p0 s6, $0x3;
	[bflag:$0x0] =	sbarrier.arrive @p0 $0xFFFF  }
0x99: {  	[spmem:s10], [sflag:s8] =	dma.local @p0 [hbm:s7], $0x2700  }
0x9a: {  	s10 =	simm.s32 @p0 $0x5  }
0x9b: {  	_ =	swait.ge @p0 [sflag:s10], $0x2700  }
0x9c: {  	[sflag:s10] =	ssyncset.done @p0 $0x0  }
0x9d: {  	[sflag:s10] =	ssyncadd.s32 @p0 $0xFFFFD900;
	s10 =	rddreg [dreg:$0x6]  }
0x9e: {  	[hbm:s10], [sflag:s8] =	dma.local @!p0 [spmem:s15], $0x100  }
0x9f: {  	s10 =	simm.s32 @!p0 $0x5  }
0xa0: {  	_ =	swait.ge @!p0 [sflag:s10], $0x100  }
0xa1: {  	[sflag:s10] =	ssyncset.done @!p0 $0x0  }
0xa2: {  	[sflag:s10] =	ssyncadd.s32 @!p0 $0xFFFFFF00  }
0xa3: {  	s12 =	sshrl.u32 @!p0 s6, $0x3;
	[bflag:$0x0] =	sbarrier.arrive @!p0 $0xFFFF  }
0xa4: {  	[spmem:s12], [sflag:s8] =	dma.local @!p0 [hbm:s7], $0x2700  }
0xa5: {  	_ =	swait.ge @!p0 [sflag:s10], $0x2700  }
0xa6: {  	[sflag:s10] =	ssyncset.done @!p0 $0x0  }
0xa7: {  	s12 =	rddreg [dreg:$0x4];
	[sflag:s10] =	ssyncadd.s32 @!p0 $0xFFFFD900  }
0xa8: {  	[spmem:s15], [sflag:s8] =	dma.local @!p0 [hbm:s12], $0x100  }
0xa9: {  	_ =	swait.ge @!p0 [sflag:s10], $0x100  }
0xaa: {  	[sflag:s10] =	ssyncset.done @!p0 $0x0  }
0xab: {  	[sflag:s10] =	ssyncadd.s32 @!p0 $0xFFFFFF00  }
0xac: {  	[bflag:$0x0] =	sbarrier.arrive $0xFFFF  }
0xad: {  	[tilespmem:s23], [sflag:$0x5] =	stream.linear.gather [hbm4b:s11+s3], $0x100, $0x38;
	[tilespmem:$0x1BA80] =	vst v63  }
0xae: {  	_ =	swait.ge [sflag:s22], $0x100  }
0xaf: {  	[sflag:s22] =	ssyncset.done $0x0  }
0xb0: {  	[sflag:s22] =	ssyncadd.s32 $0xFFFFFF00  }
0xb1: {  	[tilespmem:s25], [sflag:$0x1] =	stream.indirect.gather [hbm4b:s5+s24], $0x80, s23, s24, $0xb8;
	[tilespmem:$0x1BA80] =	vst v63  }
0xb2: {  	_ = 	snop  }
0xb3: {  	[tilespmem:s26], [sflag:$0x5] =	stream.linear.gather [hbm4b:s18+s3], $0x100, $0x38;
	[tilespmem:$0x1BA80] =	vst v63  }
0xb4: {  	_ =	swait.ge [sflag:s22], $0x100  }
0xb5: {  	[sflag:s22] =	ssyncset.done $0x0  }
0xb6: {  	[sflag:s22] =	ssyncadd.s32 $0xFFFFFF00  }
0xb7: {  	[tilespmem:s28], [sflag:$0x2] =	stream.indirect.gather [hbm4b:s5+s24], $0x80, s26, s24, $0xb8;
	[tilespmem:$0x1BA80] =	vst v63  }
0xb8: {  	_ =	swait.ge [sflag:s29], $0x4000  }
0xb9: {  	[sflag:s29] =	ssyncset.done $0x0  }
0xba: {  	[sflag:s29] =	ssyncadd.s32 $0xFFFFC000  }
0xbb: {  	[spmem:s2] =	stream.indirect.scatter.add.f32 [tilespmem:s25], [sflag:$0x3], $0x80, s30, s24, $0xb8;
	[tilespmem:$0x1BA80] =	vst v63  }
0xbc: {  	_ =	swait.ge [sflag:s31], $0x4000  }
0xbd: {  	[sflag:s31] =	ssyncset.done $0x0  }
0xbe: {  	[sflag:s31] =	ssyncadd.s32 $0xFFFFC000  }
0xbf: {  	[tilespmem:s23], [sflag:$0x5] =	stream.linear.gather [hbm4b:s19+s3], $0x100, $0x38;
	[tilespmem:$0x1BA80] =	vst v63  }
0xc0: {  	_ =	swait.ge [sflag:s22], $0x100  }
0xc1: {  	[sflag:s22] =	ssyncset.done $0x0  }
0xc2: {  	[sflag:s22] =	ssyncadd.s32 $0xFFFFFF00  }
0xc3: {  	[tilespmem:s25], [sflag:$0x1] =	stream.indirect.gather [hbm4b:s5+s24], $0x80, s23, s24, $0xb8;
	[tilespmem:$0x1BA80] =	vst v63  }
0xc4: {  	_ =	swait.ge [sflag:s1], $0x4000  }
0xc5: {  	[sflag:s1] =	ssyncset.done $0x0  }
0xc6: {  	[sflag:s1] =	ssyncadd.s32 $0xFFFFC000  }
0xc7: {  	[spmem:s2] =	stream.indirect.scatter.add.f32 [tilespmem:s28], [sflag:$0x4], $0x80, s0, s24, $0xb8;
	[tilespmem:$0x1BA80] =	vst v63  }
0xc8: {  	_ =	swait.ge [sflag:s9], $0x4000  }
0xc9: {  	s16 =	sadd.s32 $0xFFFFF6C0, s11;
	[sflag:s9] =	ssyncset.done $0x0  }
0xca: {  	s17 =	sadd.s32 $0x9A0, s16;
	[sflag:s9] =	ssyncadd.s32 $0xFFFFC000  }
0xcb: {  	[tilespmem:s26], [sflag:$0x5] =	stream.linear.gather [hbm4b:s17+s3], $0x100, $0x38;
	[tilespmem:$0x1BA80] =	vst v63  }
0xcc: {  	_ =	swait.ge [sflag:s22], $0x100  }
0xcd: {  	[sflag:s22] =	ssyncset.done $0x0  }
0xce: {  	[sflag:s22] =	ssyncadd.s32 $0xFFFFFF00  }
0xcf: {  	[tilespmem:s28], [sflag:$0x2] =	stream.indirect.gather [hbm4b:s5+s24], $0x80, s26, s24, $0xb8;
	[tilespmem:$0x1BA80] =	vst v63  }
0xd0: {  	_ =	swait.ge [sflag:s29], $0x4000  }
0xd1: {  	[sflag:s29] =	ssyncset.done $0x0  }
0xd2: {  	[sflag:s29] =	ssyncadd.s32 $0xFFFFC000  }
0xd3: {  	[spmem:s2] =	stream.indirect.scatter.add.f32 [tilespmem:s25], [sflag:$0x3], $0x80, s30, s24, $0xb8;
	[tilespmem:$0x1BA80] =	vst v63  }
0xd4: {  	_ =	swait.ge [sflag:s31], $0x4000  }
0xd5: {  	[sflag:s31] =	ssyncset.done $0x0  }
0xd6: {  	s10 =	sadd.s32 $0x9C0, s16;
	[sflag:s31] =	ssyncadd.s32 $0xFFFFC000  }
0xd7: {  	[tilespmem:s23], [sflag:$0x5] =	stream.linear.gather [hbm4b:s10+s3], $0x100, $0x38;
	[tilespmem:$0x1BA80] =	vst v63  }
0xd8: {  	_ =	swait.ge [sflag:s22], $0x100  }
0xd9: {  	[sflag:s22] =	ssyncset.done $0x0  }
0xda: {  	[sflag:s22] =	ssyncadd.s32 $0xFFFFFF00  }
0xdb: {  	[tilespmem:s25], [sflag:$0x1] =	stream.indirect.gather [hbm4b:s5+s24], $0x80, s23, s24, $0xb8;
	[tilespmem:$0x1BA80] =	vst v63  }
0xdc: {  	_ =	swait.ge [sflag:s1], $0x4000  }
0xdd: {  	[sflag:s1] =	ssyncset.done $0x0  }
0xde: {  	s16 =	simm.s32 $0xFFFFF700;
	[sflag:s1] =	ssyncadd.s32 $0xFFFFC000  }
.LBB2_4:
0xdf: {  	[spmem:s2] =	stream.indirect.scatter.add.f32 [tilespmem:s28], [sflag:$0x4], $0x80, s0, s24, $0xb8;
	[tilespmem:$0x1BA80] =	vst v63  }
0xe0: {  	s10 =	smov.u32 s16  }
0xe1: {  	p2 =	sne.s32 s16, $0xFFFFFFC0;
	s16 =	sadd.s32 $0x40, s16;
	_ =	swait.ge [sflag:s9], $0x4000  }
0xe2: {  	s10 =	sadd.s32 s10, s11;
	[sflag:s9] =	ssyncset.done $0x0  }
0xe3: {  	s12 =	sadd.s32 $0x9A0, s10;
	[sflag:s9] =	ssyncadd.s32 $0xFFFFC000  }
0xe4: {  	[tilespmem:s26], [sflag:$0x5] =	stream.linear.gather [hbm4b:s12+s3], $0x100, $0x38;
	[tilespmem:$0x1BA80] =	vst v63  }
0xe5: {  	_ =	swait.ge [sflag:s22], $0x100  }
0xe6: {  	[sflag:s22] =	ssyncset.done $0x0  }
0xe7: {  	[sflag:s22] =	ssyncadd.s32 $0xFFFFFF00  }
0xe8: {  	[tilespmem:s28], [sflag:$0x2] =	stream.indirect.gather [hbm4b:s5+s24], $0x80, s26, s24, $0xb8;
	[tilespmem:$0x1BA80] =	vst v63  }
0xe9: {  	_ =	swait.ge [sflag:s29], $0x4000  }
0xea: {  	[sflag:s29] =	ssyncset.done $0x0  }
0xeb: {  	[sflag:s29] =	ssyncadd.s32 $0xFFFFC000  }
0xec: {  	[spmem:s2] =	stream.indirect.scatter.add.f32 [tilespmem:s25], [sflag:$0x3], $0x80, s30, s24, $0xb8;
	[tilespmem:$0x1BA80] =	vst v63  }
0xed: {  	_ =	swait.ge [sflag:s31], $0x4000  }
0xee: {  	[sflag:s31] =	ssyncset.done $0x0  }
0xef: {  	s10 =	sadd.s32 $0x9C0, s10;
	[sflag:s31] =	ssyncadd.s32 $0xFFFFC000  }
0xf0: {  	[tilespmem:s23], [sflag:$0x5] =	stream.linear.gather [hbm4b:s10+s3], $0x100, $0x38;
	[tilespmem:$0x1BA80] =	vst v63  }
0xf1: {  	_ =	swait.ge [sflag:s22], $0x100  }
0xf2: {  	[sflag:s22] =	ssyncset.done $0x0  }
.Ltmp1:
0xf3: {  	[sflag:s22] =	ssyncadd.s32 $0xFFFFFF00;
	(pc) =	sbr.rel @p2 .LBB2_4-.Ltmp1, $4  }
0xf4: {  	[tilespmem:s25], [sflag:$0x1] =	stream.indirect.gather [hbm4b:s5+s24], $0x80, s23, s24, $0xb8;
	[tilespmem:$0x1BA80] =	vst v63  }
0xf5: {  	_ =	swait.ge [sflag:s1], $0x4000  }
0xf6: {  	[sflag:s1] =	ssyncset.done $0x0  }
0xf7: {  	[sflag:s1] =	ssyncadd.s32 $0xFFFFC000  }
0xf8: {  	[spmem:s2] =	stream.indirect.scatter.add.f32 [tilespmem:s28], [sflag:$0x4], $0x80, s0, s24, $0xb8;
	[tilespmem:$0x1BA80] =	vst v63  }
0xf9: {  	_ =	swait.ge [sflag:s9], $0x4000  }
0xfa: {  	[sflag:s9] =	ssyncset.done $0x0  }
0xfb: {  	[sflag:s9] =	ssyncadd.s32 $0xFFFFC000  }
0xfc: {  	[tilespmem:s26], [sflag:$0x5] =	stream.linear.gather [hbm4b:s20+s3], $0x100, $0x38;
	[tilespmem:$0x1BA80] =	vst v63  }
0xfd: {  	_ =	swait.ge [sflag:s22], $0x100  }
0xfe: {  	[sflag:s22] =	ssyncset.done $0x0  }
0xff: {  	[sflag:s22] =	ssyncadd.s32 $0xFFFFFF00  }
0x100: {  	[tilespmem:s28], [sflag:$0x2] =	stream.indirect.gather [hbm4b:s5+s24], $0x80, s26, s24, $0xb8;
	[tilespmem:$0x1BA80] =	vst v63  }
0x101: {  	_ =	swait.ge [sflag:s29], $0x4000  }
0x102: {  	[sflag:s29] =	ssyncset.done $0x0  }
0x103: {  	[sflag:s29] =	ssyncadd.s32 $0xFFFFC000  }
0x104: {  	[spmem:s2] =	stream.indirect.scatter.add.f32 [tilespmem:s25], [sflag:$0x3], $0x80, s30, s24, $0xb8;
	[tilespmem:$0x1BA80] =	vst v63  }
0x105: {  	_ =	swait.ge [sflag:s1], $0x4000  }
0x106: {  	[sflag:s1] =	ssyncset.done $0x0  }
0x107: {  	[sflag:s1] =	ssyncadd.s32 $0xFFFFC000  }
0x108: {  	[spmem:s2] =	stream.indirect.scatter.add.f32 [tilespmem:s28], [sflag:$0x4], $0x80, s0, s24, $0xb8;
	[tilespmem:$0x1BA80] =	vst v63  }
0x109: {  	_ =	swait.ge [sflag:s31], $0x4000  }
0x10a: {  	[sflag:s31] =	ssyncset.done $0x0  }
0x10b: {  	[sflag:s31] =	ssyncadd.s32 $0xFFFFC000  }
0x10c: {  	_ =	swait.ge [sflag:s9], $0x4000  }
0x10d: {  	[sflag:s9] =	ssyncset.done $0x0  }
0x10e: {  	s10 =	simm.s32 @!p1 $0x0;
	s12 =	simm.s32 @!p1 $0x13880;
	[sflag:s9] =	ssyncadd.s32 $0xFFFFC000  }
0x10f: {  	[tilespmem:s12], [sflag:$0x5] =	stream.linear.gather @!p1 [hbm4b:s13+s10], $0x100, $0x38;
	[tilespmem:$0x1BA80] =	vst v63  }
0x110: {  	s10 =	simm.s32 @!p1 $0x5  }
0x111: {  	_ =	swait.ge @!p1 [sflag:s10], $0x100  }
0x112: {  	[sflag:s10] =	ssyncset.done @!p1 $0x0  }
0x113: {  	s16 =	simm.s32 @!p1 $0x80;
	s17 =	simm.s32 @!p1 $0x13A80;
	[sflag:s10] =	ssyncadd.s32 @!p1 $0xFFFFFF00  }
0x114: {  	[tilespmem:s17], [sflag:$0x1] =	stream.indirect.gather @!p1 [hbm4b:s5+s16], $0x80, s12, s16, $0xb8;
	[tilespmem:$0x1BA80] =	vst v63  }
0x115: {  	s12 =	simm.s32 @!p1 $0x1  }
0x116: {  	_ =	swait.ge @!p1 [sflag:s12], $0x4000  }
0x117: {  	[sflag:s12] =	ssyncset.done @!p1 $0x0  }
0x118: {  	[sflag:s12] =	ssyncadd.s32 @!p1 $0xFFFFC000;
	s12 =	simm.s32 @!p1 $0x13900  }
0x119: {  	[spmem:s2] =	stream.indirect.scatter.add.f32 @!p1 [tilespmem:s17], [sflag:$0x5], $0x80, s12, s16, $0xb8;
	[tilespmem:$0x1BA80] =	vst v63  }
0x11a: {  	_ =	swait.ge @!p1 [sflag:s10], $0x4000  }
0x11b: {  	[sflag:s10] =	ssyncset.done @!p1 $0x0  }
0x11c: {  	[sflag:s10] =	ssyncadd.s32 @!p1 $0xFFFFC000  }
0x11d: {  	[bflag:$0x0] =	sbarrier.arrive $0xFFFF  }
0x11e: {  	s16 =	rddreg [dreg:$0x7]  }
0x11f: {  	[hbm:s16], [sflag:s8] =	dma.local [spmem:s21], $0x2700  }
0x120: {  	_ =	swait.ge [sflag:s22], $0x2700  }
0x121: {  	[sflag:s22] =	ssyncset.done $0x0  }
0x122: {  	s10 =	rddreg [dreg:$0x8];
	[sflag:s22] =	ssyncadd.s32 $0xFFFFD900  }
0x123: {  	[hbm:s10], [sflag:s8] =	dma.local @!p0 [spmem:s15], $0x100  }
0x124: {  	s10 =	simm.s32 @!p0 $0x5  }
0x125: {  	_ =	swait.ge @!p0 [sflag:s10], $0x100  }
0x126: {  	s14 =	sadd.s32 $0x1, s14;
	s17 =	rddreg [dreg:$0x9]  }
0x127: {  	p2 =	sne.s32 s14, s17  }
.Ltmp2:
0x128: {  	_ = 	snop;
	(pc) =	sbr.rel @p2 .LBB2_1-.Ltmp2, $3  }
0x129: {  	[sflag:s10] =	ssyncset.done @!p0 $0x0  }
0x12a: {  	[sflag:s10] =	ssyncadd.s32 @!p0 $0xFFFFFF00  }
0x12b: {  	[bflag:$0x0] =	sbarrier.arrive $0xFFFF;
	_ =	sdelay $0x1  }
0x12c: {  	_ =	sfence.sel $0x180000  }
0x12d: {  	[bflag:$0x0] =	sbarrier.arrive $0xFFFF  }
0x12e: {  	_ =	strace $0x9000004D  }
0x12f: {  	s0 =	stileid.u32;
	[bflag:$0x2] =	sbarrier.arrive $0xFFFF  }
0x130: {  	p0 =	sne.s32 s0, $0x0;
	s0 =	rddreg [dreg:$0x2]  }
0x131: {  	s0 =	sadd.s32 @!p0 $0x100000, s0  }
0x132: {  	[sflag:s0] =	ssyncadd.tile.s32 @!p0 $0x1;
	_ =	shalt  }
.Lfunc_end2:
_tile_overlayer_lowered:
.L_overlay_start_2:
0x133: {  	(tag) =	ssettag $0x2  }
0x134: {  	s0 =	rddreg [dreg:$0x0];
	s2 =	stileid.u32  }
0x135: {  	s1 =	rddreg [dreg:$0x1];
	p0 =	sne.s32 s2, $0x0  }
0x136: {  	s3 =	rddreg [dreg:$0x2];
	[bflag:$0x3] =	sbarrier.arrive $0xFFFF;
	s2 =	simm.s32 @!p0 $0x1C05  }
0x137: {  	[timem:s3], [sflag:s2] =	dma.local @!p0 [hbm:s0], s1  }
0x138: {  	s0 =	simm.s32 @!p0 $0x5  }
0x139: {  	_ =	swait.ge @!p0 [sflag:s0], s1  }
0x13a: {  	s1 =	ssub.s32 @!p0 $0x0, s1;
	[sflag:s0] =	ssyncset.done @!p0 $0x0  }
0x13b: {  	[sflag:s0] =	ssyncadd.s32 @!p0 s1  }
0x13c: {  	[bflag:$0x3] =	sbarrier.arrive $0xFFFF  }
0x13d: {  	_ =	shalt  }

// kernel: kernel.20.cloned.1.call-start
scs
__scs_entry_jumppad:
0x0: {  	(pc) =	sbr.rel $0x88, $3  }
0x1: {  	(tag) =	ssettag $0x0;
	lr =	simm.s32 $0x1  }
0x2: {  	[smem:$0x3F94] =	sst lr;
	_ =	strace $0xD0000000  }
0x3: {  	_ = 	snop  }
0x4: {  	_ = 	snop  }
0x5: {  	_ = 	snop  }
0x6: {  	_ = 	snop  }
0x7: {  	_ = 	snop  }
__scs_overlays_trampoline_lowered:
0x8: {  	[smem:$0x3FA3] =	sst s0  }
0x9: {  	[smem:$0x3FA4] =	sst s1  }
0xa: {  	[smem:$0x3FA5] =	sst s2  }
0xb: {  	[smem:$0x3FA6] =	sst s3  }
0xc: {  	[smem:$0x3FA7] =	sst s4  }
0xd: {  	[smem:$0x3FA8] =	sst s5  }
0xe: {  	[smem:$0x3FA9] =	sst s6  }
0xf: {  	[smem:$0x3FAA] =	sst s7  }
0x10: {  	[smem:$0x3FAB] =	sst s8  }
0x11: {  	[smem:$0x3FAC] =	sst s9;
	s0 =	simm.s32 @!p0 $0x0  }
0x12: {  	s1 =	sld [smem:$0x3F92];
	s0 =	simm.s32 @p0 $0x1  }
0x13: {  	[smem:$0x3FAD] =	sst s0;
	s0 =	simm.s32 @!p1 $0x0  }
0x14: {  	s2 =	sld [smem:$0x3F91];
	s0 =	simm.s32 @p1 $0x1  }
0x15: {  	[smem:$0x3FAE] =	sst s0;
	s0 =	simm.s32 @!p2 $0x0  }
0x16: {  	s3 =	sld [smem:$0x3FDB];
	s0 =	simm.s32 @p2 $0x1  }
0x17: {  	s4 =	simm.s32 $0x1BF5;
	[smem:$0x3FB0] =	sst s0  }
0x18: {  	s0 =	sld [smem:$0x3F93];
	_ =	swait.ge [sflag:s4], $0x0  }
0x19: {  	s7 =	sld [smem:$0x3F94]  }
0x1a: {  	s8 =	sadd.s32 $0xFFFFE003, lr  }
0x1b: {  	s9 =	sadd.s32 $0xFFFFFEF7, lr;
	s5 =	simm.s32 $0xFFFFFFFF;
	p2 =	slt.u32 s8, $0xFFFFF086  }
0x1c: {  	p1 =	slt.u32 s9, $0xF7A;
	s5 =	simm.s32 @!p2 $0x0  }
0x1d: {  	s5 =	simm.s32 @p1 $0x1;
	p0 =	seq.s32 s7, s2  }
0x1e: {  	s7 =	smul.u32 @!p0 $0xF7A, s2;
	p2 =	seq.s32 @!p0 s5, $0x0  }
0x1f: {  	s9 =	smul.u32 $0xF7A, s1;
	s8 =	simm.s32 @!p0 $0x1BF5;
	p2 =	por !p2, p0  }
0x20: {  	[sflag:s8] =	ssyncset.s32 @!p0 $0xFFFFF086;
	s6 =	sadd.s32 @!p0 s3, s7;
	s7 =	simm.s32 @!p0 $0x108  }
0x21: {  	s3 =	sadd.s32 s3, s9;
	s6 =	sadd.s32 @!p0 $0x88, s6;
	s7 =	simm.s32 @p2 $0x1082  }
0x22: {  	[simem:s7], [sflag:s8] =	dma.local @!p0 [hbm:s6], $0xF7A  }
0x23: {  	s9 =	sor.u32 $0xD0000000, s2;
	s6 =	simm.s32 $0x108;
	_ =	swait.ge @!p0 [sflag:s8], $0x0  }
0x24: {  	s3 =	sadd.s32 $0x88, s3;
	s6 =	simm.s32 @!p1 $0x1082;
	[sflag:s4] =	ssyncset.s32 $0xFFFFF086  }
0x25: {  	[simem:s6], [sflag:s4] =	dma.local [hbm:s3], $0xF7A  }
0x26: {  	[smem:$0x3F94] =	sst s1;
	(tag) =	ssettag s2;
	_ =	strace s9  }
0x27: {  	s1 =	sld [smem:$0x3FA4]  }
0x28: {  	s2 =	sld [smem:$0x3FA5]  }
0x29: {  	s4 =	sld [smem:$0x3FA7]  }
0x2a: {  	p0 =	seq.s32 s5, $0x0;
	s5 =	sld [smem:$0x3FA8]  }
0x2b: {  	s6 =	sld [smem:$0x3FA9]  }
0x2c: {  	s7 =	sld [smem:$0x3FAA]  }
0x2d: {  	s3 =	simm.s32 $0x108;
	s8 =	sld [smem:$0x3FAB]  }
0x2e: {  	s3 =	simm.s32 @!p0 $0x1082;
	s9 =	sld [smem:$0x3FAC]  }
0x2f: {  	lr =	sadd.s32 s0, s3;
	s0 =	sld [smem:$0x3FA3]  }
0x30: {  	s3 =	sld [smem:$0x3FA6]  }
0x31: {  	[smem:$0x3FAF] =	sst s10  }
0x32: {  	s10 =	sld [smem:$0x3FAD];
	_ =	sdelay $0x3  }
0x33: {  	p0 =	seq.s32 s10, $0x1;
	s10 =	sld [smem:$0x3FAF];
	_ =	sdelay $0x3  }
0x34: {  	[smem:$0x3FAF] =	sst s10  }
0x35: {  	s10 =	sld [smem:$0x3FAE];
	_ =	sdelay $0x3  }
0x36: {  	p1 =	seq.s32 s10, $0x1;
	s10 =	sld [smem:$0x3FAF];
	_ =	sdelay $0x3  }
0x37: {  	[smem:$0x3FAF] =	sst s10  }
0x38: {  	s10 =	sld [smem:$0x3FB0]  }
0x39: {  	_ = 	snop;
	(pc) =	sbr.ind lr, $3  }
0x3a: {  	_ = 	snop  }
0x3b: {  	_ = 	snop  }
0x3c: {  	p2 =	seq.s32 s10, $0x1;
	s10 =	sld [smem:$0x3FAF]  }
0x3d: {  	_ =	shalt  }
0x3e: {  	_ =	shalt  }
0x3f: {  	_ =	shalt  }
0x40: {  	_ =	shalt  }
0x41: {  	_ =	shalt  }
0x42: {  	_ =	shalt  }
0x43: {  	_ =	shalt  }
0x44: {  	_ =	shalt  }
0x45: {  	_ =	shalt  }
0x46: {  	_ =	shalt  }
0x47: {  	_ =	shalt  }
0x48: {  	_ =	shalt  }
0x49: {  	_ =	shalt  }
0x4a: {  	_ =	shalt  }
0x4b: {  	_ =	shalt  }
0x4c: {  	_ =	shalt  }
0x4d: {  	_ =	shalt  }
0x4e: {  	_ =	shalt  }
0x4f: {  	_ =	shalt  }
0x50: {  	_ =	shalt  }
0x51: {  	_ =	shalt  }
0x52: {  	_ =	shalt  }
0x53: {  	_ =	shalt  }
0x54: {  	_ =	shalt  }
0x55: {  	_ =	shalt  }
0x56: {  	_ =	shalt  }
0x57: {  	_ =	shalt  }
0x58: {  	_ =	shalt  }
0x59: {  	_ =	shalt  }
0x5a: {  	_ =	shalt  }
0x5b: {  	_ =	shalt  }
0x5c: {  	_ =	shalt  }
0x5d: {  	_ =	shalt  }
0x5e: {  	_ =	shalt  }
0x5f: {  	_ =	shalt  }
0x60: {  	_ =	shalt  }
0x61: {  	_ =	shalt  }
0x62: {  	_ =	shalt  }
0x63: {  	_ =	shalt  }
0x64: {  	_ =	shalt  }
0x65: {  	_ =	shalt  }
0x66: {  	_ =	shalt  }
0x67: {  	_ =	shalt  }
0x68: {  	_ =	shalt  }
0x69: {  	_ =	shalt  }
0x6a: {  	_ =	shalt  }
0x6b: {  	_ =	shalt  }
0x6c: {  	_ =	shalt  }
0x6d: {  	_ =	shalt  }
0x6e: {  	_ =	shalt  }
0x6f: {  	_ =	shalt  }
0x70: {  	_ =	shalt  }
0x71: {  	_ =	shalt  }
0x72: {  	_ =	shalt  }
0x73: {  	_ =	shalt  }
0x74: {  	_ =	shalt  }
0x75: {  	_ =	shalt  }
0x76: {  	_ =	shalt  }
0x77: {  	_ =	shalt  }
0x78: {  	_ =	shalt  }
0x79: {  	_ =	shalt  }
0x7a: {  	_ =	shalt  }
0x7b: {  	_ =	shalt  }
0x7c: {  	_ =	shalt  }
0x7d: {  	_ =	shalt  }
0x7e: {  	_ =	shalt  }
0x7f: {  	_ =	shalt  }
0x80: {  	_ =	shalt  }
0x81: {  	_ =	shalt  }
0x82: {  	_ =	shalt  }
0x83: {  	_ =	shalt  }
0x84: {  	_ =	shalt  }
0x85: {  	_ =	shalt  }
0x86: {  	_ =	shalt  }
0x87: {  	_ =	shalt  }
.Lfunc_end0:
.L_simem_size_0:
called_computation.3_lowered:
.L_overlay_start_0:
0x88: {  	s2 =	sld [smem:$0x3FD9]  }
0x89: {  	s3 =	sld [smem:$0x3FFE];
	_ =	sdelay $0x1  }
0x8a: {  	s1 =	srdreg.scid  }
0x8b: {  	s0 =	sand.u32 $0x1, s1  }
0x8c: {  	s16 =	sshll.u32 s0, $0xA;
	s2 =	sadd.s32 s3, s2  }
0x8d: {  	s2 =	sadd.s32 s2, s16  }
0x8e: {  	[smem:$0x3FBB] =	sst s2  }
0x8f: {  	_ = 	snop  }
0x90: {  	(tm) =	ssettm $0x1  }
0x91: {  	s17 =	sld [smem:$0x3FFB];
	_ =	sdelay $0x3  }
0x92: {  	_ =	strace s17  }
0x93: {  	s2 =	sld [smem:$0x3FFC];
	_ =	sdelay $0x3  }
0x94: {  	_ =	strace s2  }
0x95: {  	s2 =	sld [smem:$0x3FFD];
	_ =	sdelay $0x3  }
0x96: {  	_ =	strace s2  }
0x97: {  	_ =	strace $0x8FFFFFFF  }
0x98: {  	s18 =	sld [smem:$0x3FDB];
	_ =	sdelay $0x1  }
0x99: {  	s19 =	simm.s32 $_scs_section_size  }
0x9a: {  	s4 =	simm.s32 $_size__tile_overlayer_lowered;
	s5 =	simm.s32 $_tile_overlayer_lowered  }
0x9b: {  	s22 =	simm.s32 $0x1BFF;
	s21 =	sshll.u32 s5, $0x1;
	s2 =	sadd.s32 s19, s18  }
0x9c: {  	s6 =	simm.s32 $0x0;
	s20 =	sshll.u32 s4, $0x1;
	s4 =	sadd.s32 s21, s2  }
0x9d: {  	[timem:s6], [sflag:s22] =	dma.local [hbm:s4], s20  }
0x9e: {  	_ =	swait.ge [sflag:s22], s20  }
0x9f: {  	s3 =	ssub.s32 $0x0, s20;
	[sflag:s22] =	ssyncset.done $0x0  }
0xa0: {  	[sflag:s22] =	ssyncadd.s32 s3;
	_ =	sdelay $0x1  }
0xa1: {  	s23 =	simm.s32 $0x1B8B  }
0xa2: {  	_ =	swait.ge [sflag:s23], $0x1  }
0xa3: {  	[sflag:s23] =	ssyncset.done $0x0  }
0xa4: {  	s25 =	simm.s32 $0x1B8E;
	s24 =	sld [smem:$0x3FFE];
	[sflag:s23] =	ssyncadd.s32 $0xFFFFFFFF  }
0xa5: {  	s26 =	simm.s32 $execute0_lowered;
	[smem:$0x3FD2] =	sst s25  }
0xa6: {  	s4 =	sshll.u32 s26, $0x1;
	_ =	strace $0x8000004F;
	[dreg:$0x1] =	wrdreg $0xFFFFFFFF  }
0xa7: {  	s28 =	simm.s32 $_size_execute0_lowered;
	s2 =	sadd.s32 s2, s4;
	[dreg:$0x0] =	wrdreg $0x0  }
0xa8: {  	s4 =	sshll.u32 s28, $0x1;
	[dreg:$0x2] =	wrdreg s2  }
0xa9: {  	[dreg:$0x3] =	wrdreg s4  }
0xaa: {  	[dreg:$0x4] =	wrdreg $0xC0  }
0xab: {  	_ =	task [dreg:s6], $0x5FFFF  }
0xac: {  	[dreg:$0x1] =	wrdreg $0xFFFFFFFF  }
0xad: {  	[dreg:$0x0] =	wrdreg $0x60  }
0xae: {  	[dreg:$0x2] =	wrdreg s24  }
0xaf: {  	[dreg:$0x3] =	wrdreg $0x0  }
0xb0: {  	[dreg:$0x4] =	wrdreg $0x9  }
0xb1: {  	_ =	task.clear_ibuf [dreg:s6], $0x5FFFF;
	_ =	strace $0x9000004F  }
0xb2: {  	s29 =	simm.s32 $0x9;
	_ =	strace $0x80000051  }
0xb3: {  	_ =	swait.ge [sflag:s29], $0x1  }
0xb4: {  	[sflag:s29] =	ssyncadd.s32 $0xFFFFFFFF  }
0xb5: {  	_ =	strace $0x90000051  }
0xb6: {  	_ =	sfence  }
0xb7: {  	s30 =	sld [smem:$0x0];
	_ =	sdelay $0x2  }
0xb8: {  	s31 =	sshll.u32 s1, $0xD;
	s1 =	sshrl.u32 s1, $0x2  }
0xb9: {  	s3 =	sand.u32 $0x4000, s31;
	s1 =	sadd.s32 s1, s30  }
0xba: {  	s0 =	sor.u32 s3, s0;
	s1 =	sshll.u32 s1, $0x11  }
0xbb: {  	s0 =	sor.u32 s1, s0  }
0xbc: {  	s0 =	sadd.s32 $0x8F2B, s0  }
0xbd: {  	[sflag:s0] =	ssyncadd.remote.s32 $0x1  }
0xbe: {  	_ =	sfence.sel $0xFFFF  }
0xbf: {  	[dreg:$0x0] =	wrdreg $0xFFFFFFFF;
	(pc) =	sbr.abs _section_cstart, $3  }
0xc0: {  	[dreg:$0x1] =	wrdreg $0xFFFFFFFF  }
0xc1: {  	_ =	task.clear_ibuf [dreg:s6], $0x2FFFF;
	_ =	strace $0x9FFFFFFF  }
0xc2: {  	(tm) =	ssettm $0x7FFFFFFF  }
0xc3: {  	_ =	shalt  }
tec
execute0_lowered:
.L_overlay_start_1:
0x0: {  	(tag) =	ssettag $0x1  }
0x1: {  	s0 =	srdreg.scid;
	s1 =	rddreg [dreg:$0x0]  }
0x2: {  	s15 =	stileid.u32;
	s2 =	rddreg [dreg:$0x1];
	s3 =	simm.s32 $0x0  }
0x3: {  	s28 =	simm.s32 $0x5;
	s29 =	simm.s32 $0x13880;
	s30 =	simm.s32 $0x80  }
0x4: {  	s31 =	simm.s32 $0x13A80;
	s0 =	sand.u32 $0x1, s0;
	s5 =	smul.u32 $0x4E, s15  }
0x5: {  	s20 =	smin.u32 s15, $0x2;
	[smem:$0x7FF] =	sst s3;
	s8 =	smul.u32 $0x13800, s15  }
0x6: {  	s7 =	sadd.s32 $0x12AE00, s1;
	s12 =	smul.u32 $0x4E000, s15;
	s14 =	sadd.s32 $0x152000, s1  }
0x7: {  	s22 =	sshll.u32 s15, $0x6;
	s24 =	sadd.s32 $0x138000, s2;
	p0 =	sne.s32 s15, $0xF  }
0x8: {  	p1 =	sgt.u32 s15, $0x1;
	s4 =	smul.u32 $0x4E2, s0;
	_ =	strace $0x80000050  }
0x9: {  	s10 =	ssub.s32 $0x2, s0;
	s0 =	smul.u32 $0x4E2000, s0;
	[dreg:$0x4] =	wrdreg s24  }
0xa: {  	s24 =	sadd.s32 $0x40000, s1;
	s9 =	sshrl.u32 s8, $0x3;
	s13 =	sshrl.u32 s10, $0x1  }
0xb: {  	s21 =	sshrl.u32 s12, $0x2;
	s4 =	sadd.s32 s5, s4;
	s5 =	sadd.s32 $0xDCA00, s1  }
0xc: {  	s9 =	sadd.s32 s9, s1;
	s16 =	ssub.s32 s10, s13;
	s23 =	sadd.s32 s21, s2  }
0xd: {  	s10 =	sor.u32 $0x1C05, s22;
	s8 =	sadd.s32 s8, s0;
	s0 =	sshrl.u32 s0, $0x3  }
0xe: {  	s4 =	sadd.s32 s20, s4;
	s9 =	sadd.s32 $0x19000, s9;
	s25 =	sshrl.u32 s8, $0x3  }
0xf: {  	s0 =	sadd.s32 s14, s0;
	s20 =	smax.u32 s16, $0x1;
	[dreg:$0x3] =	wrdreg s23  }
0x10: {  	s16 =	simm.s32 $0x13900;
	s12 =	sadd.s32 $0x27000, s0;
	[dreg:$0xd] =	wrdreg s20  }
0x11: {  	s6 =	sshll.u32 s4, $0x5;
	s17 =	sadd.s32 $0x4E100, s0;
	[dreg:$0x7] =	wrdreg s12  }
0x12: {  	s4 =	sadd.s32 $0x40200, s1;
	s19 =	sadd.s32 $0x75200, s0;
	[dreg:$0x9] =	wrdreg s17  }
0x13: {  	s0 =	sadd.s32 $0x9C300, s0;
	s11 =	sadd.s32 s6, s1;
	[dreg:$0xb] =	wrdreg s19  }
0x14: {  	s6 =	sadd.s32 $0x103C00, s1;
	s1 =	sadd.s32 s14, s25;
	[dreg:$0xc] =	wrdreg s0  }
0x15: {  	s20 =	simm.s32 $0x4;
	s26 =	sadd.s32 $0x5FC0, s11;
	[dreg:$0x5] =	wrdreg s1  }
0x16: {  	s0 =	simm.s32 $0x17A80;
	s14 =	sadd.s32 $0x27100, s1;
	[dreg:$0x6] =	wrdreg s26  }
0x17: {  	s17 =	simm.s32 $0x3;
	s18 =	sadd.s32 $0x4E200, s1;
	[dreg:$0x8] =	wrdreg s14  }
0x18: {  	s19 =	simm.s32 $0x13A00;
	s21 =	sadd.s32 $0x5620, s11;
	[dreg:$0xa] =	wrdreg s18  }
0x19: {  	s13 =	sadd.s32 $0x5600, s11;
	s22 =	sadd.s32 $0x5640, s11;
	[dreg:$0xe] =	wrdreg s21  }
0x1a: {  	s25 =	sadd.s32 $0x5FA0, s11;
	s11 =	simm.s32 $0x1;
	[dreg:$0xf] =	wrdreg s22  }
0x1b: {  	[dreg:$0x10] =	wrdreg s25;
	s26 =	sadd.s32 $0x75300, s1;
	s1 =	simm.s32 $0x13980  }
0x1c: {  	s18 =	simm.s32 $0x2;
	s21 =	simm.s32 $0x0;
	[dreg:$0x11] =	wrdreg s26  }
.LBB2_1:
0x1d: {  	s22 =	sshrl.u32 s23, $0x3  }
0x1e: {  	[spmem:s22], [sflag:s10] =	dma.local [hbm:s9], $0x2700  }
0x1f: {  	_ =	swait.ge [sflag:s28], $0x2700  }
0x20: {  	[sflag:s28] =	ssyncset.done $0x0;
	s8 =	rddreg [dreg:$0x4]  }
0x21: {  	[sflag:s28] =	ssyncadd.s32 $0xFFFFD900;
	s26 =	sshrl.u32 @!p0 s8, $0x3;
	s8 =	simm.s32 @!p0 $0x5  }
0x22: {  	[spmem:s26], [sflag:s10] =	dma.local @!p0 [hbm:s24], $0x100  }
0x23: {  	_ =	swait.ge @!p0 [sflag:s8], $0x100  }
0x24: {  	[sflag:s8] =	ssyncset.done @!p0 $0x0  }
0x25: {  	[sflag:s8] =	ssyncadd.s32 @!p0 $0xFFFFFF00  }
0x26: {  	[bflag:$0x0] =	sbarrier.arrive $0xFFFF  }
0x27: {  	[tilespmem:s29], [sflag:$0x5] =	stream.linear.gather [hbm4b:s13+s3], $0x100, $0x38;
	[tilespmem:$0x1BA80] =	vst v63  }
0x28: {  	_ =	swait.ge [sflag:s28], $0x100  }
0x29: {  	[sflag:s28] =	ssyncset.done $0x0  }
0x2a: {  	[sflag:s28] =	ssyncadd.s32 $0xFFFFFF00  }
0x2b: {  	[tilespmem:s31], [sflag:$0x1] =	stream.indirect.gather [hbm4b:s4+s30], $0x80, s29, s30, $0xb8;
	[tilespmem:$0x1BA80] =	vst v63  }
0x2c: {  	s14 =	rddreg [dreg:$0xe]  }
0x2d: {  	[tilespmem:s1], [sflag:$0x5] =	stream.linear.gather [hbm4b:s14+s3], $0x100, $0x38;
	[tilespmem:$0x1BA80] =	vst v63  }
0x2e: {  	_ =	swait.ge [sflag:s28], $0x100  }
0x2f: {  	[sflag:s28] =	ssyncset.done $0x0  }
0x30: {  	[sflag:s28] =	ssyncadd.s32 $0xFFFFFF00  }
0x31: {  	[tilespmem:s0], [sflag:$0x2] =	stream.indirect.gather [hbm4b:s4+s30], $0x80, s1, s30, $0xb8;
	[tilespmem:$0x1BA80] =	vst v63  }
0x32: {  	_ =	swait.ge [sflag:s11], $0x4000  }
0x33: {  	[sflag:s11] =	ssyncset.done $0x0  }
0x34: {  	[sflag:s11] =	ssyncadd.s32 $0xFFFFC000  }
0x35: {  	[spmem:s2] =	stream.indirect.scatter.add.f32 [tilespmem:s31], [sflag:$0x3], $0x80, s16, s30, $0xb8;
	[tilespmem:$0x1BA80] =	vst v63  }
0x36: {  	_ =	swait.ge [sflag:s17], $0x4000  }
0x37: {  	[sflag:s17] =	ssyncset.done $0x0  }
0x38: {  	s15 =	rddreg [dreg:$0xf];
	[sflag:s17] =	ssyncadd.s32 $0xFFFFC000  }
0x39: {  	[tilespmem:s29], [sflag:$0x5] =	stream.linear.gather [hbm4b:s15+s3], $0x100, $0x38;
	[tilespmem:$0x1BA80] =	vst v63  }
0x3a: {  	_ =	swait.ge [sflag:s28], $0x100  }
0x3b: {  	[sflag:s28] =	ssyncset.done $0x0  }
0x3c: {  	[sflag:s28] =	ssyncadd.s32 $0xFFFFFF00  }
0x3d: {  	[tilespmem:s31], [sflag:$0x1] =	stream.indirect.gather [hbm4b:s4+s30], $0x80, s29, s30, $0xb8;
	[tilespmem:$0x1BA80] =	vst v63  }
0x3e: {  	_ =	swait.ge [sflag:s18], $0x4000  }
0x3f: {  	[sflag:s18] =	ssyncset.done $0x0  }
0x40: {  	[sflag:s18] =	ssyncadd.s32 $0xFFFFC000  }
0x41: {  	[spmem:s2] =	stream.indirect.scatter.add.f32 [tilespmem:s0], [sflag:$0x4], $0x80, s19, s30, $0xb8;
	[tilespmem:$0x1BA80] =	vst v63  }
0x42: {  	_ =	swait.ge [sflag:s20], $0x4000  }
0x43: {  	s25 =	sadd.s32 $0xFFFFF6C0, s13;
	[sflag:s20] =	ssyncset.done $0x0  }
0x44: {  	s12 =	sadd.s32 $0x9A0, s25;
	[sflag:s20] =	ssyncadd.s32 $0xFFFFC000  }
0x45: {  	[tilespmem:s1], [sflag:$0x5] =	stream.linear.gather [hbm4b:s12+s3], $0x100, $0x38;
	[tilespmem:$0x1BA80] =	vst v63  }
0x46: {  	_ =	swait.ge [sflag:s28], $0x100  }
0x47: {  	[sflag:s28] =	ssyncset.done $0x0  }
0x48: {  	[sflag:s28] =	ssyncadd.s32 $0xFFFFFF00  }
0x49: {  	[tilespmem:s0], [sflag:$0x2] =	stream.indirect.gather [hbm4b:s4+s30], $0x80, s1, s30, $0xb8;
	[tilespmem:$0x1BA80] =	vst v63  }
0x4a: {  	_ =	swait.ge [sflag:s11], $0x4000  }
0x4b: {  	[sflag:s11] =	ssyncset.done $0x0  }
0x4c: {  	[sflag:s11] =	ssyncadd.s32 $0xFFFFC000  }
0x4d: {  	[spmem:s2] =	stream.indirect.scatter.add.f32 [tilespmem:s31], [sflag:$0x3], $0x80, s16, s30, $0xb8;
	[tilespmem:$0x1BA80] =	vst v63  }
0x4e: {  	_ =	swait.ge [sflag:s17], $0x4000  }
0x4f: {  	[sflag:s17] =	ssyncset.done $0x0  }
0x50: {  	s8 =	sadd.s32 $0x9C0, s25;
	[sflag:s17] =	ssyncadd.s32 $0xFFFFC000  }
0x51: {  	[tilespmem:s29], [sflag:$0x5] =	stream.linear.gather [hbm4b:s8+s3], $0x100, $0x38;
	[tilespmem:$0x1BA80] =	vst v63  }
0x52: {  	_ =	swait.ge [sflag:s28], $0x100  }
0x53: {  	[sflag:s28] =	ssyncset.done $0x0  }
0x54: {  	[sflag:s28] =	ssyncadd.s32 $0xFFFFFF00  }
0x55: {  	[tilespmem:s31], [sflag:$0x1] =	stream.indirect.gather [hbm4b:s4+s30], $0x80, s29, s30, $0xb8;
	[tilespmem:$0x1BA80] =	vst v63  }
0x56: {  	_ =	swait.ge [sflag:s18], $0x4000  }
0x57: {  	[sflag:s18] =	ssyncset.done $0x0  }
0x58: {  	s8 =	simm.s32 $0xFFFFF700;
	[sflag:s18] =	ssyncadd.s32 $0xFFFFC000  }
.LBB2_2:
0x59: {  	[spmem:s2] =	stream.indirect.scatter.add.f32 [tilespmem:s0], [sflag:$0x4], $0x80, s19, s30, $0xb8;
	[tilespmem:$0x1BA80] =	vst v63  }
0x5a: {  	s12 =	smov.u32 s8  }
0x5b: {  	p2 =	sne.s32 s8, $0xFFFFFFC0;
	s8 =	sadd.s32 $0x40, s8;
	_ =	swait.ge [sflag:s20], $0x4000  }
0x5c: {  	s12 =	sadd.s32 s12, s13;
	[sflag:s20] =	ssyncset.done $0x0  }
0x5d: {  	s14 =	sadd.s32 $0x9A0, s12;
	[sflag:s20] =	ssyncadd.s32 $0xFFFFC000  }
0x5e: {  	[tilespmem:s1], [sflag:$0x5] =	stream.linear.gather [hbm4b:s14+s3], $0x100, $0x38;
	[tilespmem:$0x1BA80] =	vst v63  }
0x5f: {  	_ =	swait.ge [sflag:s28], $0x100  }
0x60: {  	[sflag:s28] =	ssyncset.done $0x0  }
0x61: {  	[sflag:s28] =	ssyncadd.s32 $0xFFFFFF00  }
0x62: {  	[tilespmem:s0], [sflag:$0x2] =	stream.indirect.gather [hbm4b:s4+s30], $0x80, s1, s30, $0xb8;
	[tilespmem:$0x1BA80] =	vst v63  }
0x63: {  	_ =	swait.ge [sflag:s11], $0x4000  }
0x64: {  	[sflag:s11] =	ssyncset.done $0x0  }
0x65: {  	[sflag:s11] =	ssyncadd.s32 $0xFFFFC000  }
0x66: {  	[spmem:s2] =	stream.indirect.scatter.add.f32 [tilespmem:s31], [sflag:$0x3], $0x80, s16, s30, $0xb8;
	[tilespmem:$0x1BA80] =	vst v63  }
0x67: {  	_ =	swait.ge [sflag:s17], $0x4000  }
0x68: {  	[sflag:s17] =	ssyncset.done $0x0  }
0x69: {  	s12 =	sadd.s32 $0x9C0, s12;
	[sflag:s17] =	ssyncadd.s32 $0xFFFFC000  }
0x6a: {  	[tilespmem:s29], [sflag:$0x5] =	stream.linear.gather [hbm4b:s12+s3], $0x100, $0x38;
	[tilespmem:$0x1BA80] =	vst v63  }
0x6b: {  	_ =	swait.ge [sflag:s28], $0x100  }
0x6c: {  	[sflag:s28] =	ssyncset.done $0x0  }
.Ltmp0:
0x6d: {  	[sflag:s28] =	ssyncadd.s32 $0xFFFFFF00;
	(pc) =	sbr.rel @p2 .LBB2_2-.Ltmp0, $4  }
0x6e: {  	[tilespmem:s31], [sflag:$0x1] =	stream.indirect.gather [hbm4b:s4+s30], $0x80, s29, s30, $0xb8;
	[tilespmem:$0x1BA80] =	vst v63  }
0x6f: {  	_ =	swait.ge [sflag:s18], $0x4000  }
0x70: {  	[sflag:s18] =	ssyncset.done $0x0  }
0x71: {  	[sflag:s18] =	ssyncadd.s32 $0xFFFFC000  }
0x72: {  	[spmem:s2] =	stream.indirect.scatter.add.f32 [tilespmem:s0], [sflag:$0x4], $0x80, s19, s30, $0xb8;
	[tilespmem:$0x1BA80] =	vst v63  }
0x73: {  	_ =	swait.ge [sflag:s20], $0x4000  }
0x74: {  	[sflag:s20] =	ssyncset.done $0x0  }
0x75: {  	s8 =	rddreg [dreg:$0x10];
	[sflag:s20] =	ssyncadd.s32 $0xFFFFC000  }
0x76: {  	[tilespmem:s1], [sflag:$0x5] =	stream.linear.gather [hbm4b:s8+s3], $0x100, $0x38;
	[tilespmem:$0x1BA80] =	vst v63  }
0x77: {  	_ =	swait.ge [sflag:s28], $0x100  }
0x78: {  	[sflag:s28] =	ssyncset.done $0x0  }
0x79: {  	[sflag:s28] =	ssyncadd.s32 $0xFFFFFF00  }
0x7a: {  	[tilespmem:s0], [sflag:$0x2] =	stream.indirect.gather [hbm4b:s4+s30], $0x80, s1, s30, $0xb8;
	[tilespmem:$0x1BA80] =	vst v63  }
0x7b: {  	_ =	swait.ge [sflag:s11], $0x4000  }
0x7c: {  	[sflag:s11] =	ssyncset.done $0x0  }
0x7d: {  	[sflag:s11] =	ssyncadd.s32 $0xFFFFC000  }
0x7e: {  	[spmem:s2] =	stream.indirect.scatter.add.f32 [tilespmem:s31], [sflag:$0x3], $0x80, s16, s30, $0xb8;
	[tilespmem:$0x1BA80] =	vst v63  }
0x7f: {  	_ =	swait.ge [sflag:s18], $0x4000  }
0x80: {  	[sflag:s18] =	ssyncset.done $0x0  }
0x81: {  	[sflag:s18] =	ssyncadd.s32 $0xFFFFC000  }
0x82: {  	[spmem:s2] =	stream.indirect.scatter.add.f32 [tilespmem:s0], [sflag:$0x4], $0x80, s19, s30, $0xb8;
	[tilespmem:$0x1BA80] =	vst v63  }
0x83: {  	_ =	swait.ge [sflag:s17], $0x4000  }
0x84: {  	[sflag:s17] =	ssyncset.done $0x0  }
0x85: {  	[sflag:s17] =	ssyncadd.s32 $0xFFFFC000  }
0x86: {  	_ =	swait.ge [sflag:s20], $0x4000  }
0x87: {  	s12 =	simm.s32 @!p1 $0x13880;
	[sflag:s20] =	ssyncset.done $0x0  }
0x88: {  	s8 =	simm.s32 @!p1 $0x0;
	s14 =	rddreg [dreg:$0x6];
	[sflag:s20] =	ssyncadd.s32 $0xFFFFC000  }
0x89: {  	[tilespmem:s12], [sflag:$0x5] =	stream.linear.gather @!p1 [hbm4b:s14+s8], $0x100, $0x38;
	[tilespmem:$0x1BA80] =	vst v63  }
0x8a: {  	s8 =	simm.s32 @!p1 $0x5  }
0x8b: {  	_ =	swait.ge @!p1 [sflag:s8], $0x100  }
0x8c: {  	[sflag:s8] =	ssyncset.done @!p1 $0x0  }
0x8d: {  	s15 =	simm.s32 @!p1 $0x13A80;
	s14 =	simm.s32 @!p1 $0x80;
	[sflag:s8] =	ssyncadd.s32 @!p1 $0xFFFFFF00  }
0x8e: {  	[tilespmem:s15], [sflag:$0x1] =	stream.indirect.gather @!p1 [hbm4b:s4+s14], $0x80, s12, s14, $0xb8;
	[tilespmem:$0x1BA80] =	vst v63  }
0x8f: {  	s12 =	simm.s32 @!p1 $0x1  }
0x90: {  	_ =	swait.ge @!p1 [sflag:s12], $0x4000  }
0x91: {  	[sflag:s12] =	ssyncset.done @!p1 $0x0  }
0x92: {  	[sflag:s12] =	ssyncadd.s32 @!p1 $0xFFFFC000;
	s12 =	simm.s32 @!p1 $0x13900  }
0x93: {  	[spmem:s2] =	stream.indirect.scatter.add.f32 @!p1 [tilespmem:s15], [sflag:$0x5], $0x80, s12, s14, $0xb8;
	[tilespmem:$0x1BA80] =	vst v63  }
0x94: {  	_ =	swait.ge @!p1 [sflag:s8], $0x4000  }
0x95: {  	[sflag:s8] =	ssyncset.done @!p1 $0x0  }
0x96: {  	[sflag:s8] =	ssyncadd.s32 @!p1 $0xFFFFC000  }
0x97: {  	[bflag:$0x0] =	sbarrier.arrive $0xFFFF  }
0x98: {  	s15 =	rddreg [dreg:$0x5]  }
0x99: {  	[hbm:s15], [sflag:s10] =	dma.local [spmem:s22], $0x2700  }
0x9a: {  	_ =	swait.ge [sflag:s28], $0x2700  }
0x9b: {  	[sflag:s28] =	ssyncset.done $0x0  }
0x9c: {  	[sflag:s28] =	ssyncadd.s32 $0xFFFFD900  }
0x9d: {  	s14 =	sshrl.u32 @p0 s23, $0x3;
	s8 =	simm.s32 @p0 $0x5;
	[bflag:$0x0] =	sbarrier.arrive @p0 $0xFFFF  }
0x9e: {  	[spmem:s14], [sflag:s10] =	dma.local @p0 [hbm:s9], $0x2700  }
0x9f: {  	_ =	swait.ge @p0 [sflag:s8], $0x2700  }
0xa0: {  	[sflag:s8] =	ssyncset.done @p0 $0x0  }
0xa1: {  	s12 =	simm.s32 @!p0 $0x5;
	[sflag:s8] =	ssyncadd.s32 @p0 $0xFFFFD900;
	s8 =	rddreg [dreg:$0x7]  }
0xa2: {  	[hbm:s8], [sflag:s10] =	dma.local @!p0 [spmem:s26], $0x100  }
0xa3: {  	_ =	swait.ge @!p0 [sflag:s12], $0x100  }
0xa4: {  	[sflag:s12] =	ssyncset.done @!p0 $0x0  }
0xa5: {  	[sflag:s12] =	ssyncadd.s32 @!p0 $0xFFFFFF00  }
0xa6: {  	s8 =	sshrl.u32 @!p0 s23, $0x3;
	[bflag:$0x0] =	sbarrier.arrive @!p0 $0xFFFF  }
0xa7: {  	[spmem:s8], [sflag:s10] =	dma.local @!p0 [hbm:s9], $0x2700  }
0xa8: {  	_ =	swait.ge @!p0 [sflag:s12], $0x2700  }
0xa9: {  	[sflag:s12] =	ssyncset.done @!p0 $0x0  }
0xaa: {  	[sflag:s12] =	ssyncadd.s32 @!p0 $0xFFFFD900  }
0xab: {  	[spmem:s26], [sflag:s10] =	dma.local @!p0 [hbm:s24], $0x100  }
0xac: {  	_ =	swait.ge @!p0 [sflag:s12], $0x100  }
0xad: {  	[sflag:s12] =	ssyncset.done @!p0 $0x0  }
0xae: {  	[sflag:s12] =	ssyncadd.s32 @!p0 $0xFFFFFF00  }
0xaf: {  	[bflag:$0x0] =	sbarrier.arrive $0xFFFF  }
0xb0: {  	[tilespmem:s29], [sflag:$0x5] =	stream.linear.gather [hbm4b:s13+s3], $0x100, $0x38;
	[tilespmem:$0x1BA80] =	vst v63  }
0xb1: {  	_ =	swait.ge [sflag:s28], $0x100  }
0xb2: {  	[sflag:s28] =	ssyncset.done $0x0  }
0xb3: {  	[sflag:s28] =	ssyncadd.s32 $0xFFFFFF00  }
0xb4: {  	[tilespmem:s31], [sflag:$0x1] =	stream.indirect.gather [hbm4b:s5+s30], $0x80, s29, s30, $0xb8;
	[tilespmem:$0x1BA80] =	vst v63  }
0xb5: {  	s25 =	smov.u32 s24;
	s24 =	rddreg [dreg:$0xe]  }
0xb6: {  	[tilespmem:s1], [sflag:$0x5] =	stream.linear.gather [hbm4b:s24+s3], $0x100, $0x38;
	[tilespmem:$0x1BA80] =	vst v63  }
0xb7: {  	_ =	swait.ge [sflag:s28], $0x100  }
0xb8: {  	[sflag:s28] =	ssyncset.done $0x0  }
0xb9: {  	[sflag:s28] =	ssyncadd.s32 $0xFFFFFF00  }
0xba: {  	[tilespmem:s0], [sflag:$0x2] =	stream.indirect.gather [hbm4b:s5+s30], $0x80, s1, s30, $0xb8;
	[tilespmem:$0x1BA80] =	vst v63  }
0xbb: {  	_ =	swait.ge [sflag:s11], $0x4000  }
0xbc: {  	[sflag:s11] =	ssyncset.done $0x0  }
0xbd: {  	[sflag:s11] =	ssyncadd.s32 $0xFFFFC000  }
0xbe: {  	[spmem:s2] =	stream.indirect.scatter.add.f32 [tilespmem:s31], [sflag:$0x3], $0x80, s16, s30, $0xb8;
	[tilespmem:$0x1BA80] =	vst v63  }
0xbf: {  	_ =	swait.ge [sflag:s17], $0x4000  }
0xc0: {  	[sflag:s17] =	ssyncset.done $0x0  }
0xc1: {  	s15 =	rddreg [dreg:$0xf];
	[sflag:s17] =	ssyncadd.s32 $0xFFFFC000  }
0xc2: {  	[tilespmem:s29], [sflag:$0x5] =	stream.linear.gather [hbm4b:s15+s3], $0x100, $0x38;
	[tilespmem:$0x1BA80] =	vst v63  }
0xc3: {  	_ =	swait.ge [sflag:s28], $0x100  }
0xc4: {  	[sflag:s28] =	ssyncset.done $0x0  }
0xc5: {  	[sflag:s28] =	ssyncadd.s32 $0xFFFFFF00  }
0xc6: {  	[tilespmem:s31], [sflag:$0x1] =	stream.indirect.gather [hbm4b:s5+s30], $0x80, s29, s30, $0xb8;
	[tilespmem:$0x1BA80] =	vst v63  }
0xc7: {  	_ =	swait.ge [sflag:s18], $0x4000  }
0xc8: {  	[sflag:s18] =	ssyncset.done $0x0  }
0xc9: {  	[sflag:s18] =	ssyncadd.s32 $0xFFFFC000  }
0xca: {  	[spmem:s2] =	stream.indirect.scatter.add.f32 [tilespmem:s0], [sflag:$0x4], $0x80, s19, s30, $0xb8;
	[tilespmem:$0x1BA80] =	vst v63  }
0xcb: {  	_ =	swait.ge [sflag:s20], $0x4000  }
0xcc: {  	s23 =	sadd.s32 $0xFFFFF6C0, s13;
	[sflag:s20] =	ssyncset.done $0x0  }
0xcd: {  	s24 =	sadd.s32 $0x9A0, s23;
	[sflag:s20] =	ssyncadd.s32 $0xFFFFC000  }
0xce: {  	[tilespmem:s1], [sflag:$0x5] =	stream.linear.gather [hbm4b:s24+s3], $0x100, $0x38;
	[tilespmem:$0x1BA80] =	vst v63  }
0xcf: {  	_ =	swait.ge [sflag:s28], $0x100  }
0xd0: {  	[sflag:s28] =	ssyncset.done $0x0  }
0xd1: {  	[sflag:s28] =	ssyncadd.s32 $0xFFFFFF00  }
0xd2: {  	[tilespmem:s0], [sflag:$0x2] =	stream.indirect.gather [hbm4b:s5+s30], $0x80, s1, s30, $0xb8;
	[tilespmem:$0x1BA80] =	vst v63  }
0xd3: {  	_ =	swait.ge [sflag:s11], $0x4000  }
0xd4: {  	[sflag:s11] =	ssyncset.done $0x0  }
0xd5: {  	[sflag:s11] =	ssyncadd.s32 $0xFFFFC000  }
0xd6: {  	[spmem:s2] =	stream.indirect.scatter.add.f32 [tilespmem:s31], [sflag:$0x3], $0x80, s16, s30, $0xb8;
	[tilespmem:$0x1BA80] =	vst v63  }
0xd7: {  	_ =	swait.ge [sflag:s17], $0x4000  }
0xd8: {  	[sflag:s17] =	ssyncset.done $0x0  }
0xd9: {  	s12 =	sadd.s32 $0x9C0, s23;
	[sflag:s17] =	ssyncadd.s32 $0xFFFFC000  }
0xda: {  	[tilespmem:s29], [sflag:$0x5] =	stream.linear.gather [hbm4b:s12+s3], $0x100, $0x38;
	[tilespmem:$0x1BA80] =	vst v63  }
0xdb: {  	_ =	swait.ge [sflag:s28], $0x100  }
0xdc: {  	[sflag:s28] =	ssyncset.done $0x0  }
0xdd: {  	[sflag:s28] =	ssyncadd.s32 $0xFFFFFF00  }
0xde: {  	[tilespmem:s31], [sflag:$0x1] =	stream.indirect.gather [hbm4b:s5+s30], $0x80, s29, s30, $0xb8;
	[tilespmem:$0x1BA80] =	vst v63  }
0xdf: {  	_ =	swait.ge [sflag:s18], $0x4000  }
0xe0: {  	[sflag:s18] =	ssyncset.done $0x0  }
0xe1: {  	s12 =	simm.s32 $0xFFFFF700;
	[sflag:s18] =	ssyncadd.s32 $0xFFFFC000  }
.LBB2_4:
0xe2: {  	[spmem:s2] =	stream.indirect.scatter.add.f32 [tilespmem:s0], [sflag:$0x4], $0x80, s19, s30, $0xb8;
	[tilespmem:$0x1BA80] =	vst v63  }
0xe3: {  	s15 =	smov.u32 s12  }
0xe4: {  	p2 =	sne.s32 s12, $0xFFFFFFC0;
	s12 =	sadd.s32 $0x40, s12;
	_ =	swait.ge [sflag:s20], $0x4000  }
0xe5: {  	s15 =	sadd.s32 s15, s13;
	[sflag:s20] =	ssyncset.done $0x0  }
0xe6: {  	s23 =	sadd.s32 $0x9A0, s15;
	[sflag:s20] =	ssyncadd.s32 $0xFFFFC000  }
0xe7: {  	[tilespmem:s1], [sflag:$0x5] =	stream.linear.gather [hbm4b:s23+s3], $0x100, $0x38;
	[tilespmem:$0x1BA80] =	vst v63  }
0xe8: {  	_ =	swait.ge [sflag:s28], $0x100  }
0xe9: {  	[sflag:s28] =	ssyncset.done $0x0  }
0xea: {  	[sflag:s28] =	ssyncadd.s32 $0xFFFFFF00  }
0xeb: {  	[tilespmem:s0], [sflag:$0x2] =	stream.indirect.gather [hbm4b:s5+s30], $0x80, s1, s30, $0xb8;
	[tilespmem:$0x1BA80] =	vst v63  }
0xec: {  	_ =	swait.ge [sflag:s11], $0x4000  }
0xed: {  	[sflag:s11] =	ssyncset.done $0x0  }
0xee: {  	[sflag:s11] =	ssyncadd.s32 $0xFFFFC000  }
0xef: {  	[spmem:s2] =	stream.indirect.scatter.add.f32 [tilespmem:s31], [sflag:$0x3], $0x80, s16, s30, $0xb8;
	[tilespmem:$0x1BA80] =	vst v63  }
0xf0: {  	_ =	swait.ge [sflag:s17], $0x4000  }
0xf1: {  	[sflag:s17] =	ssyncset.done $0x0  }
0xf2: {  	s15 =	sadd.s32 $0x9C0, s15;
	[sflag:s17] =	ssyncadd.s32 $0xFFFFC000  }
0xf3: {  	[tilespmem:s29], [sflag:$0x5] =	stream.linear.gather [hbm4b:s15+s3], $0x100, $0x38;
	[tilespmem:$0x1BA80] =	vst v63  }
0xf4: {  	_ =	swait.ge [sflag:s28], $0x100  }
0xf5: {  	[sflag:s28] =	ssyncset.done $0x0  }
.Ltmp1:
0xf6: {  	[sflag:s28] =	ssyncadd.s32 $0xFFFFFF00;
	(pc) =	sbr.rel @p2 .LBB2_4-.Ltmp1, $4  }
0xf7: {  	[tilespmem:s31], [sflag:$0x1] =	stream.indirect.gather [hbm4b:s5+s30], $0x80, s29, s30, $0xb8;
	[tilespmem:$0x1BA80] =	vst v63  }
0xf8: {  	_ =	swait.ge [sflag:s18], $0x4000  }
0xf9: {  	[sflag:s18] =	ssyncset.done $0x0  }
0xfa: {  	[sflag:s18] =	ssyncadd.s32 $0xFFFFC000  }
0xfb: {  	[spmem:s2] =	stream.indirect.scatter.add.f32 [tilespmem:s0], [sflag:$0x4], $0x80, s19, s30, $0xb8;
	[tilespmem:$0x1BA80] =	vst v63  }
0xfc: {  	_ =	swait.ge [sflag:s20], $0x4000  }
0xfd: {  	[sflag:s20] =	ssyncset.done $0x0  }
0xfe: {  	s12 =	rddreg [dreg:$0x10];
	[sflag:s20] =	ssyncadd.s32 $0xFFFFC000  }
0xff: {  	[tilespmem:s1], [sflag:$0x5] =	stream.linear.gather [hbm4b:s12+s3], $0x100, $0x38;
	[tilespmem:$0x1BA80] =	vst v63  }
0x100: {  	_ =	swait.ge [sflag:s28], $0x100  }
0x101: {  	[sflag:s28] =	ssyncset.done $0x0  }
0x102: {  	[sflag:s28] =	ssyncadd.s32 $0xFFFFFF00  }
0x103: {  	[tilespmem:s0], [sflag:$0x2] =	stream.indirect.gather [hbm4b:s5+s30], $0x80, s1, s30, $0xb8;
	[tilespmem:$0x1BA80] =	vst v63  }
0x104: {  	_ =	swait.ge [sflag:s11], $0x4000  }
0x105: {  	[sflag:s11] =	ssyncset.done $0x0  }
0x106: {  	[sflag:s11] =	ssyncadd.s32 $0xFFFFC000  }
0x107: {  	[spmem:s2] =	stream.indirect.scatter.add.f32 [tilespmem:s31], [sflag:$0x3], $0x80, s16, s30, $0xb8;
	[tilespmem:$0x1BA80] =	vst v63  }
0x108: {  	_ =	swait.ge [sflag:s18], $0x4000  }
0x109: {  	[sflag:s18] =	ssyncset.done $0x0  }
0x10a: {  	[sflag:s18] =	ssyncadd.s32 $0xFFFFC000  }
0x10b: {  	[spmem:s2] =	stream.indirect.scatter.add.f32 [tilespmem:s0], [sflag:$0x4], $0x80, s19, s30, $0xb8;
	[tilespmem:$0x1BA80] =	vst v63  }
0x10c: {  	_ =	swait.ge [sflag:s17], $0x4000  }
0x10d: {  	[sflag:s17] =	ssyncset.done $0x0  }
0x10e: {  	[sflag:s17] =	ssyncadd.s32 $0xFFFFC000  }
0x10f: {  	_ =	swait.ge [sflag:s20], $0x4000  }
0x110: {  	s15 =	simm.s32 @!p1 $0x13880;
	[sflag:s20] =	ssyncset.done $0x0  }
0x111: {  	s12 =	simm.s32 @!p1 $0x0;
	s23 =	rddreg [dreg:$0x6];
	[sflag:s20] =	ssyncadd.s32 $0xFFFFC000  }
0x112: {  	[tilespmem:s15], [sflag:$0x5] =	stream.linear.gather @!p1 [hbm4b:s23+s12], $0x100, $0x38;
	[tilespmem:$0x1BA80] =	vst v63  }
0x113: {  	s12 =	simm.s32 @!p1 $0x5  }
0x114: {  	_ =	swait.ge @!p1 [sflag:s12], $0x100  }
0x115: {  	[sflag:s12] =	ssyncset.done @!p1 $0x0  }
0x116: {  	s24 =	simm.s32 @!p1 $0x13A80;
	s23 =	simm.s32 @!p1 $0x80;
	[sflag:s12] =	ssyncadd.s32 @!p1 $0xFFFFFF00  }
0x117: {  	[tilespmem:s24], [sflag:$0x1] =	stream.indirect.gather @!p1 [hbm4b:s5+s23], $0x80, s15, s23, $0xb8;
	[tilespmem:$0x1BA80] =	vst v63  }
0x118: {  	s15 =	simm.s32 @!p1 $0x1  }
0x119: {  	_ =	swait.ge @!p1 [sflag:s15], $0x4000  }
0x11a: {  	[sflag:s15] =	ssyncset.done @!p1 $0x0  }
0x11b: {  	[sflag:s15] =	ssyncadd.s32 @!p1 $0xFFFFC000;
	s15 =	simm.s32 @!p1 $0x13900  }
0x11c: {  	[spmem:s2] =	stream.indirect.scatter.add.f32 @!p1 [tilespmem:s24], [sflag:$0x5], $0x80, s15, s23, $0xb8;
	[tilespmem:$0x1BA80] =	vst v63  }
0x11d: {  	_ =	swait.ge @!p1 [sflag:s12], $0x4000  }
0x11e: {  	[sflag:s12] =	ssyncset.done @!p1 $0x0  }
0x11f: {  	[sflag:s12] =	ssyncadd.s32 @!p1 $0xFFFFC000  }
0x120: {  	[bflag:$0x0] =	sbarrier.arrive $0xFFFF  }
0x121: {  	s23 =	rddreg [dreg:$0x8]  }
0x122: {  	[hbm:s23], [sflag:s10] =	dma.local [spmem:s22], $0x2700  }
0x123: {  	_ =	swait.ge [sflag:s28], $0x2700  }
0x124: {  	[sflag:s28] =	ssyncset.done $0x0  }
0x125: {  	[sflag:s28] =	ssyncadd.s32 $0xFFFFD900  }
0x126: {  	s12 =	simm.s32 @p0 $0x5;
	[bflag:$0x0] =	sbarrier.arrive @p0 $0xFFFF  }
0x127: {  	[spmem:s14], [sflag:s10] =	dma.local @p0 [hbm:s9], $0x2700  }
0x128: {  	_ =	swait.ge @p0 [sflag:s12], $0x2700  }
0x129: {  	[sflag:s12] =	ssyncset.done @p0 $0x0  }
0x12a: {  	[sflag:s12] =	ssyncadd.s32 @p0 $0xFFFFD900;
	s12 =	rddreg [dreg:$0x9]  }
0x12b: {  	[hbm:s12], [sflag:s10] =	dma.local @!p0 [spmem:s26], $0x100  }
0x12c: {  	s12 =	simm.s32 @!p0 $0x5  }
0x12d: {  	_ =	swait.ge @!p0 [sflag:s12], $0x100  }
0x12e: {  	[sflag:s12] =	ssyncset.done @!p0 $0x0  }
0x12f: {  	[sflag:s12] =	ssyncadd.s32 @!p0 $0xFFFFFF00  }
0x130: {  	[bflag:$0x0] =	sbarrier.arrive @!p0 $0xFFFF  }
0x131: {  	[spmem:s8], [sflag:s10] =	dma.local @!p0 [hbm:s9], $0x2700  }
0x132: {  	_ =	swait.ge @!p0 [sflag:s12], $0x2700  }
0x133: {  	[sflag:s12] =	ssyncset.done @!p0 $0x0  }
0x134: {  	[sflag:s12] =	ssyncadd.s32 @!p0 $0xFFFFD900  }
0x135: {  	[spmem:s26], [sflag:s10] =	dma.local @!p0 [hbm:s25], $0x100  }
0x136: {  	_ =	swait.ge @!p0 [sflag:s12], $0x100  }
0x137: {  	[sflag:s12] =	ssyncset.done @!p0 $0x0  }
0x138: {  	[sflag:s12] =	ssyncadd.s32 @!p0 $0xFFFFFF00  }
0x139: {  	[bflag:$0x0] =	sbarrier.arrive $0xFFFF  }
0x13a: {  	[tilespmem:s29], [sflag:$0x5] =	stream.linear.gather [hbm4b:s13+s3], $0x100, $0x38;
	[tilespmem:$0x1BA80] =	vst v63  }
0x13b: {  	_ =	swait.ge [sflag:s28], $0x100  }
0x13c: {  	[sflag:s28] =	ssyncset.done $0x0  }
0x13d: {  	[sflag:s28] =	ssyncadd.s32 $0xFFFFFF00  }
0x13e: {  	[tilespmem:s31], [sflag:$0x1] =	stream.indirect.gather [hbm4b:s6+s30], $0x80, s29, s30, $0xb8;
	[tilespmem:$0x1BA80] =	vst v63  }
0x13f: {  	s24 =	rddreg [dreg:$0xe]  }
0x140: {  	[tilespmem:s1], [sflag:$0x5] =	stream.linear.gather [hbm4b:s24+s3], $0x100, $0x38;
	[tilespmem:$0x1BA80] =	vst v63  }
0x141: {  	_ =	swait.ge [sflag:s28], $0x100  }
0x142: {  	[sflag:s28] =	ssyncset.done $0x0  }
0x143: {  	[sflag:s28] =	ssyncadd.s32 $0xFFFFFF00  }
0x144: {  	[tilespmem:s0], [sflag:$0x2] =	stream.indirect.gather [hbm4b:s6+s30], $0x80, s1, s30, $0xb8;
	[tilespmem:$0x1BA80] =	vst v63  }
0x145: {  	_ =	swait.ge [sflag:s11], $0x4000  }
0x146: {  	[sflag:s11] =	ssyncset.done $0x0  }
0x147: {  	[sflag:s11] =	ssyncadd.s32 $0xFFFFC000  }
0x148: {  	[spmem:s2] =	stream.indirect.scatter.add.f32 [tilespmem:s31], [sflag:$0x3], $0x80, s16, s30, $0xb8;
	[tilespmem:$0x1BA80] =	vst v63  }
0x149: {  	_ =	swait.ge [sflag:s17], $0x4000  }
0x14a: {  	[sflag:s17] =	ssyncset.done $0x0  }
0x14b: {  	s15 =	rddreg [dreg:$0xf];
	[sflag:s17] =	ssyncadd.s32 $0xFFFFC000  }
0x14c: {  	[tilespmem:s29], [sflag:$0x5] =	stream.linear.gather [hbm4b:s15+s3], $0x100, $0x38;
	[tilespmem:$0x1BA80] =	vst v63  }
0x14d: {  	_ =	swait.ge [sflag:s28], $0x100  }
0x14e: {  	[sflag:s28] =	ssyncset.done $0x0  }
0x14f: {  	[sflag:s28] =	ssyncadd.s32 $0xFFFFFF00  }
0x150: {  	[tilespmem:s31], [sflag:$0x1] =	stream.indirect.gather [hbm4b:s6+s30], $0x80, s29, s30, $0xb8;
	[tilespmem:$0x1BA80] =	vst v63  }
0x151: {  	_ =	swait.ge [sflag:s18], $0x4000  }
0x152: {  	[sflag:s18] =	ssyncset.done $0x0  }
0x153: {  	[sflag:s18] =	ssyncadd.s32 $0xFFFFC000  }
0x154: {  	[spmem:s2] =	stream.indirect.scatter.add.f32 [tilespmem:s0], [sflag:$0x4], $0x80, s19, s30, $0xb8;
	[tilespmem:$0x1BA80] =	vst v63  }
0x155: {  	_ =	swait.ge [sflag:s20], $0x4000  }
0x156: {  	s23 =	sadd.s32 $0xFFFFF6C0, s13;
	[sflag:s20] =	ssyncset.done $0x0  }
0x157: {  	s24 =	sadd.s32 $0x9A0, s23;
	[sflag:s20] =	ssyncadd.s32 $0xFFFFC000  }
0x158: {  	[tilespmem:s1], [sflag:$0x5] =	stream.linear.gather [hbm4b:s24+s3], $0x100, $0x38;
	[tilespmem:$0x1BA80] =	vst v63  }
0x159: {  	_ =	swait.ge [sflag:s28], $0x100  }
0x15a: {  	[sflag:s28] =	ssyncset.done $0x0  }
0x15b: {  	[sflag:s28] =	ssyncadd.s32 $0xFFFFFF00  }
0x15c: {  	[tilespmem:s0], [sflag:$0x2] =	stream.indirect.gather [hbm4b:s6+s30], $0x80, s1, s30, $0xb8;
	[tilespmem:$0x1BA80] =	vst v63  }
0x15d: {  	_ =	swait.ge [sflag:s11], $0x4000  }
0x15e: {  	[sflag:s11] =	ssyncset.done $0x0  }
0x15f: {  	[sflag:s11] =	ssyncadd.s32 $0xFFFFC000  }
0x160: {  	[spmem:s2] =	stream.indirect.scatter.add.f32 [tilespmem:s31], [sflag:$0x3], $0x80, s16, s30, $0xb8;
	[tilespmem:$0x1BA80] =	vst v63  }
0x161: {  	_ =	swait.ge [sflag:s17], $0x4000  }
0x162: {  	[sflag:s17] =	ssyncset.done $0x0  }
0x163: {  	s12 =	sadd.s32 $0x9C0, s23;
	[sflag:s17] =	ssyncadd.s32 $0xFFFFC000  }
0x164: {  	[tilespmem:s29], [sflag:$0x5] =	stream.linear.gather [hbm4b:s12+s3], $0x100, $0x38;
	[tilespmem:$0x1BA80] =	vst v63  }
0x165: {  	_ =	swait.ge [sflag:s28], $0x100  }
0x166: {  	[sflag:s28] =	ssyncset.done $0x0  }
0x167: {  	[sflag:s28] =	ssyncadd.s32 $0xFFFFFF00  }
0x168: {  	[tilespmem:s31], [sflag:$0x1] =	stream.indirect.gather [hbm4b:s6+s30], $0x80, s29, s30, $0xb8;
	[tilespmem:$0x1BA80] =	vst v63  }
0x169: {  	_ =	swait.ge [sflag:s18], $0x4000  }
0x16a: {  	[sflag:s18] =	ssyncset.done $0x0  }
0x16b: {  	s12 =	simm.s32 $0xFFFFF700;
	[sflag:s18] =	ssyncadd.s32 $0xFFFFC000  }
.LBB2_6:
0x16c: {  	[spmem:s2] =	stream.indirect.scatter.add.f32 [tilespmem:s0], [sflag:$0x4], $0x80, s19, s30, $0xb8;
	[tilespmem:$0x1BA80] =	vst v63  }
0x16d: {  	s15 =	smov.u32 s12  }
0x16e: {  	p2 =	sne.s32 s12, $0xFFFFFFC0;
	s12 =	sadd.s32 $0x40, s12;
	_ =	swait.ge [sflag:s20], $0x4000  }
0x16f: {  	s15 =	sadd.s32 s15, s13;
	[sflag:s20] =	ssyncset.done $0x0  }
0x170: {  	s23 =	sadd.s32 $0x9A0, s15;
	[sflag:s20] =	ssyncadd.s32 $0xFFFFC000  }
0x171: {  	[tilespmem:s1], [sflag:$0x5] =	stream.linear.gather [hbm4b:s23+s3], $0x100, $0x38;
	[tilespmem:$0x1BA80] =	vst v63  }
0x172: {  	_ =	swait.ge [sflag:s28], $0x100  }
0x173: {  	[sflag:s28] =	ssyncset.done $0x0  }
0x174: {  	[sflag:s28] =	ssyncadd.s32 $0xFFFFFF00  }
0x175: {  	[tilespmem:s0], [sflag:$0x2] =	stream.indirect.gather [hbm4b:s6+s30], $0x80, s1, s30, $0xb8;
	[tilespmem:$0x1BA80] =	vst v63  }
0x176: {  	_ =	swait.ge [sflag:s11], $0x4000  }
0x177: {  	[sflag:s11] =	ssyncset.done $0x0  }
0x178: {  	[sflag:s11] =	ssyncadd.s32 $0xFFFFC000  }
0x179: {  	[spmem:s2] =	stream.indirect.scatter.add.f32 [tilespmem:s31], [sflag:$0x3], $0x80, s16, s30, $0xb8;
	[tilespmem:$0x1BA80] =	vst v63  }
0x17a: {  	_ =	swait.ge [sflag:s17], $0x4000  }
0x17b: {  	[sflag:s17] =	ssyncset.done $0x0  }
0x17c: {  	s15 =	sadd.s32 $0x9C0, s15;
	[sflag:s17] =	ssyncadd.s32 $0xFFFFC000  }
0x17d: {  	[tilespmem:s29], [sflag:$0x5] =	stream.linear.gather [hbm4b:s15+s3], $0x100, $0x38;
	[tilespmem:$0x1BA80] =	vst v63  }
0x17e: {  	_ =	swait.ge [sflag:s28], $0x100  }
0x17f: {  	[sflag:s28] =	ssyncset.done $0x0  }
.Ltmp2:
0x180: {  	[sflag:s28] =	ssyncadd.s32 $0xFFFFFF00;
	(pc) =	sbr.rel @p2 .LBB2_6-.Ltmp2, $4  }
0x181: {  	[tilespmem:s31], [sflag:$0x1] =	stream.indirect.gather [hbm4b:s6+s30], $0x80, s29, s30, $0xb8;
	[tilespmem:$0x1BA80] =	vst v63  }
0x182: {  	_ =	swait.ge [sflag:s18], $0x4000  }
0x183: {  	[sflag:s18] =	ssyncset.done $0x0  }
0x184: {  	[sflag:s18] =	ssyncadd.s32 $0xFFFFC000  }
0x185: {  	[spmem:s2] =	stream.indirect.scatter.add.f32 [tilespmem:s0], [sflag:$0x4], $0x80, s19, s30, $0xb8;
	[tilespmem:$0x1BA80] =	vst v63  }
0x186: {  	_ =	swait.ge [sflag:s20], $0x4000  }
0x187: {  	[sflag:s20] =	ssyncset.done $0x0  }
0x188: {  	s12 =	rddreg [dreg:$0x10];
	[sflag:s20] =	ssyncadd.s32 $0xFFFFC000  }
0x189: {  	[tilespmem:s1], [sflag:$0x5] =	stream.linear.gather [hbm4b:s12+s3], $0x100, $0x38;
	[tilespmem:$0x1BA80] =	vst v63  }
0x18a: {  	_ =	swait.ge [sflag:s28], $0x100  }
0x18b: {  	[sflag:s28] =	ssyncset.done $0x0  }
0x18c: {  	[sflag:s28] =	ssyncadd.s32 $0xFFFFFF00  }
0x18d: {  	[tilespmem:s0], [sflag:$0x2] =	stream.indirect.gather [hbm4b:s6+s30], $0x80, s1, s30, $0xb8;
	[tilespmem:$0x1BA80] =	vst v63  }
0x18e: {  	_ =	swait.ge [sflag:s11], $0x4000  }
0x18f: {  	[sflag:s11] =	ssyncset.done $0x0  }
0x190: {  	[sflag:s11] =	ssyncadd.s32 $0xFFFFC000  }
0x191: {  	[spmem:s2] =	stream.indirect.scatter.add.f32 [tilespmem:s31], [sflag:$0x3], $0x80, s16, s30, $0xb8;
	[tilespmem:$0x1BA80] =	vst v63  }
0x192: {  	_ =	swait.ge [sflag:s18], $0x4000  }
0x193: {  	[sflag:s18] =	ssyncset.done $0x0  }
0x194: {  	[sflag:s18] =	ssyncadd.s32 $0xFFFFC000  }
0x195: {  	[spmem:s2] =	stream.indirect.scatter.add.f32 [tilespmem:s0], [sflag:$0x4], $0x80, s19, s30, $0xb8;
	[tilespmem:$0x1BA80] =	vst v63  }
0x196: {  	_ =	swait.ge [sflag:s17], $0x4000  }
0x197: {  	[sflag:s17] =	ssyncset.done $0x0  }
0x198: {  	[sflag:s17] =	ssyncadd.s32 $0xFFFFC000  }
0x199: {  	_ =	swait.ge [sflag:s20], $0x4000  }
0x19a: {  	s15 =	simm.s32 @!p1 $0x13880;
	[sflag:s20] =	ssyncset.done $0x0  }
0x19b: {  	s12 =	simm.s32 @!p1 $0x0;
	s23 =	rddreg [dreg:$0x6];
	[sflag:s20] =	ssyncadd.s32 $0xFFFFC000  }
0x19c: {  	[tilespmem:s15], [sflag:$0x5] =	stream.linear.gather @!p1 [hbm4b:s23+s12], $0x100, $0x38;
	[tilespmem:$0x1BA80] =	vst v63  }
0x19d: {  	s12 =	simm.s32 @!p1 $0x5  }
0x19e: {  	_ =	swait.ge @!p1 [sflag:s12], $0x100  }
0x19f: {  	[sflag:s12] =	ssyncset.done @!p1 $0x0  }
0x1a0: {  	s24 =	simm.s32 @!p1 $0x13A80;
	s23 =	simm.s32 @!p1 $0x80;
	[sflag:s12] =	ssyncadd.s32 @!p1 $0xFFFFFF00  }
0x1a1: {  	[tilespmem:s24], [sflag:$0x1] =	stream.indirect.gather @!p1 [hbm4b:s6+s23], $0x80, s15, s23, $0xb8;
	[tilespmem:$0x1BA80] =	vst v63  }
0x1a2: {  	s15 =	simm.s32 @!p1 $0x1  }
0x1a3: {  	_ =	swait.ge @!p1 [sflag:s15], $0x4000  }
0x1a4: {  	[sflag:s15] =	ssyncset.done @!p1 $0x0  }
0x1a5: {  	[sflag:s15] =	ssyncadd.s32 @!p1 $0xFFFFC000;
	s15 =	simm.s32 @!p1 $0x13900  }
0x1a6: {  	[spmem:s2] =	stream.indirect.scatter.add.f32 @!p1 [tilespmem:s24], [sflag:$0x5], $0x80, s15, s23, $0xb8;
	[tilespmem:$0x1BA80] =	vst v63  }
0x1a7: {  	_ =	swait.ge @!p1 [sflag:s12], $0x4000  }
0x1a8: {  	[sflag:s12] =	ssyncset.done @!p1 $0x0  }
0x1a9: {  	[sflag:s12] =	ssyncadd.s32 @!p1 $0xFFFFC000  }
0x1aa: {  	[bflag:$0x0] =	sbarrier.arrive $0xFFFF  }
0x1ab: {  	s24 =	rddreg [dreg:$0xa]  }
0x1ac: {  	[hbm:s24], [sflag:s10] =	dma.local [spmem:s22], $0x2700  }
0x1ad: {  	_ =	swait.ge [sflag:s28], $0x2700  }
0x1ae: {  	[sflag:s28] =	ssyncset.done $0x0  }
0x1af: {  	[sflag:s28] =	ssyncadd.s32 $0xFFFFD900  }
0x1b0: {  	s12 =	simm.s32 @p0 $0x5;
	[bflag:$0x0] =	sbarrier.arrive @p0 $0xFFFF  }
0x1b1: {  	[spmem:s14], [sflag:s10] =	dma.local @p0 [hbm:s9], $0x2700  }
0x1b2: {  	_ =	swait.ge @p0 [sflag:s12], $0x2700  }
0x1b3: {  	[sflag:s12] =	ssyncset.done @p0 $0x0  }
0x1b4: {  	[sflag:s12] =	ssyncadd.s32 @p0 $0xFFFFD900;
	s12 =	rddreg [dreg:$0xb]  }
0x1b5: {  	[hbm:s12], [sflag:s10] =	dma.local @!p0 [spmem:s26], $0x100  }
0x1b6: {  	s12 =	simm.s32 @!p0 $0x5  }
0x1b7: {  	_ =	swait.ge @!p0 [sflag:s12], $0x100  }
0x1b8: {  	[sflag:s12] =	ssyncset.done @!p0 $0x0  }
0x1b9: {  	[sflag:s12] =	ssyncadd.s32 @!p0 $0xFFFFFF00  }
0x1ba: {  	[bflag:$0x0] =	sbarrier.arrive @!p0 $0xFFFF  }
0x1bb: {  	[spmem:s8], [sflag:s10] =	dma.local @!p0 [hbm:s9], $0x2700  }
0x1bc: {  	_ =	swait.ge @!p0 [sflag:s12], $0x2700  }
0x1bd: {  	[sflag:s12] =	ssyncset.done @!p0 $0x0  }
0x1be: {  	[sflag:s12] =	ssyncadd.s32 @!p0 $0xFFFFD900  }
0x1bf: {  	[spmem:s26], [sflag:s10] =	dma.local @!p0 [hbm:s25], $0x100  }
0x1c0: {  	_ =	swait.ge @!p0 [sflag:s12], $0x100  }
0x1c1: {  	[sflag:s12] =	ssyncset.done @!p0 $0x0  }
0x1c2: {  	[sflag:s12] =	ssyncadd.s32 @!p0 $0xFFFFFF00  }
0x1c3: {  	[bflag:$0x0] =	sbarrier.arrive $0xFFFF  }
0x1c4: {  	[tilespmem:s29], [sflag:$0x5] =	stream.linear.gather [hbm4b:s13+s3], $0x100, $0x38;
	[tilespmem:$0x1BA80] =	vst v63  }
0x1c5: {  	_ =	swait.ge [sflag:s28], $0x100  }
0x1c6: {  	[sflag:s28] =	ssyncset.done $0x0  }
0x1c7: {  	[sflag:s28] =	ssyncadd.s32 $0xFFFFFF00  }
0x1c8: {  	[tilespmem:s31], [sflag:$0x1] =	stream.indirect.gather [hbm4b:s7+s30], $0x80, s29, s30, $0xb8;
	[tilespmem:$0x1BA80] =	vst v63  }
0x1c9: {  	s14 =	rddreg [dreg:$0xe]  }
0x1ca: {  	[tilespmem:s1], [sflag:$0x5] =	stream.linear.gather [hbm4b:s14+s3], $0x100, $0x38;
	[tilespmem:$0x1BA80] =	vst v63  }
0x1cb: {  	_ =	swait.ge [sflag:s28], $0x100  }
0x1cc: {  	[sflag:s28] =	ssyncset.done $0x0  }
0x1cd: {  	[sflag:s28] =	ssyncadd.s32 $0xFFFFFF00  }
0x1ce: {  	[tilespmem:s0], [sflag:$0x2] =	stream.indirect.gather [hbm4b:s7+s30], $0x80, s1, s30, $0xb8;
	[tilespmem:$0x1BA80] =	vst v63  }
0x1cf: {  	_ =	swait.ge [sflag:s11], $0x4000  }
0x1d0: {  	[sflag:s11] =	ssyncset.done $0x0  }
0x1d1: {  	[sflag:s11] =	ssyncadd.s32 $0xFFFFC000  }
0x1d2: {  	[spmem:s2] =	stream.indirect.scatter.add.f32 [tilespmem:s31], [sflag:$0x3], $0x80, s16, s30, $0xb8;
	[tilespmem:$0x1BA80] =	vst v63  }
0x1d3: {  	_ =	swait.ge [sflag:s17], $0x4000  }
0x1d4: {  	[sflag:s17] =	ssyncset.done $0x0  }
0x1d5: {  	s15 =	rddreg [dreg:$0xf];
	[sflag:s17] =	ssyncadd.s32 $0xFFFFC000  }
0x1d6: {  	[tilespmem:s29], [sflag:$0x5] =	stream.linear.gather [hbm4b:s15+s3], $0x100, $0x38;
	[tilespmem:$0x1BA80] =	vst v63  }
0x1d7: {  	_ =	swait.ge [sflag:s28], $0x100  }
0x1d8: {  	[sflag:s28] =	ssyncset.done $0x0  }
0x1d9: {  	[sflag:s28] =	ssyncadd.s32 $0xFFFFFF00  }
0x1da: {  	[tilespmem:s31], [sflag:$0x1] =	stream.indirect.gather [hbm4b:s7+s30], $0x80, s29, s30, $0xb8;
	[tilespmem:$0x1BA80] =	vst v63  }
0x1db: {  	_ =	swait.ge [sflag:s18], $0x4000  }
0x1dc: {  	[sflag:s18] =	ssyncset.done $0x0  }
0x1dd: {  	[sflag:s18] =	ssyncadd.s32 $0xFFFFC000  }
0x1de: {  	[spmem:s2] =	stream.indirect.scatter.add.f32 [tilespmem:s0], [sflag:$0x4], $0x80, s19, s30, $0xb8;
	[tilespmem:$0x1BA80] =	vst v63  }
0x1df: {  	_ =	swait.ge [sflag:s20], $0x4000  }
0x1e0: {  	s23 =	sadd.s32 $0xFFFFF6C0, s13;
	[sflag:s20] =	ssyncset.done $0x0  }
0x1e1: {  	s24 =	smov.u32 s25;
	s25 =	sadd.s32 $0x9A0, s23;
	[sflag:s20] =	ssyncadd.s32 $0xFFFFC000  }
0x1e2: {  	[tilespmem:s1], [sflag:$0x5] =	stream.linear.gather [hbm4b:s25+s3], $0x100, $0x38;
	[tilespmem:$0x1BA80] =	vst v63  }
0x1e3: {  	_ =	swait.ge [sflag:s28], $0x100  }
0x1e4: {  	[sflag:s28] =	ssyncset.done $0x0  }
0x1e5: {  	[sflag:s28] =	ssyncadd.s32 $0xFFFFFF00  }
0x1e6: {  	[tilespmem:s0], [sflag:$0x2] =	stream.indirect.gather [hbm4b:s7+s30], $0x80, s1, s30, $0xb8;
	[tilespmem:$0x1BA80] =	vst v63  }
0x1e7: {  	_ =	swait.ge [sflag:s11], $0x4000  }
0x1e8: {  	[sflag:s11] =	ssyncset.done $0x0  }
0x1e9: {  	[sflag:s11] =	ssyncadd.s32 $0xFFFFC000  }
0x1ea: {  	[spmem:s2] =	stream.indirect.scatter.add.f32 [tilespmem:s31], [sflag:$0x3], $0x80, s16, s30, $0xb8;
	[tilespmem:$0x1BA80] =	vst v63  }
0x1eb: {  	_ =	swait.ge [sflag:s17], $0x4000  }
0x1ec: {  	[sflag:s17] =	ssyncset.done $0x0  }
0x1ed: {  	s8 =	sadd.s32 $0x9C0, s23;
	[sflag:s17] =	ssyncadd.s32 $0xFFFFC000  }
0x1ee: {  	[tilespmem:s29], [sflag:$0x5] =	stream.linear.gather [hbm4b:s8+s3], $0x100, $0x38;
	[tilespmem:$0x1BA80] =	vst v63  }
0x1ef: {  	_ =	swait.ge [sflag:s28], $0x100  }
0x1f0: {  	[sflag:s28] =	ssyncset.done $0x0  }
0x1f1: {  	[sflag:s28] =	ssyncadd.s32 $0xFFFFFF00  }
0x1f2: {  	[tilespmem:s31], [sflag:$0x1] =	stream.indirect.gather [hbm4b:s7+s30], $0x80, s29, s30, $0xb8;
	[tilespmem:$0x1BA80] =	vst v63  }
0x1f3: {  	_ =	swait.ge [sflag:s18], $0x4000  }
0x1f4: {  	[sflag:s18] =	ssyncset.done $0x0  }
0x1f5: {  	s8 =	simm.s32 $0xFFFFF700;
	[sflag:s18] =	ssyncadd.s32 $0xFFFFC000  }
.LBB2_8:
0x1f6: {  	[spmem:s2] =	stream.indirect.scatter.add.f32 [tilespmem:s0], [sflag:$0x4], $0x80, s19, s30, $0xb8;
	[tilespmem:$0x1BA80] =	vst v63  }
0x1f7: {  	s12 =	smov.u32 s8  }
0x1f8: {  	p2 =	sne.s32 s8, $0xFFFFFFC0;
	s8 =	sadd.s32 $0x40, s8;
	_ =	swait.ge [sflag:s20], $0x4000  }
0x1f9: {  	s12 =	sadd.s32 s12, s13;
	[sflag:s20] =	ssyncset.done $0x0  }
0x1fa: {  	s14 =	sadd.s32 $0x9A0, s12;
	[sflag:s20] =	ssyncadd.s32 $0xFFFFC000  }
0x1fb: {  	[tilespmem:s1], [sflag:$0x5] =	stream.linear.gather [hbm4b:s14+s3], $0x100, $0x38;
	[tilespmem:$0x1BA80] =	vst v63  }
0x1fc: {  	_ =	swait.ge [sflag:s28], $0x100  }
0x1fd: {  	[sflag:s28] =	ssyncset.done $0x0  }
0x1fe: {  	[sflag:s28] =	ssyncadd.s32 $0xFFFFFF00  }
0x1ff: {  	[tilespmem:s0], [sflag:$0x2] =	stream.indirect.gather [hbm4b:s7+s30], $0x80, s1, s30, $0xb8;
	[tilespmem:$0x1BA80] =	vst v63  }
0x200: {  	_ =	swait.ge [sflag:s11], $0x4000  }
0x201: {  	[sflag:s11] =	ssyncset.done $0x0  }
0x202: {  	[sflag:s11] =	ssyncadd.s32 $0xFFFFC000  }
0x203: {  	[spmem:s2] =	stream.indirect.scatter.add.f32 [tilespmem:s31], [sflag:$0x3], $0x80, s16, s30, $0xb8;
	[tilespmem:$0x1BA80] =	vst v63  }
0x204: {  	_ =	swait.ge [sflag:s17], $0x4000  }
0x205: {  	[sflag:s17] =	ssyncset.done $0x0  }
0x206: {  	s12 =	sadd.s32 $0x9C0, s12;
	[sflag:s17] =	ssyncadd.s32 $0xFFFFC000  }
0x207: {  	[tilespmem:s29], [sflag:$0x5] =	stream.linear.gather [hbm4b:s12+s3], $0x100, $0x38;
	[tilespmem:$0x1BA80] =	vst v63  }
0x208: {  	_ =	swait.ge [sflag:s28], $0x100  }
0x209: {  	[sflag:s28] =	ssyncset.done $0x0  }
.Ltmp3:
0x20a: {  	[sflag:s28] =	ssyncadd.s32 $0xFFFFFF00;
	(pc) =	sbr.rel @p2 .LBB2_8-.Ltmp3, $4  }
0x20b: {  	[tilespmem:s31], [sflag:$0x1] =	stream.indirect.gather [hbm4b:s7+s30], $0x80, s29, s30, $0xb8;
	[tilespmem:$0x1BA80] =	vst v63  }
0x20c: {  	_ =	swait.ge [sflag:s18], $0x4000  }
0x20d: {  	[sflag:s18] =	ssyncset.done $0x0  }
0x20e: {  	[sflag:s18] =	ssyncadd.s32 $0xFFFFC000  }
0x20f: {  	[spmem:s2] =	stream.indirect.scatter.add.f32 [tilespmem:s0], [sflag:$0x4], $0x80, s19, s30, $0xb8;
	[tilespmem:$0x1BA80] =	vst v63  }
0x210: {  	_ =	swait.ge [sflag:s20], $0x4000  }
0x211: {  	[sflag:s20] =	ssyncset.done $0x0  }
0x212: {  	s8 =	rddreg [dreg:$0x10];
	[sflag:s20] =	ssyncadd.s32 $0xFFFFC000  }
0x213: {  	[tilespmem:s1], [sflag:$0x5] =	stream.linear.gather [hbm4b:s8+s3], $0x100, $0x38;
	[tilespmem:$0x1BA80] =	vst v63  }
0x214: {  	_ =	swait.ge [sflag:s28], $0x100  }
0x215: {  	[sflag:s28] =	ssyncset.done $0x0  }
0x216: {  	[sflag:s28] =	ssyncadd.s32 $0xFFFFFF00  }
0x217: {  	[tilespmem:s0], [sflag:$0x2] =	stream.indirect.gather [hbm4b:s7+s30], $0x80, s1, s30, $0xb8;
	[tilespmem:$0x1BA80] =	vst v63  }
0x218: {  	_ =	swait.ge [sflag:s11], $0x4000  }
0x219: {  	[sflag:s11] =	ssyncset.done $0x0  }
0x21a: {  	[sflag:s11] =	ssyncadd.s32 $0xFFFFC000  }
0x21b: {  	[spmem:s2] =	stream.indirect.scatter.add.f32 [tilespmem:s31], [sflag:$0x3], $0x80, s16, s30, $0xb8;
	[tilespmem:$0x1BA80] =	vst v63  }
0x21c: {  	_ =	swait.ge [sflag:s18], $0x4000  }
0x21d: {  	[sflag:s18] =	ssyncset.done $0x0  }
0x21e: {  	[sflag:s18] =	ssyncadd.s32 $0xFFFFC000  }
0x21f: {  	[spmem:s2] =	stream.indirect.scatter.add.f32 [tilespmem:s0], [sflag:$0x4], $0x80, s19, s30, $0xb8;
	[tilespmem:$0x1BA80] =	vst v63  }
0x220: {  	_ =	swait.ge [sflag:s17], $0x4000  }
0x221: {  	[sflag:s17] =	ssyncset.done $0x0  }
0x222: {  	[sflag:s17] =	ssyncadd.s32 $0xFFFFC000  }
0x223: {  	_ =	swait.ge [sflag:s20], $0x4000  }
0x224: {  	s12 =	simm.s32 @!p1 $0x13880;
	[sflag:s20] =	ssyncset.done $0x0  }
0x225: {  	s8 =	simm.s32 @!p1 $0x0;
	s14 =	rddreg [dreg:$0x6];
	[sflag:s20] =	ssyncadd.s32 $0xFFFFC000  }
0x226: {  	[tilespmem:s12], [sflag:$0x5] =	stream.linear.gather @!p1 [hbm4b:s14+s8], $0x100, $0x38;
	[tilespmem:$0x1BA80] =	vst v63  }
0x227: {  	s8 =	simm.s32 @!p1 $0x5  }
0x228: {  	_ =	swait.ge @!p1 [sflag:s8], $0x100  }
0x229: {  	[sflag:s8] =	ssyncset.done @!p1 $0x0  }
0x22a: {  	s15 =	simm.s32 @!p1 $0x13A80;
	s14 =	simm.s32 @!p1 $0x80;
	[sflag:s8] =	ssyncadd.s32 @!p1 $0xFFFFFF00  }
0x22b: {  	[tilespmem:s15], [sflag:$0x1] =	stream.indirect.gather @!p1 [hbm4b:s7+s14], $0x80, s12, s14, $0xb8;
	[tilespmem:$0x1BA80] =	vst v63  }
0x22c: {  	s12 =	simm.s32 @!p1 $0x1  }
0x22d: {  	_ =	swait.ge @!p1 [sflag:s12], $0x4000  }
0x22e: {  	[sflag:s12] =	ssyncset.done @!p1 $0x0  }
0x22f: {  	[sflag:s12] =	ssyncadd.s32 @!p1 $0xFFFFC000;
	s12 =	simm.s32 @!p1 $0x13900  }
0x230: {  	[spmem:s2] =	stream.indirect.scatter.add.f32 @!p1 [tilespmem:s15], [sflag:$0x5], $0x80, s12, s14, $0xb8;
	[tilespmem:$0x1BA80] =	vst v63  }
0x231: {  	_ =	swait.ge @!p1 [sflag:s8], $0x4000  }
0x232: {  	[sflag:s8] =	ssyncset.done @!p1 $0x0  }
0x233: {  	[sflag:s8] =	ssyncadd.s32 @!p1 $0xFFFFC000  }
0x234: {  	[bflag:$0x0] =	sbarrier.arrive $0xFFFF  }
0x235: {  	s25 =	rddreg [dreg:$0x11]  }
0x236: {  	[hbm:s25], [sflag:s10] =	dma.local [spmem:s22], $0x2700  }
0x237: {  	_ =	swait.ge [sflag:s28], $0x2700  }
0x238: {  	[sflag:s28] =	ssyncset.done $0x0  }
0x239: {  	s8 =	rddreg [dreg:$0xc];
	[sflag:s28] =	ssyncadd.s32 $0xFFFFD900  }
0x23a: {  	[hbm:s8], [sflag:s10] =	dma.local @!p0 [spmem:s26], $0x100  }
0x23b: {  	s8 =	simm.s32 @!p0 $0x5  }
0x23c: {  	_ =	swait.ge @!p0 [sflag:s8], $0x100  }
0x23d: {  	s21 =	sadd.s32 $0x1, s21;
	s26 =	rddreg [dreg:$0xd]  }
0x23e: {  	p2 =	sne.s32 s21, s26  }
.Ltmp4:
0x23f: {  	_ = 	snop;
	(pc) =	sbr.rel @p2 .LBB2_1-.Ltmp4, $4  }
0x240: {  	[sflag:s8] =	ssyncset.done @!p0 $0x0  }
0x241: {  	[sflag:s8] =	ssyncadd.s32 @!p0 $0xFFFFFF00  }
0x242: {  	[bflag:$0x0] =	sbarrier.arrive $0xFFFF  }
0x243: {  	s23 =	rddreg [dreg:$0x3]  }
0x244: {  	_ =	sfence.sel $0x180000  }
0x245: {  	[bflag:$0x0] =	sbarrier.arrive $0xFFFF  }
0x246: {  	_ =	strace $0x90000050  }
0x247: {  	s0 =	stileid.u32;
	[bflag:$0x2] =	sbarrier.arrive $0xFFFF  }
0x248: {  	p0 =	sne.s32 s0, $0x0;
	s0 =	rddreg [dreg:$0x2]  }
0x249: {  	s0 =	sadd.s32 @!p0 $0x100000, s0  }
0x24a: {  	[sflag:s0] =	ssyncadd.tile.s32 @!p0 $0x1;
	_ =	shalt  }
.Lfunc_end2:
_tile_overlayer_lowered:
.L_overlay_start_2:
0x24b: {  	(tag) =	ssettag $0x2  }
0x24c: {  	s0 =	rddreg [dreg:$0x0];
	s2 =	stileid.u32  }
0x24d: {  	s1 =	rddreg [dreg:$0x1];
	p0 =	sne.s32 s2, $0x0  }
0x24e: {  	s3 =	rddreg [dreg:$0x2];
	[bflag:$0x3] =	sbarrier.arrive $0xFFFF;
	s2 =	simm.s32 @!p0 $0x1C05  }
0x24f: {  	[timem:s3], [sflag:s2] =	dma.local @!p0 [hbm:s0], s1  }
0x250: {  	s0 =	simm.s32 @!p0 $0x5  }
0x251: {  	_ =	swait.ge @!p0 [sflag:s0], s1  }
0x252: {  	s1 =	ssub.s32 @!p0 $0x0, s1;
	[sflag:s0] =	ssyncset.done @!p0 $0x0  }
0x253: {  	[sflag:s0] =	ssyncadd.s32 @!p0 s1  }
0x254: {  	[bflag:$0x3] =	sbarrier.arrive $0xFFFF  }
0x255: {  	_ =	shalt  }

</sc_bundles>
